<compile_context>
chip_gen: v7x
topology: tpu7x:2x2x1
jax: 0.10.2.dev20260603
libtpu: 0.0.44.dev20260713+nightly
codegen_flags: <defaults>
</compile_context>

<pallas_src>
import functools

import jax
import jax.numpy as jnp
from jax import lax
from jax.experimental import pallas as pl
from jax.experimental.pallas import tpu as pltpu
from jax.experimental.pallas import tpu_sc as plsc

_CHUNK = 128
_NW = 32
_DEBUG_JNP_SPMM = False
_DEBUG_DENSE_REF = False


def _dedup_sorted(edge_index, n, attr=None):
    r = edge_index[0].astype(jnp.int32)
    c = edge_index[1].astype(jnp.int32)
    key = r * n + c
    order = jnp.argsort(key, stable=True)
    skey = key[order]
    first = jnp.concatenate(
        [jnp.ones((1,), jnp.bool_), skey[:-1] != skey[1:]])
    srow = skey // n
    scol = skey % n
    if attr is None:
        srow = jnp.where(first, srow, n)
        return srow, scol, None
    a = jnp.zeros((n, n), jnp.float32).at[r, c].set(attr)
    w = jnp.where(first, a[srow, scol], jnp.float32(0.0))
    return srow, scol, w



def _mm_in_body(x_ref, x1_ref, wn_ref, bn_ref, wl_ref, wu_ref,
                u_ref, vl_ref, vu_ref):
    u_ref[...] = (
        jnp.dot(x_ref[...], wn_ref[...], preferred_element_type=jnp.float32)
        + bn_ref[...])
    blk = x1_ref.shape[0]
    zpad = jnp.zeros((blk, 128 - wl_ref.shape[1]), jnp.float32)
    vl_ref[...] = jnp.concatenate(
        [jnp.dot(x1_ref[...], wl_ref[...],
                 preferred_element_type=jnp.float32), zpad], axis=1)
    vu_ref[...] = jnp.concatenate(
        [jnp.dot(x1_ref[...], wu_ref[...],
                 preferred_element_type=jnp.float32), zpad], axis=1)


def _mm_in(x, x1, wn, bn, wl, wu):
    n, dn = x.shape
    ne, de = x1.shape
    blk = 512
    grid = (n // blk,)
    full = lambda i: (0, 0)
    return pl.pallas_call(
        _mm_in_body,
        grid=grid,
        in_specs=[
            pl.BlockSpec((blk, dn), lambda i: (i, 0)),
            pl.BlockSpec((blk, de), lambda i: (i, 0)),
            pl.BlockSpec(wn.shape, full),
            pl.BlockSpec(bn.shape, full),
            pl.BlockSpec(wl.shape, full),
            pl.BlockSpec(wu.shape, full),
        ],
        out_specs=[
            pl.BlockSpec((blk, wn.shape[1]), lambda i: (i, 0)),
            pl.BlockSpec((blk, 128), lambda i: (i, 0)),
            pl.BlockSpec((blk, 128), lambda i: (i, 0)),
        ],
        out_shape=[
            jax.ShapeDtypeStruct((n, wn.shape[1]), jnp.float32),
            jax.ShapeDtypeStruct((ne, 128), jnp.float32),
            jax.ShapeDtypeStruct((ne, 128), jnp.float32),
        ],
    )(x, x1, wn, bn, wl, wu)



def _spmm_body(de_real, u_hbm, vl_hbm, vu_hbm,
               rn_hbm, cn_hbm,
               rl_hbm, cl_hbm, wl_hbm,
               ru_hbm, cu_hbm, wu_hbm,
               yn_hbm, ye_hbm,
               acc_n, acc_e, gbuf_n, gbuf_e, cidx, ridx, wbuf):
    cid = lax.axis_index("c")
    sid = lax.axis_index("s")
    n = acc_e.shape[0]
    dn = gbuf_n.shape[1]
    de = gbuf_e.shape[1]
    rows_per_tile = n // 16
    e_per_tile = rn_hbm.shape[0] // _NW

    def zrow(i, c):
        z16 = jnp.zeros((16,), jnp.float32)
        for j in range(dn // 16):
            gbuf_n[i, pl.ds(j * 16, 16)] = z16
        for j in range(de // 16):
            gbuf_e[i, pl.ds(j * 16, 16)] = z16
        return c
    lax.fori_loop(0, _CHUNK, zrow, 0)
    for t in range(rows_per_tile // _CHUNK):
        base = sid * rows_per_tile + t * _CHUNK
        pltpu.sync_copy(gbuf_n, acc_n.at[pl.ds(base, _CHUNK)])
        pltpu.sync_copy(gbuf_e, acc_e.at[pl.ds(base, _CHUNK)])
    plsc.subcore_barrier()

    ebase = (cid * 16 + sid) * e_per_tile

    def node_chunk(k, c):
        off = pl.multiple_of(ebase + k * _CHUNK, _CHUNK)
        pltpu.sync_copy(cn_hbm.at[pl.ds(off, _CHUNK)], cidx)
        pltpu.sync_copy(rn_hbm.at[pl.ds(off, _CHUNK)], ridx)
        pltpu.sync_copy(u_hbm.at[cidx], gbuf_n)
        pltpu.sync_copy(gbuf_n, acc_n.at[ridx], add=True)
        return c
    lax.fori_loop(0, e_per_tile // _CHUNK, node_chunk, 0)

    def make_edge_chunk(r_hbm, c_hbm, w_hbm, v_hbm):
        def edge_chunk(k, c):
            off = pl.multiple_of(ebase + k * _CHUNK, _CHUNK)
            pltpu.sync_copy(c_hbm.at[pl.ds(off, _CHUNK)], cidx)
            pltpu.sync_copy(r_hbm.at[pl.ds(off, _CHUNK)], ridx)
            pltpu.sync_copy(w_hbm.at[pl.ds(off, _CHUNK)], wbuf)
            pltpu.sync_copy(v_hbm.at[cidx], gbuf_e)
            def scale(g, cc):
                w16 = wbuf[pl.ds(g * 16, 16)]
                for j in range(16):
                    w = w16[j]
                    row = g * 16 + j
                    for q in range(de_real // 16):
                        gbuf_e[row, pl.ds(q * 16, 16)] = (
                            gbuf_e[row, pl.ds(q * 16, 16)] * w)
                return cc
            lax.fori_loop(0, _CHUNK // 16, scale, 0)
            pltpu.sync_copy(gbuf_e, acc_e.at[ridx], add=True)
            return c
        return edge_chunk
    lax.fori_loop(0, e_per_tile // _CHUNK,
                  make_edge_chunk(rl_hbm, cl_hbm, wl_hbm, vl_hbm), 0)
    lax.fori_loop(0, e_per_tile // _CHUNK,
                  make_edge_chunk(ru_hbm, cu_hbm, wu_hbm, vu_hbm), 0)
    plsc.subcore_barrier()

    out_base = cid * n + sid * rows_per_tile
    pltpu.sync_copy(acc_n.at[pl.ds(sid * rows_per_tile, rows_per_tile)],
                    yn_hbm.at[pl.ds(out_base, rows_per_tile)])
    pltpu.sync_copy(acc_e.at[pl.ds(sid * rows_per_tile, rows_per_tile)],
                    ye_hbm.at[pl.ds(out_base, rows_per_tile)])


def _spmm(u, vl, vu, rn, cn, rl, cl, wl, ru, cu, wu):
    n, dn = u.shape
    de = vl.shape[1]
    mesh = plsc.VectorSubcoreMesh(core_axis_name="c", subcore_axis_name="s")
    f = pl.kernel(
        functools.partial(_spmm_body, 64),
        out_type=[
            jax.ShapeDtypeStruct((2 * n, dn), jnp.float32),
            jax.ShapeDtypeStruct((2 * n, de), jnp.float32),
        ],
        mesh=mesh,
        scratch_types=[
            pltpu.VMEM_SHARED((n + 1, dn), jnp.float32),
            pltpu.VMEM_SHARED((n, de), jnp.float32),
            pltpu.VMEM((_CHUNK, dn), jnp.float32),
            pltpu.VMEM((_CHUNK, de), jnp.float32),
            pltpu.VMEM((_CHUNK,), jnp.int32),
            pltpu.VMEM((_CHUNK,), jnp.int32),
            pltpu.VMEM((_CHUNK,), jnp.float32),
        ],
    )
    return f(u, vl, vu, rn, cn, rl, cl, wl, ru, cu, wu)



def _mm_out_body(yn_ref, ye_ref, wf_ref, bf_ref, be_ref, wfe_ref, bfe_ref,
                 node_ref, edge_ref):
    h = jax.nn.relu(yn_ref[0] + yn_ref[1])
    node_ref[...] = (
        jnp.dot(h, wf_ref[...], preferred_element_type=jnp.float32)
        + bf_ref[...])
    de = be_ref.shape[1]
    he = jax.nn.relu(ye_ref[0, :, :de] + ye_ref[1, :, :de] + be_ref[...])
    edge_ref[...] = (
        jnp.dot(he, wfe_ref[...], preferred_element_type=jnp.float32)
        + bfe_ref[...])


def _mm_out(yn, ye, wf, bf, be, wfe, bfe):
    n = yn.shape[1]
    dn = yn.shape[2]
    de = ye.shape[2]
    blk = 512
    grid = (n // blk,)
    full = lambda i: (0, 0)
    return pl.pallas_call(
        _mm_out_body,
        grid=grid,
        in_specs=[
            pl.BlockSpec((2, blk, dn), lambda i: (0, i, 0)),
            pl.BlockSpec((2, blk, de), lambda i: (0, i, 0)),
            pl.BlockSpec(wf.shape, full),
            pl.BlockSpec(bf.shape, full),
            pl.BlockSpec(be.shape, full),
            pl.BlockSpec(wfe.shape, full),
            pl.BlockSpec(bfe.shape, full),
        ],
        out_specs=[
            pl.BlockSpec((blk, wf.shape[1]), lambda i: (i, 0)),
            pl.BlockSpec((blk, wfe.shape[1]), lambda i: (i, 0)),
        ],
        out_shape=[
            jax.ShapeDtypeStruct((n, wf.shape[1]), jnp.float32),
            jax.ShapeDtypeStruct((n, wfe.shape[1]), jnp.float32),
        ],
    )(yn, ye, wf, bf, be, wfe, bfe)


def kernel(x, edge_index, x1, edge_index_l, edge_attrs, edge_index_u,
           edge_attrs2, node_layers, fcnn_node, edge_layers, edge_biases,
           fcnn_edge):
    n = x.shape[0]
    ne = x1.shape[0]

    hops_n = node_layers[0]
    wn = sum(lin["W"] for lin in hops_n)
    bn = sum(lin["b"] for lin in hops_n).reshape(1, -1)
    hops_e = edge_layers[0]
    wl = sum(pair[0]["W"] for pair in hops_e)
    wu = sum(pair[1]["W"] for pair in hops_e)
    be = edge_biases[0].reshape(1, -1)

    rn, cn, _ = _dedup_sorted(edge_index, n, None)
    rl, cl, wlv = _dedup_sorted(edge_index_l, ne, edge_attrs)
    ru, cu, wuv = _dedup_sorted(edge_index_u, ne, edge_attrs2)

    if _DEBUG_DENSE_REF:
        A_x = jnp.zeros((n, n)).at[edge_index[0], edge_index[1]].set(1.0)
        L_l = jnp.zeros((ne, ne)).at[edge_index_l[0],
                                     edge_index_l[1]].set(edge_attrs)
        L_u = jnp.zeros((ne, ne)).at[edge_index_u[0],
                                     edge_index_u[1]].set(edge_attrs2)
        h = jax.nn.relu(A_x @ (x @ wn + bn))
        node_out = h @ fcnn_node["W"] + fcnn_node["b"]
        he = jax.nn.relu(L_l @ (x1 @ wl) + L_u @ (x1 @ wu) + be)
        edge_out = he @ fcnn_edge["W"] + fcnn_edge["b"]
        return node_out, edge_out

    u, vl, vu = _mm_in(x, x1, wn, bn, wl, wu)
    if _DEBUG_JNP_SPMM:
        yn0 = jnp.zeros((n + 1, u.shape[1])).at[rn].add(u[cn])[:n]
        ye0 = (jnp.zeros((ne, vl.shape[1]))
               .at[rl].add(vl[cl] * wlv[:, None])
               .at[ru].add(vu[cu] * wuv[:, None]))
        yn = jnp.stack([yn0, jnp.zeros_like(yn0)])
        ye = jnp.stack([ye0, jnp.zeros_like(ye0)])
    else:
        yn, ye = _spmm(u, vl, vu, rn, cn, rl, cl, wlv, ru, cu, wuv)
        yn = yn.reshape(2, n, -1)
        ye = ye.reshape(2, ne, -1)

    node_out, edge_out = _mm_out(
        yn, ye, fcnn_node["W"], fcnn_node["b"].reshape(1, -1), be,
        fcnn_edge["W"], fcnn_edge["b"].reshape(1, -1))
    return node_out, edge_out

# --- scband reference (transcript-rebuilt; emitter-appended) ---
"""Pipeline reference for scband-negatregressor-jax-45122926412357 (READ-ONLY COPY).

The authoritative reference and input builder live on the scoring server;
editing this copy changes nothing except your own understanding.
"""

import jax, jax.numpy as jnp
import numpy as np


def _lin_params(k, fan_in, fan_out, bias=True):
    kw, kb = jax.random.split(k)
    p = {"W": jax.random.normal(kw, (fan_in, fan_out), jnp.float32) / np.sqrt(fan_in)}
    if bias:
        p["b"] = jnp.zeros((fan_out,), jnp.float32)
    return p


def setup_inputs(seed: int = 0) -> dict:
    key = jax.random.key(seed)
    ks = jax.random.split(key, 24)
    N = 4096; Ne = 4096; E = 65536; E2 = 65536
    d_node = 128; d_edge = 64
    node_hidden = [128]; k_hop_node = 2; node_out = 64
    edge_hidden = [64]; k_hop_edge = 2; edge_out = 32
    x = jax.random.normal(ks[0], (N, d_node), jnp.float32)
    edge_index = jax.random.randint(ks[1], (2, E), 0, N).astype(jnp.int64)
    x1 = jax.random.normal(ks[2], (Ne, d_edge), jnp.float32)
    edge_index_l = jax.random.randint(ks[3], (2, E2), 0, Ne).astype(jnp.int64)
    edge_attrs = jax.random.normal(ks[4], (E2,), jnp.float32)
    edge_index_u = jax.random.randint(ks[5], (2, E2), 0, Ne).astype(jnp.int64)
    edge_attrs2 = jax.random.normal(ks[6], (E2,), jnp.float32)
    ki = 7
    node_layers = []
    fin = d_node
    for h in node_hidden:
        hops = []
        for _ in range(k_hop_node):
            hops.append(_lin_params(ks[ki], fin, h)); ki += 1
        node_layers.append(hops); fin = h
    fcnn_node = _lin_params(ks[ki], fin, node_out); ki += 1
    edge_layers = []; edge_biases = []
    fin_e = d_edge
    for h in edge_hidden:
        hops = []
        for _ in range(k_hop_edge):
            hops.append([_lin_params(ks[ki], fin_e, h, bias=False), _lin_params(ks[ki + 1], fin_e, h, bias=False)]); ki += 2
        edge_layers.append(hops)
        edge_biases.append(jnp.zeros((h,), jnp.float32))
        fin_e = h
    fcnn_edge = _lin_params(ks[ki], fin_e, edge_out); ki += 1
    return {"x": x, "edge_index": edge_index, "x1": x1, "edge_index_l": edge_index_l,
            "edge_attrs": edge_attrs, "edge_index_u": edge_index_u, "edge_attrs2": edge_attrs2,
            "node_layers": node_layers, "fcnn_node": fcnn_node, "edge_layers": edge_layers,
            "edge_biases": edge_biases, "fcnn_edge": fcnn_edge}


def _adjacency(edge_index, n, edge_attr=None):
    # faithful vectorized version of jax_adjacency_matrix: scatter-overwrite into dense memory
    A = jnp.zeros((n, n), jnp.float32)
    if edge_attr is None:
        return A.at[edge_index[0], edge_index[1]].set(1.0)
    return A.at[edge_index[0], edge_index[1]].set(edge_attr)


def reference(x, edge_index, x1, edge_index_l, edge_attrs, edge_index_u, edge_attrs2,
              node_layers, fcnn_node, edge_layers, edge_biases, fcnn_edge):
    N = x.shape[0]; Ne = x1.shape[0]
    A_x = _adjacency(edge_index, N)
    L_1l = _adjacency(edge_index_l, Ne, edge_attrs)
    L_1u = _adjacency(edge_index_u, Ne, edge_attrs2)
    # node propagation: k-hop linear transforms aggregated through A_x
    h = x
    for hops in node_layers:
        out = 0.0
        for lin in hops:
            out = out + A_x @ (h @ lin["W"] + lin["b"])
        h = jax.nn.relu(out)
    node_out = h @ fcnn_node["W"] + fcnn_node["b"]
    # edge (simplicial) propagation through lower/upper Laplacians
    he = x1
    for hops, bvec in zip(edge_layers, edge_biases):
        out = 0.0
        for lin_l, lin_u in hops:
            out = out + L_1l @ (he @ lin_l["W"]) + L_1u @ (he @ lin_u["W"])
        out = out + bvec
        he = jax.nn.relu(out)
    edge_out = he @ fcnn_edge["W"] + fcnn_edge["b"]
    return node_out, edge_out

if __name__ == "__main__":
    import jax
    _d = setup_inputs()
    print(jax.jit(kernel)(*tuple(_d.values())))

</pallas_src>

<mosaic_0001>
#map = affine_map<(d0, d1) -> (0, 0)>
#map1 = affine_map<(d0, d1) -> (0)>
module attributes {stable_mosaic.version = 14 : i64} {
  func.func @_spmm_body(%arg0: i32, %arg1: i32, %arg2: memref<4096x128xf32, #tpu.memory_space<hbm>>, %arg3: memref<4096x128xf32, #tpu.memory_space<hbm>>, %arg4: memref<4096x128xf32, #tpu.memory_space<hbm>>, %arg5: memref<65536xi32, #tpu.memory_space<hbm>>, %arg6: memref<65536xi32, #tpu.memory_space<hbm>>, %arg7: memref<65536xi32, #tpu.memory_space<hbm>>, %arg8: memref<65536xi32, #tpu.memory_space<hbm>>, %arg9: memref<65536xf32, #tpu.memory_space<hbm>>, %arg10: memref<65536xi32, #tpu.memory_space<hbm>>, %arg11: memref<65536xi32, #tpu.memory_space<hbm>>, %arg12: memref<65536xf32, #tpu.memory_space<hbm>>, %arg13: memref<8192x128xf32, #tpu.memory_space<hbm>>, %arg14: memref<8192x128xf32, #tpu.memory_space<hbm>>, %arg15: memref<4097x128xf32, #tpu.memory_space<vmem_shared>>, %arg16: memref<4096x128xf32, #tpu.memory_space<vmem_shared>>, %arg17: memref<128x128xf32, #tpu.memory_space<vmem>>, %arg18: memref<128x128xf32, #tpu.memory_space<vmem>>, %arg19: memref<128xi32, #tpu.memory_space<vmem>>, %arg20: memref<128xi32, #tpu.memory_space<vmem>>, %arg21: memref<128xf32, #tpu.memory_space<vmem>>) attributes {dimension_semantics = [#tpu.dimension_semantics<core_parallel>, #tpu.dimension_semantics<subcore_parallel>], iteration_bounds = array<i64: 2, 16>, scalar_prefetch = 0 : i64, scratch_operands = 7 : i64, tpu.core_type = #tpu.core_type<sc_vector_subcore>, window_params = [{transform_indices = #map}, {transform_indices = #map}, {transform_indices = #map}, {transform_indices = #map1}, {transform_indices = #map1}, {transform_indices = #map1}, {transform_indices = #map1}, {transform_indices = #map1}, {transform_indices = #map1}, {transform_indices = #map1}, {transform_indices = #map1}, {transform_indices = #map}, {transform_indices = #map}]} {
    %scan3A = arith.constant 0 : i32
    %scan3A_0 = arith.constant 0 : i32
    %scan3A_1 = arith.constant 128 : i32
    %scan3A_2 = arith.addi %scan3A_0, %scan3A_1 : i32
    %scan3A_3 = arith.constant 1 : i32
    scf.for %scan3A_44 = %scan3A_0 to %scan3A_2 step %scan3A_3  : i32 {
      %broadcast_in_dim3A = arith.constant 0.000000e+00 : f32
      %broadcast_in_dim3A_45 = vector.broadcast %broadcast_in_dim3A : f32 to vector<16xf32>
      %swap3A = arith.index_cast %scan3A_44 : i32 to index
      %swap3A_46 = arith.constant 0 : index
      %swap3A_47 = tpu.vector_load %arg17[%swap3A, %swap3A_46] {strides = array<i32>} : memref<128x128xf32, #tpu.memory_space<vmem>>, vector<1x16xf32>,
      %swap3A_48 = vector.shape_cast %swap3A_47 : vector<1x16xf32> to vector<16xf32>
      %swap3A_49 = vector.shape_cast %broadcast_in_dim3A_45 : vector<16xf32> to vector<1x16xf32>
      tpu.vector_store %arg17[%swap3A, %swap3A_46], %swap3A_49 {strides = array<i32>} : memref<128x128xf32, #tpu.memory_space<vmem>>, vector<1x16xf32>,
      %swap3A_50 = arith.index_cast %scan3A_44 : i32 to index
      %swap3A_51 = arith.constant 16 : index
      %swap3A_52 = tpu.vector_load %arg17[%swap3A_50, %swap3A_51] {strides = array<i32>} : memref<128x128xf32, #tpu.memory_space<vmem>>, vector<1x16xf32>,
      %swap3A_53 = vector.shape_cast %swap3A_52 : vector<1x16xf32> to vector<16xf32>
      %swap3A_54 = vector.shape_cast %broadcast_in_dim3A_45 : vector<16xf32> to vector<1x16xf32>
      tpu.vector_store %arg17[%swap3A_50, %swap3A_51], %swap3A_54 {strides = array<i32>} : memref<128x128xf32, #tpu.memory_space<vmem>>, vector<1x16xf32>,
      %swap3A_55 = arith.index_cast %scan3A_44 : i32 to index
      %swap3A_56 = arith.constant 32 : index
      %swap3A_57 = tpu.vector_load %arg17[%swap3A_55, %swap3A_56] {strides = array<i32>} : memref<128x128xf32, #tpu.memory_space<vmem>>, vector<1x16xf32>,
      %swap3A_58 = vector.shape_cast %swap3A_57 : vector<1x16xf32> to vector<16xf32>
      %swap3A_59 = vector.shape_cast %broadcast_in_dim3A_45 : vector<16xf32> to vector<1x16xf32>
      tpu.vector_store %arg17[%swap3A_55, %swap3A_56], %swap3A_59 {strides = array<i32>} : memref<128x128xf32, #tpu.memory_space<vmem>>, vector<1x16xf32>,
      %swap3A_60 = arith.index_cast %scan3A_44 : i32 to index
      %swap3A_61 = arith.constant 48 : index
      %swap3A_62 = tpu.vector_load %arg17[%swap3A_60, %swap3A_61] {strides = array<i32>} : memref<128x128xf32, #tpu.memory_space<vmem>>, vector<1x16xf32>,
      %swap3A_63 = vector.shape_cast %swap3A_62 : vector<1x16xf32> to vector<16xf32>
      %swap3A_64 = vector.shape_cast %broadcast_in_dim3A_45 : vector<16xf32> to vector<1x16xf32>
      tpu.vector_store %arg17[%swap3A_60, %swap3A_61], %swap3A_64 {strides = array<i32>} : memref<128x128xf32, #tpu.memory_space<vmem>>, vector<1x16xf32>,
      %swap3A_65 = arith.index_cast %scan3A_44 : i32 to index
      %swap3A_66 = arith.constant 64 : index
      %swap3A_67 = tpu.vector_load %arg17[%swap3A_65, %swap3A_66] {strides = array<i32>} : memref<128x128xf32, #tpu.memory_space<vmem>>, vector<1x16xf32>,
      %swap3A_68 = vector.shape_cast %swap3A_67 : vector<1x16xf32> to vector<16xf32>
      %swap3A_69 = vector.shape_cast %broadcast_in_dim3A_45 : vector<16xf32> to vector<1x16xf32>
      tpu.vector_store %arg17[%swap3A_65, %swap3A_66], %swap3A_69 {strides = array<i32>} : memref<128x128xf32, #tpu.memory_space<vmem>>, vector<1x16xf32>,
      %swap3A_70 = arith.index_cast %scan3A_44 : i32 to index
      %swap3A_71 = arith.constant 80 : index
      %swap3A_72 = tpu.vector_load %arg17[%swap3A_70, %swap3A_71] {strides = array<i32>} : memref<128x128xf32, #tpu.memory_space<vmem>>, vector<1x16xf32>,
      %swap3A_73 = vector.shape_cast %swap3A_72 : vector<1x16xf32> to vector<16xf32>
      %swap3A_74 = vector.shape_cast %broadcast_in_dim3A_45 : vector<16xf32> to vector<1x16xf32>
      tpu.vector_store %arg17[%swap3A_70, %swap3A_71], %swap3A_74 {strides = array<i32>} : memref<128x128xf32, #tpu.memory_space<vmem>>, vector<1x16xf32>,
      %swap3A_75 = arith.index_cast %scan3A_44 : i32 to index
      %swap3A_76 = arith.constant 96 : index
      %swap3A_77 = tpu.vector_load %arg17[%swap3A_75, %swap3A_76] {strides = array<i32>} : memref<128x128xf32, #tpu.memory_space<vmem>>, vector<1x16xf32>,
      %swap3A_78 = vector.shape_cast %swap3A_77 : vector<1x16xf32> to vector<16xf32>
      %swap3A_79 = vector.shape_cast %broadcast_in_dim3A_45 : vector<16xf32> to vector<1x16xf32>
      tpu.vector_store %arg17[%swap3A_75, %swap3A_76], %swap3A_79 {strides = array<i32>} : memref<128x128xf32, #tpu.memory_space<vmem>>, vector<1x16xf32>,
      %swap3A_80 = arith.index_cast %scan3A_44 : i32 to index
      %swap3A_81 = arith.constant 112 : index
      %swap3A_82 = tpu.vector_load %arg17[%swap3A_80, %swap3A_81] {strides = array<i32>} : memref<128x128xf32, #tpu.memory_space<vmem>>, vector<1x16xf32>,
      %swap3A_83 = vector.shape_cast %swap3A_82 : vector<1x16xf32> to vector<16xf32>
      %swap3A_84 = vector.shape_cast %broadcast_in_dim3A_45 : vector<16xf32> to vector<1x16xf32>
      tpu.vector_store %arg17[%swap3A_80, %swap3A_81], %swap3A_84 {strides = array<i32>} : memref<128x128xf32, #tpu.memory_space<vmem>>, vector<1x16xf32>,
      %swap3A_85 = arith.index_cast %scan3A_44 : i32 to index
      %swap3A_86 = arith.constant 0 : index
      %swap3A_87 = tpu.vector_load %arg18[%swap3A_85, %swap3A_86] {strides = array<i32>} : memref<128x128xf32, #tpu.memory_space<vmem>>, vector<1x16xf32>,
      %swap3A_88 = vector.shape_cast %swap3A_87 : vector<1x16xf32> to vector<16xf32>
      %swap3A_89 = vector.shape_cast %broadcast_in_dim3A_45 : vector<16xf32> to vector<1x16xf32>
      tpu.vector_store %arg18[%swap3A_85, %swap3A_86], %swap3A_89 {strides = array<i32>} : memref<128x128xf32, #tpu.memory_space<vmem>>, vector<1x16xf32>,
      %swap3A_90 = arith.index_cast %scan3A_44 : i32 to index
      %swap3A_91 = arith.constant 16 : index
      %swap3A_92 = tpu.vector_load %arg18[%swap3A_90, %swap3A_91] {strides = array<i32>} : memref<128x128xf32, #tpu.memory_space<vmem>>, vector<1x16xf32>,
      %swap3A_93 = vector.shape_cast %swap3A_92 : vector<1x16xf32> to vector<16xf32>
      %swap3A_94 = vector.shape_cast %broadcast_in_dim3A_45 : vector<16xf32> to vector<1x16xf32>
      tpu.vector_store %arg18[%swap3A_90, %swap3A_91], %swap3A_94 {strides = array<i32>} : memref<128x128xf32, #tpu.memory_space<vmem>>, vector<1x16xf32>,
      %swap3A_95 = arith.index_cast %scan3A_44 : i32 to index
      %swap3A_96 = arith.constant 32 : index
      %swap3A_97 = tpu.vector_load %arg18[%swap3A_95, %swap3A_96] {strides = array<i32>} : memref<128x128xf32, #tpu.memory_space<vmem>>, vector<1x16xf32>,
      %swap3A_98 = vector.shape_cast %swap3A_97 : vector<1x16xf32> to vector<16xf32>
      %swap3A_99 = vector.shape_cast %broadcast_in_dim3A_45 : vector<16xf32> to vector<1x16xf32>
      tpu.vector_store %arg18[%swap3A_95, %swap3A_96], %swap3A_99 {strides = array<i32>} : memref<128x128xf32, #tpu.memory_space<vmem>>, vector<1x16xf32>,
      %swap3A_100 = arith.index_cast %scan3A_44 : i32 to index
      %swap3A_101 = arith.constant 48 : index
      %swap3A_102 = tpu.vector_load %arg18[%swap3A_100, %swap3A_101] {strides = array<i32>} : memref<128x128xf32, #tpu.memory_space<vmem>>, vector<1x16xf32>,
      %swap3A_103 = vector.shape_cast %swap3A_102 : vector<1x16xf32> to vector<16xf32>
      %swap3A_104 = vector.shape_cast %broadcast_in_dim3A_45 : vector<16xf32> to vector<1x16xf32>
      tpu.vector_store %arg18[%swap3A_100, %swap3A_101], %swap3A_104 {strides = array<i32>} : memref<128x128xf32, #tpu.memory_space<vmem>>, vector<1x16xf32>,
      %swap3A_105 = arith.index_cast %scan3A_44 : i32 to index
      %swap3A_106 = arith.constant 64 : index
      %swap3A_107 = tpu.vector_load %arg18[%swap3A_105, %swap3A_106] {strides = array<i32>} : memref<128x128xf32, #tpu.memory_space<vmem>>, vector<1x16xf32>,
      %swap3A_108 = vector.shape_cast %swap3A_107 : vector<1x16xf32> to vector<16xf32>
      %swap3A_109 = vector.shape_cast %broadcast_in_dim3A_45 : vector<16xf32> to vector<1x16xf32>
      tpu.vector_store %arg18[%swap3A_105, %swap3A_106], %swap3A_109 {strides = array<i32>} : memref<128x128xf32, #tpu.memory_space<vmem>>, vector<1x16xf32>,
      %swap3A_110 = arith.index_cast %scan3A_44 : i32 to index
      %swap3A_111 = arith.constant 80 : index
      %swap3A_112 = tpu.vector_load %arg18[%swap3A_110, %swap3A_111] {strides = array<i32>} : memref<128x128xf32, #tpu.memory_space<vmem>>, vector<1x16xf32>,
      %swap3A_113 = vector.shape_cast %swap3A_112 : vector<1x16xf32> to vector<16xf32>
      %swap3A_114 = vector.shape_cast %broadcast_in_dim3A_45 : vector<16xf32> to vector<1x16xf32>
      tpu.vector_store %arg18[%swap3A_110, %swap3A_111], %swap3A_114 {strides = array<i32>} : memref<128x128xf32, #tpu.memory_space<vmem>>, vector<1x16xf32>,
      %swap3A_115 = arith.index_cast %scan3A_44 : i32 to index
      %swap3A_116 = arith.constant 96 : index
      %swap3A_117 = tpu.vector_load %arg18[%swap3A_115, %swap3A_116] {strides = array<i32>} : memref<128x128xf32, #tpu.memory_space<vmem>>, vector<1x16xf32>,
      %swap3A_118 = vector.shape_cast %swap3A_117 : vector<1x16xf32> to vector<16xf32>
      %swap3A_119 = vector.shape_cast %broadcast_in_dim3A_45 : vector<16xf32> to vector<1x16xf32>
      tpu.vector_store %arg18[%swap3A_115, %swap3A_116], %swap3A_119 {strides = array<i32>} : memref<128x128xf32, #tpu.memory_space<vmem>>, vector<1x16xf32>,
      %swap3A_120 = arith.index_cast %scan3A_44 : i32 to index
      %swap3A_121 = arith.constant 112 : index
      %swap3A_122 = tpu.vector_load %arg18[%swap3A_120, %swap3A_121] {strides = array<i32>} : memref<128x128xf32, #tpu.memory_space<vmem>>, vector<1x16xf32>,
      %swap3A_123 = vector.shape_cast %swap3A_122 : vector<1x16xf32> to vector<16xf32>
      %swap3A_124 = vector.shape_cast %broadcast_in_dim3A_45 : vector<16xf32> to vector<1x16xf32>
      tpu.vector_store %arg18[%swap3A_120, %swap3A_121], %swap3A_124 {strides = array<i32>} : memref<128x128xf32, #tpu.memory_space<vmem>>, vector<1x16xf32>,
    }
    %scan3A_4 = arith.constant 128 : i32
    %mul3A = arith.constant 256 : i32
    %mul3A_5 = arith.muli %arg1, %mul3A : i32
    %add3A = arith.constant 0 : i32
    %add3A_6 = arith.addi %mul3A_5, %add3A : i32
    "tpu.region"() ({
      %run_scoped3A = tpu.sem_alloc : memref<!tpu.dma_semaphore, #tpu.memory_space<semaphore_mem>>
      %dma_start3A = arith.constant 0 : i32
      %dma_start3A_44 = tpu.memref_slice %arg15[%add3A_6, %dma_start3A] : memref<4097x128xf32, #tpu.memory_space<vmem_shared>> -> memref<128x128xf32, #tpu.memory_space<vmem_shared>>
      %dma_start3A_45 = arith.constant 0 : i32
      %dma_start3A_46 = tpu.memref_slice %arg15[%add3A_6, %dma_start3A_45] : memref<4097x128xf32, #tpu.memory_space<vmem_shared>> -> memref<128x128xf32, #tpu.memory_space<vmem_shared>>
      tpu.enqueue_dma source(%arg17 : memref<128x128xf32, #tpu.memory_space<vmem>>) target(%dma_start3A_46 : memref<128x128xf32, #tpu.memory_space<vmem_shared>>) target_semaphore(%run_scoped3A : memref<!tpu.dma_semaphore, #tpu.memory_space<semaphore_mem>>)
      %dma_wait3A = arith.constant 0 : i32
      %dma_wait3A_47 = tpu.memref_slice %arg15[%add3A_6, %dma_wait3A] : memref<4097x128xf32, #tpu.memory_space<vmem_shared>> -> memref<128x128xf32, #tpu.memory_space<vmem_shared>>
      %dma_wait3A_48 = arith.constant 0 : i32
      %dma_wait3A_49 = tpu.memref_slice %arg15[%add3A_6, %dma_wait3A_48] : memref<4097x128xf32, #tpu.memory_space<vmem_shared>> -> memref<128x128xf32, #tpu.memory_space<vmem_shared>>
      tpu.wait_dma2 semaphore(%run_scoped3A : memref<!tpu.dma_semaphore, #tpu.memory_space<semaphore_mem>>) src(%arg17 : memref<128x128xf32, #tpu.memory_space<vmem>>) dst(%dma_wait3A_49 : memref<128x128xf32, #tpu.memory_space<vmem_shared>>)
      tpu.yield
    }) : () -> ()
    "tpu.region"() ({
      %run_scoped3A = tpu.sem_alloc : memref<!tpu.dma_semaphore, #tpu.memory_space<semaphore_mem>>
      %dma_start3A = arith.constant 0 : i32
      %dma_start3A_44 = tpu.memref_slice %arg16[%add3A_6, %dma_start3A] : memref<4096x128xf32, #tpu.memory_space<vmem_shared>> -> memref<128x128xf32, #tpu.memory_space<vmem_shared>>
      %dma_start3A_45 = arith.constant 0 : i32
      %dma_start3A_46 = tpu.memref_slice %arg16[%add3A_6, %dma_start3A_45] : memref<4096x128xf32, #tpu.memory_space<vmem_shared>> -> memref<128x128xf32, #tpu.memory_space<vmem_shared>>
      tpu.enqueue_dma source(%arg18 : memref<128x128xf32, #tpu.memory_space<vmem>>) target(%dma_start3A_46 : memref<128x128xf32, #tpu.memory_space<vmem_shared>>) target_semaphore(%run_scoped3A : memref<!tpu.dma_semaphore, #tpu.memory_space<semaphore_mem>>)
      %dma_wait3A = arith.constant 0 : i32
      %dma_wait3A_47 = tpu.memref_slice %arg16[%add3A_6, %dma_wait3A] : memref<4096x128xf32, #tpu.memory_space<vmem_shared>> -> memref<128x128xf32, #tpu.memory_space<vmem_shared>>
      %dma_wait3A_48 = arith.constant 0 : i32
      %dma_wait3A_49 = tpu.memref_slice %arg16[%add3A_6, %dma_wait3A_48] : memref<4096x128xf32, #tpu.memory_space<vmem_shared>> -> memref<128x128xf32, #tpu.memory_space<vmem_shared>>
      tpu.wait_dma2 semaphore(%run_scoped3A : memref<!tpu.dma_semaphore, #tpu.memory_space<semaphore_mem>>) src(%arg18 : memref<128x128xf32, #tpu.memory_space<vmem>>) dst(%dma_wait3A_49 : memref<128x128xf32, #tpu.memory_space<vmem_shared>>)
      tpu.yield
    }) : () -> ()
    %mul3A_7 = arith.constant 256 : i32
    %mul3A_8 = arith.muli %arg1, %mul3A_7 : i32
    %add3A_9 = arith.constant 128 : i32
    %add3A_10 = arith.addi %mul3A_8, %add3A_9 : i32
    "tpu.region"() ({
      %run_scoped3A = tpu.sem_alloc : memref<!tpu.dma_semaphore, #tpu.memory_space<semaphore_mem>>
      %dma_start3A = arith.constant 0 : i32
      %dma_start3A_44 = tpu.memref_slice %arg15[%add3A_10, %dma_start3A] : memref<4097x128xf32, #tpu.memory_space<vmem_shared>> -> memref<128x128xf32, #tpu.memory_space<vmem_shared>>
      %dma_start3A_45 = arith.constant 0 : i32
      %dma_start3A_46 = tpu.memref_slice %arg15[%add3A_10, %dma_start3A_45] : memref<4097x128xf32, #tpu.memory_space<vmem_shared>> -> memref<128x128xf32, #tpu.memory_space<vmem_shared>>
      tpu.enqueue_dma source(%arg17 : memref<128x128xf32, #tpu.memory_space<vmem>>) target(%dma_start3A_46 : memref<128x128xf32, #tpu.memory_space<vmem_shared>>) target_semaphore(%run_scoped3A : memref<!tpu.dma_semaphore, #tpu.memory_space<semaphore_mem>>)
      %dma_wait3A = arith.constant 0 : i32
      %dma_wait3A_47 = tpu.memref_slice %arg15[%add3A_10, %dma_wait3A] : memref<4097x128xf32, #tpu.memory_space<vmem_shared>> -> memref<128x128xf32, #tpu.memory_space<vmem_shared>>
      %dma_wait3A_48 = arith.constant 0 : i32
      %dma_wait3A_49 = tpu.memref_slice %arg15[%add3A_10, %dma_wait3A_48] : memref<4097x128xf32, #tpu.memory_space<vmem_shared>> -> memref<128x128xf32, #tpu.memory_space<vmem_shared>>
      tpu.wait_dma2 semaphore(%run_scoped3A : memref<!tpu.dma_semaphore, #tpu.memory_space<semaphore_mem>>) src(%arg17 : memref<128x128xf32, #tpu.memory_space<vmem>>) dst(%dma_wait3A_49 : memref<128x128xf32, #tpu.memory_space<vmem_shared>>)
      tpu.yield
    }) : () -> ()
    "tpu.region"() ({
      %run_scoped3A = tpu.sem_alloc : memref<!tpu.dma_semaphore, #tpu.memory_space<semaphore_mem>>
      %dma_start3A = arith.constant 0 : i32
      %dma_start3A_44 = tpu.memref_slice %arg16[%add3A_10, %dma_start3A] : memref<4096x128xf32, #tpu.memory_space<vmem_shared>> -> memref<128x128xf32, #tpu.memory_space<vmem_shared>>
      %dma_start3A_45 = arith.constant 0 : i32
      %dma_start3A_46 = tpu.memref_slice %arg16[%add3A_10, %dma_start3A_45] : memref<4096x128xf32, #tpu.memory_space<vmem_shared>> -> memref<128x128xf32, #tpu.memory_space<vmem_shared>>
      tpu.enqueue_dma source(%arg18 : memref<128x128xf32, #tpu.memory_space<vmem>>) target(%dma_start3A_46 : memref<128x128xf32, #tpu.memory_space<vmem_shared>>) target_semaphore(%run_scoped3A : memref<!tpu.dma_semaphore, #tpu.memory_space<semaphore_mem>>)
      %dma_wait3A = arith.constant 0 : i32
      %dma_wait3A_47 = tpu.memref_slice %arg16[%add3A_10, %dma_wait3A] : memref<4096x128xf32, #tpu.memory_space<vmem_shared>> -> memref<128x128xf32, #tpu.memory_space<vmem_shared>>
      %dma_wait3A_48 = arith.constant 0 : i32
      %dma_wait3A_49 = tpu.memref_slice %arg16[%add3A_10, %dma_wait3A_48] : memref<4096x128xf32, #tpu.memory_space<vmem_shared>> -> memref<128x128xf32, #tpu.memory_space<vmem_shared>>
      tpu.wait_dma2 semaphore(%run_scoped3A : memref<!tpu.dma_semaphore, #tpu.memory_space<semaphore_mem>>) src(%arg18 : memref<128x128xf32, #tpu.memory_space<vmem>>) dst(%dma_wait3A_49 : memref<128x128xf32, #tpu.memory_space<vmem_shared>>)
      tpu.yield
    }) : () -> ()
    %barrier3A = arith.constant 0 : index
    tpu.barrier barrier_id(%barrier3A)
    %mul3A_11 = arith.constant 16 : i32
    %mul3A_12 = arith.muli %arg0, %mul3A_11 : i32
    %add3A_13 = arith.addi %mul3A_12, %arg1 : i32
    %mul3A_14 = arith.constant 2048 : i32
    %mul3A_15 = arith.muli %add3A_13, %mul3A_14 : i32
    %scan3A_16 = arith.constant 0 : i32
    %scan3A_17 = arith.constant 0 : i32
    %scan3A_18 = arith.constant 16 : i32
    %scan3A_19 = arith.addi %scan3A_17, %scan3A_18 : i32
    %scan3A_20 = arith.constant 1 : i32
    scf.for %scan3A_44 = %scan3A_17 to %scan3A_19 step %scan3A_20  : i32 {
      %mul3A_45 = arith.constant 128 : i32
      %mul3A_46 = arith.muli %scan3A_44, %mul3A_45 : i32
      %add3A_47 = arith.addi %mul3A_15, %mul3A_46 : i32
      %multiple_of3A = tpu.assume_multiple %add3A_47, 128 : i32
      "tpu.region"() ({
        %run_scoped3A = tpu.sem_alloc : memref<!tpu.dma_semaphore, #tpu.memory_space<semaphore_mem>>
        %dma_start3A = tpu.memref_slice %arg6[%multiple_of3A] : memref<65536xi32, #tpu.memory_space<hbm>> -> memref<128xi32, #tpu.memory_space<hbm>>
        %dma_start3A_48 = tpu.memref_slice %arg6[%multiple_of3A] : memref<65536xi32, #tpu.memory_space<hbm>> -> memref<128xi32, #tpu.memory_space<hbm>>
        tpu.enqueue_dma source(%dma_start3A_48 : memref<128xi32, #tpu.memory_space<hbm>>) target(%arg19 : memref<128xi32, #tpu.memory_space<vmem>>) target_semaphore(%run_scoped3A : memref<!tpu.dma_semaphore, #tpu.memory_space<semaphore_mem>>)
        %dma_wait3A = tpu.memref_slice %arg6[%multiple_of3A] : memref<65536xi32, #tpu.memory_space<hbm>> -> memref<128xi32, #tpu.memory_space<hbm>>
        %dma_wait3A_49 = tpu.memref_slice %arg6[%multiple_of3A] : memref<65536xi32, #tpu.memory_space<hbm>> -> memref<128xi32, #tpu.memory_space<hbm>>
        tpu.wait_dma2 semaphore(%run_scoped3A : memref<!tpu.dma_semaphore, #tpu.memory_space<semaphore_mem>>) src(%dma_wait3A_49 : memref<128xi32, #tpu.memory_space<hbm>>) dst(%arg19 : memref<128xi32, #tpu.memory_space<vmem>>)
        tpu.yield
      }) : () -> ()
      "tpu.region"() ({
        %run_scoped3A = tpu.sem_alloc : memref<!tpu.dma_semaphore, #tpu.memory_space<semaphore_mem>>
        %dma_start3A = tpu.memref_slice %arg5[%multiple_of3A] : memref<65536xi32, #tpu.memory_space<hbm>> -> memref<128xi32, #tpu.memory_space<hbm>>
        %dma_start3A_48 = tpu.memref_slice %arg5[%multiple_of3A] : memref<65536xi32, #tpu.memory_space<hbm>> -> memref<128xi32, #tpu.memory_space<hbm>>
        tpu.enqueue_dma source(%dma_start3A_48 : memref<128xi32, #tpu.memory_space<hbm>>) target(%arg20 : memref<128xi32, #tpu.memory_space<vmem>>) target_semaphore(%run_scoped3A : memref<!tpu.dma_semaphore, #tpu.memory_space<semaphore_mem>>)
        %dma_wait3A = tpu.memref_slice %arg5[%multiple_of3A] : memref<65536xi32, #tpu.memory_space<hbm>> -> memref<128xi32, #tpu.memory_space<hbm>>
        %dma_wait3A_49 = tpu.memref_slice %arg5[%multiple_of3A] : memref<65536xi32, #tpu.memory_space<hbm>> -> memref<128xi32, #tpu.memory_space<hbm>>
        tpu.wait_dma2 semaphore(%run_scoped3A : memref<!tpu.dma_semaphore, #tpu.memory_space<semaphore_mem>>) src(%dma_wait3A_49 : memref<128xi32, #tpu.memory_space<hbm>>) dst(%arg20 : memref<128xi32, #tpu.memory_space<vmem>>)
        tpu.yield
      }) : () -> ()
      "tpu.region"() ({
        %run_scoped3A = tpu.sem_alloc : memref<!tpu.dma_semaphore, #tpu.memory_space<semaphore_mem>>
        %dma_start3A = arith.constant 0 : i32
        %dma_start3A_48 = arith.constant 0 : i32
        %dma_start3A_49 = tpu.memref_slice %arg2[%dma_start3A, %dma_start3A_48] : memref<4096x128xf32, #tpu.memory_space<hbm>> -> memref<4096x128xf32, #tpu.memory_space<hbm>>
        tpu.enqueue_indirect_dma source(%dma_start3A_49 : memref<4096x128xf32, #tpu.memory_space<hbm>>) target(%arg17 : memref<128x128xf32, #tpu.memory_space<vmem>>) offsets(%arg19 : memref<128xi32, #tpu.memory_space<vmem>>) semaphore(%run_scoped3A : memref<!tpu.dma_semaphore, #tpu.memory_space<semaphore_mem>>)
        %dma_wait3A = arith.constant 0 : i32
        %dma_wait3A_50 = arith.constant 0 : i32
        %dma_wait3A_51 = tpu.memref_slice %arg2[%dma_wait3A, %dma_wait3A_50] : memref<4096x128xf32, #tpu.memory_space<hbm>> -> memref<4096x128xf32, #tpu.memory_space<hbm>>
        tpu.wait_indirect_dma semaphore(%run_scoped3A : memref<!tpu.dma_semaphore, #tpu.memory_space<semaphore_mem>>) src(%dma_wait3A_51 : memref<4096x128xf32, #tpu.memory_space<hbm>>) dst(%arg17 : memref<128x128xf32, #tpu.memory_space<vmem>>)
        tpu.yield
      }) : () -> ()
      "tpu.region"() ({
        %run_scoped3A = tpu.sem_alloc : memref<!tpu.dma_semaphore, #tpu.memory_space<semaphore_mem>>
        %dma_start3A = arith.constant 0 : i32
        %dma_start3A_48 = arith.constant 0 : i32
        %dma_start3A_49 = tpu.memref_slice %arg15[%dma_start3A, %dma_start3A_48] : memref<4097x128xf32, #tpu.memory_space<vmem_shared>> -> memref<4097x128xf32, #tpu.memory_space<vmem_shared>>
        tpu.enqueue_indirect_dma source(%arg17 : memref<128x128xf32, #tpu.memory_space<vmem>>) target(%dma_start3A_49 : memref<4097x128xf32, #tpu.memory_space<vmem_shared>>) offsets(%arg20 : memref<128xi32, #tpu.memory_space<vmem>>) semaphore(%run_scoped3A : memref<!tpu.dma_semaphore, #tpu.memory_space<semaphore_mem>>) {add = true}
        %dma_wait3A = arith.constant 0 : i32
        %dma_wait3A_50 = arith.constant 0 : i32
        %dma_wait3A_51 = tpu.memref_slice %arg15[%dma_wait3A, %dma_wait3A_50] : memref<4097x128xf32, #tpu.memory_space<vmem_shared>> -> memref<4097x128xf32, #tpu.memory_space<vmem_shared>>
        tpu.wait_indirect_dma semaphore(%run_scoped3A : memref<!tpu.dma_semaphore, #tpu.memory_space<semaphore_mem>>) src(%arg17 : memref<128x128xf32, #tpu.memory_space<vmem>>) dst(%dma_wait3A_51 : memref<4097x128xf32, #tpu.memory_space<vmem_shared>>)
        tpu.yield
      }) : () -> ()
    }
    %scan3A_21 = arith.constant 16 : i32
    %scan3A_22 = arith.constant 0 : i32
    %scan3A_23 = arith.constant 0 : i32
    %scan3A_24 = arith.constant 16 : i32
    %scan3A_25 = arith.addi %scan3A_23, %scan3A_24 : i32
    %scan3A_26 = arith.constant 1 : i32
    scf.for %scan3A_44 = %scan3A_23 to %scan3A_25 step %scan3A_26  : i32 {
      %mul3A_45 = arith.constant 128 : i32
      %mul3A_46 = arith.muli %scan3A_44, %mul3A_45 : i32
      %add3A_47 = arith.addi %mul3A_15, %mul3A_46 : i32
      %multiple_of3A = tpu.assume_multiple %add3A_47, 128 : i32
      "tpu.region"() ({
        %run_scoped3A = tpu.sem_alloc : memref<!tpu.dma_semaphore, #tpu.memory_space<semaphore_mem>>
        %dma_start3A = tpu.memref_slice %arg8[%multiple_of3A] : memref<65536xi32, #tpu.memory_space<hbm>> -> memref<128xi32, #tpu.memory_space<hbm>>
        %dma_start3A_54 = tpu.memref_slice %arg8[%multiple_of3A] : memref<65536xi32, #tpu.memory_space<hbm>> -> memref<128xi32, #tpu.memory_space<hbm>>
        tpu.enqueue_dma source(%dma_start3A_54 : memref<128xi32, #tpu.memory_space<hbm>>) target(%arg19 : memref<128xi32, #tpu.memory_space<vmem>>) target_semaphore(%run_scoped3A : memref<!tpu.dma_semaphore, #tpu.memory_space<semaphore_mem>>)
        %dma_wait3A = tpu.memref_slice %arg8[%multiple_of3A] : memref<65536xi32, #tpu.memory_space<hbm>> -> memref<128xi32, #tpu.memory_space<hbm>>
        %dma_wait3A_55 = tpu.memref_slice %arg8[%multiple_of3A] : memref<65536xi32, #tpu.memory_space<hbm>> -> memref<128xi32, #tpu.memory_space<hbm>>
        tpu.wait_dma2 semaphore(%run_scoped3A : memref<!tpu.dma_semaphore, #tpu.memory_space<semaphore_mem>>) src(%dma_wait3A_55 : memref<128xi32, #tpu.memory_space<hbm>>) dst(%arg19 : memref<128xi32, #tpu.memory_space<vmem>>)
        tpu.yield
      }) : () -> ()
      "tpu.region"() ({
        %run_scoped3A = tpu.sem_alloc : memref<!tpu.dma_semaphore, #tpu.memory_space<semaphore_mem>>
        %dma_start3A = tpu.memref_slice %arg7[%multiple_of3A] : memref<65536xi32, #tpu.memory_space<hbm>> -> memref<128xi32, #tpu.memory_space<hbm>>
        %dma_start3A_54 = tpu.memref_slice %arg7[%multiple_of3A] : memref<65536xi32, #tpu.memory_space<hbm>> -> memref<128xi32, #tpu.memory_space<hbm>>
        tpu.enqueue_dma source(%dma_start3A_54 : memref<128xi32, #tpu.memory_space<hbm>>) target(%arg20 : memref<128xi32, #tpu.memory_space<vmem>>) target_semaphore(%run_scoped3A : memref<!tpu.dma_semaphore, #tpu.memory_space<semaphore_mem>>)
        %dma_wait3A = tpu.memref_slice %arg7[%multiple_of3A] : memref<65536xi32, #tpu.memory_space<hbm>> -> memref<128xi32, #tpu.memory_space<hbm>>
        %dma_wait3A_55 = tpu.memref_slice %arg7[%multiple_of3A] : memref<65536xi32, #tpu.memory_space<hbm>> -> memref<128xi32, #tpu.memory_space<hbm>>
        tpu.wait_dma2 semaphore(%run_scoped3A : memref<!tpu.dma_semaphore, #tpu.memory_space<semaphore_mem>>) src(%dma_wait3A_55 : memref<128xi32, #tpu.memory_space<hbm>>) dst(%arg20 : memref<128xi32, #tpu.memory_space<vmem>>)
        tpu.yield
      }) : () -> ()
      "tpu.region"() ({
        %run_scoped3A = tpu.sem_alloc : memref<!tpu.dma_semaphore, #tpu.memory_space<semaphore_mem>>
        %dma_start3A = tpu.memref_slice %arg9[%multiple_of3A] : memref<65536xf32, #tpu.memory_space<hbm>> -> memref<128xf32, #tpu.memory_space<hbm>>
        %dma_start3A_54 = tpu.memref_slice %arg9[%multiple_of3A] : memref<65536xf32, #tpu.memory_space<hbm>> -> memref<128xf32, #tpu.memory_space<hbm>>
        tpu.enqueue_dma source(%dma_start3A_54 : memref<128xf32, #tpu.memory_space<hbm>>) target(%arg21 : memref<128xf32, #tpu.memory_space<vmem>>) target_semaphore(%run_scoped3A : memref<!tpu.dma_semaphore, #tpu.memory_space<semaphore_mem>>)
        %dma_wait3A = tpu.memref_slice %arg9[%multiple_of3A] : memref<65536xf32, #tpu.memory_space<hbm>> -> memref<128xf32, #tpu.memory_space<hbm>>
        %dma_wait3A_55 = tpu.memref_slice %arg9[%multiple_of3A] : memref<65536xf32, #tpu.memory_space<hbm>> -> memref<128xf32, #tpu.memory_space<hbm>>
        tpu.wait_dma2 semaphore(%run_scoped3A : memref<!tpu.dma_semaphore, #tpu.memory_space<semaphore_mem>>) src(%dma_wait3A_55 : memref<128xf32, #tpu.memory_space<hbm>>) dst(%arg21 : memref<128xf32, #tpu.memory_space<vmem>>)
        tpu.yield
      }) : () -> ()
      "tpu.region"() ({
        %run_scoped3A = tpu.sem_alloc : memref<!tpu.dma_semaphore, #tpu.memory_space<semaphore_mem>>
        %dma_start3A = arith.constant 0 : i32
        %dma_start3A_54 = arith.constant 0 : i32
        %dma_start3A_55 = tpu.memref_slice %arg3[%dma_start3A, %dma_start3A_54] : memref<4096x128xf32, #tpu.memory_space<hbm>> -> memref<4096x128xf32, #tpu.memory_space<hbm>>
        tpu.enqueue_indirect_dma source(%dma_start3A_55 : memref<4096x128xf32, #tpu.memory_space<hbm>>) target(%arg18 : memref<128x128xf32, #tpu.memory_space<vmem>>) offsets(%arg19 : memref<128xi32, #tpu.memory_space<vmem>>) semaphore(%run_scoped3A : memref<!tpu.dma_semaphore, #tpu.memory_space<semaphore_mem>>)
        %dma_wait3A = arith.constant 0 : i32
        %dma_wait3A_56 = arith.constant 0 : i32
        %dma_wait3A_57 = tpu.memref_slice %arg3[%dma_wait3A, %dma_wait3A_56] : memref<4096x128xf32, #tpu.memory_space<hbm>> -> memref<4096x128xf32, #tpu.memory_space<hbm>>
        tpu.wait_indirect_dma semaphore(%run_scoped3A : memref<!tpu.dma_semaphore, #tpu.memory_space<semaphore_mem>>) src(%dma_wait3A_57 : memref<4096x128xf32, #tpu.memory_space<hbm>>) dst(%arg18 : memref<128x128xf32, #tpu.memory_space<vmem>>)
        tpu.yield
      }) : () -> ()
      %scan3A_48 = arith.constant 0 : i32
      %scan3A_49 = arith.constant 0 : i32
      %scan3A_50 = arith.constant 8 : i32
      %scan3A_51 = arith.addi %scan3A_49, %scan3A_50 : i32
      %scan3A_52 = arith.constant 1 : i32
      scf.for %scan3A_54 = %scan3A_49 to %scan3A_51 step %scan3A_52  : i32 {
        %mul3A_55 = arith.constant 16 : i32
        %mul3A_56 = arith.muli %scan3A_54, %mul3A_55 : i32
        %get3A = arith.index_cast %mul3A_56 : i32 to index
        %get3A_57 = tpu.vector_load %arg21[%get3A] {strides = array<i32>} : memref<128xf32, #tpu.memory_space<vmem>>, vector<16xf32>,
        %get3A_58 = vector.shape_cast %get3A_57 : vector<16xf32> to vector<16xf32>
        %slice3A = vector.extract_strided_slice %get3A_58 {offsets = [0], sizes = [1], strides = [1]} : vector<16xf32> to vector<1xf32>
        %squeeze3A = vector.extract %slice3A[0] : f32 from vector<1xf32>
        %mul3A_59 = arith.constant 16 : i32
        %mul3A_60 = arith.muli %scan3A_54, %mul3A_59 : i32
        %add3A_61 = arith.constant 0 : i32
        %add3A_62 = arith.addi %mul3A_60, %add3A_61 : i32
        %get3A_63 = arith.index_cast %add3A_62 : i32 to index
        %get3A_64 = arith.constant 0 : index
        %get3A_65 = tpu.vector_load %arg18[%get3A_63, %get3A_64] {strides = array<i32>} : memref<128x128xf32, #tpu.memory_space<vmem>>, vector<1x16xf32>,
        %get3A_66 = vector.shape_cast %get3A_65 : vector<1x16xf32> to vector<16xf32>
        %mul3A_67 = vector.broadcast %squeeze3A : f32 to vector<16xf32>
        %mul3A_68 = arith.mulf %get3A_66, %mul3A_67 : vector<16xf32>
        %swap3A = arith.index_cast %add3A_62 : i32 to index
        %swap3A_69 = arith.constant 0 : index
        %swap3A_70 = tpu.vector_load %arg18[%swap3A, %swap3A_69] {strides = array<i32>} : memref<128x128xf32, #tpu.memory_space<vmem>>, vector<1x16xf32>,
        %swap3A_71 = vector.shape_cast %swap3A_70 : vector<1x16xf32> to vector<16xf32>
        %swap3A_72 = vector.shape_cast %mul3A_68 : vector<16xf32> to vector<1x16xf32>
        tpu.vector_store %arg18[%swap3A, %swap3A_69], %swap3A_72 {strides = array<i32>} : memref<128x128xf32, #tpu.memory_space<vmem>>, vector<1x16xf32>,
        %get3A_73 = arith.index_cast %add3A_62 : i32 to index
        %get3A_74 = arith.constant 16 : index
        %get3A_75 = tpu.vector_load %arg18[%get3A_73, %get3A_74] {strides = array<i32>} : memref<128x128xf32, #tpu.memory_space<vmem>>, vector<1x16xf32>,
        %get3A_76 = vector.shape_cast %get3A_75 : vector<1x16xf32> to vector<16xf32>
        %mul3A_77 = vector.broadcast %squeeze3A : f32 to vector<16xf32>
        %mul3A_78 = arith.mulf %get3A_76, %mul3A_77 : vector<16xf32>
        %swap3A_79 = arith.index_cast %add3A_62 : i32 to index
        %swap3A_80 = arith.constant 16 : index
        %swap3A_81 = tpu.vector_load %arg18[%swap3A_79, %swap3A_80] {strides = array<i32>} : memref<128x128xf32, #tpu.memory_space<vmem>>, vector<1x16xf32>,
        %swap3A_82 = vector.shape_cast %swap3A_81 : vector<1x16xf32> to vector<16xf32>
        %swap3A_83 = vector.shape_cast %mul3A_78 : vector<16xf32> to vector<1x16xf32>
        tpu.vector_store %arg18[%swap3A_79, %swap3A_80], %swap3A_83 {strides = array<i32>} : memref<128x128xf32, #tpu.memory_space<vmem>>, vector<1x16xf32>,
        %get3A_84 = arith.index_cast %add3A_62 : i32 to index
        %get3A_85 = arith.constant 32 : index
        %get3A_86 = tpu.vector_load %arg18[%get3A_84, %get3A_85] {strides = array<i32>} : memref<128x128xf32, #tpu.memory_space<vmem>>, vector<1x16xf32>,
        %get3A_87 = vector.shape_cast %get3A_86 : vector<1x16xf32> to vector<16xf32>
        %mul3A_88 = vector.broadcast %squeeze3A : f32 to vector<16xf32>
        %mul3A_89 = arith.mulf %get3A_87, %mul3A_88 : vector<16xf32>
        %swap3A_90 = arith.index_cast %add3A_62 : i32 to index
        %swap3A_91 = arith.constant 32 : index
        %swap3A_92 = tpu.vector_load %arg18[%swap3A_90, %swap3A_91] {strides = array<i32>} : memref<128x128xf32, #tpu.memory_space<vmem>>, vector<1x16xf32>,
        %swap3A_93 = vector.shape_cast %swap3A_92 : vector<1x16xf32> to vector<16xf32>
        %swap3A_94 = vector.shape_cast %mul3A_89 : vector<16xf32> to vector<1x16xf32>
        tpu.vector_store %arg18[%swap3A_90, %swap3A_91], %swap3A_94 {strides = array<i32>} : memref<128x128xf32, #tpu.memory_space<vmem>>, vector<1x16xf32>,
        %get3A_95 = arith.index_cast %add3A_62 : i32 to index
        %get3A_96 = arith.constant 48 : index
        %get3A_97 = tpu.vector_load %arg18[%get3A_95, %get3A_96] {strides = array<i32>} : memref<128x128xf32, #tpu.memory_space<vmem>>, vector<1x16xf32>,
        %get3A_98 = vector.shape_cast %get3A_97 : vector<1x16xf32> to vector<16xf32>
        %mul3A_99 = vector.broadcast %squeeze3A : f32 to vector<16xf32>
        %mul3A_100 = arith.mulf %get3A_98, %mul3A_99 : vector<16xf32>
        %swap3A_101 = arith.index_cast %add3A_62 : i32 to index
        %swap3A_102 = arith.constant 48 : index
        %swap3A_103 = tpu.vector_load %arg18[%swap3A_101, %swap3A_102] {strides = array<i32>} : memref<128x128xf32, #tpu.memory_space<vmem>>, vector<1x16xf32>,
        %swap3A_104 = vector.shape_cast %swap3A_103 : vector<1x16xf32> to vector<16xf32>
        %swap3A_105 = vector.shape_cast %mul3A_100 : vector<16xf32> to vector<1x16xf32>
        tpu.vector_store %arg18[%swap3A_101, %swap3A_102], %swap3A_105 {strides = array<i32>} : memref<128x128xf32, #tpu.memory_space<vmem>>, vector<1x16xf32>,
        %slice3A_106 = vector.extract_strided_slice %get3A_58 {offsets = [1], sizes = [1], strides = [1]} : vector<16xf32> to vector<1xf32>
        %squeeze3A_107 = vector.extract %slice3A_106[0] : f32 from vector<1xf32>
        %mul3A_108 = arith.constant 16 : i32
        %mul3A_109 = arith.muli %scan3A_54, %mul3A_108 : i32
        %add3A_110 = arith.constant 1 : i32
        %add3A_111 = arith.addi %mul3A_109, %add3A_110 : i32
        %get3A_112 = arith.index_cast %add3A_111 : i32 to index
        %get3A_113 = arith.constant 0 : index
        %get3A_114 = tpu.vector_load %arg18[%get3A_112, %get3A_113] {strides = array<i32>} : memref<128x128xf32, #tpu.memory_space<vmem>>, vector<1x16xf32>,
        %get3A_115 = vector.shape_cast %get3A_114 : vector<1x16xf32> to vector<16xf32>
        %mul3A_116 = vector.broadcast %squeeze3A_107 : f32 to vector<16xf32>
        %mul3A_117 = arith.mulf %get3A_115, %mul3A_116 : vector<16xf32>
        %swap3A_118 = arith.index_cast %add3A_111 : i32 to index
        %swap3A_119 = arith.constant 0 : index
        %swap3A_120 = tpu.vector_load %arg18[%swap3A_118, %swap3A_119] {strides = array<i32>} : memref<128x128xf32, #tpu.memory_space<vmem>>, vector<1x16xf32>,
        %swap3A_121 = vector.shape_cast %swap3A_120 : vector<1x16xf32> to vector<16xf32>
        %swap3A_122 = vector.shape_cast %mul3A_117 : vector<16xf32> to vector<1x16xf32>
        tpu.vector_store %arg18[%swap3A_118, %swap3A_119], %swap3A_122 {strides = array<i32>} : memref<128x128xf32, #tpu.memory_space<vmem>>, vector<1x16xf32>,
        %get3A_123 = arith.index_cast %add3A_111 : i32 to index
        %get3A_124 = arith.constant 16 : index
        %get3A_125 = tpu.vector_load %arg18[%get3A_123, %get3A_124] {strides = array<i32>} : memref<128x128xf32, #tpu.memory_space<vmem>>, vector<1x16xf32>,
        %get3A_126 = vector.shape_cast %get3A_125 : vector<1x16xf32> to vector<16xf32>
        %mul3A_127 = vector.broadcast %squeeze3A_107 : f32 to vector<16xf32>
        %mul3A_128 = arith.mulf %get3A_126, %mul3A_127 : vector<16xf32>
        %swap3A_129 = arith.index_cast %add3A_111 : i32 to index
        %swap3A_130 = arith.constant 16 : index
        %swap3A_131 = tpu.vector_load %arg18[%swap3A_129, %swap3A_130] {strides = array<i32>} : memref<128x128xf32, #tpu.memory_space<vmem>>, vector<1x16xf32>,
        %swap3A_132 = vector.shape_cast %swap3A_131 : vector<1x16xf32> to vector<16xf32>
        %swap3A_133 = vector.shape_cast %mul3A_128 : vector<16xf32> to vector<1x16xf32>
        tpu.vector_store %arg18[%swap3A_129, %swap3A_130], %swap3A_133 {strides = array<i32>} : memref<128x128xf32, #tpu.memory_space<vmem>>, vector<1x16xf32>,
        %get3A_134 = arith.index_cast %add3A_111 : i32 to index
        %get3A_135 = arith.constant 32 : index
        %get3A_136 = tpu.vector_load %arg18[%get3A_134, %get3A_135] {strides = array<i32>} : memref<128x128xf32, #tpu.memory_space<vmem>>, vector<1x16xf32>,
        %get3A_137 = vector.shape_cast %get3A_136 : vector<1x16xf32> to vector<16xf32>
        %mul3A_138 = vector.broadcast %squeeze3A_107 : f32 to vector<16xf32>
        %mul3A_139 = arith.mulf %get3A_137, %mul3A_138 : vector<16xf32>
        %swap3A_140 = arith.index_cast %add3A_111 : i32 to index
        %swap3A_141 = arith.constant 32 : index
        %swap3A_142 = tpu.vector_load %arg18[%swap3A_140, %swap3A_141] {strides = array<i32>} : memref<128x128xf32, #tpu.memory_space<vmem>>, vector<1x16xf32>,
        %swap3A_143 = vector.shape_cast %swap3A_142 : vector<1x16xf32> to vector<16xf32>
        %swap3A_144 = vector.shape_cast %mul3A_139 : vector<16xf32> to vector<1x16xf32>
        tpu.vector_store %arg18[%swap3A_140, %swap3A_141], %swap3A_144 {strides = array<i32>} : memref<128x128xf32, #tpu.memory_space<vmem>>, vector<1x16xf32>,
        %get3A_145 = arith.index_cast %add3A_111 : i32 to index
        %get3A_146 = arith.constant 48 : index
        %get3A_147 = tpu.vector_load %arg18[%get3A_145, %get3A_146] {strides = array<i32>} : memref<128x128xf32, #tpu.memory_space<vmem>>, vector<1x16xf32>,
        %get3A_148 = vector.shape_cast %get3A_147 : vector<1x16xf32> to vector<16xf32>
        %mul3A_149 = vector.broadcast %squeeze3A_107 : f32 to vector<16xf32>
        %mul3A_150 = arith.mulf %get3A_148, %mul3A_149 : vector<16xf32>
        %swap3A_151 = arith.index_cast %add3A_111 : i32 to index
        %swap3A_152 = arith.constant 48 : index
        %swap3A_153 = tpu.vector_load %arg18[%swap3A_151, %swap3A_152] {strides = array<i32>} : memref<128x128xf32, #tpu.memory_space<vmem>>, vector<1x16xf32>,
        %swap3A_154 = vector.shape_cast %swap3A_153 : vector<1x16xf32> to vector<16xf32>
        %swap3A_155 = vector.shape_cast %mul3A_150 : vector<16xf32> to vector<1x16xf32>
        tpu.vector_store %arg18[%swap3A_151, %swap3A_152], %swap3A_155 {strides = array<i32>} : memref<128x128xf32, #tpu.memory_space<vmem>>, vector<1x16xf32>,
        %slice3A_156 = vector.extract_strided_slice %get3A_58 {offsets = [2], sizes = [1], strides = [1]} : vector<16xf32> to vector<1xf32>
        %squeeze3A_157 = vector.extract %slice3A_156[0] : f32 from vector<1xf32>
        %mul3A_158 = arith.constant 16 : i32
        %mul3A_159 = arith.muli %scan3A_54, %mul3A_158 : i32
        %add3A_160 = arith.constant 2 : i32
        %add3A_161 = arith.addi %mul3A_159, %add3A_160 : i32
        %get3A_162 = arith.index_cast %add3A_161 : i32 to index
        %get3A_163 = arith.constant 0 : index
        %get3A_164 = tpu.vector_load %arg18[%get3A_162, %get3A_163] {strides = array<i32>} : memref<128x128xf32, #tpu.memory_space<vmem>>, vector<1x16xf32>,
        %get3A_165 = vector.shape_cast %get3A_164 : vector<1x16xf32> to vector<16xf32>
        %mul3A_166 = vector.broadcast %squeeze3A_157 : f32 to vector<16xf32>
        %mul3A_167 = arith.mulf %get3A_165, %mul3A_166 : vector<16xf32>
        %swap3A_168 = arith.index_cast %add3A_161 : i32 to index
        %swap3A_169 = arith.constant 0 : index
        %swap3A_170 = tpu.vector_load %arg18[%swap3A_168, %swap3A_169] {strides = array<i32>} : memref<128x128xf32, #tpu.memory_space<vmem>>, vector<1x16xf32>,
        %swap3A_171 = vector.shape_cast %swap3A_170 : vector<1x16xf32> to vector<16xf32>
        %swap3A_172 = vector.shape_cast %mul3A_167 : vector<16xf32> to vector<1x16xf32>
        tpu.vector_store %arg18[%swap3A_168, %swap3A_169], %swap3A_172 {strides = array<i32>} : memref<128x128xf32, #tpu.memory_space<vmem>>, vector<1x16xf32>,
        %get3A_173 = arith.index_cast %add3A_161 : i32 to index
        %get3A_174 = arith.constant 16 : index
        %get3A_175 = tpu.vector_load %arg18[%get3A_173, %get3A_174] {strides = array<i32>} : memref<128x128xf32, #tpu.memory_space<vmem>>, vector<1x16xf32>,
        %get3A_176 = vector.shape_cast %get3A_175 : vector<1x16xf32> to vector<16xf32>
        %mul3A_177 = vector.broadcast %squeeze3A_157 : f32 to vector<16xf32>
        %mul3A_178 = arith.mulf %get3A_176, %mul3A_177 : vector<16xf32>
        %swap3A_179 = arith.index_cast %add3A_161 : i32 to index
        %swap3A_180 = arith.constant 16 : index
        %swap3A_181 = tpu.vector_load %arg18[%swap3A_179, %swap3A_180] {strides = array<i32>} : memref<128x128xf32, #tpu.memory_space<vmem>>, vector<1x16xf32>,
        %swap3A_182 = vector.shape_cast %swap3A_181 : vector<1x16xf32> to vector<16xf32>
        %swap3A_183 = vector.shape_cast %mul3A_178 : vector<16xf32> to vector<1x16xf32>
        tpu.vector_store %arg18[%swap3A_179, %swap3A_180], %swap3A_183 {strides = array<i32>} : memref<128x128xf32, #tpu.memory_space<vmem>>, vector<1x16xf32>,
        %get3A_184 = arith.index_cast %add3A_161 : i32 to index
        %get3A_185 = arith.constant 32 : index
        %get3A_186 = tpu.vector_load %arg18[%get3A_184, %get3A_185] {strides = array<i32>} : memref<128x128xf32, #tpu.memory_space<vmem>>, vector<1x16xf32>,
        %get3A_187 = vector.shape_cast %get3A_186 : vector<1x16xf32> to vector<16xf32>
        %mul3A_188 = vector.broadcast %squeeze3A_157 : f32 to vector<16xf32>
        %mul3A_189 = arith.mulf %get3A_187, %mul3A_188 : vector<16xf32>
        %swap3A_190 = arith.index_cast %add3A_161 : i32 to index
        %swap3A_191 = arith.constant 32 : index
        %swap3A_192 = tpu.vector_load %arg18[%swap3A_190, %swap3A_191] {strides = array<i32>} : memref<128x128xf32, #tpu.memory_space<vmem>>, vector<1x16xf32>,
        %swap3A_193 = vector.shape_cast %swap3A_192 : vector<1x16xf32> to vector<16xf32>
        %swap3A_194 = vector.shape_cast %mul3A_189 : vector<16xf32> to vector<1x16xf32>
        tpu.vector_store %arg18[%swap3A_190, %swap3A_191], %swap3A_194 {strides = array<i32>} : memref<128x128xf32, #tpu.memory_space<vmem>>, vector<1x16xf32>,
        %get3A_195 = arith.index_cast %add3A_161 : i32 to index
        %get3A_196 = arith.constant 48 : index
        %get3A_197 = tpu.vector_load %arg18[%get3A_195, %get3A_196] {strides = array<i32>} : memref<128x128xf32, #tpu.memory_space<vmem>>, vector<1x16xf32>,
        %get3A_198 = vector.shape_cast %get3A_197 : vector<1x16xf32> to vector<16xf32>
        %mul3A_199 = vector.broadcast %squeeze3A_157 : f32 to vector<16xf32>
        %mul3A_200 = arith.mulf %get3A_198, %mul3A_199 : vector<16xf32>
        %swap3A_201 = arith.index_cast %add3A_161 : i32 to index
        %swap3A_202 = arith.constant 48 : index
        %swap3A_203 = tpu.vector_load %arg18[%swap3A_201, %swap3A_202] {strides = array<i32>} : memref<128x128xf32, #tpu.memory_space<vmem>>, vector<1x16xf32>,
        %swap3A_204 = vector.shape_cast %swap3A_203 : vector<1x16xf32> to vector<16xf32>
        %swap3A_205 = vector.shape_cast %mul3A_200 : vector<16xf32> to vector<1x16xf32>
        tpu.vector_store %arg18[%swap3A_201, %swap3A_202], %swap3A_205 {strides = array<i32>} : memref<128x128xf32, #tpu.memory_space<vmem>>, vector<1x16xf32>,
        %slice3A_206 = vector.extract_strided_slice %get3A_58 {offsets = [3], sizes = [1], strides = [1]} : vector<16xf32> to vector<1xf32>
        %squeeze3A_207 = vector.extract %slice3A_206[0] : f32 from vector<1xf32>
        %mul3A_208 = arith.constant 16 : i32
        %mul3A_209 = arith.muli %scan3A_54, %mul3A_208 : i32
        %add3A_210 = arith.constant 3 : i32
        %add3A_211 = arith.addi %mul3A_209, %add3A_210 : i32
        %get3A_212 = arith.index_cast %add3A_211 : i32 to index
        %get3A_213 = arith.constant 0 : index
        %get3A_214 = tpu.vector_load %arg18[%get3A_212, %get3A_213] {strides = array<i32>} : memref<128x128xf32, #tpu.memory_space<vmem>>, vector<1x16xf32>,
        %get3A_215 = vector.shape_cast %get3A_214 : vector<1x16xf32> to vector<16xf32>
        %mul3A_216 = vector.broadcast %squeeze3A_207 : f32 to vector<16xf32>
        %mul3A_217 = arith.mulf %get3A_215, %mul3A_216 : vector<16xf32>
        %swap3A_218 = arith.index_cast %add3A_211 : i32 to index
        %swap3A_219 = arith.constant 0 : index
        %swap3A_220 = tpu.vector_load %arg18[%swap3A_218, %swap3A_219] {strides = array<i32>} : memref<128x128xf32, #tpu.memory_space<vmem>>, vector<1x16xf32>,
        %swap3A_221 = vector.shape_cast %swap3A_220 : vector<1x16xf32> to vector<16xf32>
        %swap3A_222 = vector.shape_cast %mul3A_217 : vector<16xf32> to vector<1x16xf32>
        tpu.vector_store %arg18[%swap3A_218, %swap3A_219], %swap3A_222 {strides = array<i32>} : memref<128x128xf32, #tpu.memory_space<vmem>>, vector<1x16xf32>,
        %get3A_223 = arith.index_cast %add3A_211 : i32 to index
        %get3A_224 = arith.constant 16 : index
        %get3A_225 = tpu.vector_load %arg18[%get3A_223, %get3A_224] {strides = array<i32>} : memref<128x128xf32, #tpu.memory_space<vmem>>, vector<1x16xf32>,
        %get3A_226 = vector.shape_cast %get3A_225 : vector<1x16xf32> to vector<16xf32>
        %mul3A_227 = vector.broadcast %squeeze3A_207 : f32 to vector<16xf32>
        %mul3A_228 = arith.mulf %get3A_226, %mul3A_227 : vector<16xf32>
        %swap3A_229 = arith.index_cast %add3A_211 : i32 to index
        %swap3A_230 = arith.constant 16 : index
        %swap3A_231 = tpu.vector_load %arg18[%swap3A_229, %swap3A_230] {strides = array<i32>} : memref<128x128xf32, #tpu.memory_space<vmem>>, vector<1x16xf32>,
        %swap3A_232 = vector.shape_cast %swap3A_231 : vector<1x16xf32> to vector<16xf32>
        %swap3A_233 = vector.shape_cast %mul3A_228 : vector<16xf32> to vector<1x16xf32>
        tpu.vector_store %arg18[%swap3A_229, %swap3A_230], %swap3A_233 {strides = array<i32>} : memref<128x128xf32, #tpu.memory_space<vmem>>, vector<1x16xf32>,
        %get3A_234 = arith.index_cast %add3A_211 : i32 to index
        %get3A_235 = arith.constant 32 : index
        %get3A_236 = tpu.vector_load %arg18[%get3A_234, %get3A_235] {strides = array<i32>} : memref<128x128xf32, #tpu.memory_space<vmem>>, vector<1x16xf32>,
        %get3A_237 = vector.shape_cast %get3A_236 : vector<1x16xf32> to vector<16xf32>
        %mul3A_238 = vector.broadcast %squeeze3A_207 : f32 to vector<16xf32>
        %mul3A_239 = arith.mulf %get3A_237, %mul3A_238 : vector<16xf32>
        %swap3A_240 = arith.index_cast %add3A_211 : i32 to index
        %swap3A_241 = arith.constant 32 : index
        %swap3A_242 = tpu.vector_load %arg18[%swap3A_240, %swap3A_241] {strides = array<i32>} : memref<128x128xf32, #tpu.memory_space<vmem>>, vector<1x16xf32>,
        %swap3A_243 = vector.shape_cast %swap3A_242 : vector<1x16xf32> to vector<16xf32>
        %swap3A_244 = vector.shape_cast %mul3A_239 : vector<16xf32> to vector<1x16xf32>
        tpu.vector_store %arg18[%swap3A_240, %swap3A_241], %swap3A_244 {strides = array<i32>} : memref<128x128xf32, #tpu.memory_space<vmem>>, vector<1x16xf32>,
        %get3A_245 = arith.index_cast %add3A_211 : i32 to index
        %get3A_246 = arith.constant 48 : index
        %get3A_247 = tpu.vector_load %arg18[%get3A_245, %get3A_246] {strides = array<i32>} : memref<128x128xf32, #tpu.memory_space<vmem>>, vector<1x16xf32>,
        %get3A_248 = vector.shape_cast %get3A_247 : vector<1x16xf32> to vector<16xf32>
        %mul3A_249 = vector.broadcast %squeeze3A_207 : f32 to vector<16xf32>
        %mul3A_250 = arith.mulf %get3A_248, %mul3A_249 : vector<16xf32>
        %swap3A_251 = arith.index_cast %add3A_211 : i32 to index
        %swap3A_252 = arith.constant 48 : index
        %swap3A_253 = tpu.vector_load %arg18[%swap3A_251, %swap3A_252] {strides = array<i32>} : memref<128x128xf32, #tpu.memory_space<vmem>>, vector<1x16xf32>,
        %swap3A_254 = vector.shape_cast %swap3A_253 : vector<1x16xf32> to vector<16xf32>
        %swap3A_255 = vector.shape_cast %mul3A_250 : vector<16xf32> to vector<1x16xf32>
        tpu.vector_store %arg18[%swap3A_251, %swap3A_252], %swap3A_255 {strides = array<i32>} : memref<128x128xf32, #tpu.memory_space<vmem>>, vector<1x16xf32>,
        %slice3A_256 = vector.extract_strided_slice %get3A_58 {offsets = [4], sizes = [1], strides = [1]} : vector<16xf32> to vector<1xf32>
        %squeeze3A_257 = vector.extract %slice3A_256[0] : f32 from vector<1xf32>
        %mul3A_258 = arith.constant 16 : i32
        %mul3A_259 = arith.muli %scan3A_54, %mul3A_258 : i32
        %add3A_260 = arith.constant 4 : i32
        %add3A_261 = arith.addi %mul3A_259, %add3A_260 : i32
        %get3A_262 = arith.index_cast %add3A_261 : i32 to index
        %get3A_263 = arith.constant 0 : index
        %get3A_264 = tpu.vector_load %arg18[%get3A_262, %get3A_263] {strides = array<i32>} : memref<128x128xf32, #tpu.memory_space<vmem>>, vector<1x16xf32>,
        %get3A_265 = vector.shape_cast %get3A_264 : vector<1x16xf32> to vector<16xf32>
        %mul3A_266 = vector.broadcast %squeeze3A_257 : f32 to vector<16xf32>
        %mul3A_267 = arith.mulf %get3A_265, %mul3A_266 : vector<16xf32>
        %swap3A_268 = arith.index_cast %add3A_261 : i32 to index
        %swap3A_269 = arith.constant 0 : index
        %swap3A_270 = tpu.vector_load %arg18[%swap3A_268, %swap3A_269] {strides = array<i32>} : memref<128x128xf32, #tpu.memory_space<vmem>>, vector<1x16xf32>,
        %swap3A_271 = vector.shape_cast %swap3A_270 : vector<1x16xf32> to vector<16xf32>
        %swap3A_272 = vector.shape_cast %mul3A_267 : vector<16xf32> to vector<1x16xf32>
        tpu.vector_store %arg18[%swap3A_268, %swap3A_269], %swap3A_272 {strides = array<i32>} : memref<128x128xf32, #tpu.memory_space<vmem>>, vector<1x16xf32>,
        %get3A_273 = arith.index_cast %add3A_261 : i32 to index
        %get3A_274 = arith.constant 16 : index
        %get3A_275 = tpu.vector_load %arg18[%get3A_273, %get3A_274] {strides = array<i32>} : memref<128x128xf32, #tpu.memory_space<vmem>>, vector<1x16xf32>,
        %get3A_276 = vector.shape_cast %get3A_275 : vector<1x16xf32> to vector<16xf32>
        %mul3A_277 = vector.broadcast %squeeze3A_257 : f32 to vector<16xf32>
        %mul3A_278 = arith.mulf %get3A_276, %mul3A_277 : vector<16xf32>
        %swap3A_279 = arith.index_cast %add3A_261 : i32 to index
        %swap3A_280 = arith.constant 16 : index
        %swap3A_281 = tpu.vector_load %arg18[%swap3A_279, %swap3A_280] {strides = array<i32>} : memref<128x128xf32, #tpu.memory_space<vmem>>, vector<1x16xf32>,
        %swap3A_282 = vector.shape_cast %swap3A_281 : vector<1x16xf32> to vector<16xf32>
        %swap3A_283 = vector.shape_cast %mul3A_278 : vector<16xf32> to vector<1x16xf32>
        tpu.vector_store %arg18[%swap3A_279, %swap3A_280], %swap3A_283 {strides = array<i32>} : memref<128x128xf32, #tpu.memory_space<vmem>>, vector<1x16xf32>,
        %get3A_284 = arith.index_cast %add3A_261 : i32 to index
        %get3A_285 = arith.constant 32 : index
        %get3A_286 = tpu.vector_load %arg18[%get3A_284, %get3A_285] {strides = array<i32>} : memref<128x128xf32, #tpu.memory_space<vmem>>, vector<1x16xf32>,
        %get3A_287 = vector.shape_cast %get3A_286 : vector<1x16xf32> to vector<16xf32>
        %mul3A_288 = vector.broadcast %squeeze3A_257 : f32 to vector<16xf32>
        %mul3A_289 = arith.mulf %get3A_287, %mul3A_288 : vector<16xf32>
        %swap3A_290 = arith.index_cast %add3A_261 : i32 to index
        %swap3A_291 = arith.constant 32 : index
        %swap3A_292 = tpu.vector_load %arg18[%swap3A_290, %swap3A_291] {strides = array<i32>} : memref<128x128xf32, #tpu.memory_space<vmem>>, vector<1x16xf32>,
        %swap3A_293 = vector.shape_cast %swap3A_292 : vector<1x16xf32> to vector<16xf32>
        %swap3A_294 = vector.shape_cast %mul3A_289 : vector<16xf32> to vector<1x16xf32>
        tpu.vector_store %arg18[%swap3A_290, %swap3A_291], %swap3A_294 {strides = array<i32>} : memref<128x128xf32, #tpu.memory_space<vmem>>, vector<1x16xf32>,
        %get3A_295 = arith.index_cast %add3A_261 : i32 to index
        %get3A_296 = arith.constant 48 : index
        %get3A_297 = tpu.vector_load %arg18[%get3A_295, %get3A_296] {strides = array<i32>} : memref<128x128xf32, #tpu.memory_space<vmem>>, vector<1x16xf32>,
        %get3A_298 = vector.shape_cast %get3A_297 : vector<1x16xf32> to vector<16xf32>
        %mul3A_299 = vector.broadcast %squeeze3A_257 : f32 to vector<16xf32>
        %mul3A_300 = arith.mulf %get3A_298, %mul3A_299 : vector<16xf32>
        %swap3A_301 = arith.index_cast %add3A_261 : i32 to index
        %swap3A_302 = arith.constant 48 : index
        %swap3A_303 = tpu.vector_load %arg18[%swap3A_301, %swap3A_302] {strides = array<i32>} : memref<128x128xf32, #tpu.memory_space<vmem>>, vector<1x16xf32>,
        %swap3A_304 = vector.shape_cast %swap3A_303 : vector<1x16xf32> to vector<16xf32>
        %swap3A_305 = vector.shape_cast %mul3A_300 : vector<16xf32> to vector<1x16xf32>
        tpu.vector_store %arg18[%swap3A_301, %swap3A_302], %swap3A_305 {strides = array<i32>} : memref<128x128xf32, #tpu.memory_space<vmem>>, vector<1x16xf32>,
        %slice3A_306 = vector.extract_strided_slice %get3A_58 {offsets = [5], sizes = [1], strides = [1]} : vector<16xf32> to vector<1xf32>
        %squeeze3A_307 = vector.extract %slice3A_306[0] : f32 from vector<1xf32>
        %mul3A_308 = arith.constant 16 : i32
        %mul3A_309 = arith.muli %scan3A_54, %mul3A_308 : i32
        %add3A_310 = arith.constant 5 : i32
        %add3A_311 = arith.addi %mul3A_309, %add3A_310 : i32
        %get3A_312 = arith.index_cast %add3A_311 : i32 to index
        %get3A_313 = arith.constant 0 : index
        %get3A_314 = tpu.vector_load %arg18[%get3A_312, %get3A_313] {strides = array<i32>} : memref<128x128xf32, #tpu.memory_space<vmem>>, vector<1x16xf32>,
        %get3A_315 = vector.shape_cast %get3A_314 : vector<1x16xf32> to vector<16xf32>
        %mul3A_316 = vector.broadcast %squeeze3A_307 : f32 to vector<16xf32>
        %mul3A_317 = arith.mulf %get3A_315, %mul3A_316 : vector<16xf32>
        %swap3A_318 = arith.index_cast %add3A_311 : i32 to index
        %swap3A_319 = arith.constant 0 : index
        %swap3A_320 = tpu.vector_load %arg18[%swap3A_318, %swap3A_319] {strides = array<i32>} : memref<128x128xf32, #tpu.memory_space<vmem>>, vector<1x16xf32>,
        %swap3A_321 = vector.shape_cast %swap3A_320 : vector<1x16xf32> to vector<16xf32>
        %swap3A_322 = vector.shape_cast %mul3A_317 : vector<16xf32> to vector<1x16xf32>
        tpu.vector_store %arg18[%swap3A_318, %swap3A_319], %swap3A_322 {strides = array<i32>} : memref<128x128xf32, #tpu.memory_space<vmem>>, vector<1x16xf32>,
        %get3A_323 = arith.index_cast %add3A_311 : i32 to index
        %get3A_324 = arith.constant 16 : index
        %get3A_325 = tpu.vector_load %arg18[%get3A_323, %get3A_324] {strides = array<i32>} : memref<128x128xf32, #tpu.memory_space<vmem>>, vector<1x16xf32>,
        %get3A_326 = vector.shape_cast %get3A_325 : vector<1x16xf32> to vector<16xf32>
        %mul3A_327 = vector.broadcast %squeeze3A_307 : f32 to vector<16xf32>
        %mul3A_328 = arith.mulf %get3A_326, %mul3A_327 : vector<16xf32>
        %swap3A_329 = arith.index_cast %add3A_311 : i32 to index
        %swap3A_330 = arith.constant 16 : index
        %swap3A_331 = tpu.vector_load %arg18[%swap3A_329, %swap3A_330] {strides = array<i32>} : memref<128x128xf32, #tpu.memory_space<vmem>>, vector<1x16xf32>,
        %swap3A_332 = vector.shape_cast %swap3A_331 : vector<1x16xf32> to vector<16xf32>
        %swap3A_333 = vector.shape_cast %mul3A_328 : vector<16xf32> to vector<1x16xf32>
        tpu.vector_store %arg18[%swap3A_329, %swap3A_330], %swap3A_333 {strides = array<i32>} : memref<128x128xf32, #tpu.memory_space<vmem>>, vector<1x16xf32>,
        %get3A_334 = arith.index_cast %add3A_311 : i32 to index
        %get3A_335 = arith.constant 32 : index
        %get3A_336 = tpu.vector_load %arg18[%get3A_334, %get3A_335] {strides = array<i32>} : memref<128x128xf32, #tpu.memory_space<vmem>>, vector<1x16xf32>,
        %get3A_337 = vector.shape_cast %get3A_336 : vector<1x16xf32> to vector<16xf32>
        %mul3A_338 = vector.broadcast %squeeze3A_307 : f32 to vector<16xf32>
        %mul3A_339 = arith.mulf %get3A_337, %mul3A_338 : vector<16xf32>
        %swap3A_340 = arith.index_cast %add3A_311 : i32 to index
        %swap3A_341 = arith.constant 32 : index
        %swap3A_342 = tpu.vector_load %arg18[%swap3A_340, %swap3A_341] {strides = array<i32>} : memref<128x128xf32, #tpu.memory_space<vmem>>, vector<1x16xf32>,
        %swap3A_343 = vector.shape_cast %swap3A_342 : vector<1x16xf32> to vector<16xf32>
        %swap3A_344 = vector.shape_cast %mul3A_339 : vector<16xf32> to vector<1x16xf32>
        tpu.vector_store %arg18[%swap3A_340, %swap3A_341], %swap3A_344 {strides = array<i32>} : memref<128x128xf32, #tpu.memory_space<vmem>>, vector<1x16xf32>,
        %get3A_345 = arith.index_cast %add3A_311 : i32 to index
        %get3A_346 = arith.constant 48 : index
        %get3A_347 = tpu.vector_load %arg18[%get3A_345, %get3A_346] {strides = array<i32>} : memref<128x128xf32, #tpu.memory_space<vmem>>, vector<1x16xf32>,
        %get3A_348 = vector.shape_cast %get3A_347 : vector<1x16xf32> to vector<16xf32>
        %mul3A_349 = vector.broadcast %squeeze3A_307 : f32 to vector<16xf32>
        %mul3A_350 = arith.mulf %get3A_348, %mul3A_349 : vector<16xf32>
        %swap3A_351 = arith.index_cast %add3A_311 : i32 to index
        %swap3A_352 = arith.constant 48 : index
        %swap3A_353 = tpu.vector_load %arg18[%swap3A_351, %swap3A_352] {strides = array<i32>} : memref<128x128xf32, #tpu.memory_space<vmem>>, vector<1x16xf32>,
        %swap3A_354 = vector.shape_cast %swap3A_353 : vector<1x16xf32> to vector<16xf32>
        %swap3A_355 = vector.shape_cast %mul3A_350 : vector<16xf32> to vector<1x16xf32>
        tpu.vector_store %arg18[%swap3A_351, %swap3A_352], %swap3A_355 {strides = array<i32>} : memref<128x128xf32, #tpu.memory_space<vmem>>, vector<1x16xf32>,
        %slice3A_356 = vector.extract_strided_slice %get3A_58 {offsets = [6], sizes = [1], strides = [1]} : vector<16xf32> to vector<1xf32>
        %squeeze3A_357 = vector.extract %slice3A_356[0] : f32 from vector<1xf32>
        %mul3A_358 = arith.constant 16 : i32
        %mul3A_359 = arith.muli %scan3A_54, %mul3A_358 : i32
        %add3A_360 = arith.constant 6 : i32
        %add3A_361 = arith.addi %mul3A_359, %add3A_360 : i32
        %get3A_362 = arith.index_cast %add3A_361 : i32 to index
        %get3A_363 = arith.constant 0 : index
        %get3A_364 = tpu.vector_load %arg18[%get3A_362, %get3A_363] {strides = array<i32>} : memref<128x128xf32, #tpu.memory_space<vmem>>, vector<1x16xf32>,
        %get3A_365 = vector.shape_cast %get3A_364 : vector<1x16xf32> to vector<16xf32>
        %mul3A_366 = vector.broadcast %squeeze3A_357 : f32 to vector<16xf32>
        %mul3A_367 = arith.mulf %get3A_365, %mul3A_366 : vector<16xf32>
        %swap3A_368 = arith.index_cast %add3A_361 : i32 to index
        %swap3A_369 = arith.constant 0 : index
        %swap3A_370 = tpu.vector_load %arg18[%swap3A_368, %swap3A_369] {strides = array<i32>} : memref<128x128xf32, #tpu.memory_space<vmem>>, vector<1x16xf32>,
        %swap3A_371 = vector.shape_cast %swap3A_370 : vector<1x16xf32> to vector<16xf32>
        %swap3A_372 = vector.shape_cast %mul3A_367 : vector<16xf32> to vector<1x16xf32>
        tpu.vector_store %arg18[%swap3A_368, %swap3A_369], %swap3A_372 {strides = array<i32>} : memref<128x128xf32, #tpu.memory_space<vmem>>, vector<1x16xf32>,
        %get3A_373 = arith.index_cast %add3A_361 : i32 to index
        %get3A_374 = arith.constant 16 : index
        %get3A_375 = tpu.vector_load %arg18[%get3A_373, %get3A_374] {strides = array<i32>} : memref<128x128xf32, #tpu.memory_space<vmem>>, vector<1x16xf32>,
        %get3A_376 = vector.shape_cast %get3A_375 : vector<1x16xf32> to vector<16xf32>
        %mul3A_377 = vector.broadcast %squeeze3A_357 : f32 to vector<16xf32>
        %mul3A_378 = arith.mulf %get3A_376, %mul3A_377 : vector<16xf32>
        %swap3A_379 = arith.index_cast %add3A_361 : i32 to index
        %swap3A_380 = arith.constant 16 : index
        %swap3A_381 = tpu.vector_load %arg18[%swap3A_379, %swap3A_380] {strides = array<i32>} : memref<128x128xf32, #tpu.memory_space<vmem>>, vector<1x16xf32>,
        %swap3A_382 = vector.shape_cast %swap3A_381 : vector<1x16xf32> to vector<16xf32>
        %swap3A_383 = vector.shape_cast %mul3A_378 : vector<16xf32> to vector<1x16xf32>
        tpu.vector_store %arg18[%swap3A_379, %swap3A_380], %swap3A_383 {strides = array<i32>} : memref<128x128xf32, #tpu.memory_space<vmem>>, vector<1x16xf32>,
        %get3A_384 = arith.index_cast %add3A_361 : i32 to index
        %get3A_385 = arith.constant 32 : index
        %get3A_386 = tpu.vector_load %arg18[%get3A_384, %get3A_385] {strides = array<i32>} : memref<128x128xf32, #tpu.memory_space<vmem>>, vector<1x16xf32>,
        %get3A_387 = vector.shape_cast %get3A_386 : vector<1x16xf32> to vector<16xf32>
        %mul3A_388 = vector.broadcast %squeeze3A_357 : f32 to vector<16xf32>
        %mul3A_389 = arith.mulf %get3A_387, %mul3A_388 : vector<16xf32>
        %swap3A_390 = arith.index_cast %add3A_361 : i32 to index
        %swap3A_391 = arith.constant 32 : index
        %swap3A_392 = tpu.vector_load %arg18[%swap3A_390, %swap3A_391] {strides = array<i32>} : memref<128x128xf32, #tpu.memory_space<vmem>>, vector<1x16xf32>,
        %swap3A_393 = vector.shape_cast %swap3A_392 : vector<1x16xf32> to vector<16xf32>
        %swap3A_394 = vector.shape_cast %mul3A_389 : vector<16xf32> to vector<1x16xf32>
        tpu.vector_store %arg18[%swap3A_390, %swap3A_391], %swap3A_394 {strides = array<i32>} : memref<128x128xf32, #tpu.memory_space<vmem>>, vector<1x16xf32>,
        %get3A_395 = arith.index_cast %add3A_361 : i32 to index
        %get3A_396 = arith.constant 48 : index
        %get3A_397 = tpu.vector_load %arg18[%get3A_395, %get3A_396] {strides = array<i32>} : memref<128x128xf32, #tpu.memory_space<vmem>>, vector<1x16xf32>,
        %get3A_398 = vector.shape_cast %get3A_397 : vector<1x16xf32> to vector<16xf32>
        %mul3A_399 = vector.broadcast %squeeze3A_357 : f32 to vector<16xf32>
        %mul3A_400 = arith.mulf %get3A_398, %mul3A_399 : vector<16xf32>
        %swap3A_401 = arith.index_cast %add3A_361 : i32 to index
        %swap3A_402 = arith.constant 48 : index
        %swap3A_403 = tpu.vector_load %arg18[%swap3A_401, %swap3A_402] {strides = array<i32>} : memref<128x128xf32, #tpu.memory_space<vmem>>, vector<1x16xf32>,
        %swap3A_404 = vector.shape_cast %swap3A_403 : vector<1x16xf32> to vector<16xf32>
        %swap3A_405 = vector.shape_cast %mul3A_400 : vector<16xf32> to vector<1x16xf32>
        tpu.vector_store %arg18[%swap3A_401, %swap3A_402], %swap3A_405 {strides = array<i32>} : memref<128x128xf32, #tpu.memory_space<vmem>>, vector<1x16xf32>,
        %slice3A_406 = vector.extract_strided_slice %get3A_58 {offsets = [7], sizes = [1], strides = [1]} : vector<16xf32> to vector<1xf32>
        %squeeze3A_407 = vector.extract %slice3A_406[0] : f32 from vector<1xf32>
        %mul3A_408 = arith.constant 16 : i32
        %mul3A_409 = arith.muli %scan3A_54, %mul3A_408 : i32
        %add3A_410 = arith.constant 7 : i32
        %add3A_411 = arith.addi %mul3A_409, %add3A_410 : i32
        %get3A_412 = arith.index_cast %add3A_411 : i32 to index
        %get3A_413 = arith.constant 0 : index
        %get3A_414 = tpu.vector_load %arg18[%get3A_412, %get3A_413] {strides = array<i32>} : memref<128x128xf32, #tpu.memory_space<vmem>>, vector<1x16xf32>,
        %get3A_415 = vector.shape_cast %get3A_414 : vector<1x16xf32> to vector<16xf32>
        %mul3A_416 = vector.broadcast %squeeze3A_407 : f32 to vector<16xf32>
        %mul3A_417 = arith.mulf %get3A_415, %mul3A_416 : vector<16xf32>
        %swap3A_418 = arith.index_cast %add3A_411 : i32 to index
        %swap3A_419 = arith.constant 0 : index
        %swap3A_420 = tpu.vector_load %arg18[%swap3A_418, %swap3A_419] {strides = array<i32>} : memref<128x128xf32, #tpu.memory_space<vmem>>, vector<1x16xf32>,
        %swap3A_421 = vector.shape_cast %swap3A_420 : vector<1x16xf32> to vector<16xf32>
        %swap3A_422 = vector.shape_cast %mul3A_417 : vector<16xf32> to vector<1x16xf32>
        tpu.vector_store %arg18[%swap3A_418, %swap3A_419], %swap3A_422 {strides = array<i32>} : memref<128x128xf32, #tpu.memory_space<vmem>>, vector<1x16xf32>,
        %get3A_423 = arith.index_cast %add3A_411 : i32 to index
        %get3A_424 = arith.constant 16 : index
        %get3A_425 = tpu.vector_load %arg18[%get3A_423, %get3A_424] {strides = array<i32>} : memref<128x128xf32, #tpu.memory_space<vmem>>, vector<1x16xf32>,
        %get3A_426 = vector.shape_cast %get3A_425 : vector<1x16xf32> to vector<16xf32>
        %mul3A_427 = vector.broadcast %squeeze3A_407 : f32 to vector<16xf32>
        %mul3A_428 = arith.mulf %get3A_426, %mul3A_427 : vector<16xf32>
        %swap3A_429 = arith.index_cast %add3A_411 : i32 to index
        %swap3A_430 = arith.constant 16 : index
        %swap3A_431 = tpu.vector_load %arg18[%swap3A_429, %swap3A_430] {strides = array<i32>} : memref<128x128xf32, #tpu.memory_space<vmem>>, vector<1x16xf32>,
        %swap3A_432 = vector.shape_cast %swap3A_431 : vector<1x16xf32> to vector<16xf32>
        %swap3A_433 = vector.shape_cast %mul3A_428 : vector<16xf32> to vector<1x16xf32>
        tpu.vector_store %arg18[%swap3A_429, %swap3A_430], %swap3A_433 {strides = array<i32>} : memref<128x128xf32, #tpu.memory_space<vmem>>, vector<1x16xf32>,
        %get3A_434 = arith.index_cast %add3A_411 : i32 to index
        %get3A_435 = arith.constant 32 : index
        %get3A_436 = tpu.vector_load %arg18[%get3A_434, %get3A_435] {strides = array<i32>} : memref<128x128xf32, #tpu.memory_space<vmem>>, vector<1x16xf32>,
        %get3A_437 = vector.shape_cast %get3A_436 : vector<1x16xf32> to vector<16xf32>
        %mul3A_438 = vector.broadcast %squeeze3A_407 : f32 to vector<16xf32>
        %mul3A_439 = arith.mulf %get3A_437, %mul3A_438 : vector<16xf32>
        %swap3A_440 = arith.index_cast %add3A_411 : i32 to index
        %swap3A_441 = arith.constant 32 : index
        %swap3A_442 = tpu.vector_load %arg18[%swap3A_440, %swap3A_441] {strides = array<i32>} : memref<128x128xf32, #tpu.memory_space<vmem>>, vector<1x16xf32>,
        %swap3A_443 = vector.shape_cast %swap3A_442 : vector<1x16xf32> to vector<16xf32>
        %swap3A_444 = vector.shape_cast %mul3A_439 : vector<16xf32> to vector<1x16xf32>
        tpu.vector_store %arg18[%swap3A_440, %swap3A_441], %swap3A_444 {strides = array<i32>} : memref<128x128xf32, #tpu.memory_space<vmem>>, vector<1x16xf32>,
        %get3A_445 = arith.index_cast %add3A_411 : i32 to index
        %get3A_446 = arith.constant 48 : index
        %get3A_447 = tpu.vector_load %arg18[%get3A_445, %get3A_446] {strides = array<i32>} : memref<128x128xf32, #tpu.memory_space<vmem>>, vector<1x16xf32>,
        %get3A_448 = vector.shape_cast %get3A_447 : vector<1x16xf32> to vector<16xf32>
        %mul3A_449 = vector.broadcast %squeeze3A_407 : f32 to vector<16xf32>
        %mul3A_450 = arith.mulf %get3A_448, %mul3A_449 : vector<16xf32>
        %swap3A_451 = arith.index_cast %add3A_411 : i32 to index
        %swap3A_452 = arith.constant 48 : index
        %swap3A_453 = tpu.vector_load %arg18[%swap3A_451, %swap3A_452] {strides = array<i32>} : memref<128x128xf32, #tpu.memory_space<vmem>>, vector<1x16xf32>,
        %swap3A_454 = vector.shape_cast %swap3A_453 : vector<1x16xf32> to vector<16xf32>
        %swap3A_455 = vector.shape_cast %mul3A_450 : vector<16xf32> to vector<1x16xf32>
        tpu.vector_store %arg18[%swap3A_451, %swap3A_452], %swap3A_455 {strides = array<i32>} : memref<128x128xf32, #tpu.memory_space<vmem>>, vector<1x16xf32>,
        %slice3A_456 = vector.extract_strided_slice %get3A_58 {offsets = [8], sizes = [1], strides = [1]} : vector<16xf32> to vector<1xf32>
        %squeeze3A_457 = vector.extract %slice3A_456[0] : f32 from vector<1xf32>
        %mul3A_458 = arith.constant 16 : i32
        %mul3A_459 = arith.muli %scan3A_54, %mul3A_458 : i32
        %add3A_460 = arith.constant 8 : i32
        %add3A_461 = arith.addi %mul3A_459, %add3A_460 : i32
        %get3A_462 = arith.index_cast %add3A_461 : i32 to index
        %get3A_463 = arith.constant 0 : index
        %get3A_464 = tpu.vector_load %arg18[%get3A_462, %get3A_463] {strides = array<i32>} : memref<128x128xf32, #tpu.memory_space<vmem>>, vector<1x16xf32>,
        %get3A_465 = vector.shape_cast %get3A_464 : vector<1x16xf32> to vector<16xf32>
        %mul3A_466 = vector.broadcast %squeeze3A_457 : f32 to vector<16xf32>
        %mul3A_467 = arith.mulf %get3A_465, %mul3A_466 : vector<16xf32>
        %swap3A_468 = arith.index_cast %add3A_461 : i32 to index
        %swap3A_469 = arith.constant 0 : index
        %swap3A_470 = tpu.vector_load %arg18[%swap3A_468, %swap3A_469] {strides = array<i32>} : memref<128x128xf32, #tpu.memory_space<vmem>>, vector<1x16xf32>,
        %swap3A_471 = vector.shape_cast %swap3A_470 : vector<1x16xf32> to vector<16xf32>
        %swap3A_472 = vector.shape_cast %mul3A_467 : vector<16xf32> to vector<1x16xf32>
        tpu.vector_store %arg18[%swap3A_468, %swap3A_469], %swap3A_472 {strides = array<i32>} : memref<128x128xf32, #tpu.memory_space<vmem>>, vector<1x16xf32>,
        %get3A_473 = arith.index_cast %add3A_461 : i32 to index
        %get3A_474 = arith.constant 16 : index
        %get3A_475 = tpu.vector_load %arg18[%get3A_473, %get3A_474] {strides = array<i32>} : memref<128x128xf32, #tpu.memory_space<vmem>>, vector<1x16xf32>,
        %get3A_476 = vector.shape_cast %get3A_475 : vector<1x16xf32> to vector<16xf32>
        %mul3A_477 = vector.broadcast %squeeze3A_457 : f32 to vector<16xf32>
        %mul3A_478 = arith.mulf %get3A_476, %mul3A_477 : vector<16xf32>
        %swap3A_479 = arith.index_cast %add3A_461 : i32 to index
        %swap3A_480 = arith.constant 16 : index
        %swap3A_481 = tpu.vector_load %arg18[%swap3A_479, %swap3A_480] {strides = array<i32>} : memref<128x128xf32, #tpu.memory_space<vmem>>, vector<1x16xf32>,
        %swap3A_482 = vector.shape_cast %swap3A_481 : vector<1x16xf32> to vector<16xf32>
        %swap3A_483 = vector.shape_cast %mul3A_478 : vector<16xf32> to vector<1x16xf32>
        tpu.vector_store %arg18[%swap3A_479, %swap3A_480], %swap3A_483 {strides = array<i32>} : memref<128x128xf32, #tpu.memory_space<vmem>>, vector<1x16xf32>,
        %get3A_484 = arith.index_cast %add3A_461 : i32 to index
        %get3A_485 = arith.constant 32 : index
        %get3A_486 = tpu.vector_load %arg18[%get3A_484, %get3A_485] {strides = array<i32>} : memref<128x128xf32, #tpu.memory_space<vmem>>, vector<1x16xf32>,
        %get3A_487 = vector.shape_cast %get3A_486 : vector<1x16xf32> to vector<16xf32>
        %mul3A_488 = vector.broadcast %squeeze3A_457 : f32 to vector<16xf32>
        %mul3A_489 = arith.mulf %get3A_487, %mul3A_488 : vector<16xf32>
        %swap3A_490 = arith.index_cast %add3A_461 : i32 to index
        %swap3A_491 = arith.constant 32 : index
        %swap3A_492 = tpu.vector_load %arg18[%swap3A_490, %swap3A_491] {strides = array<i32>} : memref<128x128xf32, #tpu.memory_space<vmem>>, vector<1x16xf32>,
        %swap3A_493 = vector.shape_cast %swap3A_492 : vector<1x16xf32> to vector<16xf32>
        %swap3A_494 = vector.shape_cast %mul3A_489 : vector<16xf32> to vector<1x16xf32>
        tpu.vector_store %arg18[%swap3A_490, %swap3A_491], %swap3A_494 {strides = array<i32>} : memref<128x128xf32, #tpu.memory_space<vmem>>, vector<1x16xf32>,
        %get3A_495 = arith.index_cast %add3A_461 : i32 to index
        %get3A_496 = arith.constant 48 : index
        %get3A_497 = tpu.vector_load %arg18[%get3A_495, %get3A_496] {strides = array<i32>} : memref<128x128xf32, #tpu.memory_space<vmem>>, vector<1x16xf32>,
        %get3A_498 = vector.shape_cast %get3A_497 : vector<1x16xf32> to vector<16xf32>
        %mul3A_499 = vector.broadcast %squeeze3A_457 : f32 to vector<16xf32>
        %mul3A_500 = arith.mulf %get3A_498, %mul3A_499 : vector<16xf32>
        %swap3A_501 = arith.index_cast %add3A_461 : i32 to index
        %swap3A_502 = arith.constant 48 : index
        %swap3A_503 = tpu.vector_load %arg18[%swap3A_501, %swap3A_502] {strides = array<i32>} : memref<128x128xf32, #tpu.memory_space<vmem>>, vector<1x16xf32>,
        %swap3A_504 = vector.shape_cast %swap3A_503 : vector<1x16xf32> to vector<16xf32>
        %swap3A_505 = vector.shape_cast %mul3A_500 : vector<16xf32> to vector<1x16xf32>
        tpu.vector_store %arg18[%swap3A_501, %swap3A_502], %swap3A_505 {strides = array<i32>} : memref<128x128xf32, #tpu.memory_space<vmem>>, vector<1x16xf32>,
        %slice3A_506 = vector.extract_strided_slice %get3A_58 {offsets = [9], sizes = [1], strides = [1]} : vector<16xf32> to vector<1xf32>
        %squeeze3A_507 = vector.extract %slice3A_506[0] : f32 from vector<1xf32>
        %mul3A_508 = arith.constant 16 : i32
        %mul3A_509 = arith.muli %scan3A_54, %mul3A_508 : i32
        %add3A_510 = arith.constant 9 : i32
        %add3A_511 = arith.addi %mul3A_509, %add3A_510 : i32
        %get3A_512 = arith.index_cast %add3A_511 : i32 to index
        %get3A_513 = arith.constant 0 : index
        %get3A_514 = tpu.vector_load %arg18[%get3A_512, %get3A_513] {strides = array<i32>} : memref<128x128xf32, #tpu.memory_space<vmem>>, vector<1x16xf32>,
        %get3A_515 = vector.shape_cast %get3A_514 : vector<1x16xf32> to vector<16xf32>
        %mul3A_516 = vector.broadcast %squeeze3A_507 : f32 to vector<16xf32>
        %mul3A_517 = arith.mulf %get3A_515, %mul3A_516 : vector<16xf32>
        %swap3A_518 = arith.index_cast %add3A_511 : i32 to index
        %swap3A_519 = arith.constant 0 : index
        %swap3A_520 = tpu.vector_load %arg18[%swap3A_518, %swap3A_519] {strides = array<i32>} : memref<128x128xf32, #tpu.memory_space<vmem>>, vector<1x16xf32>,
        %swap3A_521 = vector.shape_cast %swap3A_520 : vector<1x16xf32> to vector<16xf32>
        %swap3A_522 = vector.shape_cast %mul3A_517 : vector<16xf32> to vector<1x16xf32>
        tpu.vector_store %arg18[%swap3A_518, %swap3A_519], %swap3A_522 {strides = array<i32>} : memref<128x128xf32, #tpu.memory_space<vmem>>, vector<1x16xf32>,
        %get3A_523 = arith.index_cast %add3A_511 : i32 to index
        %get3A_524 = arith.constant 16 : index
        %get3A_525 = tpu.vector_load %arg18[%get3A_523, %get3A_524] {strides = array<i32>} : memref<128x128xf32, #tpu.memory_space<vmem>>, vector<1x16xf32>,
        %get3A_526 = vector.shape_cast %get3A_525 : vector<1x16xf32> to vector<16xf32>
        %mul3A_527 = vector.broadcast %squeeze3A_507 : f32 to vector<16xf32>
        %mul3A_528 = arith.mulf %get3A_526, %mul3A_527 : vector<16xf32>
        %swap3A_529 = arith.index_cast %add3A_511 : i32 to index
        %swap3A_530 = arith.constant 16 : index
        %swap3A_531 = tpu.vector_load %arg18[%swap3A_529, %swap3A_530] {strides = array<i32>} : memref<128x128xf32, #tpu.memory_space<vmem>>, vector<1x16xf32>,
        %swap3A_532 = vector.shape_cast %swap3A_531 : vector<1x16xf32> to vector<16xf32>
        %swap3A_533 = vector.shape_cast %mul3A_528 : vector<16xf32> to vector<1x16xf32>
        tpu.vector_store %arg18[%swap3A_529, %swap3A_530], %swap3A_533 {strides = array<i32>} : memref<128x128xf32, #tpu.memory_space<vmem>>, vector<1x16xf32>,
        %get3A_534 = arith.index_cast %add3A_511 : i32 to index
        %get3A_535 = arith.constant 32 : index
        %get3A_536 = tpu.vector_load %arg18[%get3A_534, %get3A_535] {strides = array<i32>} : memref<128x128xf32, #tpu.memory_space<vmem>>, vector<1x16xf32>,
        %get3A_537 = vector.shape_cast %get3A_536 : vector<1x16xf32> to vector<16xf32>
        %mul3A_538 = vector.broadcast %squeeze3A_507 : f32 to vector<16xf32>
        %mul3A_539 = arith.mulf %get3A_537, %mul3A_538 : vector<16xf32>
        %swap3A_540 = arith.index_cast %add3A_511 : i32 to index
        %swap3A_541 = arith.constant 32 : index
        %swap3A_542 = tpu.vector_load %arg18[%swap3A_540, %swap3A_541] {strides = array<i32>} : memref<128x128xf32, #tpu.memory_space<vmem>>, vector<1x16xf32>,
        %swap3A_543 = vector.shape_cast %swap3A_542 : vector<1x16xf32> to vector<16xf32>
        %swap3A_544 = vector.shape_cast %mul3A_539 : vector<16xf32> to vector<1x16xf32>
        tpu.vector_store %arg18[%swap3A_540, %swap3A_541], %swap3A_544 {strides = array<i32>} : memref<128x128xf32, #tpu.memory_space<vmem>>, vector<1x16xf32>,
        %get3A_545 = arith.index_cast %add3A_511 : i32 to index
        %get3A_546 = arith.constant 48 : index
        %get3A_547 = tpu.vector_load %arg18[%get3A_545, %get3A_546] {strides = array<i32>} : memref<128x128xf32, #tpu.memory_space<vmem>>, vector<1x16xf32>,
        %get3A_548 = vector.shape_cast %get3A_547 : vector<1x16xf32> to vector<16xf32>
        %mul3A_549 = vector.broadcast %squeeze3A_507 : f32 to vector<16xf32>
        %mul3A_550 = arith.mulf %get3A_548, %mul3A_549 : vector<16xf32>
        %swap3A_551 = arith.index_cast %add3A_511 : i32 to index
        %swap3A_552 = arith.constant 48 : index
        %swap3A_553 = tpu.vector_load %arg18[%swap3A_551, %swap3A_552] {strides = array<i32>} : memref<128x128xf32, #tpu.memory_space<vmem>>, vector<1x16xf32>,
        %swap3A_554 = vector.shape_cast %swap3A_553 : vector<1x16xf32> to vector<16xf32>
        %swap3A_555 = vector.shape_cast %mul3A_550 : vector<16xf32> to vector<1x16xf32>
        tpu.vector_store %arg18[%swap3A_551, %swap3A_552], %swap3A_555 {strides = array<i32>} : memref<128x128xf32, #tpu.memory_space<vmem>>, vector<1x16xf32>,
        %slice3A_556 = vector.extract_strided_slice %get3A_58 {offsets = [10], sizes = [1], strides = [1]} : vector<16xf32> to vector<1xf32>
        %squeeze3A_557 = vector.extract %slice3A_556[0] : f32 from vector<1xf32>
        %mul3A_558 = arith.constant 16 : i32
        %mul3A_559 = arith.muli %scan3A_54, %mul3A_558 : i32
        %add3A_560 = arith.constant 10 : i32
        %add3A_561 = arith.addi %mul3A_559, %add3A_560 : i32
        %get3A_562 = arith.index_cast %add3A_561 : i32 to index
        %get3A_563 = arith.constant 0 : index
        %get3A_564 = tpu.vector_load %arg18[%get3A_562, %get3A_563] {strides = array<i32>} : memref<128x128xf32, #tpu.memory_space<vmem>>, vector<1x16xf32>,
        %get3A_565 = vector.shape_cast %get3A_564 : vector<1x16xf32> to vector<16xf32>
        %mul3A_566 = vector.broadcast %squeeze3A_557 : f32 to vector<16xf32>
        %mul3A_567 = arith.mulf %get3A_565, %mul3A_566 : vector<16xf32>
        %swap3A_568 = arith.index_cast %add3A_561 : i32 to index
        %swap3A_569 = arith.constant 0 : index
        %swap3A_570 = tpu.vector_load %arg18[%swap3A_568, %swap3A_569] {strides = array<i32>} : memref<128x128xf32, #tpu.memory_space<vmem>>, vector<1x16xf32>,
        %swap3A_571 = vector.shape_cast %swap3A_570 : vector<1x16xf32> to vector<16xf32>
        %swap3A_572 = vector.shape_cast %mul3A_567 : vector<16xf32> to vector<1x16xf32>
        tpu.vector_store %arg18[%swap3A_568, %swap3A_569], %swap3A_572 {strides = array<i32>} : memref<128x128xf32, #tpu.memory_space<vmem>>, vector<1x16xf32>,
        %get3A_573 = arith.index_cast %add3A_561 : i32 to index
        %get3A_574 = arith.constant 16 : index
        %get3A_575 = tpu.vector_load %arg18[%get3A_573, %get3A_574] {strides = array<i32>} : memref<128x128xf32, #tpu.memory_space<vmem>>, vector<1x16xf32>,
        %get3A_576 = vector.shape_cast %get3A_575 : vector<1x16xf32> to vector<16xf32>
        %mul3A_577 = vector.broadcast %squeeze3A_557 : f32 to vector<16xf32>
        %mul3A_578 = arith.mulf %get3A_576, %mul3A_577 : vector<16xf32>
        %swap3A_579 = arith.index_cast %add3A_561 : i32 to index
        %swap3A_580 = arith.constant 16 : index
        %swap3A_581 = tpu.vector_load %arg18[%swap3A_579, %swap3A_580] {strides = array<i32>} : memref<128x128xf32, #tpu.memory_space<vmem>>, vector<1x16xf32>,
        %swap3A_582 = vector.shape_cast %swap3A_581 : vector<1x16xf32> to vector<16xf32>
        %swap3A_583 = vector.shape_cast %mul3A_578 : vector<16xf32> to vector<1x16xf32>
        tpu.vector_store %arg18[%swap3A_579, %swap3A_580], %swap3A_583 {strides = array<i32>} : memref<128x128xf32, #tpu.memory_space<vmem>>, vector<1x16xf32>,
        %get3A_584 = arith.index_cast %add3A_561 : i32 to index
        %get3A_585 = arith.constant 32 : index
        %get3A_586 = tpu.vector_load %arg18[%get3A_584, %get3A_585] {strides = array<i32>} : memref<128x128xf32, #tpu.memory_space<vmem>>, vector<1x16xf32>,
        %get3A_587 = vector.shape_cast %get3A_586 : vector<1x16xf32> to vector<16xf32>
        %mul3A_588 = vector.broadcast %squeeze3A_557 : f32 to vector<16xf32>
        %mul3A_589 = arith.mulf %get3A_587, %mul3A_588 : vector<16xf32>
        %swap3A_590 = arith.index_cast %add3A_561 : i32 to index
        %swap3A_591 = arith.constant 32 : index
        %swap3A_592 = tpu.vector_load %arg18[%swap3A_590, %swap3A_591] {strides = array<i32>} : memref<128x128xf32, #tpu.memory_space<vmem>>, vector<1x16xf32>,
        %swap3A_593 = vector.shape_cast %swap3A_592 : vector<1x16xf32> to vector<16xf32>
        %swap3A_594 = vector.shape_cast %mul3A_589 : vector<16xf32> to vector<1x16xf32>
        tpu.vector_store %arg18[%swap3A_590, %swap3A_591], %swap3A_594 {strides = array<i32>} : memref<128x128xf32, #tpu.memory_space<vmem>>, vector<1x16xf32>,
        %get3A_595 = arith.index_cast %add3A_561 : i32 to index
        %get3A_596 = arith.constant 48 : index
        %get3A_597 = tpu.vector_load %arg18[%get3A_595, %get3A_596] {strides = array<i32>} : memref<128x128xf32, #tpu.memory_space<vmem>>, vector<1x16xf32>,
        %get3A_598 = vector.shape_cast %get3A_597 : vector<1x16xf32> to vector<16xf32>
        %mul3A_599 = vector.broadcast %squeeze3A_557 : f32 to vector<16xf32>
        %mul3A_600 = arith.mulf %get3A_598, %mul3A_599 : vector<16xf32>
        %swap3A_601 = arith.index_cast %add3A_561 : i32 to index
        %swap3A_602 = arith.constant 48 : index
        %swap3A_603 = tpu.vector_load %arg18[%swap3A_601, %swap3A_602] {strides = array<i32>} : memref<128x128xf32, #tpu.memory_space<vmem>>, vector<1x16xf32>,
        %swap3A_604 = vector.shape_cast %swap3A_603 : vector<1x16xf32> to vector<16xf32>
        %swap3A_605 = vector.shape_cast %mul3A_600 : vector<16xf32> to vector<1x16xf32>
        tpu.vector_store %arg18[%swap3A_601, %swap3A_602], %swap3A_605 {strides = array<i32>} : memref<128x128xf32, #tpu.memory_space<vmem>>, vector<1x16xf32>,
        %slice3A_606 = vector.extract_strided_slice %get3A_58 {offsets = [11], sizes = [1], strides = [1]} : vector<16xf32> to vector<1xf32>
        %squeeze3A_607 = vector.extract %slice3A_606[0] : f32 from vector<1xf32>
        %mul3A_608 = arith.constant 16 : i32
        %mul3A_609 = arith.muli %scan3A_54, %mul3A_608 : i32
        %add3A_610 = arith.constant 11 : i32
        %add3A_611 = arith.addi %mul3A_609, %add3A_610 : i32
        %get3A_612 = arith.index_cast %add3A_611 : i32 to index
        %get3A_613 = arith.constant 0 : index
        %get3A_614 = tpu.vector_load %arg18[%get3A_612, %get3A_613] {strides = array<i32>} : memref<128x128xf32, #tpu.memory_space<vmem>>, vector<1x16xf32>,
        %get3A_615 = vector.shape_cast %get3A_614 : vector<1x16xf32> to vector<16xf32>
        %mul3A_616 = vector.broadcast %squeeze3A_607 : f32 to vector<16xf32>
        %mul3A_617 = arith.mulf %get3A_615, %mul3A_616 : vector<16xf32>
        %swap3A_618 = arith.index_cast %add3A_611 : i32 to index
        %swap3A_619 = arith.constant 0 : index
        %swap3A_620 = tpu.vector_load %arg18[%swap3A_618, %swap3A_619] {strides = array<i32>} : memref<128x128xf32, #tpu.memory_space<vmem>>, vector<1x16xf32>,
        %swap3A_621 = vector.shape_cast %swap3A_620 : vector<1x16xf32> to vector<16xf32>
        %swap3A_622 = vector.shape_cast %mul3A_617 : vector<16xf32> to vector<1x16xf32>
        tpu.vector_store %arg18[%swap3A_618, %swap3A_619], %swap3A_622 {strides = array<i32>} : memref<128x128xf32, #tpu.memory_space<vmem>>, vector<1x16xf32>,
        %get3A_623 = arith.index_cast %add3A_611 : i32 to index
        %get3A_624 = arith.constant 16 : index
        %get3A_625 = tpu.vector_load %arg18[%get3A_623, %get3A_624] {strides = array<i32>} : memref<128x128xf32, #tpu.memory_space<vmem>>, vector<1x16xf32>,
        %get3A_626 = vector.shape_cast %get3A_625 : vector<1x16xf32> to vector<16xf32>
        %mul3A_627 = vector.broadcast %squeeze3A_607 : f32 to vector<16xf32>
        %mul3A_628 = arith.mulf %get3A_626, %mul3A_627 : vector<16xf32>
        %swap3A_629 = arith.index_cast %add3A_611 : i32 to index
        %swap3A_630 = arith.constant 16 : index
        %swap3A_631 = tpu.vector_load %arg18[%swap3A_629, %swap3A_630] {strides = array<i32>} : memref<128x128xf32, #tpu.memory_space<vmem>>, vector<1x16xf32>,
        %swap3A_632 = vector.shape_cast %swap3A_631 : vector<1x16xf32> to vector<16xf32>
        %swap3A_633 = vector.shape_cast %mul3A_628 : vector<16xf32> to vector<1x16xf32>
        tpu.vector_store %arg18[%swap3A_629, %swap3A_630], %swap3A_633 {strides = array<i32>} : memref<128x128xf32, #tpu.memory_space<vmem>>, vector<1x16xf32>,
        %get3A_634 = arith.index_cast %add3A_611 : i32 to index
        %get3A_635 = arith.constant 32 : index
        %get3A_636 = tpu.vector_load %arg18[%get3A_634, %get3A_635] {strides = array<i32>} : memref<128x128xf32, #tpu.memory_space<vmem>>, vector<1x16xf32>,
        %get3A_637 = vector.shape_cast %get3A_636 : vector<1x16xf32> to vector<16xf32>
        %mul3A_638 = vector.broadcast %squeeze3A_607 : f32 to vector<16xf32>
        %mul3A_639 = arith.mulf %get3A_637, %mul3A_638 : vector<16xf32>
        %swap3A_640 = arith.index_cast %add3A_611 : i32 to index
        %swap3A_641 = arith.constant 32 : index
        %swap3A_642 = tpu.vector_load %arg18[%swap3A_640, %swap3A_641] {strides = array<i32>} : memref<128x128xf32, #tpu.memory_space<vmem>>, vector<1x16xf32>,
        %swap3A_643 = vector.shape_cast %swap3A_642 : vector<1x16xf32> to vector<16xf32>
        %swap3A_644 = vector.shape_cast %mul3A_639 : vector<16xf32> to vector<1x16xf32>
        tpu.vector_store %arg18[%swap3A_640, %swap3A_641], %swap3A_644 {strides = array<i32>} : memref<128x128xf32, #tpu.memory_space<vmem>>, vector<1x16xf32>,
        %get3A_645 = arith.index_cast %add3A_611 : i32 to index
        %get3A_646 = arith.constant 48 : index
        %get3A_647 = tpu.vector_load %arg18[%get3A_645, %get3A_646] {strides = array<i32>} : memref<128x128xf32, #tpu.memory_space<vmem>>, vector<1x16xf32>,
        %get3A_648 = vector.shape_cast %get3A_647 : vector<1x16xf32> to vector<16xf32>
        %mul3A_649 = vector.broadcast %squeeze3A_607 : f32 to vector<16xf32>
        %mul3A_650 = arith.mulf %get3A_648, %mul3A_649 : vector<16xf32>
        %swap3A_651 = arith.index_cast %add3A_611 : i32 to index
        %swap3A_652 = arith.constant 48 : index
        %swap3A_653 = tpu.vector_load %arg18[%swap3A_651, %swap3A_652] {strides = array<i32>} : memref<128x128xf32, #tpu.memory_space<vmem>>, vector<1x16xf32>,
        %swap3A_654 = vector.shape_cast %swap3A_653 : vector<1x16xf32> to vector<16xf32>
        %swap3A_655 = vector.shape_cast %mul3A_650 : vector<16xf32> to vector<1x16xf32>
        tpu.vector_store %arg18[%swap3A_651, %swap3A_652], %swap3A_655 {strides = array<i32>} : memref<128x128xf32, #tpu.memory_space<vmem>>, vector<1x16xf32>,
        %slice3A_656 = vector.extract_strided_slice %get3A_58 {offsets = [12], sizes = [1], strides = [1]} : vector<16xf32> to vector<1xf32>
        %squeeze3A_657 = vector.extract %slice3A_656[0] : f32 from vector<1xf32>
        %mul3A_658 = arith.constant 16 : i32
        %mul3A_659 = arith.muli %scan3A_54, %mul3A_658 : i32
        %add3A_660 = arith.constant 12 : i32
        %add3A_661 = arith.addi %mul3A_659, %add3A_660 : i32
        %get3A_662 = arith.index_cast %add3A_661 : i32 to index
        %get3A_663 = arith.constant 0 : index
        %get3A_664 = tpu.vector_load %arg18[%get3A_662, %get3A_663] {strides = array<i32>} : memref<128x128xf32, #tpu.memory_space<vmem>>, vector<1x16xf32>,
        %get3A_665 = vector.shape_cast %get3A_664 : vector<1x16xf32> to vector<16xf32>
        %mul3A_666 = vector.broadcast %squeeze3A_657 : f32 to vector<16xf32>
        %mul3A_667 = arith.mulf %get3A_665, %mul3A_666 : vector<16xf32>
        %swap3A_668 = arith.index_cast %add3A_661 : i32 to index
        %swap3A_669 = arith.constant 0 : index
        %swap3A_670 = tpu.vector_load %arg18[%swap3A_668, %swap3A_669] {strides = array<i32>} : memref<128x128xf32, #tpu.memory_space<vmem>>, vector<1x16xf32>,
        %swap3A_671 = vector.shape_cast %swap3A_670 : vector<1x16xf32> to vector<16xf32>
        %swap3A_672 = vector.shape_cast %mul3A_667 : vector<16xf32> to vector<1x16xf32>
        tpu.vector_store %arg18[%swap3A_668, %swap3A_669], %swap3A_672 {strides = array<i32>} : memref<128x128xf32, #tpu.memory_space<vmem>>, vector<1x16xf32>,
        %get3A_673 = arith.index_cast %add3A_661 : i32 to index
        %get3A_674 = arith.constant 16 : index
        %get3A_675 = tpu.vector_load %arg18[%get3A_673, %get3A_674] {strides = array<i32>} : memref<128x128xf32, #tpu.memory_space<vmem>>, vector<1x16xf32>,
        %get3A_676 = vector.shape_cast %get3A_675 : vector<1x16xf32> to vector<16xf32>
        %mul3A_677 = vector.broadcast %squeeze3A_657 : f32 to vector<16xf32>
        %mul3A_678 = arith.mulf %get3A_676, %mul3A_677 : vector<16xf32>
        %swap3A_679 = arith.index_cast %add3A_661 : i32 to index
        %swap3A_680 = arith.constant 16 : index
        %swap3A_681 = tpu.vector_load %arg18[%swap3A_679, %swap3A_680] {strides = array<i32>} : memref<128x128xf32, #tpu.memory_space<vmem>>, vector<1x16xf32>,
        %swap3A_682 = vector.shape_cast %swap3A_681 : vector<1x16xf32> to vector<16xf32>
        %swap3A_683 = vector.shape_cast %mul3A_678 : vector<16xf32> to vector<1x16xf32>
        tpu.vector_store %arg18[%swap3A_679, %swap3A_680], %swap3A_683 {strides = array<i32>} : memref<128x128xf32, #tpu.memory_space<vmem>>, vector<1x16xf32>,
        %get3A_684 = arith.index_cast %add3A_661 : i32 to index
        %get3A_685 = arith.constant 32 : index
        %get3A_686 = tpu.vector_load %arg18[%get3A_684, %get3A_685] {strides = array<i32>} : memref<128x128xf32, #tpu.memory_space<vmem>>, vector<1x16xf32>,
        %get3A_687 = vector.shape_cast %get3A_686 : vector<1x16xf32> to vector<16xf32>
        %mul3A_688 = vector.broadcast %squeeze3A_657 : f32 to vector<16xf32>
        %mul3A_689 = arith.mulf %get3A_687, %mul3A_688 : vector<16xf32>
        %swap3A_690 = arith.index_cast %add3A_661 : i32 to index
        %swap3A_691 = arith.constant 32 : index
        %swap3A_692 = tpu.vector_load %arg18[%swap3A_690, %swap3A_691] {strides = array<i32>} : memref<128x128xf32, #tpu.memory_space<vmem>>, vector<1x16xf32>,
        %swap3A_693 = vector.shape_cast %swap3A_692 : vector<1x16xf32> to vector<16xf32>
        %swap3A_694 = vector.shape_cast %mul3A_689 : vector<16xf32> to vector<1x16xf32>
        tpu.vector_store %arg18[%swap3A_690, %swap3A_691], %swap3A_694 {strides = array<i32>} : memref<128x128xf32, #tpu.memory_space<vmem>>, vector<1x16xf32>,
        %get3A_695 = arith.index_cast %add3A_661 : i32 to index
        %get3A_696 = arith.constant 48 : index
        %get3A_697 = tpu.vector_load %arg18[%get3A_695, %get3A_696] {strides = array<i32>} : memref<128x128xf32, #tpu.memory_space<vmem>>, vector<1x16xf32>,
        %get3A_698 = vector.shape_cast %get3A_697 : vector<1x16xf32> to vector<16xf32>
        %mul3A_699 = vector.broadcast %squeeze3A_657 : f32 to vector<16xf32>
        %mul3A_700 = arith.mulf %get3A_698, %mul3A_699 : vector<16xf32>
        %swap3A_701 = arith.index_cast %add3A_661 : i32 to index
        %swap3A_702 = arith.constant 48 : index
        %swap3A_703 = tpu.vector_load %arg18[%swap3A_701, %swap3A_702] {strides = array<i32>} : memref<128x128xf32, #tpu.memory_space<vmem>>, vector<1x16xf32>,
        %swap3A_704 = vector.shape_cast %swap3A_703 : vector<1x16xf32> to vector<16xf32>
        %swap3A_705 = vector.shape_cast %mul3A_700 : vector<16xf32> to vector<1x16xf32>
        tpu.vector_store %arg18[%swap3A_701, %swap3A_702], %swap3A_705 {strides = array<i32>} : memref<128x128xf32, #tpu.memory_space<vmem>>, vector<1x16xf32>,
        %slice3A_706 = vector.extract_strided_slice %get3A_58 {offsets = [13], sizes = [1], strides = [1]} : vector<16xf32> to vector<1xf32>
        %squeeze3A_707 = vector.extract %slice3A_706[0] : f32 from vector<1xf32>
        %mul3A_708 = arith.constant 16 : i32
        %mul3A_709 = arith.muli %scan3A_54, %mul3A_708 : i32
        %add3A_710 = arith.constant 13 : i32
        %add3A_711 = arith.addi %mul3A_709, %add3A_710 : i32
        %get3A_712 = arith.index_cast %add3A_711 : i32 to index
        %get3A_713 = arith.constant 0 : index
        %get3A_714 = tpu.vector_load %arg18[%get3A_712, %get3A_713] {strides = array<i32>} : memref<128x128xf32, #tpu.memory_space<vmem>>, vector<1x16xf32>,
        %get3A_715 = vector.shape_cast %get3A_714 : vector<1x16xf32> to vector<16xf32>
        %mul3A_716 = vector.broadcast %squeeze3A_707 : f32 to vector<16xf32>
        %mul3A_717 = arith.mulf %get3A_715, %mul3A_716 : vector<16xf32>
        %swap3A_718 = arith.index_cast %add3A_711 : i32 to index
        %swap3A_719 = arith.constant 0 : index
        %swap3A_720 = tpu.vector_load %arg18[%swap3A_718, %swap3A_719] {strides = array<i32>} : memref<128x128xf32, #tpu.memory_space<vmem>>, vector<1x16xf32>,
        %swap3A_721 = vector.shape_cast %swap3A_720 : vector<1x16xf32> to vector<16xf32>
        %swap3A_722 = vector.shape_cast %mul3A_717 : vector<16xf32> to vector<1x16xf32>
        tpu.vector_store %arg18[%swap3A_718, %swap3A_719], %swap3A_722 {strides = array<i32>} : memref<128x128xf32, #tpu.memory_space<vmem>>, vector<1x16xf32>,
        %get3A_723 = arith.index_cast %add3A_711 : i32 to index
        %get3A_724 = arith.constant 16 : index
        %get3A_725 = tpu.vector_load %arg18[%get3A_723, %get3A_724] {strides = array<i32>} : memref<128x128xf32, #tpu.memory_space<vmem>>, vector<1x16xf32>,
        %get3A_726 = vector.shape_cast %get3A_725 : vector<1x16xf32> to vector<16xf32>
        %mul3A_727 = vector.broadcast %squeeze3A_707 : f32 to vector<16xf32>
        %mul3A_728 = arith.mulf %get3A_726, %mul3A_727 : vector<16xf32>
        %swap3A_729 = arith.index_cast %add3A_711 : i32 to index
        %swap3A_730 = arith.constant 16 : index
        %swap3A_731 = tpu.vector_load %arg18[%swap3A_729, %swap3A_730] {strides = array<i32>} : memref<128x128xf32, #tpu.memory_space<vmem>>, vector<1x16xf32>,
        %swap3A_732 = vector.shape_cast %swap3A_731 : vector<1x16xf32> to vector<16xf32>
        %swap3A_733 = vector.shape_cast %mul3A_728 : vector<16xf32> to vector<1x16xf32>
        tpu.vector_store %arg18[%swap3A_729, %swap3A_730], %swap3A_733 {strides = array<i32>} : memref<128x128xf32, #tpu.memory_space<vmem>>, vector<1x16xf32>,
        %get3A_734 = arith.index_cast %add3A_711 : i32 to index
        %get3A_735 = arith.constant 32 : index
        %get3A_736 = tpu.vector_load %arg18[%get3A_734, %get3A_735] {strides = array<i32>} : memref<128x128xf32, #tpu.memory_space<vmem>>, vector<1x16xf32>,
        %get3A_737 = vector.shape_cast %get3A_736 : vector<1x16xf32> to vector<16xf32>
        %mul3A_738 = vector.broadcast %squeeze3A_707 : f32 to vector<16xf32>
        %mul3A_739 = arith.mulf %get3A_737, %mul3A_738 : vector<16xf32>
        %swap3A_740 = arith.index_cast %add3A_711 : i32 to index
        %swap3A_741 = arith.constant 32 : index
        %swap3A_742 = tpu.vector_load %arg18[%swap3A_740, %swap3A_741] {strides = array<i32>} : memref<128x128xf32, #tpu.memory_space<vmem>>, vector<1x16xf32>,
        %swap3A_743 = vector.shape_cast %swap3A_742 : vector<1x16xf32> to vector<16xf32>
        %swap3A_744 = vector.shape_cast %mul3A_739 : vector<16xf32> to vector<1x16xf32>
        tpu.vector_store %arg18[%swap3A_740, %swap3A_741], %swap3A_744 {strides = array<i32>} : memref<128x128xf32, #tpu.memory_space<vmem>>, vector<1x16xf32>,
        %get3A_745 = arith.index_cast %add3A_711 : i32 to index
        %get3A_746 = arith.constant 48 : index
        %get3A_747 = tpu.vector_load %arg18[%get3A_745, %get3A_746] {strides = array<i32>} : memref<128x128xf32, #tpu.memory_space<vmem>>, vector<1x16xf32>,
        %get3A_748 = vector.shape_cast %get3A_747 : vector<1x16xf32> to vector<16xf32>
        %mul3A_749 = vector.broadcast %squeeze3A_707 : f32 to vector<16xf32>
        %mul3A_750 = arith.mulf %get3A_748, %mul3A_749 : vector<16xf32>
        %swap3A_751 = arith.index_cast %add3A_711 : i32 to index
        %swap3A_752 = arith.constant 48 : index
        %swap3A_753 = tpu.vector_load %arg18[%swap3A_751, %swap3A_752] {strides = array<i32>} : memref<128x128xf32, #tpu.memory_space<vmem>>, vector<1x16xf32>,
        %swap3A_754 = vector.shape_cast %swap3A_753 : vector<1x16xf32> to vector<16xf32>
        %swap3A_755 = vector.shape_cast %mul3A_750 : vector<16xf32> to vector<1x16xf32>
        tpu.vector_store %arg18[%swap3A_751, %swap3A_752], %swap3A_755 {strides = array<i32>} : memref<128x128xf32, #tpu.memory_space<vmem>>, vector<1x16xf32>,
        %slice3A_756 = vector.extract_strided_slice %get3A_58 {offsets = [14], sizes = [1], strides = [1]} : vector<16xf32> to vector<1xf32>
        %squeeze3A_757 = vector.extract %slice3A_756[0] : f32 from vector<1xf32>
        %mul3A_758 = arith.constant 16 : i32
        %mul3A_759 = arith.muli %scan3A_54, %mul3A_758 : i32
        %add3A_760 = arith.constant 14 : i32
        %add3A_761 = arith.addi %mul3A_759, %add3A_760 : i32
        %get3A_762 = arith.index_cast %add3A_761 : i32 to index
        %get3A_763 = arith.constant 0 : index
        %get3A_764 = tpu.vector_load %arg18[%get3A_762, %get3A_763] {strides = array<i32>} : memref<128x128xf32, #tpu.memory_space<vmem>>, vector<1x16xf32>,
        %get3A_765 = vector.shape_cast %get3A_764 : vector<1x16xf32> to vector<16xf32>
        %mul3A_766 = vector.broadcast %squeeze3A_757 : f32 to vector<16xf32>
        %mul3A_767 = arith.mulf %get3A_765, %mul3A_766 : vector<16xf32>
        %swap3A_768 = arith.index_cast %add3A_761 : i32 to index
        %swap3A_769 = arith.constant 0 : index
        %swap3A_770 = tpu.vector_load %arg18[%swap3A_768, %swap3A_769] {strides = array<i32>} : memref<128x128xf32, #tpu.memory_space<vmem>>, vector<1x16xf32>,
        %swap3A_771 = vector.shape_cast %swap3A_770 : vector<1x16xf32> to vector<16xf32>
        %swap3A_772 = vector.shape_cast %mul3A_767 : vector<16xf32> to vector<1x16xf32>
        tpu.vector_store %arg18[%swap3A_768, %swap3A_769], %swap3A_772 {strides = array<i32>} : memref<128x128xf32, #tpu.memory_space<vmem>>, vector<1x16xf32>,
        %get3A_773 = arith.index_cast %add3A_761 : i32 to index
        %get3A_774 = arith.constant 16 : index
        %get3A_775 = tpu.vector_load %arg18[%get3A_773, %get3A_774] {strides = array<i32>} : memref<128x128xf32, #tpu.memory_space<vmem>>, vector<1x16xf32>,
        %get3A_776 = vector.shape_cast %get3A_775 : vector<1x16xf32> to vector<16xf32>
        %mul3A_777 = vector.broadcast %squeeze3A_757 : f32 to vector<16xf32>
        %mul3A_778 = arith.mulf %get3A_776, %mul3A_777 : vector<16xf32>
        %swap3A_779 = arith.index_cast %add3A_761 : i32 to index
        %swap3A_780 = arith.constant 16 : index
        %swap3A_781 = tpu.vector_load %arg18[%swap3A_779, %swap3A_780] {strides = array<i32>} : memref<128x128xf32, #tpu.memory_space<vmem>>, vector<1x16xf32>,
        %swap3A_782 = vector.shape_cast %swap3A_781 : vector<1x16xf32> to vector<16xf32>
        %swap3A_783 = vector.shape_cast %mul3A_778 : vector<16xf32> to vector<1x16xf32>
        tpu.vector_store %arg18[%swap3A_779, %swap3A_780], %swap3A_783 {strides = array<i32>} : memref<128x128xf32, #tpu.memory_space<vmem>>, vector<1x16xf32>,
        %get3A_784 = arith.index_cast %add3A_761 : i32 to index
        %get3A_785 = arith.constant 32 : index
        %get3A_786 = tpu.vector_load %arg18[%get3A_784, %get3A_785] {strides = array<i32>} : memref<128x128xf32, #tpu.memory_space<vmem>>, vector<1x16xf32>,
        %get3A_787 = vector.shape_cast %get3A_786 : vector<1x16xf32> to vector<16xf32>
        %mul3A_788 = vector.broadcast %squeeze3A_757 : f32 to vector<16xf32>
        %mul3A_789 = arith.mulf %get3A_787, %mul3A_788 : vector<16xf32>
        %swap3A_790 = arith.index_cast %add3A_761 : i32 to index
        %swap3A_791 = arith.constant 32 : index
        %swap3A_792 = tpu.vector_load %arg18[%swap3A_790, %swap3A_791] {strides = array<i32>} : memref<128x128xf32, #tpu.memory_space<vmem>>, vector<1x16xf32>,
        %swap3A_793 = vector.shape_cast %swap3A_792 : vector<1x16xf32> to vector<16xf32>
        %swap3A_794 = vector.shape_cast %mul3A_789 : vector<16xf32> to vector<1x16xf32>
        tpu.vector_store %arg18[%swap3A_790, %swap3A_791], %swap3A_794 {strides = array<i32>} : memref<128x128xf32, #tpu.memory_space<vmem>>, vector<1x16xf32>,
        %get3A_795 = arith.index_cast %add3A_761 : i32 to index
        %get3A_796 = arith.constant 48 : index
        %get3A_797 = tpu.vector_load %arg18[%get3A_795, %get3A_796] {strides = array<i32>} : memref<128x128xf32, #tpu.memory_space<vmem>>, vector<1x16xf32>,
        %get3A_798 = vector.shape_cast %get3A_797 : vector<1x16xf32> to vector<16xf32>
        %mul3A_799 = vector.broadcast %squeeze3A_757 : f32 to vector<16xf32>
        %mul3A_800 = arith.mulf %get3A_798, %mul3A_799 : vector<16xf32>
        %swap3A_801 = arith.index_cast %add3A_761 : i32 to index
        %swap3A_802 = arith.constant 48 : index
        %swap3A_803 = tpu.vector_load %arg18[%swap3A_801, %swap3A_802] {strides = array<i32>} : memref<128x128xf32, #tpu.memory_space<vmem>>, vector<1x16xf32>,
        %swap3A_804 = vector.shape_cast %swap3A_803 : vector<1x16xf32> to vector<16xf32>
        %swap3A_805 = vector.shape_cast %mul3A_800 : vector<16xf32> to vector<1x16xf32>
        tpu.vector_store %arg18[%swap3A_801, %swap3A_802], %swap3A_805 {strides = array<i32>} : memref<128x128xf32, #tpu.memory_space<vmem>>, vector<1x16xf32>,
        %slice3A_806 = vector.extract_strided_slice %get3A_58 {offsets = [15], sizes = [1], strides = [1]} : vector<16xf32> to vector<1xf32>
        %squeeze3A_807 = vector.extract %slice3A_806[0] : f32 from vector<1xf32>
        %mul3A_808 = arith.constant 16 : i32
        %mul3A_809 = arith.muli %scan3A_54, %mul3A_808 : i32
        %add3A_810 = arith.constant 15 : i32
        %add3A_811 = arith.addi %mul3A_809, %add3A_810 : i32
        %get3A_812 = arith.index_cast %add3A_811 : i32 to index
        %get3A_813 = arith.constant 0 : index
        %get3A_814 = tpu.vector_load %arg18[%get3A_812, %get3A_813] {strides = array<i32>} : memref<128x128xf32, #tpu.memory_space<vmem>>, vector<1x16xf32>,
        %get3A_815 = vector.shape_cast %get3A_814 : vector<1x16xf32> to vector<16xf32>
        %mul3A_816 = vector.broadcast %squeeze3A_807 : f32 to vector<16xf32>
        %mul3A_817 = arith.mulf %get3A_815, %mul3A_816 : vector<16xf32>
        %swap3A_818 = arith.index_cast %add3A_811 : i32 to index
        %swap3A_819 = arith.constant 0 : index
        %swap3A_820 = tpu.vector_load %arg18[%swap3A_818, %swap3A_819] {strides = array<i32>} : memref<128x128xf32, #tpu.memory_space<vmem>>, vector<1x16xf32>,
        %swap3A_821 = vector.shape_cast %swap3A_820 : vector<1x16xf32> to vector<16xf32>
        %swap3A_822 = vector.shape_cast %mul3A_817 : vector<16xf32> to vector<1x16xf32>
        tpu.vector_store %arg18[%swap3A_818, %swap3A_819], %swap3A_822 {strides = array<i32>} : memref<128x128xf32, #tpu.memory_space<vmem>>, vector<1x16xf32>,
        %get3A_823 = arith.index_cast %add3A_811 : i32 to index
        %get3A_824 = arith.constant 16 : index
        %get3A_825 = tpu.vector_load %arg18[%get3A_823, %get3A_824] {strides = array<i32>} : memref<128x128xf32, #tpu.memory_space<vmem>>, vector<1x16xf32>,
        %get3A_826 = vector.shape_cast %get3A_825 : vector<1x16xf32> to vector<16xf32>
        %mul3A_827 = vector.broadcast %squeeze3A_807 : f32 to vector<16xf32>
        %mul3A_828 = arith.mulf %get3A_826, %mul3A_827 : vector<16xf32>
        %swap3A_829 = arith.index_cast %add3A_811 : i32 to index
        %swap3A_830 = arith.constant 16 : index
        %swap3A_831 = tpu.vector_load %arg18[%swap3A_829, %swap3A_830] {strides = array<i32>} : memref<128x128xf32, #tpu.memory_space<vmem>>, vector<1x16xf32>,
        %swap3A_832 = vector.shape_cast %swap3A_831 : vector<1x16xf32> to vector<16xf32>
        %swap3A_833 = vector.shape_cast %mul3A_828 : vector<16xf32> to vector<1x16xf32>
        tpu.vector_store %arg18[%swap3A_829, %swap3A_830], %swap3A_833 {strides = array<i32>} : memref<128x128xf32, #tpu.memory_space<vmem>>, vector<1x16xf32>,
        %get3A_834 = arith.index_cast %add3A_811 : i32 to index
        %get3A_835 = arith.constant 32 : index
        %get3A_836 = tpu.vector_load %arg18[%get3A_834, %get3A_835] {strides = array<i32>} : memref<128x128xf32, #tpu.memory_space<vmem>>, vector<1x16xf32>,
        %get3A_837 = vector.shape_cast %get3A_836 : vector<1x16xf32> to vector<16xf32>
        %mul3A_838 = vector.broadcast %squeeze3A_807 : f32 to vector<16xf32>
        %mul3A_839 = arith.mulf %get3A_837, %mul3A_838 : vector<16xf32>
        %swap3A_840 = arith.index_cast %add3A_811 : i32 to index
        %swap3A_841 = arith.constant 32 : index
        %swap3A_842 = tpu.vector_load %arg18[%swap3A_840, %swap3A_841] {strides = array<i32>} : memref<128x128xf32, #tpu.memory_space<vmem>>, vector<1x16xf32>,
        %swap3A_843 = vector.shape_cast %swap3A_842 : vector<1x16xf32> to vector<16xf32>
        %swap3A_844 = vector.shape_cast %mul3A_839 : vector<16xf32> to vector<1x16xf32>
        tpu.vector_store %arg18[%swap3A_840, %swap3A_841], %swap3A_844 {strides = array<i32>} : memref<128x128xf32, #tpu.memory_space<vmem>>, vector<1x16xf32>,
        %get3A_845 = arith.index_cast %add3A_811 : i32 to index
        %get3A_846 = arith.constant 48 : index
        %get3A_847 = tpu.vector_load %arg18[%get3A_845, %get3A_846] {strides = array<i32>} : memref<128x128xf32, #tpu.memory_space<vmem>>, vector<1x16xf32>,
        %get3A_848 = vector.shape_cast %get3A_847 : vector<1x16xf32> to vector<16xf32>
        %mul3A_849 = vector.broadcast %squeeze3A_807 : f32 to vector<16xf32>
        %mul3A_850 = arith.mulf %get3A_848, %mul3A_849 : vector<16xf32>
        %swap3A_851 = arith.index_cast %add3A_811 : i32 to index
        %swap3A_852 = arith.constant 48 : index
        %swap3A_853 = tpu.vector_load %arg18[%swap3A_851, %swap3A_852] {strides = array<i32>} : memref<128x128xf32, #tpu.memory_space<vmem>>, vector<1x16xf32>,
        %swap3A_854 = vector.shape_cast %swap3A_853 : vector<1x16xf32> to vector<16xf32>
        %swap3A_855 = vector.shape_cast %mul3A_850 : vector<16xf32> to vector<1x16xf32>
        tpu.vector_store %arg18[%swap3A_851, %swap3A_852], %swap3A_855 {strides = array<i32>} : memref<128x128xf32, #tpu.memory_space<vmem>>, vector<1x16xf32>,
      }
      %scan3A_53 = arith.constant 8 : i32
      "tpu.region"() ({
        %run_scoped3A = tpu.sem_alloc : memref<!tpu.dma_semaphore, #tpu.memory_space<semaphore_mem>>
        %dma_start3A = arith.constant 0 : i32
        %dma_start3A_54 = arith.constant 0 : i32
        %dma_start3A_55 = tpu.memref_slice %arg16[%dma_start3A, %dma_start3A_54] : memref<4096x128xf32, #tpu.memory_space<vmem_shared>> -> memref<4096x128xf32, #tpu.memory_space<vmem_shared>>
        tpu.enqueue_indirect_dma source(%arg18 : memref<128x128xf32, #tpu.memory_space<vmem>>) target(%dma_start3A_55 : memref<4096x128xf32, #tpu.memory_space<vmem_shared>>) offsets(%arg20 : memref<128xi32, #tpu.memory_space<vmem>>) semaphore(%run_scoped3A : memref<!tpu.dma_semaphore, #tpu.memory_space<semaphore_mem>>) {add = true}
        %dma_wait3A = arith.constant 0 : i32
        %dma_wait3A_56 = arith.constant 0 : i32
        %dma_wait3A_57 = tpu.memref_slice %arg16[%dma_wait3A, %dma_wait3A_56] : memref<4096x128xf32, #tpu.memory_space<vmem_shared>> -> memref<4096x128xf32, #tpu.memory_space<vmem_shared>>
        tpu.wait_indirect_dma semaphore(%run_scoped3A : memref<!tpu.dma_semaphore, #tpu.memory_space<semaphore_mem>>) src(%arg18 : memref<128x128xf32, #tpu.memory_space<vmem>>) dst(%dma_wait3A_57 : memref<4096x128xf32, #tpu.memory_space<vmem_shared>>)
        tpu.yield
      }) : () -> ()
    }
    %scan3A_27 = arith.constant 16 : i32
    %scan3A_28 = arith.constant 0 : i32
    %scan3A_29 = arith.constant 0 : i32
    %scan3A_30 = arith.constant 16 : i32
    %scan3A_31 = arith.addi %scan3A_29, %scan3A_30 : i32
    %scan3A_32 = arith.constant 1 : i32
    scf.for %scan3A_44 = %scan3A_29 to %scan3A_31 step %scan3A_32  : i32 {
      %mul3A_45 = arith.constant 128 : i32
      %mul3A_46 = arith.muli %scan3A_44, %mul3A_45 : i32
      %add3A_47 = arith.addi %mul3A_15, %mul3A_46 : i32
      %multiple_of3A = tpu.assume_multiple %add3A_47, 128 : i32
      "tpu.region"() ({
        %run_scoped3A = tpu.sem_alloc : memref<!tpu.dma_semaphore, #tpu.memory_space<semaphore_mem>>
        %dma_start3A = tpu.memref_slice %arg11[%multiple_of3A] : memref<65536xi32, #tpu.memory_space<hbm>> -> memref<128xi32, #tpu.memory_space<hbm>>
        %dma_start3A_54 = tpu.memref_slice %arg11[%multiple_of3A] : memref<65536xi32, #tpu.memory_space<hbm>> -> memref<128xi32, #tpu.memory_space<hbm>>
        tpu.enqueue_dma source(%dma_start3A_54 : memref<128xi32, #tpu.memory_space<hbm>>) target(%arg19 : memref<128xi32, #tpu.memory_space<vmem>>) target_semaphore(%run_scoped3A : memref<!tpu.dma_semaphore, #tpu.memory_space<semaphore_mem>>)
        %dma_wait3A = tpu.memref_slice %arg11[%multiple_of3A] : memref<65536xi32, #tpu.memory_space<hbm>> -> memref<128xi32, #tpu.memory_space<hbm>>
        %dma_wait3A_55 = tpu.memref_slice %arg11[%multiple_of3A] : memref<65536xi32, #tpu.memory_space<hbm>> -> memref<128xi32, #tpu.memory_space<hbm>>
        tpu.wait_dma2 semaphore(%run_scoped3A : memref<!tpu.dma_semaphore, #tpu.memory_space<semaphore_mem>>) src(%dma_wait3A_55 : memref<128xi32, #tpu.memory_space<hbm>>) dst(%arg19 : memref<128xi32, #tpu.memory_space<vmem>>)
        tpu.yield
      }) : () -> ()
      "tpu.region"() ({
        %run_scoped3A = tpu.sem_alloc : memref<!tpu.dma_semaphore, #tpu.memory_space<semaphore_mem>>
        %dma_start3A = tpu.memref_slice %arg10[%multiple_of3A] : memref<65536xi32, #tpu.memory_space<hbm>> -> memref<128xi32, #tpu.memory_space<hbm>>
        %dma_start3A_54 = tpu.memref_slice %arg10[%multiple_of3A] : memref<65536xi32, #tpu.memory_space<hbm>> -> memref<128xi32, #tpu.memory_space<hbm>>
        tpu.enqueue_dma source(%dma_start3A_54 : memref<128xi32, #tpu.memory_space<hbm>>) target(%arg20 : memref<128xi32, #tpu.memory_space<vmem>>) target_semaphore(%run_scoped3A : memref<!tpu.dma_semaphore, #tpu.memory_space<semaphore_mem>>)
        %dma_wait3A = tpu.memref_slice %arg10[%multiple_of3A] : memref<65536xi32, #tpu.memory_space<hbm>> -> memref<128xi32, #tpu.memory_space<hbm>>
        %dma_wait3A_55 = tpu.memref_slice %arg10[%multiple_of3A] : memref<65536xi32, #tpu.memory_space<hbm>> -> memref<128xi32, #tpu.memory_space<hbm>>
        tpu.wait_dma2 semaphore(%run_scoped3A : memref<!tpu.dma_semaphore, #tpu.memory_space<semaphore_mem>>) src(%dma_wait3A_55 : memref<128xi32, #tpu.memory_space<hbm>>) dst(%arg20 : memref<128xi32, #tpu.memory_space<vmem>>)
        tpu.yield
      }) : () -> ()
      "tpu.region"() ({
        %run_scoped3A = tpu.sem_alloc : memref<!tpu.dma_semaphore, #tpu.memory_space<semaphore_mem>>
        %dma_start3A = tpu.memref_slice %arg12[%multiple_of3A] : memref<65536xf32, #tpu.memory_space<hbm>> -> memref<128xf32, #tpu.memory_space<hbm>>
        %dma_start3A_54 = tpu.memref_slice %arg12[%multiple_of3A] : memref<65536xf32, #tpu.memory_space<hbm>> -> memref<128xf32, #tpu.memory_space<hbm>>
        tpu.enqueue_dma source(%dma_start3A_54 : memref<128xf32, #tpu.memory_space<hbm>>) target(%arg21 : memref<128xf32, #tpu.memory_space<vmem>>) target_semaphore(%run_scoped3A : memref<!tpu.dma_semaphore, #tpu.memory_space<semaphore_mem>>)
        %dma_wait3A = tpu.memref_slice %arg12[%multiple_of3A] : memref<65536xf32, #tpu.memory_space<hbm>> -> memref<128xf32, #tpu.memory_space<hbm>>
        %dma_wait3A_55 = tpu.memref_slice %arg12[%multiple_of3A] : memref<65536xf32, #tpu.memory_space<hbm>> -> memref<128xf32, #tpu.memory_space<hbm>>
        tpu.wait_dma2 semaphore(%run_scoped3A : memref<!tpu.dma_semaphore, #tpu.memory_space<semaphore_mem>>) src(%dma_wait3A_55 : memref<128xf32, #tpu.memory_space<hbm>>) dst(%arg21 : memref<128xf32, #tpu.memory_space<vmem>>)
        tpu.yield
      }) : () -> ()
      "tpu.region"() ({
        %run_scoped3A = tpu.sem_alloc : memref<!tpu.dma_semaphore, #tpu.memory_space<semaphore_mem>>
        %dma_start3A = arith.constant 0 : i32
        %dma_start3A_54 = arith.constant 0 : i32
        %dma_start3A_55 = tpu.memref_slice %arg4[%dma_start3A, %dma_start3A_54] : memref<4096x128xf32, #tpu.memory_space<hbm>> -> memref<4096x128xf32, #tpu.memory_space<hbm>>
        tpu.enqueue_indirect_dma source(%dma_start3A_55 : memref<4096x128xf32, #tpu.memory_space<hbm>>) target(%arg18 : memref<128x128xf32, #tpu.memory_space<vmem>>) offsets(%arg19 : memref<128xi32, #tpu.memory_space<vmem>>) semaphore(%run_scoped3A : memref<!tpu.dma_semaphore, #tpu.memory_space<semaphore_mem>>)
        %dma_wait3A = arith.constant 0 : i32
        %dma_wait3A_56 = arith.constant 0 : i32
        %dma_wait3A_57 = tpu.memref_slice %arg4[%dma_wait3A, %dma_wait3A_56] : memref<4096x128xf32, #tpu.memory_space<hbm>> -> memref<4096x128xf32, #tpu.memory_space<hbm>>
        tpu.wait_indirect_dma semaphore(%run_scoped3A : memref<!tpu.dma_semaphore, #tpu.memory_space<semaphore_mem>>) src(%dma_wait3A_57 : memref<4096x128xf32, #tpu.memory_space<hbm>>) dst(%arg18 : memref<128x128xf32, #tpu.memory_space<vmem>>)
        tpu.yield
      }) : () -> ()
      %scan3A_48 = arith.constant 0 : i32
      %scan3A_49 = arith.constant 0 : i32
      %scan3A_50 = arith.constant 8 : i32
      %scan3A_51 = arith.addi %scan3A_49, %scan3A_50 : i32
      %scan3A_52 = arith.constant 1 : i32
      scf.for %scan3A_54 = %scan3A_49 to %scan3A_51 step %scan3A_52  : i32 {
        %mul3A_55 = arith.constant 16 : i32
        %mul3A_56 = arith.muli %scan3A_54, %mul3A_55 : i32
        %get3A = arith.index_cast %mul3A_56 : i32 to index
        %get3A_57 = tpu.vector_load %arg21[%get3A] {strides = array<i32>} : memref<128xf32, #tpu.memory_space<vmem>>, vector<16xf32>,
        %get3A_58 = vector.shape_cast %get3A_57 : vector<16xf32> to vector<16xf32>
        %slice3A = vector.extract_strided_slice %get3A_58 {offsets = [0], sizes = [1], strides = [1]} : vector<16xf32> to vector<1xf32>
        %squeeze3A = vector.extract %slice3A[0] : f32 from vector<1xf32>
        %mul3A_59 = arith.constant 16 : i32
        %mul3A_60 = arith.muli %scan3A_54, %mul3A_59 : i32
        %add3A_61 = arith.constant 0 : i32
        %add3A_62 = arith.addi %mul3A_60, %add3A_61 : i32
        %get3A_63 = arith.index_cast %add3A_62 : i32 to index
        %get3A_64 = arith.constant 0 : index
        %get3A_65 = tpu.vector_load %arg18[%get3A_63, %get3A_64] {strides = array<i32>} : memref<128x128xf32, #tpu.memory_space<vmem>>, vector<1x16xf32>,
        %get3A_66 = vector.shape_cast %get3A_65 : vector<1x16xf32> to vector<16xf32>
        %mul3A_67 = vector.broadcast %squeeze3A : f32 to vector<16xf32>
        %mul3A_68 = arith.mulf %get3A_66, %mul3A_67 : vector<16xf32>
        %swap3A = arith.index_cast %add3A_62 : i32 to index
        %swap3A_69 = arith.constant 0 : index
        %swap3A_70 = tpu.vector_load %arg18[%swap3A, %swap3A_69] {strides = array<i32>} : memref<128x128xf32, #tpu.memory_space<vmem>>, vector<1x16xf32>,
        %swap3A_71 = vector.shape_cast %swap3A_70 : vector<1x16xf32> to vector<16xf32>
        %swap3A_72 = vector.shape_cast %mul3A_68 : vector<16xf32> to vector<1x16xf32>
        tpu.vector_store %arg18[%swap3A, %swap3A_69], %swap3A_72 {strides = array<i32>} : memref<128x128xf32, #tpu.memory_space<vmem>>, vector<1x16xf32>,
        %get3A_73 = arith.index_cast %add3A_62 : i32 to index
        %get3A_74 = arith.constant 16 : index
        %get3A_75 = tpu.vector_load %arg18[%get3A_73, %get3A_74] {strides = array<i32>} : memref<128x128xf32, #tpu.memory_space<vmem>>, vector<1x16xf32>,
        %get3A_76 = vector.shape_cast %get3A_75 : vector<1x16xf32> to vector<16xf32>
        %mul3A_77 = vector.broadcast %squeeze3A : f32 to vector<16xf32>
        %mul3A_78 = arith.mulf %get3A_76, %mul3A_77 : vector<16xf32>
        %swap3A_79 = arith.index_cast %add3A_62 : i32 to index
        %swap3A_80 = arith.constant 16 : index
        %swap3A_81 = tpu.vector_load %arg18[%swap3A_79, %swap3A_80] {strides = array<i32>} : memref<128x128xf32, #tpu.memory_space<vmem>>, vector<1x16xf32>,
        %swap3A_82 = vector.shape_cast %swap3A_81 : vector<1x16xf32> to vector<16xf32>
        %swap3A_83 = vector.shape_cast %mul3A_78 : vector<16xf32> to vector<1x16xf32>
        tpu.vector_store %arg18[%swap3A_79, %swap3A_80], %swap3A_83 {strides = array<i32>} : memref<128x128xf32, #tpu.memory_space<vmem>>, vector<1x16xf32>,
        %get3A_84 = arith.index_cast %add3A_62 : i32 to index
        %get3A_85 = arith.constant 32 : index
        %get3A_86 = tpu.vector_load %arg18[%get3A_84, %get3A_85] {strides = array<i32>} : memref<128x128xf32, #tpu.memory_space<vmem>>, vector<1x16xf32>,
        %get3A_87 = vector.shape_cast %get3A_86 : vector<1x16xf32> to vector<16xf32>
        %mul3A_88 = vector.broadcast %squeeze3A : f32 to vector<16xf32>
        %mul3A_89 = arith.mulf %get3A_87, %mul3A_88 : vector<16xf32>
        %swap3A_90 = arith.index_cast %add3A_62 : i32 to index
        %swap3A_91 = arith.constant 32 : index
        %swap3A_92 = tpu.vector_load %arg18[%swap3A_90, %swap3A_91] {strides = array<i32>} : memref<128x128xf32, #tpu.memory_space<vmem>>, vector<1x16xf32>,
        %swap3A_93 = vector.shape_cast %swap3A_92 : vector<1x16xf32> to vector<16xf32>
        %swap3A_94 = vector.shape_cast %mul3A_89 : vector<16xf32> to vector<1x16xf32>
        tpu.vector_store %arg18[%swap3A_90, %swap3A_91], %swap3A_94 {strides = array<i32>} : memref<128x128xf32, #tpu.memory_space<vmem>>, vector<1x16xf32>,
        %get3A_95 = arith.index_cast %add3A_62 : i32 to index
        %get3A_96 = arith.constant 48 : index
        %get3A_97 = tpu.vector_load %arg18[%get3A_95, %get3A_96] {strides = array<i32>} : memref<128x128xf32, #tpu.memory_space<vmem>>, vector<1x16xf32>,
        %get3A_98 = vector.shape_cast %get3A_97 : vector<1x16xf32> to vector<16xf32>
        %mul3A_99 = vector.broadcast %squeeze3A : f32 to vector<16xf32>
        %mul3A_100 = arith.mulf %get3A_98, %mul3A_99 : vector<16xf32>
        %swap3A_101 = arith.index_cast %add3A_62 : i32 to index
        %swap3A_102 = arith.constant 48 : index
        %swap3A_103 = tpu.vector_load %arg18[%swap3A_101, %swap3A_102] {strides = array<i32>} : memref<128x128xf32, #tpu.memory_space<vmem>>, vector<1x16xf32>,
        %swap3A_104 = vector.shape_cast %swap3A_103 : vector<1x16xf32> to vector<16xf32>
        %swap3A_105 = vector.shape_cast %mul3A_100 : vector<16xf32> to vector<1x16xf32>
        tpu.vector_store %arg18[%swap3A_101, %swap3A_102], %swap3A_105 {strides = array<i32>} : memref<128x128xf32, #tpu.memory_space<vmem>>, vector<1x16xf32>,
        %slice3A_106 = vector.extract_strided_slice %get3A_58 {offsets = [1], sizes = [1], strides = [1]} : vector<16xf32> to vector<1xf32>
        %squeeze3A_107 = vector.extract %slice3A_106[0] : f32 from vector<1xf32>
        %mul3A_108 = arith.constant 16 : i32
        %mul3A_109 = arith.muli %scan3A_54, %mul3A_108 : i32
        %add3A_110 = arith.constant 1 : i32
        %add3A_111 = arith.addi %mul3A_109, %add3A_110 : i32
        %get3A_112 = arith.index_cast %add3A_111 : i32 to index
        %get3A_113 = arith.constant 0 : index
        %get3A_114 = tpu.vector_load %arg18[%get3A_112, %get3A_113] {strides = array<i32>} : memref<128x128xf32, #tpu.memory_space<vmem>>, vector<1x16xf32>,
        %get3A_115 = vector.shape_cast %get3A_114 : vector<1x16xf32> to vector<16xf32>
        %mul3A_116 = vector.broadcast %squeeze3A_107 : f32 to vector<16xf32>
        %mul3A_117 = arith.mulf %get3A_115, %mul3A_116 : vector<16xf32>
        %swap3A_118 = arith.index_cast %add3A_111 : i32 to index
        %swap3A_119 = arith.constant 0 : index
        %swap3A_120 = tpu.vector_load %arg18[%swap3A_118, %swap3A_119] {strides = array<i32>} : memref<128x128xf32, #tpu.memory_space<vmem>>, vector<1x16xf32>,
        %swap3A_121 = vector.shape_cast %swap3A_120 : vector<1x16xf32> to vector<16xf32>
        %swap3A_122 = vector.shape_cast %mul3A_117 : vector<16xf32> to vector<1x16xf32>
        tpu.vector_store %arg18[%swap3A_118, %swap3A_119], %swap3A_122 {strides = array<i32>} : memref<128x128xf32, #tpu.memory_space<vmem>>, vector<1x16xf32>,
        %get3A_123 = arith.index_cast %add3A_111 : i32 to index
        %get3A_124 = arith.constant 16 : index
        %get3A_125 = tpu.vector_load %arg18[%get3A_123, %get3A_124] {strides = array<i32>} : memref<128x128xf32, #tpu.memory_space<vmem>>, vector<1x16xf32>,
        %get3A_126 = vector.shape_cast %get3A_125 : vector<1x16xf32> to vector<16xf32>
        %mul3A_127 = vector.broadcast %squeeze3A_107 : f32 to vector<16xf32>
        %mul3A_128 = arith.mulf %get3A_126, %mul3A_127 : vector<16xf32>
        %swap3A_129 = arith.index_cast %add3A_111 : i32 to index
        %swap3A_130 = arith.constant 16 : index
        %swap3A_131 = tpu.vector_load %arg18[%swap3A_129, %swap3A_130] {strides = array<i32>} : memref<128x128xf32, #tpu.memory_space<vmem>>, vector<1x16xf32>,
        %swap3A_132 = vector.shape_cast %swap3A_131 : vector<1x16xf32> to vector<16xf32>
        %swap3A_133 = vector.shape_cast %mul3A_128 : vector<16xf32> to vector<1x16xf32>
        tpu.vector_store %arg18[%swap3A_129, %swap3A_130], %swap3A_133 {strides = array<i32>} : memref<128x128xf32, #tpu.memory_space<vmem>>, vector<1x16xf32>,
        %get3A_134 = arith.index_cast %add3A_111 : i32 to index
        %get3A_135 = arith.constant 32 : index
        %get3A_136 = tpu.vector_load %arg18[%get3A_134, %get3A_135] {strides = array<i32>} : memref<128x128xf32, #tpu.memory_space<vmem>>, vector<1x16xf32>,
        %get3A_137 = vector.shape_cast %get3A_136 : vector<1x16xf32> to vector<16xf32>
        %mul3A_138 = vector.broadcast %squeeze3A_107 : f32 to vector<16xf32>
        %mul3A_139 = arith.mulf %get3A_137, %mul3A_138 : vector<16xf32>
        %swap3A_140 = arith.index_cast %add3A_111 : i32 to index
        %swap3A_141 = arith.constant 32 : index
        %swap3A_142 = tpu.vector_load %arg18[%swap3A_140, %swap3A_141] {strides = array<i32>} : memref<128x128xf32, #tpu.memory_space<vmem>>, vector<1x16xf32>,
        %swap3A_143 = vector.shape_cast %swap3A_142 : vector<1x16xf32> to vector<16xf32>
        %swap3A_144 = vector.shape_cast %mul3A_139 : vector<16xf32> to vector<1x16xf32>
        tpu.vector_store %arg18[%swap3A_140, %swap3A_141], %swap3A_144 {strides = array<i32>} : memref<128x128xf32, #tpu.memory_space<vmem>>, vector<1x16xf32>,
        %get3A_145 = arith.index_cast %add3A_111 : i32 to index
        %get3A_146 = arith.constant 48 : index
        %get3A_147 = tpu.vector_load %arg18[%get3A_145, %get3A_146] {strides = array<i32>} : memref<128x128xf32, #tpu.memory_space<vmem>>, vector<1x16xf32>,
        %get3A_148 = vector.shape_cast %get3A_147 : vector<1x16xf32> to vector<16xf32>
        %mul3A_149 = vector.broadcast %squeeze3A_107 : f32 to vector<16xf32>
        %mul3A_150 = arith.mulf %get3A_148, %mul3A_149 : vector<16xf32>
        %swap3A_151 = arith.index_cast %add3A_111 : i32 to index
        %swap3A_152 = arith.constant 48 : index
        %swap3A_153 = tpu.vector_load %arg18[%swap3A_151, %swap3A_152] {strides = array<i32>} : memref<128x128xf32, #tpu.memory_space<vmem>>, vector<1x16xf32>,
        %swap3A_154 = vector.shape_cast %swap3A_153 : vector<1x16xf32> to vector<16xf32>
        %swap3A_155 = vector.shape_cast %mul3A_150 : vector<16xf32> to vector<1x16xf32>
        tpu.vector_store %arg18[%swap3A_151, %swap3A_152], %swap3A_155 {strides = array<i32>} : memref<128x128xf32, #tpu.memory_space<vmem>>, vector<1x16xf32>,
        %slice3A_156 = vector.extract_strided_slice %get3A_58 {offsets = [2], sizes = [1], strides = [1]} : vector<16xf32> to vector<1xf32>
        %squeeze3A_157 = vector.extract %slice3A_156[0] : f32 from vector<1xf32>
        %mul3A_158 = arith.constant 16 : i32
        %mul3A_159 = arith.muli %scan3A_54, %mul3A_158 : i32
        %add3A_160 = arith.constant 2 : i32
        %add3A_161 = arith.addi %mul3A_159, %add3A_160 : i32
        %get3A_162 = arith.index_cast %add3A_161 : i32 to index
        %get3A_163 = arith.constant 0 : index
        %get3A_164 = tpu.vector_load %arg18[%get3A_162, %get3A_163] {strides = array<i32>} : memref<128x128xf32, #tpu.memory_space<vmem>>, vector<1x16xf32>,
        %get3A_165 = vector.shape_cast %get3A_164 : vector<1x16xf32> to vector<16xf32>
        %mul3A_166 = vector.broadcast %squeeze3A_157 : f32 to vector<16xf32>
        %mul3A_167 = arith.mulf %get3A_165, %mul3A_166 : vector<16xf32>
        %swap3A_168 = arith.index_cast %add3A_161 : i32 to index
        %swap3A_169 = arith.constant 0 : index
        %swap3A_170 = tpu.vector_load %arg18[%swap3A_168, %swap3A_169] {strides = array<i32>} : memref<128x128xf32, #tpu.memory_space<vmem>>, vector<1x16xf32>,
        %swap3A_171 = vector.shape_cast %swap3A_170 : vector<1x16xf32> to vector<16xf32>
        %swap3A_172 = vector.shape_cast %mul3A_167 : vector<16xf32> to vector<1x16xf32>
        tpu.vector_store %arg18[%swap3A_168, %swap3A_169], %swap3A_172 {strides = array<i32>} : memref<128x128xf32, #tpu.memory_space<vmem>>, vector<1x16xf32>,
        %get3A_173 = arith.index_cast %add3A_161 : i32 to index
        %get3A_174 = arith.constant 16 : index
        %get3A_175 = tpu.vector_load %arg18[%get3A_173, %get3A_174] {strides = array<i32>} : memref<128x128xf32, #tpu.memory_space<vmem>>, vector<1x16xf32>,
        %get3A_176 = vector.shape_cast %get3A_175 : vector<1x16xf32> to vector<16xf32>
        %mul3A_177 = vector.broadcast %squeeze3A_157 : f32 to vector<16xf32>
        %mul3A_178 = arith.mulf %get3A_176, %mul3A_177 : vector<16xf32>
        %swap3A_179 = arith.index_cast %add3A_161 : i32 to index
        %swap3A_180 = arith.constant 16 : index
        %swap3A_181 = tpu.vector_load %arg18[%swap3A_179, %swap3A_180] {strides = array<i32>} : memref<128x128xf32, #tpu.memory_space<vmem>>, vector<1x16xf32>,
        %swap3A_182 = vector.shape_cast %swap3A_181 : vector<1x16xf32> to vector<16xf32>
        %swap3A_183 = vector.shape_cast %mul3A_178 : vector<16xf32> to vector<1x16xf32>
        tpu.vector_store %arg18[%swap3A_179, %swap3A_180], %swap3A_183 {strides = array<i32>} : memref<128x128xf32, #tpu.memory_space<vmem>>, vector<1x16xf32>,
        %get3A_184 = arith.index_cast %add3A_161 : i32 to index
        %get3A_185 = arith.constant 32 : index
        %get3A_186 = tpu.vector_load %arg18[%get3A_184, %get3A_185] {strides = array<i32>} : memref<128x128xf32, #tpu.memory_space<vmem>>, vector<1x16xf32>,
        %get3A_187 = vector.shape_cast %get3A_186 : vector<1x16xf32> to vector<16xf32>
        %mul3A_188 = vector.broadcast %squeeze3A_157 : f32 to vector<16xf32>
        %mul3A_189 = arith.mulf %get3A_187, %mul3A_188 : vector<16xf32>
        %swap3A_190 = arith.index_cast %add3A_161 : i32 to index
        %swap3A_191 = arith.constant 32 : index
        %swap3A_192 = tpu.vector_load %arg18[%swap3A_190, %swap3A_191] {strides = array<i32>} : memref<128x128xf32, #tpu.memory_space<vmem>>, vector<1x16xf32>,
        %swap3A_193 = vector.shape_cast %swap3A_192 : vector<1x16xf32> to vector<16xf32>
        %swap3A_194 = vector.shape_cast %mul3A_189 : vector<16xf32> to vector<1x16xf32>
        tpu.vector_store %arg18[%swap3A_190, %swap3A_191], %swap3A_194 {strides = array<i32>} : memref<128x128xf32, #tpu.memory_space<vmem>>, vector<1x16xf32>,
        %get3A_195 = arith.index_cast %add3A_161 : i32 to index
        %get3A_196 = arith.constant 48 : index
        %get3A_197 = tpu.vector_load %arg18[%get3A_195, %get3A_196] {strides = array<i32>} : memref<128x128xf32, #tpu.memory_space<vmem>>, vector<1x16xf32>,
        %get3A_198 = vector.shape_cast %get3A_197 : vector<1x16xf32> to vector<16xf32>
        %mul3A_199 = vector.broadcast %squeeze3A_157 : f32 to vector<16xf32>
        %mul3A_200 = arith.mulf %get3A_198, %mul3A_199 : vector<16xf32>
        %swap3A_201 = arith.index_cast %add3A_161 : i32 to index
        %swap3A_202 = arith.constant 48 : index
        %swap3A_203 = tpu.vector_load %arg18[%swap3A_201, %swap3A_202] {strides = array<i32>} : memref<128x128xf32, #tpu.memory_space<vmem>>, vector<1x16xf32>,
        %swap3A_204 = vector.shape_cast %swap3A_203 : vector<1x16xf32> to vector<16xf32>
        %swap3A_205 = vector.shape_cast %mul3A_200 : vector<16xf32> to vector<1x16xf32>
        tpu.vector_store %arg18[%swap3A_201, %swap3A_202], %swap3A_205 {strides = array<i32>} : memref<128x128xf32, #tpu.memory_space<vmem>>, vector<1x16xf32>,
        %slice3A_206 = vector.extract_strided_slice %get3A_58 {offsets = [3], sizes = [1], strides = [1]} : vector<16xf32> to vector<1xf32>
        %squeeze3A_207 = vector.extract %slice3A_206[0] : f32 from vector<1xf32>
        %mul3A_208 = arith.constant 16 : i32
        %mul3A_209 = arith.muli %scan3A_54, %mul3A_208 : i32
        %add3A_210 = arith.constant 3 : i32
        %add3A_211 = arith.addi %mul3A_209, %add3A_210 : i32
        %get3A_212 = arith.index_cast %add3A_211 : i32 to index
        %get3A_213 = arith.constant 0 : index
        %get3A_214 = tpu.vector_load %arg18[%get3A_212, %get3A_213] {strides = array<i32>} : memref<128x128xf32, #tpu.memory_space<vmem>>, vector<1x16xf32>,
        %get3A_215 = vector.shape_cast %get3A_214 : vector<1x16xf32> to vector<16xf32>
        %mul3A_216 = vector.broadcast %squeeze3A_207 : f32 to vector<16xf32>
        %mul3A_217 = arith.mulf %get3A_215, %mul3A_216 : vector<16xf32>
        %swap3A_218 = arith.index_cast %add3A_211 : i32 to index
        %swap3A_219 = arith.constant 0 : index
        %swap3A_220 = tpu.vector_load %arg18[%swap3A_218, %swap3A_219] {strides = array<i32>} : memref<128x128xf32, #tpu.memory_space<vmem>>, vector<1x16xf32>,
        %swap3A_221 = vector.shape_cast %swap3A_220 : vector<1x16xf32> to vector<16xf32>
        %swap3A_222 = vector.shape_cast %mul3A_217 : vector<16xf32> to vector<1x16xf32>
        tpu.vector_store %arg18[%swap3A_218, %swap3A_219], %swap3A_222 {strides = array<i32>} : memref<128x128xf32, #tpu.memory_space<vmem>>, vector<1x16xf32>,
        %get3A_223 = arith.index_cast %add3A_211 : i32 to index
        %get3A_224 = arith.constant 16 : index
        %get3A_225 = tpu.vector_load %arg18[%get3A_223, %get3A_224] {strides = array<i32>} : memref<128x128xf32, #tpu.memory_space<vmem>>, vector<1x16xf32>,
        %get3A_226 = vector.shape_cast %get3A_225 : vector<1x16xf32> to vector<16xf32>
        %mul3A_227 = vector.broadcast %squeeze3A_207 : f32 to vector<16xf32>
        %mul3A_228 = arith.mulf %get3A_226, %mul3A_227 : vector<16xf32>
        %swap3A_229 = arith.index_cast %add3A_211 : i32 to index
        %swap3A_230 = arith.constant 16 : index
        %swap3A_231 = tpu.vector_load %arg18[%swap3A_229, %swap3A_230] {strides = array<i32>} : memref<128x128xf32, #tpu.memory_space<vmem>>, vector<1x16xf32>,
        %swap3A_232 = vector.shape_cast %swap3A_231 : vector<1x16xf32> to vector<16xf32>
        %swap3A_233 = vector.shape_cast %mul3A_228 : vector<16xf32> to vector<1x16xf32>
        tpu.vector_store %arg18[%swap3A_229, %swap3A_230], %swap3A_233 {strides = array<i32>} : memref<128x128xf32, #tpu.memory_space<vmem>>, vector<1x16xf32>,
        %get3A_234 = arith.index_cast %add3A_211 : i32 to index
        %get3A_235 = arith.constant 32 : index
        %get3A_236 = tpu.vector_load %arg18[%get3A_234, %get3A_235] {strides = array<i32>} : memref<128x128xf32, #tpu.memory_space<vmem>>, vector<1x16xf32>,
        %get3A_237 = vector.shape_cast %get3A_236 : vector<1x16xf32> to vector<16xf32>
        %mul3A_238 = vector.broadcast %squeeze3A_207 : f32 to vector<16xf32>
        %mul3A_239 = arith.mulf %get3A_237, %mul3A_238 : vector<16xf32>
        %swap3A_240 = arith.index_cast %add3A_211 : i32 to index
        %swap3A_241 = arith.constant 32 : index
        %swap3A_242 = tpu.vector_load %arg18[%swap3A_240, %swap3A_241] {strides = array<i32>} : memref<128x128xf32, #tpu.memory_space<vmem>>, vector<1x16xf32>,
        %swap3A_243 = vector.shape_cast %swap3A_242 : vector<1x16xf32> to vector<16xf32>
        %swap3A_244 = vector.shape_cast %mul3A_239 : vector<16xf32> to vector<1x16xf32>
        tpu.vector_store %arg18[%swap3A_240, %swap3A_241], %swap3A_244 {strides = array<i32>} : memref<128x128xf32, #tpu.memory_space<vmem>>, vector<1x16xf32>,
        %get3A_245 = arith.index_cast %add3A_211 : i32 to index
        %get3A_246 = arith.constant 48 : index
        %get3A_247 = tpu.vector_load %arg18[%get3A_245, %get3A_246] {strides = array<i32>} : memref<128x128xf32, #tpu.memory_space<vmem>>, vector<1x16xf32>,
        %get3A_248 = vector.shape_cast %get3A_247 : vector<1x16xf32> to vector<16xf32>
        %mul3A_249 = vector.broadcast %squeeze3A_207 : f32 to vector<16xf32>
        %mul3A_250 = arith.mulf %get3A_248, %mul3A_249 : vector<16xf32>
        %swap3A_251 = arith.index_cast %add3A_211 : i32 to index
        %swap3A_252 = arith.constant 48 : index
        %swap3A_253 = tpu.vector_load %arg18[%swap3A_251, %swap3A_252] {strides = array<i32>} : memref<128x128xf32, #tpu.memory_space<vmem>>, vector<1x16xf32>,
        %swap3A_254 = vector.shape_cast %swap3A_253 : vector<1x16xf32> to vector<16xf32>
        %swap3A_255 = vector.shape_cast %mul3A_250 : vector<16xf32> to vector<1x16xf32>
        tpu.vector_store %arg18[%swap3A_251, %swap3A_252], %swap3A_255 {strides = array<i32>} : memref<128x128xf32, #tpu.memory_space<vmem>>, vector<1x16xf32>,
        %slice3A_256 = vector.extract_strided_slice %get3A_58 {offsets = [4], sizes = [1], strides = [1]} : vector<16xf32> to vector<1xf32>
        %squeeze3A_257 = vector.extract %slice3A_256[0] : f32 from vector<1xf32>
        %mul3A_258 = arith.constant 16 : i32
        %mul3A_259 = arith.muli %scan3A_54, %mul3A_258 : i32
        %add3A_260 = arith.constant 4 : i32
        %add3A_261 = arith.addi %mul3A_259, %add3A_260 : i32
        %get3A_262 = arith.index_cast %add3A_261 : i32 to index
        %get3A_263 = arith.constant 0 : index
        %get3A_264 = tpu.vector_load %arg18[%get3A_262, %get3A_263] {strides = array<i32>} : memref<128x128xf32, #tpu.memory_space<vmem>>, vector<1x16xf32>,
        %get3A_265 = vector.shape_cast %get3A_264 : vector<1x16xf32> to vector<16xf32>
        %mul3A_266 = vector.broadcast %squeeze3A_257 : f32 to vector<16xf32>
        %mul3A_267 = arith.mulf %get3A_265, %mul3A_266 : vector<16xf32>
        %swap3A_268 = arith.index_cast %add3A_261 : i32 to index
        %swap3A_269 = arith.constant 0 : index
        %swap3A_270 = tpu.vector_load %arg18[%swap3A_268, %swap3A_269] {strides = array<i32>} : memref<128x128xf32, #tpu.memory_space<vmem>>, vector<1x16xf32>,
        %swap3A_271 = vector.shape_cast %swap3A_270 : vector<1x16xf32> to vector<16xf32>
        %swap3A_272 = vector.shape_cast %mul3A_267 : vector<16xf32> to vector<1x16xf32>
        tpu.vector_store %arg18[%swap3A_268, %swap3A_269], %swap3A_272 {strides = array<i32>} : memref<128x128xf32, #tpu.memory_space<vmem>>, vector<1x16xf32>,
        %get3A_273 = arith.index_cast %add3A_261 : i32 to index
        %get3A_274 = arith.constant 16 : index
        %get3A_275 = tpu.vector_load %arg18[%get3A_273, %get3A_274] {strides = array<i32>} : memref<128x128xf32, #tpu.memory_space<vmem>>, vector<1x16xf32>,
        %get3A_276 = vector.shape_cast %get3A_275 : vector<1x16xf32> to vector<16xf32>
        %mul3A_277 = vector.broadcast %squeeze3A_257 : f32 to vector<16xf32>
        %mul3A_278 = arith.mulf %get3A_276, %mul3A_277 : vector<16xf32>
        %swap3A_279 = arith.index_cast %add3A_261 : i32 to index
        %swap3A_280 = arith.constant 16 : index
        %swap3A_281 = tpu.vector_load %arg18[%swap3A_279, %swap3A_280] {strides = array<i32>} : memref<128x128xf32, #tpu.memory_space<vmem>>, vector<1x16xf32>,
        %swap3A_282 = vector.shape_cast %swap3A_281 : vector<1x16xf32> to vector<16xf32>
        %swap3A_283 = vector.shape_cast %mul3A_278 : vector<16xf32> to vector<1x16xf32>
        tpu.vector_store %arg18[%swap3A_279, %swap3A_280], %swap3A_283 {strides = array<i32>} : memref<128x128xf32, #tpu.memory_space<vmem>>, vector<1x16xf32>,
        %get3A_284 = arith.index_cast %add3A_261 : i32 to index
        %get3A_285 = arith.constant 32 : index
        %get3A_286 = tpu.vector_load %arg18[%get3A_284, %get3A_285] {strides = array<i32>} : memref<128x128xf32, #tpu.memory_space<vmem>>, vector<1x16xf32>,
        %get3A_287 = vector.shape_cast %get3A_286 : vector<1x16xf32> to vector<16xf32>
        %mul3A_288 = vector.broadcast %squeeze3A_257 : f32 to vector<16xf32>
        %mul3A_289 = arith.mulf %get3A_287, %mul3A_288 : vector<16xf32>
        %swap3A_290 = arith.index_cast %add3A_261 : i32 to index
        %swap3A_291 = arith.constant 32 : index
        %swap3A_292 = tpu.vector_load %arg18[%swap3A_290, %swap3A_291] {strides = array<i32>} : memref<128x128xf32, #tpu.memory_space<vmem>>, vector<1x16xf32>,
        %swap3A_293 = vector.shape_cast %swap3A_292 : vector<1x16xf32> to vector<16xf32>
        %swap3A_294 = vector.shape_cast %mul3A_289 : vector<16xf32> to vector<1x16xf32>
        tpu.vector_store %arg18[%swap3A_290, %swap3A_291], %swap3A_294 {strides = array<i32>} : memref<128x128xf32, #tpu.memory_space<vmem>>, vector<1x16xf32>,
        %get3A_295 = arith.index_cast %add3A_261 : i32 to index
        %get3A_296 = arith.constant 48 : index
        %get3A_297 = tpu.vector_load %arg18[%get3A_295, %get3A_296] {strides = array<i32>} : memref<128x128xf32, #tpu.memory_space<vmem>>, vector<1x16xf32>,
        %get3A_298 = vector.shape_cast %get3A_297 : vector<1x16xf32> to vector<16xf32>
        %mul3A_299 = vector.broadcast %squeeze3A_257 : f32 to vector<16xf32>
        %mul3A_300 = arith.mulf %get3A_298, %mul3A_299 : vector<16xf32>
        %swap3A_301 = arith.index_cast %add3A_261 : i32 to index
        %swap3A_302 = arith.constant 48 : index
        %swap3A_303 = tpu.vector_load %arg18[%swap3A_301, %swap3A_302] {strides = array<i32>} : memref<128x128xf32, #tpu.memory_space<vmem>>, vector<1x16xf32>,
        %swap3A_304 = vector.shape_cast %swap3A_303 : vector<1x16xf32> to vector<16xf32>
        %swap3A_305 = vector.shape_cast %mul3A_300 : vector<16xf32> to vector<1x16xf32>
        tpu.vector_store %arg18[%swap3A_301, %swap3A_302], %swap3A_305 {strides = array<i32>} : memref<128x128xf32, #tpu.memory_space<vmem>>, vector<1x16xf32>,
        %slice3A_306 = vector.extract_strided_slice %get3A_58 {offsets = [5], sizes = [1], strides = [1]} : vector<16xf32> to vector<1xf32>
        %squeeze3A_307 = vector.extract %slice3A_306[0] : f32 from vector<1xf32>
        %mul3A_308 = arith.constant 16 : i32
        %mul3A_309 = arith.muli %scan3A_54, %mul3A_308 : i32
        %add3A_310 = arith.constant 5 : i32
        %add3A_311 = arith.addi %mul3A_309, %add3A_310 : i32
        %get3A_312 = arith.index_cast %add3A_311 : i32 to index
        %get3A_313 = arith.constant 0 : index
        %get3A_314 = tpu.vector_load %arg18[%get3A_312, %get3A_313] {strides = array<i32>} : memref<128x128xf32, #tpu.memory_space<vmem>>, vector<1x16xf32>,
        %get3A_315 = vector.shape_cast %get3A_314 : vector<1x16xf32> to vector<16xf32>
        %mul3A_316 = vector.broadcast %squeeze3A_307 : f32 to vector<16xf32>
        %mul3A_317 = arith.mulf %get3A_315, %mul3A_316 : vector<16xf32>
        %swap3A_318 = arith.index_cast %add3A_311 : i32 to index
        %swap3A_319 = arith.constant 0 : index
        %swap3A_320 = tpu.vector_load %arg18[%swap3A_318, %swap3A_319] {strides = array<i32>} : memref<128x128xf32, #tpu.memory_space<vmem>>, vector<1x16xf32>,
        %swap3A_321 = vector.shape_cast %swap3A_320 : vector<1x16xf32> to vector<16xf32>
        %swap3A_322 = vector.shape_cast %mul3A_317 : vector<16xf32> to vector<1x16xf32>
        tpu.vector_store %arg18[%swap3A_318, %swap3A_319], %swap3A_322 {strides = array<i32>} : memref<128x128xf32, #tpu.memory_space<vmem>>, vector<1x16xf32>,
        %get3A_323 = arith.index_cast %add3A_311 : i32 to index
        %get3A_324 = arith.constant 16 : index
        %get3A_325 = tpu.vector_load %arg18[%get3A_323, %get3A_324] {strides = array<i32>} : memref<128x128xf32, #tpu.memory_space<vmem>>, vector<1x16xf32>,
        %get3A_326 = vector.shape_cast %get3A_325 : vector<1x16xf32> to vector<16xf32>
        %mul3A_327 = vector.broadcast %squeeze3A_307 : f32 to vector<16xf32>
        %mul3A_328 = arith.mulf %get3A_326, %mul3A_327 : vector<16xf32>
        %swap3A_329 = arith.index_cast %add3A_311 : i32 to index
        %swap3A_330 = arith.constant 16 : index
        %swap3A_331 = tpu.vector_load %arg18[%swap3A_329, %swap3A_330] {strides = array<i32>} : memref<128x128xf32, #tpu.memory_space<vmem>>, vector<1x16xf32>,
        %swap3A_332 = vector.shape_cast %swap3A_331 : vector<1x16xf32> to vector<16xf32>
        %swap3A_333 = vector.shape_cast %mul3A_328 : vector<16xf32> to vector<1x16xf32>
        tpu.vector_store %arg18[%swap3A_329, %swap3A_330], %swap3A_333 {strides = array<i32>} : memref<128x128xf32, #tpu.memory_space<vmem>>, vector<1x16xf32>,
        %get3A_334 = arith.index_cast %add3A_311 : i32 to index
        %get3A_335 = arith.constant 32 : index
        %get3A_336 = tpu.vector_load %arg18[%get3A_334, %get3A_335] {strides = array<i32>} : memref<128x128xf32, #tpu.memory_space<vmem>>, vector<1x16xf32>,
        %get3A_337 = vector.shape_cast %get3A_336 : vector<1x16xf32> to vector<16xf32>
        %mul3A_338 = vector.broadcast %squeeze3A_307 : f32 to vector<16xf32>
        %mul3A_339 = arith.mulf %get3A_337, %mul3A_338 : vector<16xf32>
        %swap3A_340 = arith.index_cast %add3A_311 : i32 to index
        %swap3A_341 = arith.constant 32 : index
        %swap3A_342 = tpu.vector_load %arg18[%swap3A_340, %swap3A_341] {strides = array<i32>} : memref<128x128xf32, #tpu.memory_space<vmem>>, vector<1x16xf32>,
        %swap3A_343 = vector.shape_cast %swap3A_342 : vector<1x16xf32> to vector<16xf32>
        %swap3A_344 = vector.shape_cast %mul3A_339 : vector<16xf32> to vector<1x16xf32>
        tpu.vector_store %arg18[%swap3A_340, %swap3A_341], %swap3A_344 {strides = array<i32>} : memref<128x128xf32, #tpu.memory_space<vmem>>, vector<1x16xf32>,
        %get3A_345 = arith.index_cast %add3A_311 : i32 to index
        %get3A_346 = arith.constant 48 : index
        %get3A_347 = tpu.vector_load %arg18[%get3A_345, %get3A_346] {strides = array<i32>} : memref<128x128xf32, #tpu.memory_space<vmem>>, vector<1x16xf32>,
        %get3A_348 = vector.shape_cast %get3A_347 : vector<1x16xf32> to vector<16xf32>
        %mul3A_349 = vector.broadcast %squeeze3A_307 : f32 to vector<16xf32>
        %mul3A_350 = arith.mulf %get3A_348, %mul3A_349 : vector<16xf32>
        %swap3A_351 = arith.index_cast %add3A_311 : i32 to index
        %swap3A_352 = arith.constant 48 : index
        %swap3A_353 = tpu.vector_load %arg18[%swap3A_351, %swap3A_352] {strides = array<i32>} : memref<128x128xf32, #tpu.memory_space<vmem>>, vector<1x16xf32>,
        %swap3A_354 = vector.shape_cast %swap3A_353 : vector<1x16xf32> to vector<16xf32>
        %swap3A_355 = vector.shape_cast %mul3A_350 : vector<16xf32> to vector<1x16xf32>
        tpu.vector_store %arg18[%swap3A_351, %swap3A_352], %swap3A_355 {strides = array<i32>} : memref<128x128xf32, #tpu.memory_space<vmem>>, vector<1x16xf32>,
        %slice3A_356 = vector.extract_strided_slice %get3A_58 {offsets = [6], sizes = [1], strides = [1]} : vector<16xf32> to vector<1xf32>
        %squeeze3A_357 = vector.extract %slice3A_356[0] : f32 from vector<1xf32>
        %mul3A_358 = arith.constant 16 : i32
        %mul3A_359 = arith.muli %scan3A_54, %mul3A_358 : i32
        %add3A_360 = arith.constant 6 : i32
        %add3A_361 = arith.addi %mul3A_359, %add3A_360 : i32
        %get3A_362 = arith.index_cast %add3A_361 : i32 to index
        %get3A_363 = arith.constant 0 : index
        %get3A_364 = tpu.vector_load %arg18[%get3A_362, %get3A_363] {strides = array<i32>} : memref<128x128xf32, #tpu.memory_space<vmem>>, vector<1x16xf32>,
        %get3A_365 = vector.shape_cast %get3A_364 : vector<1x16xf32> to vector<16xf32>
        %mul3A_366 = vector.broadcast %squeeze3A_357 : f32 to vector<16xf32>
        %mul3A_367 = arith.mulf %get3A_365, %mul3A_366 : vector<16xf32>
        %swap3A_368 = arith.index_cast %add3A_361 : i32 to index
        %swap3A_369 = arith.constant 0 : index
        %swap3A_370 = tpu.vector_load %arg18[%swap3A_368, %swap3A_369] {strides = array<i32>} : memref<128x128xf32, #tpu.memory_space<vmem>>, vector<1x16xf32>,
        %swap3A_371 = vector.shape_cast %swap3A_370 : vector<1x16xf32> to vector<16xf32>
        %swap3A_372 = vector.shape_cast %mul3A_367 : vector<16xf32> to vector<1x16xf32>
        tpu.vector_store %arg18[%swap3A_368, %swap3A_369], %swap3A_372 {strides = array<i32>} : memref<128x128xf32, #tpu.memory_space<vmem>>, vector<1x16xf32>,
        %get3A_373 = arith.index_cast %add3A_361 : i32 to index
        %get3A_374 = arith.constant 16 : index
        %get3A_375 = tpu.vector_load %arg18[%get3A_373, %get3A_374] {strides = array<i32>} : memref<128x128xf32, #tpu.memory_space<vmem>>, vector<1x16xf32>,
        %get3A_376 = vector.shape_cast %get3A_375 : vector<1x16xf32> to vector<16xf32>
        %mul3A_377 = vector.broadcast %squeeze3A_357 : f32 to vector<16xf32>
        %mul3A_378 = arith.mulf %get3A_376, %mul3A_377 : vector<16xf32>
        %swap3A_379 = arith.index_cast %add3A_361 : i32 to index
        %swap3A_380 = arith.constant 16 : index
        %swap3A_381 = tpu.vector_load %arg18[%swap3A_379, %swap3A_380] {strides = array<i32>} : memref<128x128xf32, #tpu.memory_space<vmem>>, vector<1x16xf32>,
        %swap3A_382 = vector.shape_cast %swap3A_381 : vector<1x16xf32> to vector<16xf32>
        %swap3A_383 = vector.shape_cast %mul3A_378 : vector<16xf32> to vector<1x16xf32>
        tpu.vector_store %arg18[%swap3A_379, %swap3A_380], %swap3A_383 {strides = array<i32>} : memref<128x128xf32, #tpu.memory_space<vmem>>, vector<1x16xf32>,
        %get3A_384 = arith.index_cast %add3A_361 : i32 to index
        %get3A_385 = arith.constant 32 : index
        %get3A_386 = tpu.vector_load %arg18[%get3A_384, %get3A_385] {strides = array<i32>} : memref<128x128xf32, #tpu.memory_space<vmem>>, vector<1x16xf32>,
        %get3A_387 = vector.shape_cast %get3A_386 : vector<1x16xf32> to vector<16xf32>
        %mul3A_388 = vector.broadcast %squeeze3A_357 : f32 to vector<16xf32>
        %mul3A_389 = arith.mulf %get3A_387, %mul3A_388 : vector<16xf32>
        %swap3A_390 = arith.index_cast %add3A_361 : i32 to index
        %swap3A_391 = arith.constant 32 : index
        %swap3A_392 = tpu.vector_load %arg18[%swap3A_390, %swap3A_391] {strides = array<i32>} : memref<128x128xf32, #tpu.memory_space<vmem>>, vector<1x16xf32>,
        %swap3A_393 = vector.shape_cast %swap3A_392 : vector<1x16xf32> to vector<16xf32>
        %swap3A_394 = vector.shape_cast %mul3A_389 : vector<16xf32> to vector<1x16xf32>
        tpu.vector_store %arg18[%swap3A_390, %swap3A_391], %swap3A_394 {strides = array<i32>} : memref<128x128xf32, #tpu.memory_space<vmem>>, vector<1x16xf32>,
        %get3A_395 = arith.index_cast %add3A_361 : i32 to index
        %get3A_396 = arith.constant 48 : index
        %get3A_397 = tpu.vector_load %arg18[%get3A_395, %get3A_396] {strides = array<i32>} : memref<128x128xf32, #tpu.memory_space<vmem>>, vector<1x16xf32>,
        %get3A_398 = vector.shape_cast %get3A_397 : vector<1x16xf32> to vector<16xf32>
        %mul3A_399 = vector.broadcast %squeeze3A_357 : f32 to vector<16xf32>
        %mul3A_400 = arith.mulf %get3A_398, %mul3A_399 : vector<16xf32>
        %swap3A_401 = arith.index_cast %add3A_361 : i32 to index
        %swap3A_402 = arith.constant 48 : index
        %swap3A_403 = tpu.vector_load %arg18[%swap3A_401, %swap3A_402] {strides = array<i32>} : memref<128x128xf32, #tpu.memory_space<vmem>>, vector<1x16xf32>,
        %swap3A_404 = vector.shape_cast %swap3A_403 : vector<1x16xf32> to vector<16xf32>
        %swap3A_405 = vector.shape_cast %mul3A_400 : vector<16xf32> to vector<1x16xf32>
        tpu.vector_store %arg18[%swap3A_401, %swap3A_402], %swap3A_405 {strides = array<i32>} : memref<128x128xf32, #tpu.memory_space<vmem>>, vector<1x16xf32>,
        %slice3A_406 = vector.extract_strided_slice %get3A_58 {offsets = [7], sizes = [1], strides = [1]} : vector<16xf32> to vector<1xf32>
        %squeeze3A_407 = vector.extract %slice3A_406[0] : f32 from vector<1xf32>
        %mul3A_408 = arith.constant 16 : i32
        %mul3A_409 = arith.muli %scan3A_54, %mul3A_408 : i32
        %add3A_410 = arith.constant 7 : i32
        %add3A_411 = arith.addi %mul3A_409, %add3A_410 : i32
        %get3A_412 = arith.index_cast %add3A_411 : i32 to index
        %get3A_413 = arith.constant 0 : index
        %get3A_414 = tpu.vector_load %arg18[%get3A_412, %get3A_413] {strides = array<i32>} : memref<128x128xf32, #tpu.memory_space<vmem>>, vector<1x16xf32>,
        %get3A_415 = vector.shape_cast %get3A_414 : vector<1x16xf32> to vector<16xf32>
        %mul3A_416 = vector.broadcast %squeeze3A_407 : f32 to vector<16xf32>
        %mul3A_417 = arith.mulf %get3A_415, %mul3A_416 : vector<16xf32>
        %swap3A_418 = arith.index_cast %add3A_411 : i32 to index
        %swap3A_419 = arith.constant 0 : index
        %swap3A_420 = tpu.vector_load %arg18[%swap3A_418, %swap3A_419] {strides = array<i32>} : memref<128x128xf32, #tpu.memory_space<vmem>>, vector<1x16xf32>,
        %swap3A_421 = vector.shape_cast %swap3A_420 : vector<1x16xf32> to vector<16xf32>
        %swap3A_422 = vector.shape_cast %mul3A_417 : vector<16xf32> to vector<1x16xf32>
        tpu.vector_store %arg18[%swap3A_418, %swap3A_419], %swap3A_422 {strides = array<i32>} : memref<128x128xf32, #tpu.memory_space<vmem>>, vector<1x16xf32>,
        %get3A_423 = arith.index_cast %add3A_411 : i32 to index
        %get3A_424 = arith.constant 16 : index
        %get3A_425 = tpu.vector_load %arg18[%get3A_423, %get3A_424] {strides = array<i32>} : memref<128x128xf32, #tpu.memory_space<vmem>>, vector<1x16xf32>,
        %get3A_426 = vector.shape_cast %get3A_425 : vector<1x16xf32> to vector<16xf32>
        %mul3A_427 = vector.broadcast %squeeze3A_407 : f32 to vector<16xf32>
        %mul3A_428 = arith.mulf %get3A_426, %mul3A_427 : vector<16xf32>
        %swap3A_429 = arith.index_cast %add3A_411 : i32 to index
        %swap3A_430 = arith.constant 16 : index
        %swap3A_431 = tpu.vector_load %arg18[%swap3A_429, %swap3A_430] {strides = array<i32>} : memref<128x128xf32, #tpu.memory_space<vmem>>, vector<1x16xf32>,
        %swap3A_432 = vector.shape_cast %swap3A_431 : vector<1x16xf32> to vector<16xf32>
        %swap3A_433 = vector.shape_cast %mul3A_428 : vector<16xf32> to vector<1x16xf32>
        tpu.vector_store %arg18[%swap3A_429, %swap3A_430], %swap3A_433 {strides = array<i32>} : memref<128x128xf32, #tpu.memory_space<vmem>>, vector<1x16xf32>,
        %get3A_434 = arith.index_cast %add3A_411 : i32 to index
        %get3A_435 = arith.constant 32 : index
        %get3A_436 = tpu.vector_load %arg18[%get3A_434, %get3A_435] {strides = array<i32>} : memref<128x128xf32, #tpu.memory_space<vmem>>, vector<1x16xf32>,
        %get3A_437 = vector.shape_cast %get3A_436 : vector<1x16xf32> to vector<16xf32>
        %mul3A_438 = vector.broadcast %squeeze3A_407 : f32 to vector<16xf32>
        %mul3A_439 = arith.mulf %get3A_437, %mul3A_438 : vector<16xf32>
        %swap3A_440 = arith.index_cast %add3A_411 : i32 to index
        %swap3A_441 = arith.constant 32 : index
        %swap3A_442 = tpu.vector_load %arg18[%swap3A_440, %swap3A_441] {strides = array<i32>} : memref<128x128xf32, #tpu.memory_space<vmem>>, vector<1x16xf32>,
        %swap3A_443 = vector.shape_cast %swap3A_442 : vector<1x16xf32> to vector<16xf32>
        %swap3A_444 = vector.shape_cast %mul3A_439 : vector<16xf32> to vector<1x16xf32>
        tpu.vector_store %arg18[%swap3A_440, %swap3A_441], %swap3A_444 {strides = array<i32>} : memref<128x128xf32, #tpu.memory_space<vmem>>, vector<1x16xf32>,
        %get3A_445 = arith.index_cast %add3A_411 : i32 to index
        %get3A_446 = arith.constant 48 : index
        %get3A_447 = tpu.vector_load %arg18[%get3A_445, %get3A_446] {strides = array<i32>} : memref<128x128xf32, #tpu.memory_space<vmem>>, vector<1x16xf32>,
        %get3A_448 = vector.shape_cast %get3A_447 : vector<1x16xf32> to vector<16xf32>
        %mul3A_449 = vector.broadcast %squeeze3A_407 : f32 to vector<16xf32>
        %mul3A_450 = arith.mulf %get3A_448, %mul3A_449 : vector<16xf32>
        %swap3A_451 = arith.index_cast %add3A_411 : i32 to index
        %swap3A_452 = arith.constant 48 : index
        %swap3A_453 = tpu.vector_load %arg18[%swap3A_451, %swap3A_452] {strides = array<i32>} : memref<128x128xf32, #tpu.memory_space<vmem>>, vector<1x16xf32>,
        %swap3A_454 = vector.shape_cast %swap3A_453 : vector<1x16xf32> to vector<16xf32>
        %swap3A_455 = vector.shape_cast %mul3A_450 : vector<16xf32> to vector<1x16xf32>
        tpu.vector_store %arg18[%swap3A_451, %swap3A_452], %swap3A_455 {strides = array<i32>} : memref<128x128xf32, #tpu.memory_space<vmem>>, vector<1x16xf32>,
        %slice3A_456 = vector.extract_strided_slice %get3A_58 {offsets = [8], sizes = [1], strides = [1]} : vector<16xf32> to vector<1xf32>
        %squeeze3A_457 = vector.extract %slice3A_456[0] : f32 from vector<1xf32>
        %mul3A_458 = arith.constant 16 : i32
        %mul3A_459 = arith.muli %scan3A_54, %mul3A_458 : i32
        %add3A_460 = arith.constant 8 : i32
        %add3A_461 = arith.addi %mul3A_459, %add3A_460 : i32
        %get3A_462 = arith.index_cast %add3A_461 : i32 to index
        %get3A_463 = arith.constant 0 : index
        %get3A_464 = tpu.vector_load %arg18[%get3A_462, %get3A_463] {strides = array<i32>} : memref<128x128xf32, #tpu.memory_space<vmem>>, vector<1x16xf32>,
        %get3A_465 = vector.shape_cast %get3A_464 : vector<1x16xf32> to vector<16xf32>
        %mul3A_466 = vector.broadcast %squeeze3A_457 : f32 to vector<16xf32>
        %mul3A_467 = arith.mulf %get3A_465, %mul3A_466 : vector<16xf32>
        %swap3A_468 = arith.index_cast %add3A_461 : i32 to index
        %swap3A_469 = arith.constant 0 : index
        %swap3A_470 = tpu.vector_load %arg18[%swap3A_468, %swap3A_469] {strides = array<i32>} : memref<128x128xf32, #tpu.memory_space<vmem>>, vector<1x16xf32>,
        %swap3A_471 = vector.shape_cast %swap3A_470 : vector<1x16xf32> to vector<16xf32>
        %swap3A_472 = vector.shape_cast %mul3A_467 : vector<16xf32> to vector<1x16xf32>
        tpu.vector_store %arg18[%swap3A_468, %swap3A_469], %swap3A_472 {strides = array<i32>} : memref<128x128xf32, #tpu.memory_space<vmem>>, vector<1x16xf32>,
        %get3A_473 = arith.index_cast %add3A_461 : i32 to index
        %get3A_474 = arith.constant 16 : index
        %get3A_475 = tpu.vector_load %arg18[%get3A_473, %get3A_474] {strides = array<i32>} : memref<128x128xf32, #tpu.memory_space<vmem>>, vector<1x16xf32>,
        %get3A_476 = vector.shape_cast %get3A_475 : vector<1x16xf32> to vector<16xf32>
        %mul3A_477 = vector.broadcast %squeeze3A_457 : f32 to vector<16xf32>
        %mul3A_478 = arith.mulf %get3A_476, %mul3A_477 : vector<16xf32>
        %swap3A_479 = arith.index_cast %add3A_461 : i32 to index
        %swap3A_480 = arith.constant 16 : index
        %swap3A_481 = tpu.vector_load %arg18[%swap3A_479, %swap3A_480] {strides = array<i32>} : memref<128x128xf32, #tpu.memory_space<vmem>>, vector<1x16xf32>,
        %swap3A_482 = vector.shape_cast %swap3A_481 : vector<1x16xf32> to vector<16xf32>
        %swap3A_483 = vector.shape_cast %mul3A_478 : vector<16xf32> to vector<1x16xf32>
        tpu.vector_store %arg18[%swap3A_479, %swap3A_480], %swap3A_483 {strides = array<i32>} : memref<128x128xf32, #tpu.memory_space<vmem>>, vector<1x16xf32>,
        %get3A_484 = arith.index_cast %add3A_461 : i32 to index
        %get3A_485 = arith.constant 32 : index
        %get3A_486 = tpu.vector_load %arg18[%get3A_484, %get3A_485] {strides = array<i32>} : memref<128x128xf32, #tpu.memory_space<vmem>>, vector<1x16xf32>,
        %get3A_487 = vector.shape_cast %get3A_486 : vector<1x16xf32> to vector<16xf32>
        %mul3A_488 = vector.broadcast %squeeze3A_457 : f32 to vector<16xf32>
        %mul3A_489 = arith.mulf %get3A_487, %mul3A_488 : vector<16xf32>
        %swap3A_490 = arith.index_cast %add3A_461 : i32 to index
        %swap3A_491 = arith.constant 32 : index
        %swap3A_492 = tpu.vector_load %arg18[%swap3A_490, %swap3A_491] {strides = array<i32>} : memref<128x128xf32, #tpu.memory_space<vmem>>, vector<1x16xf32>,
        %swap3A_493 = vector.shape_cast %swap3A_492 : vector<1x16xf32> to vector<16xf32>
        %swap3A_494 = vector.shape_cast %mul3A_489 : vector<16xf32> to vector<1x16xf32>
        tpu.vector_store %arg18[%swap3A_490, %swap3A_491], %swap3A_494 {strides = array<i32>} : memref<128x128xf32, #tpu.memory_space<vmem>>, vector<1x16xf32>,
        %get3A_495 = arith.index_cast %add3A_461 : i32 to index
        %get3A_496 = arith.constant 48 : index
        %get3A_497 = tpu.vector_load %arg18[%get3A_495, %get3A_496] {strides = array<i32>} : memref<128x128xf32, #tpu.memory_space<vmem>>, vector<1x16xf32>,
        %get3A_498 = vector.shape_cast %get3A_497 : vector<1x16xf32> to vector<16xf32>
        %mul3A_499 = vector.broadcast %squeeze3A_457 : f32 to vector<16xf32>
        %mul3A_500 = arith.mulf %get3A_498, %mul3A_499 : vector<16xf32>
        %swap3A_501 = arith.index_cast %add3A_461 : i32 to index
        %swap3A_502 = arith.constant 48 : index
        %swap3A_503 = tpu.vector_load %arg18[%swap3A_501, %swap3A_502] {strides = array<i32>} : memref<128x128xf32, #tpu.memory_space<vmem>>, vector<1x16xf32>,
        %swap3A_504 = vector.shape_cast %swap3A_503 : vector<1x16xf32> to vector<16xf32>
        %swap3A_505 = vector.shape_cast %mul3A_500 : vector<16xf32> to vector<1x16xf32>
        tpu.vector_store %arg18[%swap3A_501, %swap3A_502], %swap3A_505 {strides = array<i32>} : memref<128x128xf32, #tpu.memory_space<vmem>>, vector<1x16xf32>,
        %slice3A_506 = vector.extract_strided_slice %get3A_58 {offsets = [9], sizes = [1], strides = [1]} : vector<16xf32> to vector<1xf32>
        %squeeze3A_507 = vector.extract %slice3A_506[0] : f32 from vector<1xf32>
        %mul3A_508 = arith.constant 16 : i32
        %mul3A_509 = arith.muli %scan3A_54, %mul3A_508 : i32
        %add3A_510 = arith.constant 9 : i32
        %add3A_511 = arith.addi %mul3A_509, %add3A_510 : i32
        %get3A_512 = arith.index_cast %add3A_511 : i32 to index
        %get3A_513 = arith.constant 0 : index
        %get3A_514 = tpu.vector_load %arg18[%get3A_512, %get3A_513] {strides = array<i32>} : memref<128x128xf32, #tpu.memory_space<vmem>>, vector<1x16xf32>,
        %get3A_515 = vector.shape_cast %get3A_514 : vector<1x16xf32> to vector<16xf32>
        %mul3A_516 = vector.broadcast %squeeze3A_507 : f32 to vector<16xf32>
        %mul3A_517 = arith.mulf %get3A_515, %mul3A_516 : vector<16xf32>
        %swap3A_518 = arith.index_cast %add3A_511 : i32 to index
        %swap3A_519 = arith.constant 0 : index
        %swap3A_520 = tpu.vector_load %arg18[%swap3A_518, %swap3A_519] {strides = array<i32>} : memref<128x128xf32, #tpu.memory_space<vmem>>, vector<1x16xf32>,
        %swap3A_521 = vector.shape_cast %swap3A_520 : vector<1x16xf32> to vector<16xf32>
        %swap3A_522 = vector.shape_cast %mul3A_517 : vector<16xf32> to vector<1x16xf32>
        tpu.vector_store %arg18[%swap3A_518, %swap3A_519], %swap3A_522 {strides = array<i32>} : memref<128x128xf32, #tpu.memory_space<vmem>>, vector<1x16xf32>,
        %get3A_523 = arith.index_cast %add3A_511 : i32 to index
        %get3A_524 = arith.constant 16 : index
        %get3A_525 = tpu.vector_load %arg18[%get3A_523, %get3A_524] {strides = array<i32>} : memref<128x128xf32, #tpu.memory_space<vmem>>, vector<1x16xf32>,
        %get3A_526 = vector.shape_cast %get3A_525 : vector<1x16xf32> to vector<16xf32>
        %mul3A_527 = vector.broadcast %squeeze3A_507 : f32 to vector<16xf32>
        %mul3A_528 = arith.mulf %get3A_526, %mul3A_527 : vector<16xf32>
        %swap3A_529 = arith.index_cast %add3A_511 : i32 to index
        %swap3A_530 = arith.constant 16 : index
        %swap3A_531 = tpu.vector_load %arg18[%swap3A_529, %swap3A_530] {strides = array<i32>} : memref<128x128xf32, #tpu.memory_space<vmem>>, vector<1x16xf32>,
        %swap3A_532 = vector.shape_cast %swap3A_531 : vector<1x16xf32> to vector<16xf32>
        %swap3A_533 = vector.shape_cast %mul3A_528 : vector<16xf32> to vector<1x16xf32>
        tpu.vector_store %arg18[%swap3A_529, %swap3A_530], %swap3A_533 {strides = array<i32>} : memref<128x128xf32, #tpu.memory_space<vmem>>, vector<1x16xf32>,
        %get3A_534 = arith.index_cast %add3A_511 : i32 to index
        %get3A_535 = arith.constant 32 : index
        %get3A_536 = tpu.vector_load %arg18[%get3A_534, %get3A_535] {strides = array<i32>} : memref<128x128xf32, #tpu.memory_space<vmem>>, vector<1x16xf32>,
        %get3A_537 = vector.shape_cast %get3A_536 : vector<1x16xf32> to vector<16xf32>
        %mul3A_538 = vector.broadcast %squeeze3A_507 : f32 to vector<16xf32>
        %mul3A_539 = arith.mulf %get3A_537, %mul3A_538 : vector<16xf32>
        %swap3A_540 = arith.index_cast %add3A_511 : i32 to index
        %swap3A_541 = arith.constant 32 : index
        %swap3A_542 = tpu.vector_load %arg18[%swap3A_540, %swap3A_541] {strides = array<i32>} : memref<128x128xf32, #tpu.memory_space<vmem>>, vector<1x16xf32>,
        %swap3A_543 = vector.shape_cast %swap3A_542 : vector<1x16xf32> to vector<16xf32>
        %swap3A_544 = vector.shape_cast %mul3A_539 : vector<16xf32> to vector<1x16xf32>
        tpu.vector_store %arg18[%swap3A_540, %swap3A_541], %swap3A_544 {strides = array<i32>} : memref<128x128xf32, #tpu.memory_space<vmem>>, vector<1x16xf32>,
        %get3A_545 = arith.index_cast %add3A_511 : i32 to index
        %get3A_546 = arith.constant 48 : index
        %get3A_547 = tpu.vector_load %arg18[%get3A_545, %get3A_546] {strides = array<i32>} : memref<128x128xf32, #tpu.memory_space<vmem>>, vector<1x16xf32>,
        %get3A_548 = vector.shape_cast %get3A_547 : vector<1x16xf32> to vector<16xf32>
        %mul3A_549 = vector.broadcast %squeeze3A_507 : f32 to vector<16xf32>
        %mul3A_550 = arith.mulf %get3A_548, %mul3A_549 : vector<16xf32>
        %swap3A_551 = arith.index_cast %add3A_511 : i32 to index
        %swap3A_552 = arith.constant 48 : index
        %swap3A_553 = tpu.vector_load %arg18[%swap3A_551, %swap3A_552] {strides = array<i32>} : memref<128x128xf32, #tpu.memory_space<vmem>>, vector<1x16xf32>,
        %swap3A_554 = vector.shape_cast %swap3A_553 : vector<1x16xf32> to vector<16xf32>
        %swap3A_555 = vector.shape_cast %mul3A_550 : vector<16xf32> to vector<1x16xf32>
        tpu.vector_store %arg18[%swap3A_551, %swap3A_552], %swap3A_555 {strides = array<i32>} : memref<128x128xf32, #tpu.memory_space<vmem>>, vector<1x16xf32>,
        %slice3A_556 = vector.extract_strided_slice %get3A_58 {offsets = [10], sizes = [1], strides = [1]} : vector<16xf32> to vector<1xf32>
        %squeeze3A_557 = vector.extract %slice3A_556[0] : f32 from vector<1xf32>
        %mul3A_558 = arith.constant 16 : i32
        %mul3A_559 = arith.muli %scan3A_54, %mul3A_558 : i32
        %add3A_560 = arith.constant 10 : i32
        %add3A_561 = arith.addi %mul3A_559, %add3A_560 : i32
        %get3A_562 = arith.index_cast %add3A_561 : i32 to index
        %get3A_563 = arith.constant 0 : index
        %get3A_564 = tpu.vector_load %arg18[%get3A_562, %get3A_563] {strides = array<i32>} : memref<128x128xf32, #tpu.memory_space<vmem>>, vector<1x16xf32>,
        %get3A_565 = vector.shape_cast %get3A_564 : vector<1x16xf32> to vector<16xf32>
        %mul3A_566 = vector.broadcast %squeeze3A_557 : f32 to vector<16xf32>
        %mul3A_567 = arith.mulf %get3A_565, %mul3A_566 : vector<16xf32>
        %swap3A_568 = arith.index_cast %add3A_561 : i32 to index
        %swap3A_569 = arith.constant 0 : index
        %swap3A_570 = tpu.vector_load %arg18[%swap3A_568, %swap3A_569] {strides = array<i32>} : memref<128x128xf32, #tpu.memory_space<vmem>>, vector<1x16xf32>,
        %swap3A_571 = vector.shape_cast %swap3A_570 : vector<1x16xf32> to vector<16xf32>
        %swap3A_572 = vector.shape_cast %mul3A_567 : vector<16xf32> to vector<1x16xf32>
        tpu.vector_store %arg18[%swap3A_568, %swap3A_569], %swap3A_572 {strides = array<i32>} : memref<128x128xf32, #tpu.memory_space<vmem>>, vector<1x16xf32>,
        %get3A_573 = arith.index_cast %add3A_561 : i32 to index
        %get3A_574 = arith.constant 16 : index
        %get3A_575 = tpu.vector_load %arg18[%get3A_573, %get3A_574] {strides = array<i32>} : memref<128x128xf32, #tpu.memory_space<vmem>>, vector<1x16xf32>,
        %get3A_576 = vector.shape_cast %get3A_575 : vector<1x16xf32> to vector<16xf32>
        %mul3A_577 = vector.broadcast %squeeze3A_557 : f32 to vector<16xf32>
        %mul3A_578 = arith.mulf %get3A_576, %mul3A_577 : vector<16xf32>
        %swap3A_579 = arith.index_cast %add3A_561 : i32 to index
        %swap3A_580 = arith.constant 16 : index
        %swap3A_581 = tpu.vector_load %arg18[%swap3A_579, %swap3A_580] {strides = array<i32>} : memref<128x128xf32, #tpu.memory_space<vmem>>, vector<1x16xf32>,
        %swap3A_582 = vector.shape_cast %swap3A_581 : vector<1x16xf32> to vector<16xf32>
        %swap3A_583 = vector.shape_cast %mul3A_578 : vector<16xf32> to vector<1x16xf32>
        tpu.vector_store %arg18[%swap3A_579, %swap3A_580], %swap3A_583 {strides = array<i32>} : memref<128x128xf32, #tpu.memory_space<vmem>>, vector<1x16xf32>,
        %get3A_584 = arith.index_cast %add3A_561 : i32 to index
        %get3A_585 = arith.constant 32 : index
        %get3A_586 = tpu.vector_load %arg18[%get3A_584, %get3A_585] {strides = array<i32>} : memref<128x128xf32, #tpu.memory_space<vmem>>, vector<1x16xf32>,
        %get3A_587 = vector.shape_cast %get3A_586 : vector<1x16xf32> to vector<16xf32>
        %mul3A_588 = vector.broadcast %squeeze3A_557 : f32 to vector<16xf32>
        %mul3A_589 = arith.mulf %get3A_587, %mul3A_588 : vector<16xf32>
        %swap3A_590 = arith.index_cast %add3A_561 : i32 to index
        %swap3A_591 = arith.constant 32 : index
        %swap3A_592 = tpu.vector_load %arg18[%swap3A_590, %swap3A_591] {strides = array<i32>} : memref<128x128xf32, #tpu.memory_space<vmem>>, vector<1x16xf32>,
        %swap3A_593 = vector.shape_cast %swap3A_592 : vector<1x16xf32> to vector<16xf32>
        %swap3A_594 = vector.shape_cast %mul3A_589 : vector<16xf32> to vector<1x16xf32>
        tpu.vector_store %arg18[%swap3A_590, %swap3A_591], %swap3A_594 {strides = array<i32>} : memref<128x128xf32, #tpu.memory_space<vmem>>, vector<1x16xf32>,
        %get3A_595 = arith.index_cast %add3A_561 : i32 to index
        %get3A_596 = arith.constant 48 : index
        %get3A_597 = tpu.vector_load %arg18[%get3A_595, %get3A_596] {strides = array<i32>} : memref<128x128xf32, #tpu.memory_space<vmem>>, vector<1x16xf32>,
        %get3A_598 = vector.shape_cast %get3A_597 : vector<1x16xf32> to vector<16xf32>
        %mul3A_599 = vector.broadcast %squeeze3A_557 : f32 to vector<16xf32>
        %mul3A_600 = arith.mulf %get3A_598, %mul3A_599 : vector<16xf32>
        %swap3A_601 = arith.index_cast %add3A_561 : i32 to index
        %swap3A_602 = arith.constant 48 : index
        %swap3A_603 = tpu.vector_load %arg18[%swap3A_601, %swap3A_602] {strides = array<i32>} : memref<128x128xf32, #tpu.memory_space<vmem>>, vector<1x16xf32>,
        %swap3A_604 = vector.shape_cast %swap3A_603 : vector<1x16xf32> to vector<16xf32>
        %swap3A_605 = vector.shape_cast %mul3A_600 : vector<16xf32> to vector<1x16xf32>
        tpu.vector_store %arg18[%swap3A_601, %swap3A_602], %swap3A_605 {strides = array<i32>} : memref<128x128xf32, #tpu.memory_space<vmem>>, vector<1x16xf32>,
        %slice3A_606 = vector.extract_strided_slice %get3A_58 {offsets = [11], sizes = [1], strides = [1]} : vector<16xf32> to vector<1xf32>
        %squeeze3A_607 = vector.extract %slice3A_606[0] : f32 from vector<1xf32>
        %mul3A_608 = arith.constant 16 : i32
        %mul3A_609 = arith.muli %scan3A_54, %mul3A_608 : i32
        %add3A_610 = arith.constant 11 : i32
        %add3A_611 = arith.addi %mul3A_609, %add3A_610 : i32
        %get3A_612 = arith.index_cast %add3A_611 : i32 to index
        %get3A_613 = arith.constant 0 : index
        %get3A_614 = tpu.vector_load %arg18[%get3A_612, %get3A_613] {strides = array<i32>} : memref<128x128xf32, #tpu.memory_space<vmem>>, vector<1x16xf32>,
        %get3A_615 = vector.shape_cast %get3A_614 : vector<1x16xf32> to vector<16xf32>
        %mul3A_616 = vector.broadcast %squeeze3A_607 : f32 to vector<16xf32>
        %mul3A_617 = arith.mulf %get3A_615, %mul3A_616 : vector<16xf32>
        %swap3A_618 = arith.index_cast %add3A_611 : i32 to index
        %swap3A_619 = arith.constant 0 : index
        %swap3A_620 = tpu.vector_load %arg18[%swap3A_618, %swap3A_619] {strides = array<i32>} : memref<128x128xf32, #tpu.memory_space<vmem>>, vector<1x16xf32>,
        %swap3A_621 = vector.shape_cast %swap3A_620 : vector<1x16xf32> to vector<16xf32>
        %swap3A_622 = vector.shape_cast %mul3A_617 : vector<16xf32> to vector<1x16xf32>
        tpu.vector_store %arg18[%swap3A_618, %swap3A_619], %swap3A_622 {strides = array<i32>} : memref<128x128xf32, #tpu.memory_space<vmem>>, vector<1x16xf32>,
        %get3A_623 = arith.index_cast %add3A_611 : i32 to index
        %get3A_624 = arith.constant 16 : index
        %get3A_625 = tpu.vector_load %arg18[%get3A_623, %get3A_624] {strides = array<i32>} : memref<128x128xf32, #tpu.memory_space<vmem>>, vector<1x16xf32>,
        %get3A_626 = vector.shape_cast %get3A_625 : vector<1x16xf32> to vector<16xf32>
        %mul3A_627 = vector.broadcast %squeeze3A_607 : f32 to vector<16xf32>
        %mul3A_628 = arith.mulf %get3A_626, %mul3A_627 : vector<16xf32>
        %swap3A_629 = arith.index_cast %add3A_611 : i32 to index
        %swap3A_630 = arith.constant 16 : index
        %swap3A_631 = tpu.vector_load %arg18[%swap3A_629, %swap3A_630] {strides = array<i32>} : memref<128x128xf32, #tpu.memory_space<vmem>>, vector<1x16xf32>,
        %swap3A_632 = vector.shape_cast %swap3A_631 : vector<1x16xf32> to vector<16xf32>
        %swap3A_633 = vector.shape_cast %mul3A_628 : vector<16xf32> to vector<1x16xf32>
        tpu.vector_store %arg18[%swap3A_629, %swap3A_630], %swap3A_633 {strides = array<i32>} : memref<128x128xf32, #tpu.memory_space<vmem>>, vector<1x16xf32>,
        %get3A_634 = arith.index_cast %add3A_611 : i32 to index
        %get3A_635 = arith.constant 32 : index
        %get3A_636 = tpu.vector_load %arg18[%get3A_634, %get3A_635] {strides = array<i32>} : memref<128x128xf32, #tpu.memory_space<vmem>>, vector<1x16xf32>,
        %get3A_637 = vector.shape_cast %get3A_636 : vector<1x16xf32> to vector<16xf32>
        %mul3A_638 = vector.broadcast %squeeze3A_607 : f32 to vector<16xf32>
        %mul3A_639 = arith.mulf %get3A_637, %mul3A_638 : vector<16xf32>
        %swap3A_640 = arith.index_cast %add3A_611 : i32 to index
        %swap3A_641 = arith.constant 32 : index
        %swap3A_642 = tpu.vector_load %arg18[%swap3A_640, %swap3A_641] {strides = array<i32>} : memref<128x128xf32, #tpu.memory_space<vmem>>, vector<1x16xf32>,
        %swap3A_643 = vector.shape_cast %swap3A_642 : vector<1x16xf32> to vector<16xf32>
        %swap3A_644 = vector.shape_cast %mul3A_639 : vector<16xf32> to vector<1x16xf32>
        tpu.vector_store %arg18[%swap3A_640, %swap3A_641], %swap3A_644 {strides = array<i32>} : memref<128x128xf32, #tpu.memory_space<vmem>>, vector<1x16xf32>,
        %get3A_645 = arith.index_cast %add3A_611 : i32 to index
        %get3A_646 = arith.constant 48 : index
        %get3A_647 = tpu.vector_load %arg18[%get3A_645, %get3A_646] {strides = array<i32>} : memref<128x128xf32, #tpu.memory_space<vmem>>, vector<1x16xf32>,
        %get3A_648 = vector.shape_cast %get3A_647 : vector<1x16xf32> to vector<16xf32>
        %mul3A_649 = vector.broadcast %squeeze3A_607 : f32 to vector<16xf32>
        %mul3A_650 = arith.mulf %get3A_648, %mul3A_649 : vector<16xf32>
        %swap3A_651 = arith.index_cast %add3A_611 : i32 to index
        %swap3A_652 = arith.constant 48 : index
        %swap3A_653 = tpu.vector_load %arg18[%swap3A_651, %swap3A_652] {strides = array<i32>} : memref<128x128xf32, #tpu.memory_space<vmem>>, vector<1x16xf32>,
        %swap3A_654 = vector.shape_cast %swap3A_653 : vector<1x16xf32> to vector<16xf32>
        %swap3A_655 = vector.shape_cast %mul3A_650 : vector<16xf32> to vector<1x16xf32>
        tpu.vector_store %arg18[%swap3A_651, %swap3A_652], %swap3A_655 {strides = array<i32>} : memref<128x128xf32, #tpu.memory_space<vmem>>, vector<1x16xf32>,
        %slice3A_656 = vector.extract_strided_slice %get3A_58 {offsets = [12], sizes = [1], strides = [1]} : vector<16xf32> to vector<1xf32>
        %squeeze3A_657 = vector.extract %slice3A_656[0] : f32 from vector<1xf32>
        %mul3A_658 = arith.constant 16 : i32
        %mul3A_659 = arith.muli %scan3A_54, %mul3A_658 : i32
        %add3A_660 = arith.constant 12 : i32
        %add3A_661 = arith.addi %mul3A_659, %add3A_660 : i32
        %get3A_662 = arith.index_cast %add3A_661 : i32 to index
        %get3A_663 = arith.constant 0 : index
        %get3A_664 = tpu.vector_load %arg18[%get3A_662, %get3A_663] {strides = array<i32>} : memref<128x128xf32, #tpu.memory_space<vmem>>, vector<1x16xf32>,
        %get3A_665 = vector.shape_cast %get3A_664 : vector<1x16xf32> to vector<16xf32>
        %mul3A_666 = vector.broadcast %squeeze3A_657 : f32 to vector<16xf32>
        %mul3A_667 = arith.mulf %get3A_665, %mul3A_666 : vector<16xf32>
        %swap3A_668 = arith.index_cast %add3A_661 : i32 to index
        %swap3A_669 = arith.constant 0 : index
        %swap3A_670 = tpu.vector_load %arg18[%swap3A_668, %swap3A_669] {strides = array<i32>} : memref<128x128xf32, #tpu.memory_space<vmem>>, vector<1x16xf32>,
        %swap3A_671 = vector.shape_cast %swap3A_670 : vector<1x16xf32> to vector<16xf32>
        %swap3A_672 = vector.shape_cast %mul3A_667 : vector<16xf32> to vector<1x16xf32>
        tpu.vector_store %arg18[%swap3A_668, %swap3A_669], %swap3A_672 {strides = array<i32>} : memref<128x128xf32, #tpu.memory_space<vmem>>, vector<1x16xf32>,
        %get3A_673 = arith.index_cast %add3A_661 : i32 to index
        %get3A_674 = arith.constant 16 : index
        %get3A_675 = tpu.vector_load %arg18[%get3A_673, %get3A_674] {strides = array<i32>} : memref<128x128xf32, #tpu.memory_space<vmem>>, vector<1x16xf32>,
        %get3A_676 = vector.shape_cast %get3A_675 : vector<1x16xf32> to vector<16xf32>
        %mul3A_677 = vector.broadcast %squeeze3A_657 : f32 to vector<16xf32>
        %mul3A_678 = arith.mulf %get3A_676, %mul3A_677 : vector<16xf32>
        %swap3A_679 = arith.index_cast %add3A_661 : i32 to index
        %swap3A_680 = arith.constant 16 : index
        %swap3A_681 = tpu.vector_load %arg18[%swap3A_679, %swap3A_680] {strides = array<i32>} : memref<128x128xf32, #tpu.memory_space<vmem>>, vector<1x16xf32>,
        %swap3A_682 = vector.shape_cast %swap3A_681 : vector<1x16xf32> to vector<16xf32>
        %swap3A_683 = vector.shape_cast %mul3A_678 : vector<16xf32> to vector<1x16xf32>
        tpu.vector_store %arg18[%swap3A_679, %swap3A_680], %swap3A_683 {strides = array<i32>} : memref<128x128xf32, #tpu.memory_space<vmem>>, vector<1x16xf32>,
        %get3A_684 = arith.index_cast %add3A_661 : i32 to index
        %get3A_685 = arith.constant 32 : index
        %get3A_686 = tpu.vector_load %arg18[%get3A_684, %get3A_685] {strides = array<i32>} : memref<128x128xf32, #tpu.memory_space<vmem>>, vector<1x16xf32>,
        %get3A_687 = vector.shape_cast %get3A_686 : vector<1x16xf32> to vector<16xf32>
        %mul3A_688 = vector.broadcast %squeeze3A_657 : f32 to vector<16xf32>
        %mul3A_689 = arith.mulf %get3A_687, %mul3A_688 : vector<16xf32>
        %swap3A_690 = arith.index_cast %add3A_661 : i32 to index
        %swap3A_691 = arith.constant 32 : index
        %swap3A_692 = tpu.vector_load %arg18[%swap3A_690, %swap3A_691] {strides = array<i32>} : memref<128x128xf32, #tpu.memory_space<vmem>>, vector<1x16xf32>,
        %swap3A_693 = vector.shape_cast %swap3A_692 : vector<1x16xf32> to vector<16xf32>
        %swap3A_694 = vector.shape_cast %mul3A_689 : vector<16xf32> to vector<1x16xf32>
        tpu.vector_store %arg18[%swap3A_690, %swap3A_691], %swap3A_694 {strides = array<i32>} : memref<128x128xf32, #tpu.memory_space<vmem>>, vector<1x16xf32>,
        %get3A_695 = arith.index_cast %add3A_661 : i32 to index
        %get3A_696 = arith.constant 48 : index
        %get3A_697 = tpu.vector_load %arg18[%get3A_695, %get3A_696] {strides = array<i32>} : memref<128x128xf32, #tpu.memory_space<vmem>>, vector<1x16xf32>,
        %get3A_698 = vector.shape_cast %get3A_697 : vector<1x16xf32> to vector<16xf32>
        %mul3A_699 = vector.broadcast %squeeze3A_657 : f32 to vector<16xf32>
        %mul3A_700 = arith.mulf %get3A_698, %mul3A_699 : vector<16xf32>
        %swap3A_701 = arith.index_cast %add3A_661 : i32 to index
        %swap3A_702 = arith.constant 48 : index
        %swap3A_703 = tpu.vector_load %arg18[%swap3A_701, %swap3A_702] {strides = array<i32>} : memref<128x128xf32, #tpu.memory_space<vmem>>, vector<1x16xf32>,
        %swap3A_704 = vector.shape_cast %swap3A_703 : vector<1x16xf32> to vector<16xf32>
        %swap3A_705 = vector.shape_cast %mul3A_700 : vector<16xf32> to vector<1x16xf32>
        tpu.vector_store %arg18[%swap3A_701, %swap3A_702], %swap3A_705 {strides = array<i32>} : memref<128x128xf32, #tpu.memory_space<vmem>>, vector<1x16xf32>,
        %slice3A_706 = vector.extract_strided_slice %get3A_58 {offsets = [13], sizes = [1], strides = [1]} : vector<16xf32> to vector<1xf32>
        %squeeze3A_707 = vector.extract %slice3A_706[0] : f32 from vector<1xf32>
        %mul3A_708 = arith.constant 16 : i32
        %mul3A_709 = arith.muli %scan3A_54, %mul3A_708 : i32
        %add3A_710 = arith.constant 13 : i32
        %add3A_711 = arith.addi %mul3A_709, %add3A_710 : i32
        %get3A_712 = arith.index_cast %add3A_711 : i32 to index
        %get3A_713 = arith.constant 0 : index
        %get3A_714 = tpu.vector_load %arg18[%get3A_712, %get3A_713] {strides = array<i32>} : memref<128x128xf32, #tpu.memory_space<vmem>>, vector<1x16xf32>,
        %get3A_715 = vector.shape_cast %get3A_714 : vector<1x16xf32> to vector<16xf32>
        %mul3A_716 = vector.broadcast %squeeze3A_707 : f32 to vector<16xf32>
        %mul3A_717 = arith.mulf %get3A_715, %mul3A_716 : vector<16xf32>
        %swap3A_718 = arith.index_cast %add3A_711 : i32 to index
        %swap3A_719 = arith.constant 0 : index
        %swap3A_720 = tpu.vector_load %arg18[%swap3A_718, %swap3A_719] {strides = array<i32>} : memref<128x128xf32, #tpu.memory_space<vmem>>, vector<1x16xf32>,
        %swap3A_721 = vector.shape_cast %swap3A_720 : vector<1x16xf32> to vector<16xf32>
        %swap3A_722 = vector.shape_cast %mul3A_717 : vector<16xf32> to vector<1x16xf32>
        tpu.vector_store %arg18[%swap3A_718, %swap3A_719], %swap3A_722 {strides = array<i32>} : memref<128x128xf32, #tpu.memory_space<vmem>>, vector<1x16xf32>,
        %get3A_723 = arith.index_cast %add3A_711 : i32 to index
        %get3A_724 = arith.constant 16 : index
        %get3A_725 = tpu.vector_load %arg18[%get3A_723, %get3A_724] {strides = array<i32>} : memref<128x128xf32, #tpu.memory_space<vmem>>, vector<1x16xf32>,
        %get3A_726 = vector.shape_cast %get3A_725 : vector<1x16xf32> to vector<16xf32>
        %mul3A_727 = vector.broadcast %squeeze3A_707 : f32 to vector<16xf32>
        %mul3A_728 = arith.mulf %get3A_726, %mul3A_727 : vector<16xf32>
        %swap3A_729 = arith.index_cast %add3A_711 : i32 to index
        %swap3A_730 = arith.constant 16 : index
        %swap3A_731 = tpu.vector_load %arg18[%swap3A_729, %swap3A_730] {strides = array<i32>} : memref<128x128xf32, #tpu.memory_space<vmem>>, vector<1x16xf32>,
        %swap3A_732 = vector.shape_cast %swap3A_731 : vector<1x16xf32> to vector<16xf32>
        %swap3A_733 = vector.shape_cast %mul3A_728 : vector<16xf32> to vector<1x16xf32>
        tpu.vector_store %arg18[%swap3A_729, %swap3A_730], %swap3A_733 {strides = array<i32>} : memref<128x128xf32, #tpu.memory_space<vmem>>, vector<1x16xf32>,
        %get3A_734 = arith.index_cast %add3A_711 : i32 to index
        %get3A_735 = arith.constant 32 : index
        %get3A_736 = tpu.vector_load %arg18[%get3A_734, %get3A_735] {strides = array<i32>} : memref<128x128xf32, #tpu.memory_space<vmem>>, vector<1x16xf32>,
        %get3A_737 = vector.shape_cast %get3A_736 : vector<1x16xf32> to vector<16xf32>
        %mul3A_738 = vector.broadcast %squeeze3A_707 : f32 to vector<16xf32>
        %mul3A_739 = arith.mulf %get3A_737, %mul3A_738 : vector<16xf32>
        %swap3A_740 = arith.index_cast %add3A_711 : i32 to index
        %swap3A_741 = arith.constant 32 : index
        %swap3A_742 = tpu.vector_load %arg18[%swap3A_740, %swap3A_741] {strides = array<i32>} : memref<128x128xf32, #tpu.memory_space<vmem>>, vector<1x16xf32>,
        %swap3A_743 = vector.shape_cast %swap3A_742 : vector<1x16xf32> to vector<16xf32>
        %swap3A_744 = vector.shape_cast %mul3A_739 : vector<16xf32> to vector<1x16xf32>
        tpu.vector_store %arg18[%swap3A_740, %swap3A_741], %swap3A_744 {strides = array<i32>} : memref<128x128xf32, #tpu.memory_space<vmem>>, vector<1x16xf32>,
        %get3A_745 = arith.index_cast %add3A_711 : i32 to index
        %get3A_746 = arith.constant 48 : index
        %get3A_747 = tpu.vector_load %arg18[%get3A_745, %get3A_746] {strides = array<i32>} : memref<128x128xf32, #tpu.memory_space<vmem>>, vector<1x16xf32>,
        %get3A_748 = vector.shape_cast %get3A_747 : vector<1x16xf32> to vector<16xf32>
        %mul3A_749 = vector.broadcast %squeeze3A_707 : f32 to vector<16xf32>
        %mul3A_750 = arith.mulf %get3A_748, %mul3A_749 : vector<16xf32>
        %swap3A_751 = arith.index_cast %add3A_711 : i32 to index
        %swap3A_752 = arith.constant 48 : index
        %swap3A_753 = tpu.vector_load %arg18[%swap3A_751, %swap3A_752] {strides = array<i32>} : memref<128x128xf32, #tpu.memory_space<vmem>>, vector<1x16xf32>,
        %swap3A_754 = vector.shape_cast %swap3A_753 : vector<1x16xf32> to vector<16xf32>
        %swap3A_755 = vector.shape_cast %mul3A_750 : vector<16xf32> to vector<1x16xf32>
        tpu.vector_store %arg18[%swap3A_751, %swap3A_752], %swap3A_755 {strides = array<i32>} : memref<128x128xf32, #tpu.memory_space<vmem>>, vector<1x16xf32>,
        %slice3A_756 = vector.extract_strided_slice %get3A_58 {offsets = [14], sizes = [1], strides = [1]} : vector<16xf32> to vector<1xf32>
        %squeeze3A_757 = vector.extract %slice3A_756[0] : f32 from vector<1xf32>
        %mul3A_758 = arith.constant 16 : i32
        %mul3A_759 = arith.muli %scan3A_54, %mul3A_758 : i32
        %add3A_760 = arith.constant 14 : i32
        %add3A_761 = arith.addi %mul3A_759, %add3A_760 : i32
        %get3A_762 = arith.index_cast %add3A_761 : i32 to index
        %get3A_763 = arith.constant 0 : index
        %get3A_764 = tpu.vector_load %arg18[%get3A_762, %get3A_763] {strides = array<i32>} : memref<128x128xf32, #tpu.memory_space<vmem>>, vector<1x16xf32>,
        %get3A_765 = vector.shape_cast %get3A_764 : vector<1x16xf32> to vector<16xf32>
        %mul3A_766 = vector.broadcast %squeeze3A_757 : f32 to vector<16xf32>
        %mul3A_767 = arith.mulf %get3A_765, %mul3A_766 : vector<16xf32>
        %swap3A_768 = arith.index_cast %add3A_761 : i32 to index
        %swap3A_769 = arith.constant 0 : index
        %swap3A_770 = tpu.vector_load %arg18[%swap3A_768, %swap3A_769] {strides = array<i32>} : memref<128x128xf32, #tpu.memory_space<vmem>>, vector<1x16xf32>,
        %swap3A_771 = vector.shape_cast %swap3A_770 : vector<1x16xf32> to vector<16xf32>
        %swap3A_772 = vector.shape_cast %mul3A_767 : vector<16xf32> to vector<1x16xf32>
        tpu.vector_store %arg18[%swap3A_768, %swap3A_769], %swap3A_772 {strides = array<i32>} : memref<128x128xf32, #tpu.memory_space<vmem>>, vector<1x16xf32>,
        %get3A_773 = arith.index_cast %add3A_761 : i32 to index
        %get3A_774 = arith.constant 16 : index
        %get3A_775 = tpu.vector_load %arg18[%get3A_773, %get3A_774] {strides = array<i32>} : memref<128x128xf32, #tpu.memory_space<vmem>>, vector<1x16xf32>,
        %get3A_776 = vector.shape_cast %get3A_775 : vector<1x16xf32> to vector<16xf32>
        %mul3A_777 = vector.broadcast %squeeze3A_757 : f32 to vector<16xf32>
        %mul3A_778 = arith.mulf %get3A_776, %mul3A_777 : vector<16xf32>
        %swap3A_779 = arith.index_cast %add3A_761 : i32 to index
        %swap3A_780 = arith.constant 16 : index
        %swap3A_781 = tpu.vector_load %arg18[%swap3A_779, %swap3A_780] {strides = array<i32>} : memref<128x128xf32, #tpu.memory_space<vmem>>, vector<1x16xf32>,
        %swap3A_782 = vector.shape_cast %swap3A_781 : vector<1x16xf32> to vector<16xf32>
        %swap3A_783 = vector.shape_cast %mul3A_778 : vector<16xf32> to vector<1x16xf32>
        tpu.vector_store %arg18[%swap3A_779, %swap3A_780], %swap3A_783 {strides = array<i32>} : memref<128x128xf32, #tpu.memory_space<vmem>>, vector<1x16xf32>,
        %get3A_784 = arith.index_cast %add3A_761 : i32 to index
        %get3A_785 = arith.constant 32 : index
        %get3A_786 = tpu.vector_load %arg18[%get3A_784, %get3A_785] {strides = array<i32>} : memref<128x128xf32, #tpu.memory_space<vmem>>, vector<1x16xf32>,
        %get3A_787 = vector.shape_cast %get3A_786 : vector<1x16xf32> to vector<16xf32>
        %mul3A_788 = vector.broadcast %squeeze3A_757 : f32 to vector<16xf32>
        %mul3A_789 = arith.mulf %get3A_787, %mul3A_788 : vector<16xf32>
        %swap3A_790 = arith.index_cast %add3A_761 : i32 to index
        %swap3A_791 = arith.constant 32 : index
        %swap3A_792 = tpu.vector_load %arg18[%swap3A_790, %swap3A_791] {strides = array<i32>} : memref<128x128xf32, #tpu.memory_space<vmem>>, vector<1x16xf32>,
        %swap3A_793 = vector.shape_cast %swap3A_792 : vector<1x16xf32> to vector<16xf32>
        %swap3A_794 = vector.shape_cast %mul3A_789 : vector<16xf32> to vector<1x16xf32>
        tpu.vector_store %arg18[%swap3A_790, %swap3A_791], %swap3A_794 {strides = array<i32>} : memref<128x128xf32, #tpu.memory_space<vmem>>, vector<1x16xf32>,
        %get3A_795 = arith.index_cast %add3A_761 : i32 to index
        %get3A_796 = arith.constant 48 : index
        %get3A_797 = tpu.vector_load %arg18[%get3A_795, %get3A_796] {strides = array<i32>} : memref<128x128xf32, #tpu.memory_space<vmem>>, vector<1x16xf32>,
        %get3A_798 = vector.shape_cast %get3A_797 : vector<1x16xf32> to vector<16xf32>
        %mul3A_799 = vector.broadcast %squeeze3A_757 : f32 to vector<16xf32>
        %mul3A_800 = arith.mulf %get3A_798, %mul3A_799 : vector<16xf32>
        %swap3A_801 = arith.index_cast %add3A_761 : i32 to index
        %swap3A_802 = arith.constant 48 : index
        %swap3A_803 = tpu.vector_load %arg18[%swap3A_801, %swap3A_802] {strides = array<i32>} : memref<128x128xf32, #tpu.memory_space<vmem>>, vector<1x16xf32>,
        %swap3A_804 = vector.shape_cast %swap3A_803 : vector<1x16xf32> to vector<16xf32>
        %swap3A_805 = vector.shape_cast %mul3A_800 : vector<16xf32> to vector<1x16xf32>
        tpu.vector_store %arg18[%swap3A_801, %swap3A_802], %swap3A_805 {strides = array<i32>} : memref<128x128xf32, #tpu.memory_space<vmem>>, vector<1x16xf32>,
        %slice3A_806 = vector.extract_strided_slice %get3A_58 {offsets = [15], sizes = [1], strides = [1]} : vector<16xf32> to vector<1xf32>
        %squeeze3A_807 = vector.extract %slice3A_806[0] : f32 from vector<1xf32>
        %mul3A_808 = arith.constant 16 : i32
        %mul3A_809 = arith.muli %scan3A_54, %mul3A_808 : i32
        %add3A_810 = arith.constant 15 : i32
        %add3A_811 = arith.addi %mul3A_809, %add3A_810 : i32
        %get3A_812 = arith.index_cast %add3A_811 : i32 to index
        %get3A_813 = arith.constant 0 : index
        %get3A_814 = tpu.vector_load %arg18[%get3A_812, %get3A_813] {strides = array<i32>} : memref<128x128xf32, #tpu.memory_space<vmem>>, vector<1x16xf32>,
        %get3A_815 = vector.shape_cast %get3A_814 : vector<1x16xf32> to vector<16xf32>
        %mul3A_816 = vector.broadcast %squeeze3A_807 : f32 to vector<16xf32>
        %mul3A_817 = arith.mulf %get3A_815, %mul3A_816 : vector<16xf32>
        %swap3A_818 = arith.index_cast %add3A_811 : i32 to index
        %swap3A_819 = arith.constant 0 : index
        %swap3A_820 = tpu.vector_load %arg18[%swap3A_818, %swap3A_819] {strides = array<i32>} : memref<128x128xf32, #tpu.memory_space<vmem>>, vector<1x16xf32>,
        %swap3A_821 = vector.shape_cast %swap3A_820 : vector<1x16xf32> to vector<16xf32>
        %swap3A_822 = vector.shape_cast %mul3A_817 : vector<16xf32> to vector<1x16xf32>
        tpu.vector_store %arg18[%swap3A_818, %swap3A_819], %swap3A_822 {strides = array<i32>} : memref<128x128xf32, #tpu.memory_space<vmem>>, vector<1x16xf32>,
        %get3A_823 = arith.index_cast %add3A_811 : i32 to index
        %get3A_824 = arith.constant 16 : index
        %get3A_825 = tpu.vector_load %arg18[%get3A_823, %get3A_824] {strides = array<i32>} : memref<128x128xf32, #tpu.memory_space<vmem>>, vector<1x16xf32>,
        %get3A_826 = vector.shape_cast %get3A_825 : vector<1x16xf32> to vector<16xf32>
        %mul3A_827 = vector.broadcast %squeeze3A_807 : f32 to vector<16xf32>
        %mul3A_828 = arith.mulf %get3A_826, %mul3A_827 : vector<16xf32>
        %swap3A_829 = arith.index_cast %add3A_811 : i32 to index
        %swap3A_830 = arith.constant 16 : index
        %swap3A_831 = tpu.vector_load %arg18[%swap3A_829, %swap3A_830] {strides = array<i32>} : memref<128x128xf32, #tpu.memory_space<vmem>>, vector<1x16xf32>,
        %swap3A_832 = vector.shape_cast %swap3A_831 : vector<1x16xf32> to vector<16xf32>
        %swap3A_833 = vector.shape_cast %mul3A_828 : vector<16xf32> to vector<1x16xf32>
        tpu.vector_store %arg18[%swap3A_829, %swap3A_830], %swap3A_833 {strides = array<i32>} : memref<128x128xf32, #tpu.memory_space<vmem>>, vector<1x16xf32>,
        %get3A_834 = arith.index_cast %add3A_811 : i32 to index
        %get3A_835 = arith.constant 32 : index
        %get3A_836 = tpu.vector_load %arg18[%get3A_834, %get3A_835] {strides = array<i32>} : memref<128x128xf32, #tpu.memory_space<vmem>>, vector<1x16xf32>,
        %get3A_837 = vector.shape_cast %get3A_836 : vector<1x16xf32> to vector<16xf32>
        %mul3A_838 = vector.broadcast %squeeze3A_807 : f32 to vector<16xf32>
        %mul3A_839 = arith.mulf %get3A_837, %mul3A_838 : vector<16xf32>
        %swap3A_840 = arith.index_cast %add3A_811 : i32 to index
        %swap3A_841 = arith.constant 32 : index
        %swap3A_842 = tpu.vector_load %arg18[%swap3A_840, %swap3A_841] {strides = array<i32>} : memref<128x128xf32, #tpu.memory_space<vmem>>, vector<1x16xf32>,
        %swap3A_843 = vector.shape_cast %swap3A_842 : vector<1x16xf32> to vector<16xf32>
        %swap3A_844 = vector.shape_cast %mul3A_839 : vector<16xf32> to vector<1x16xf32>
        tpu.vector_store %arg18[%swap3A_840, %swap3A_841], %swap3A_844 {strides = array<i32>} : memref<128x128xf32, #tpu.memory_space<vmem>>, vector<1x16xf32>,
        %get3A_845 = arith.index_cast %add3A_811 : i32 to index
        %get3A_846 = arith.constant 48 : index
        %get3A_847 = tpu.vector_load %arg18[%get3A_845, %get3A_846] {strides = array<i32>} : memref<128x128xf32, #tpu.memory_space<vmem>>, vector<1x16xf32>,
        %get3A_848 = vector.shape_cast %get3A_847 : vector<1x16xf32> to vector<16xf32>
        %mul3A_849 = vector.broadcast %squeeze3A_807 : f32 to vector<16xf32>
        %mul3A_850 = arith.mulf %get3A_848, %mul3A_849 : vector<16xf32>
        %swap3A_851 = arith.index_cast %add3A_811 : i32 to index
        %swap3A_852 = arith.constant 48 : index
        %swap3A_853 = tpu.vector_load %arg18[%swap3A_851, %swap3A_852] {strides = array<i32>} : memref<128x128xf32, #tpu.memory_space<vmem>>, vector<1x16xf32>,
        %swap3A_854 = vector.shape_cast %swap3A_853 : vector<1x16xf32> to vector<16xf32>
        %swap3A_855 = vector.shape_cast %mul3A_850 : vector<16xf32> to vector<1x16xf32>
        tpu.vector_store %arg18[%swap3A_851, %swap3A_852], %swap3A_855 {strides = array<i32>} : memref<128x128xf32, #tpu.memory_space<vmem>>, vector<1x16xf32>,
      }
      %scan3A_53 = arith.constant 8 : i32
      "tpu.region"() ({
        %run_scoped3A = tpu.sem_alloc : memref<!tpu.dma_semaphore, #tpu.memory_space<semaphore_mem>>
        %dma_start3A = arith.constant 0 : i32
        %dma_start3A_54 = arith.constant 0 : i32
        %dma_start3A_55 = tpu.memref_slice %arg16[%dma_start3A, %dma_start3A_54] : memref<4096x128xf32, #tpu.memory_space<vmem_shared>> -> memref<4096x128xf32, #tpu.memory_space<vmem_shared>>
        tpu.enqueue_indirect_dma source(%arg18 : memref<128x128xf32, #tpu.memory_space<vmem>>) target(%dma_start3A_55 : memref<4096x128xf32, #tpu.memory_space<vmem_shared>>) offsets(%arg20 : memref<128xi32, #tpu.memory_space<vmem>>) semaphore(%run_scoped3A : memref<!tpu.dma_semaphore, #tpu.memory_space<semaphore_mem>>) {add = true}
        %dma_wait3A = arith.constant 0 : i32
        %dma_wait3A_56 = arith.constant 0 : i32
        %dma_wait3A_57 = tpu.memref_slice %arg16[%dma_wait3A, %dma_wait3A_56] : memref<4096x128xf32, #tpu.memory_space<vmem_shared>> -> memref<4096x128xf32, #tpu.memory_space<vmem_shared>>
        tpu.wait_indirect_dma semaphore(%run_scoped3A : memref<!tpu.dma_semaphore, #tpu.memory_space<semaphore_mem>>) src(%arg18 : memref<128x128xf32, #tpu.memory_space<vmem>>) dst(%dma_wait3A_57 : memref<4096x128xf32, #tpu.memory_space<vmem_shared>>)
        tpu.yield
      }) : () -> ()
    }
    %scan3A_33 = arith.constant 16 : i32
    %barrier3A_34 = arith.constant 0 : index
    tpu.barrier barrier_id(%barrier3A_34)
    %mul3A_35 = arith.constant 4096 : i32
    %mul3A_36 = arith.muli %arg0, %mul3A_35 : i32
    %mul3A_37 = arith.constant 256 : i32
    %mul3A_38 = arith.muli %arg1, %mul3A_37 : i32
    %add3A_39 = arith.addi %mul3A_36, %mul3A_38 : i32
    %mul3A_40 = arith.constant 256 : i32
    %mul3A_41 = arith.muli %arg1, %mul3A_40 : i32
    "tpu.region"() ({
      %run_scoped3A = tpu.sem_alloc : memref<!tpu.dma_semaphore, #tpu.memory_space<semaphore_mem>>
      %dma_start3A = arith.constant 0 : i32
      %dma_start3A_44 = tpu.memref_slice %arg13[%add3A_39, %dma_start3A] : memref<8192x128xf32, #tpu.memory_space<hbm>> -> memref<256x128xf32, #tpu.memory_space<hbm>>
      %dma_start3A_45 = arith.constant 0 : i32
      %dma_start3A_46 = tpu.memref_slice %arg15[%mul3A_41, %dma_start3A_45] : memref<4097x128xf32, #tpu.memory_space<vmem_shared>> -> memref<256x128xf32, #tpu.memory_space<vmem_shared>>
      tpu.enqueue_dma source(%dma_start3A_46 : memref<256x128xf32, #tpu.memory_space<vmem_shared>>) target(%dma_start3A_44 : memref<256x128xf32, #tpu.memory_space<hbm>>) target_semaphore(%run_scoped3A : memref<!tpu.dma_semaphore, #tpu.memory_space<semaphore_mem>>)
      %dma_wait3A = arith.constant 0 : i32
      %dma_wait3A_47 = tpu.memref_slice %arg13[%add3A_39, %dma_wait3A] : memref<8192x128xf32, #tpu.memory_space<hbm>> -> memref<256x128xf32, #tpu.memory_space<hbm>>
      %dma_wait3A_48 = arith.constant 0 : i32
      %dma_wait3A_49 = tpu.memref_slice %arg15[%mul3A_41, %dma_wait3A_48] : memref<4097x128xf32, #tpu.memory_space<vmem_shared>> -> memref<256x128xf32, #tpu.memory_space<vmem_shared>>
      tpu.wait_dma2 semaphore(%run_scoped3A : memref<!tpu.dma_semaphore, #tpu.memory_space<semaphore_mem>>) src(%dma_wait3A_49 : memref<256x128xf32, #tpu.memory_space<vmem_shared>>) dst(%dma_wait3A_47 : memref<256x128xf32, #tpu.memory_space<hbm>>)
      tpu.yield
    }) : () -> ()
    %mul3A_42 = arith.constant 256 : i32
    %mul3A_43 = arith.muli %arg1, %mul3A_42 : i32
    "tpu.region"() ({
      %run_scoped3A = tpu.sem_alloc : memref<!tpu.dma_semaphore, #tpu.memory_space<semaphore_mem>>
      %dma_start3A = arith.constant 0 : i32
      %dma_start3A_44 = tpu.memref_slice %arg14[%add3A_39, %dma_start3A] : memref<8192x128xf32, #tpu.memory_space<hbm>> -> memref<256x128xf32, #tpu.memory_space<hbm>>
      %dma_start3A_45 = arith.constant 0 : i32
      %dma_start3A_46 = tpu.memref_slice %arg16[%mul3A_43, %dma_start3A_45] : memref<4096x128xf32, #tpu.memory_space<vmem_shared>> -> memref<256x128xf32, #tpu.memory_space<vmem_shared>>
      tpu.enqueue_dma source(%dma_start3A_46 : memref<256x128xf32, #tpu.memory_space<vmem_shared>>) target(%dma_start3A_44 : memref<256x128xf32, #tpu.memory_space<hbm>>) target_semaphore(%run_scoped3A : memref<!tpu.dma_semaphore, #tpu.memory_space<semaphore_mem>>)
      %dma_wait3A = arith.constant 0 : i32
      %dma_wait3A_47 = tpu.memref_slice %arg14[%add3A_39, %dma_wait3A] : memref<8192x128xf32, #tpu.memory_space<hbm>> -> memref<256x128xf32, #tpu.memory_space<hbm>>
      %dma_wait3A_48 = arith.constant 0 : i32
      %dma_wait3A_49 = tpu.memref_slice %arg16[%mul3A_43, %dma_wait3A_48] : memref<4096x128xf32, #tpu.memory_space<vmem_shared>> -> memref<256x128xf32, #tpu.memory_space<vmem_shared>>
      tpu.wait_dma2 semaphore(%run_scoped3A : memref<!tpu.dma_semaphore, #tpu.memory_space<semaphore_mem>>) src(%dma_wait3A_49 : memref<256x128xf32, #tpu.memory_space<vmem_shared>>) dst(%dma_wait3A_47 : memref<256x128xf32, #tpu.memory_space<hbm>>)
      tpu.yield
    }) : () -> ()
    return
  }
}

module attributes {stable_mosaic.version = 14 : i64} {
  func.func @_mm_in_body(%arg0: i32, %arg1: memref<512x128xf32, #tpu.memory_space<vmem>>, %arg2: memref<512x64xf32, #tpu.memory_space<vmem>>, %arg3: memref<128x128xf32, #tpu.memory_space<vmem>>, %arg4: memref<1x128xf32, #tpu.memory_space<vmem>>, %arg5: memref<64x64xf32, #tpu.memory_space<vmem>>, %arg6: memref<64x64xf32, #tpu.memory_space<vmem>>, %arg7: memref<512x128xf32, #tpu.memory_space<vmem>>, %arg8: memref<512x128xf32, #tpu.memory_space<vmem>>, %arg9: memref<512x128xf32, #tpu.memory_space<vmem>>) attributes {dimension_semantics = [#tpu.dimension_semantics<arbitrary>], iteration_bounds = array<i64: 8>, scalar_prefetch = 0 : i64, scratch_operands = 0 : i64, tpu.core_type = #tpu.core_type<tc>, window_params = [{transform_indices = @transform_0, window_bounds = array<i64: 512, 128>}, {transform_indices = @transform_1, window_bounds = array<i64: 512, 64>}, {pipeline_mode = #tpu.pipeline_mode<synchronous>, transform_indices = @transform_2, window_bounds = array<i64: 128, 128>}, {pipeline_mode = #tpu.pipeline_mode<synchronous>, transform_indices = @transform_3, window_bounds = array<i64: 1, 128>}, {pipeline_mode = #tpu.pipeline_mode<synchronous>, transform_indices = @transform_4, window_bounds = array<i64: 64, 64>}, {pipeline_mode = #tpu.pipeline_mode<synchronous>, transform_indices = @transform_5, window_bounds = array<i64: 64, 64>}, {transform_indices = @transform_6, window_bounds = array<i64: 512, 128>}, {transform_indices = @transform_7, window_bounds = array<i64: 512, 128>}, {transform_indices = @transform_8, window_bounds = array<i64: 512, 128>}]} {
    %get3A = arith.constant 0 : index
    %get3A_0 = arith.constant 0 : index
    %get3A_1 = vector.load %arg1[%get3A, %get3A_0] : memref<512x128xf32, #tpu.memory_space<vmem>>, vector<512x128xf32>
    %get3A_2 = arith.constant 0 : index
    %get3A_3 = arith.constant 0 : index
    %get3A_4 = vector.load %arg3[%get3A_2, %get3A_3] : memref<128x128xf32, #tpu.memory_space<vmem>>, vector<128x128xf32>
    %dot_general3A = arith.constant dense<0.000000e+00> : vector<512x128xf32>
    %dot_general3A_5 = tpu.matmul %get3A_1, %get3A_4, %dot_general3A {dimension_numbers = #tpu.dot_dimension_numbers<[1], [0], [0], [1], [0, 0, 1, 1], [], []>, transpose_lhs_hint = false} : vector<512x128xf32>, vector<128x128xf32>, vector<512x128xf32> -> vector<512x128xf32>
    %get3A_6 = arith.constant 0 : index
    %get3A_7 = arith.constant 0 : index
    %get3A_8 = vector.load %arg4[%get3A_6, %get3A_7] : memref<1x128xf32, #tpu.memory_space<vmem>>, vector<1x128xf32>
    %add3A = vector.broadcast %get3A_8 : vector<1x128xf32> to vector<512x128xf32>
    %add3A_9 = arith.addf %dot_general3A_5, %add3A : vector<512x128xf32>
    %swap3A = arith.constant 0 : index
    %swap3A_10 = arith.constant 0 : index
    %swap3A_11 = vector.load %arg7[%swap3A, %swap3A_10] : memref<512x128xf32, #tpu.memory_space<vmem>>, vector<512x128xf32>
    tpu.vector_store %arg7[%swap3A, %swap3A_10], %add3A_9 {strides = array<i32>} : memref<512x128xf32, #tpu.memory_space<vmem>>, vector<512x128xf32>,
    %broadcast_in_dim3A = arith.constant 0.000000e+00 : f32
    %broadcast_in_dim3A_12 = vector.broadcast %broadcast_in_dim3A : f32 to vector<512x64xf32>
    %get3A_13 = arith.constant 0 : index
    %get3A_14 = arith.constant 0 : index
    %get3A_15 = vector.load %arg2[%get3A_13, %get3A_14] : memref<512x64xf32, #tpu.memory_space<vmem>>, vector<512x64xf32>
    %get3A_16 = arith.constant 0 : index
    %get3A_17 = arith.constant 0 : index
    %get3A_18 = vector.load %arg5[%get3A_16, %get3A_17] : memref<64x64xf32, #tpu.memory_space<vmem>>, vector<64x64xf32>
    %dot_general3A_19 = arith.constant dense<0.000000e+00> : vector<512x64xf32>
    %dot_general3A_20 = tpu.matmul %get3A_15, %get3A_18, %dot_general3A_19 {dimension_numbers = #tpu.dot_dimension_numbers<[1], [0], [0], [1], [0, 0, 1, 1], [], []>, transpose_lhs_hint = false} : vector<512x64xf32>, vector<64x64xf32>, vector<512x64xf32> -> vector<512x64xf32>
    %concatenate3A = tpu.concatenate %dot_general3A_20, %broadcast_in_dim3A_12 in 1 : vector<512x64xf32>, vector<512x64xf32> -> vector<512x128xf32>
    %swap3A_21 = arith.constant 0 : index
    %swap3A_22 = arith.constant 0 : index
    %swap3A_23 = vector.load %arg8[%swap3A_21, %swap3A_22] : memref<512x128xf32, #tpu.memory_space<vmem>>, vector<512x128xf32>
    tpu.vector_store %arg8[%swap3A_21, %swap3A_22], %concatenate3A {strides = array<i32>} : memref<512x128xf32, #tpu.memory_space<vmem>>, vector<512x128xf32>,
    %get3A_24 = arith.constant 0 : index
    %get3A_25 = arith.constant 0 : index
    %get3A_26 = vector.load %arg2[%get3A_24, %get3A_25] : memref<512x64xf32, #tpu.memory_space<vmem>>, vector<512x64xf32>
    %get3A_27 = arith.constant 0 : index
    %get3A_28 = arith.constant 0 : index
    %get3A_29 = vector.load %arg6[%get3A_27, %get3A_28] : memref<64x64xf32, #tpu.memory_space<vmem>>, vector<64x64xf32>
    %dot_general3A_30 = arith.constant dense<0.000000e+00> : vector<512x64xf32>
    %dot_general3A_31 = tpu.matmul %get3A_26, %get3A_29, %dot_general3A_30 {dimension_numbers = #tpu.dot_dimension_numbers<[1], [0], [0], [1], [0, 0, 1, 1], [], []>, transpose_lhs_hint = false} : vector<512x64xf32>, vector<64x64xf32>, vector<512x64xf32> -> vector<512x64xf32>
    %concatenate3A_32 = tpu.concatenate %dot_general3A_31, %broadcast_in_dim3A_12 in 1 : vector<512x64xf32>, vector<512x64xf32> -> vector<512x128xf32>
    %swap3A_33 = arith.constant 0 : index
    %swap3A_34 = arith.constant 0 : index
    %swap3A_35 = vector.load %arg9[%swap3A_33, %swap3A_34] : memref<512x128xf32, #tpu.memory_space<vmem>>, vector<512x128xf32>
    tpu.vector_store %arg9[%swap3A_33, %swap3A_34], %concatenate3A_32 {strides = array<i32>} : memref<512x128xf32, #tpu.memory_space<vmem>>, vector<512x128xf32>,
    return
  }
  func.func @transform_0(%arg0: i32) -> (i32, i32) {
    %c0_i32 = arith.constant 0 : i32
    %c0_i32_0 = arith.constant 0 : i32
    return %arg0, %c0_i32 : i32, i32
  }
  func.func @transform_1(%arg0: i32) -> (i32, i32) {
    %c0_i32 = arith.constant 0 : i32
    %c0_i32_0 = arith.constant 0 : i32
    return %arg0, %c0_i32 : i32, i32
  }
  func.func @transform_2(%arg0: i32) -> (i32, i32) {
    %c0_i32 = arith.constant 0 : i32
    %c0_i32_0 = arith.constant 0 : i32
    %c0_i32_1 = arith.constant 0 : i32
    return %c0_i32, %c0_i32_0 : i32, i32
  }
  func.func @transform_3(%arg0: i32) -> (i32, i32) {
    %c0_i32 = arith.constant 0 : i32
    %c0_i32_0 = arith.constant 0 : i32
    %c0_i32_1 = arith.constant 0 : i32
    return %c0_i32, %c0_i32_0 : i32, i32
  }
  func.func @transform_4(%arg0: i32) -> (i32, i32) {
    %c0_i32 = arith.constant 0 : i32
    %c0_i32_0 = arith.constant 0 : i32
    %c0_i32_1 = arith.constant 0 : i32
    return %c0_i32, %c0_i32_0 : i32, i32
  }
  func.func @transform_5(%arg0: i32) -> (i32, i32) {
    %c0_i32 = arith.constant 0 : i32
    %c0_i32_0 = arith.constant 0 : i32
    %c0_i32_1 = arith.constant 0 : i32
    return %c0_i32, %c0_i32_0 : i32, i32
  }
  func.func @transform_6(%arg0: i32) -> (i32, i32) {
    %c0_i32 = arith.constant 0 : i32
    %c0_i32_0 = arith.constant 0 : i32
    return %arg0, %c0_i32 : i32, i32
  }
  func.func @transform_7(%arg0: i32) -> (i32, i32) {
    %c0_i32 = arith.constant 0 : i32
    %c0_i32_0 = arith.constant 0 : i32
    return %arg0, %c0_i32 : i32, i32
  }
  func.func @transform_8(%arg0: i32) -> (i32, i32) {
    %c0_i32 = arith.constant 0 : i32
    %c0_i32_0 = arith.constant 0 : i32
    return %arg0, %c0_i32 : i32, i32
  }
}

module attributes {stable_mosaic.version = 14 : i64} {
  func.func @_mm_out_body(%arg0: i32, %arg1: memref<2x512x128xf32, #tpu.memory_space<vmem>>, %arg2: memref<2x512x128xf32, #tpu.memory_space<vmem>>, %arg3: memref<128x64xf32, #tpu.memory_space<vmem>>, %arg4: memref<1x64xf32, #tpu.memory_space<vmem>>, %arg5: memref<1x64xf32, #tpu.memory_space<vmem>>, %arg6: memref<64x32xf32, #tpu.memory_space<vmem>>, %arg7: memref<1x32xf32, #tpu.memory_space<vmem>>, %arg8: memref<512x64xf32, #tpu.memory_space<vmem>>, %arg9: memref<512x32xf32, #tpu.memory_space<vmem>>) attributes {dimension_semantics = [#tpu.dimension_semantics<arbitrary>], iteration_bounds = array<i64: 8>, scalar_prefetch = 0 : i64, scratch_operands = 0 : i64, tpu.core_type = #tpu.core_type<tc>, window_params = [{transform_indices = @transform_0, window_bounds = array<i64: 2, 512, 128>}, {transform_indices = @transform_1, window_bounds = array<i64: 2, 512, 128>}, {pipeline_mode = #tpu.pipeline_mode<synchronous>, transform_indices = @transform_2, window_bounds = array<i64: 128, 64>}, {pipeline_mode = #tpu.pipeline_mode<synchronous>, transform_indices = @transform_3, window_bounds = array<i64: 1, 64>}, {pipeline_mode = #tpu.pipeline_mode<synchronous>, transform_indices = @transform_4, window_bounds = array<i64: 1, 64>}, {pipeline_mode = #tpu.pipeline_mode<synchronous>, transform_indices = @transform_5, window_bounds = array<i64: 64, 32>}, {pipeline_mode = #tpu.pipeline_mode<synchronous>, transform_indices = @transform_6, window_bounds = array<i64: 1, 32>}, {transform_indices = @transform_7, window_bounds = array<i64: 512, 64>}, {transform_indices = @transform_8, window_bounds = array<i64: 512, 32>}]} {
    %get3A = arith.constant 0 : index
    %get3A_0 = arith.constant 0 : index
    %get3A_1 = arith.constant 0 : index
    %get3A_2 = vector.load %arg1[%get3A, %get3A_0, %get3A_1] : memref<2x512x128xf32, #tpu.memory_space<vmem>>, vector<1x512x128xf32>
    %get3A_3 = vector.shape_cast %get3A_2 : vector<1x512x128xf32> to vector<512x128xf32>
    %get3A_4 = arith.constant 1 : index
    %get3A_5 = arith.constant 0 : index
    %get3A_6 = arith.constant 0 : index
    %get3A_7 = vector.load %arg1[%get3A_4, %get3A_5, %get3A_6] : memref<2x512x128xf32, #tpu.memory_space<vmem>>, vector<1x512x128xf32>
    %get3A_8 = vector.shape_cast %get3A_7 : vector<1x512x128xf32> to vector<512x128xf32>
    %add3A = arith.addf %get3A_3, %get3A_8 : vector<512x128xf32>
    %max3A = arith.constant 0.000000e+00 : f32
    %max3A_9 = vector.broadcast %max3A : f32 to vector<512x128xf32>
    %max3A_10 = arith.maximumf %add3A, %max3A_9 : vector<512x128xf32>
    %get3A_11 = arith.constant 0 : index
    %get3A_12 = arith.constant 0 : index
    %get3A_13 = vector.load %arg3[%get3A_11, %get3A_12] : memref<128x64xf32, #tpu.memory_space<vmem>>, vector<128x64xf32>
    %dot_general3A = arith.constant dense<0.000000e+00> : vector<512x64xf32>
    %dot_general3A_14 = tpu.matmul %max3A_10, %get3A_13, %dot_general3A {dimension_numbers = #tpu.dot_dimension_numbers<[1], [0], [0], [1], [0, 0, 1, 1], [], []>, transpose_lhs_hint = false} : vector<512x128xf32>, vector<128x64xf32>, vector<512x64xf32> -> vector<512x64xf32>
    %get3A_15 = arith.constant 0 : index
    %get3A_16 = arith.constant 0 : index
    %get3A_17 = vector.load %arg4[%get3A_15, %get3A_16] : memref<1x64xf32, #tpu.memory_space<vmem>>, vector<1x64xf32>
    %add3A_18 = vector.broadcast %get3A_17 : vector<1x64xf32> to vector<512x64xf32>
    %add3A_19 = arith.addf %dot_general3A_14, %add3A_18 : vector<512x64xf32>
    %swap3A = arith.constant 0 : index
    %swap3A_20 = arith.constant 0 : index
    %swap3A_21 = vector.load %arg8[%swap3A, %swap3A_20] : memref<512x64xf32, #tpu.memory_space<vmem>>, vector<512x64xf32>
    tpu.vector_store %arg8[%swap3A, %swap3A_20], %add3A_19 {strides = array<i32>} : memref<512x64xf32, #tpu.memory_space<vmem>>, vector<512x64xf32>,
    %get3A_22 = arith.constant 0 : index
    %get3A_23 = arith.constant 0 : index
    %get3A_24 = arith.constant 0 : index
    %get3A_25 = vector.load %arg2[%get3A_22, %get3A_23, %get3A_24] : memref<2x512x128xf32, #tpu.memory_space<vmem>>, vector<1x512x64xf32>
    %get3A_26 = vector.shape_cast %get3A_25 : vector<1x512x64xf32> to vector<512x64xf32>
    %get3A_27 = arith.constant 1 : index
    %get3A_28 = arith.constant 0 : index
    %get3A_29 = arith.constant 0 : index
    %get3A_30 = vector.load %arg2[%get3A_27, %get3A_28, %get3A_29] : memref<2x512x128xf32, #tpu.memory_space<vmem>>, vector<1x512x64xf32>
    %get3A_31 = vector.shape_cast %get3A_30 : vector<1x512x64xf32> to vector<512x64xf32>
    %add3A_32 = arith.addf %get3A_26, %get3A_31 : vector<512x64xf32>
    %get3A_33 = arith.constant 0 : index
    %get3A_34 = arith.constant 0 : index
    %get3A_35 = vector.load %arg5[%get3A_33, %get3A_34] : memref<1x64xf32, #tpu.memory_space<vmem>>, vector<1x64xf32>
    %add3A_36 = vector.broadcast %get3A_35 : vector<1x64xf32> to vector<512x64xf32>
    %add3A_37 = arith.addf %add3A_32, %add3A_36 : vector<512x64xf32>
    %max3A_38 = arith.constant 0.000000e+00 : f32
    %max3A_39 = vector.broadcast %max3A_38 : f32 to vector<512x64xf32>
    %max3A_40 = arith.maximumf %add3A_37, %max3A_39 : vector<512x64xf32>
    %get3A_41 = arith.constant 0 : index
    %get3A_42 = arith.constant 0 : index
    %get3A_43 = vector.load %arg6[%get3A_41, %get3A_42] : memref<64x32xf32, #tpu.memory_space<vmem>>, vector<64x32xf32>
    %dot_general3A_44 = arith.constant dense<0.000000e+00> : vector<512x32xf32>
    %dot_general3A_45 = tpu.matmul %max3A_40, %get3A_43, %dot_general3A_44 {dimension_numbers = #tpu.dot_dimension_numbers<[1], [0], [0], [1], [0, 0, 1, 1], [], []>, transpose_lhs_hint = false} : vector<512x64xf32>, vector<64x32xf32>, vector<512x32xf32> -> vector<512x32xf32>
    %get3A_46 = arith.constant 0 : index
    %get3A_47 = arith.constant 0 : index
    %get3A_48 = vector.load %arg7[%get3A_46, %get3A_47] : memref<1x32xf32, #tpu.memory_space<vmem>>, vector<1x32xf32>
    %add3A_49 = vector.broadcast %get3A_48 : vector<1x32xf32> to vector<512x32xf32>
    %add3A_50 = arith.addf %dot_general3A_45, %add3A_49 : vector<512x32xf32>
    %swap3A_51 = arith.constant 0 : index
    %swap3A_52 = arith.constant 0 : index
    %swap3A_53 = vector.load %arg9[%swap3A_51, %swap3A_52] : memref<512x32xf32, #tpu.memory_space<vmem>>, vector<512x32xf32>
    tpu.vector_store %arg9[%swap3A_51, %swap3A_52], %add3A_50 {strides = array<i32>} : memref<512x32xf32, #tpu.memory_space<vmem>>, vector<512x32xf32>,
    return
  }
  func.func @transform_0(%arg0: i32) -> (i32, i32, i32) {
    %c0_i32 = arith.constant 0 : i32
    %c0_i32_0 = arith.constant 0 : i32
    %c0_i32_1 = arith.constant 0 : i32
    return %c0_i32, %arg0, %c0_i32_0 : i32, i32, i32
  }
  func.func @transform_1(%arg0: i32) -> (i32, i32, i32) {
    %c0_i32 = arith.constant 0 : i32
    %c0_i32_0 = arith.constant 0 : i32
    %c0_i32_1 = arith.constant 0 : i32
    return %c0_i32, %arg0, %c0_i32_0 : i32, i32, i32
  }
  func.func @transform_2(%arg0: i32) -> (i32, i32) {
    %c0_i32 = arith.constant 0 : i32
    %c0_i32_0 = arith.constant 0 : i32
    %c0_i32_1 = arith.constant 0 : i32
    return %c0_i32, %c0_i32_0 : i32, i32
  }
  func.func @transform_3(%arg0: i32) -> (i32, i32) {
    %c0_i32 = arith.constant 0 : i32
    %c0_i32_0 = arith.constant 0 : i32
    %c0_i32_1 = arith.constant 0 : i32
    return %c0_i32, %c0_i32_0 : i32, i32
  }
  func.func @transform_4(%arg0: i32) -> (i32, i32) {
    %c0_i32 = arith.constant 0 : i32
    %c0_i32_0 = arith.constant 0 : i32
    %c0_i32_1 = arith.constant 0 : i32
    return %c0_i32, %c0_i32_0 : i32, i32
  }
  func.func @transform_5(%arg0: i32) -> (i32, i32) {
    %c0_i32 = arith.constant 0 : i32
    %c0_i32_0 = arith.constant 0 : i32
    %c0_i32_1 = arith.constant 0 : i32
    return %c0_i32, %c0_i32_0 : i32, i32
  }
  func.func @transform_6(%arg0: i32) -> (i32, i32) {
    %c0_i32 = arith.constant 0 : i32
    %c0_i32_0 = arith.constant 0 : i32
    %c0_i32_1 = arith.constant 0 : i32
    return %c0_i32, %c0_i32_0 : i32, i32
  }
  func.func @transform_7(%arg0: i32) -> (i32, i32) {
    %c0_i32 = arith.constant 0 : i32
    %c0_i32_0 = arith.constant 0 : i32
    return %arg0, %c0_i32 : i32, i32
  }
  func.func @transform_8(%arg0: i32) -> (i32, i32) {
    %c0_i32 = arith.constant 0 : i32
    %c0_i32_0 = arith.constant 0 : i32
    return %arg0, %c0_i32 : i32, i32
  }
}

</mosaic_0001>

<sc_bundles>
// kernel: gather_offload_async_start.1
scs
__scs_entry_jumppad:
0x0: {  	(pc) =	sbr.rel $0x88, $3  }
0x1: {  	(tag) =	ssettag $0x0;
	lr =	simm.s32 $0x1  }
0x2: {  	[smem:$0x3F8D] =	sst lr;
	_ =	strace $0xD0000000  }
0x3: {  	_ = 	snop  }
0x4: {  	_ = 	snop  }
0x5: {  	_ = 	snop  }
0x6: {  	_ = 	snop  }
0x7: {  	_ = 	snop  }
__scs_overlays_trampoline_lowered:
0x8: {  	[smem:$0x3F9C] =	sst s0  }
0x9: {  	[smem:$0x3F9D] =	sst s1  }
0xa: {  	[smem:$0x3F9E] =	sst s2  }
0xb: {  	[smem:$0x3F9F] =	sst s3  }
0xc: {  	[smem:$0x3FA0] =	sst s4  }
0xd: {  	[smem:$0x3FA1] =	sst s5  }
0xe: {  	[smem:$0x3FA2] =	sst s6  }
0xf: {  	[smem:$0x3FA3] =	sst s7  }
0x10: {  	[smem:$0x3FA4] =	sst s8  }
0x11: {  	[smem:$0x3FA5] =	sst s9;
	s0 =	simm.s32 @!p0 $0x0  }
0x12: {  	s1 =	sld [smem:$0x3F8B];
	s0 =	simm.s32 @p0 $0x1  }
0x13: {  	[smem:$0x3FA6] =	sst s0;
	s0 =	simm.s32 @!p1 $0x0  }
0x14: {  	s2 =	sld [smem:$0x3F8A];
	s0 =	simm.s32 @p1 $0x1  }
0x15: {  	[smem:$0x3FA7] =	sst s0;
	s0 =	simm.s32 @!p2 $0x0  }
0x16: {  	s3 =	sld [smem:$0x3FDB];
	s0 =	simm.s32 @p2 $0x1  }
0x17: {  	s4 =	simm.s32 $0x1BF5;
	[smem:$0x3FA9] =	sst s0  }
0x18: {  	s0 =	sld [smem:$0x3F8C];
	_ =	swait.ge [sflag:s4], $0x0  }
0x19: {  	s7 =	sld [smem:$0x3F8D]  }
0x1a: {  	s8 =	sadd.s32 $0xFFFFE003, lr  }
0x1b: {  	s9 =	sadd.s32 $0xFFFFFEF7, lr;
	s5 =	simm.s32 $0xFFFFFFFF;
	p2 =	slt.u32 s8, $0xFFFFF086  }
0x1c: {  	p1 =	slt.u32 s9, $0xF7A;
	s5 =	simm.s32 @!p2 $0x0  }
0x1d: {  	s5 =	simm.s32 @p1 $0x1;
	p0 =	seq.s32 s7, s2  }
0x1e: {  	s7 =	smul.u32 @!p0 $0xF7A, s2;
	p2 =	seq.s32 @!p0 s5, $0x0  }
0x1f: {  	s9 =	smul.u32 $0xF7A, s1;
	s8 =	simm.s32 @!p0 $0x1BF5;
	p2 =	por !p2, p0  }
0x20: {  	[sflag:s8] =	ssyncset.s32 @!p0 $0xFFFFF086;
	s6 =	sadd.s32 @!p0 s3, s7;
	s7 =	simm.s32 @!p0 $0x108  }
0x21: {  	s3 =	sadd.s32 s3, s9;
	s6 =	sadd.s32 @!p0 $0x88, s6;
	s7 =	simm.s32 @p2 $0x1082  }
0x22: {  	[simem:s7], [sflag:s8] =	dma.local @!p0 [hbm:s6], $0xF7A  }
0x23: {  	s9 =	sor.u32 $0xD0000000, s2;
	s6 =	simm.s32 $0x108;
	_ =	swait.ge @!p0 [sflag:s8], $0x0  }
0x24: {  	s3 =	sadd.s32 $0x88, s3;
	s6 =	simm.s32 @!p1 $0x1082;
	[sflag:s4] =	ssyncset.s32 $0xFFFFF086  }
0x25: {  	[simem:s6], [sflag:s4] =	dma.local [hbm:s3], $0xF7A  }
0x26: {  	[smem:$0x3F8D] =	sst s1;
	(tag) =	ssettag s2;
	_ =	strace s9  }
0x27: {  	s1 =	sld [smem:$0x3F9D]  }
0x28: {  	s2 =	sld [smem:$0x3F9E]  }
0x29: {  	s4 =	sld [smem:$0x3FA0]  }
0x2a: {  	p0 =	seq.s32 s5, $0x0;
	s5 =	sld [smem:$0x3FA1]  }
0x2b: {  	s6 =	sld [smem:$0x3FA2]  }
0x2c: {  	s7 =	sld [smem:$0x3FA3]  }
0x2d: {  	s3 =	simm.s32 $0x108;
	s8 =	sld [smem:$0x3FA4]  }
0x2e: {  	s3 =	simm.s32 @!p0 $0x1082;
	s9 =	sld [smem:$0x3FA5]  }
0x2f: {  	lr =	sadd.s32 s0, s3;
	s0 =	sld [smem:$0x3F9C]  }
0x30: {  	s3 =	sld [smem:$0x3F9F]  }
0x31: {  	[smem:$0x3FA8] =	sst s10  }
0x32: {  	s10 =	sld [smem:$0x3FA6];
	_ =	sdelay $0x3  }
0x33: {  	p0 =	seq.s32 s10, $0x1;
	s10 =	sld [smem:$0x3FA8];
	_ =	sdelay $0x3  }
0x34: {  	[smem:$0x3FA8] =	sst s10  }
0x35: {  	s10 =	sld [smem:$0x3FA7];
	_ =	sdelay $0x3  }
0x36: {  	p1 =	seq.s32 s10, $0x1;
	s10 =	sld [smem:$0x3FA8];
	_ =	sdelay $0x3  }
0x37: {  	[smem:$0x3FA8] =	sst s10  }
0x38: {  	s10 =	sld [smem:$0x3FA9]  }
0x39: {  	_ = 	snop;
	(pc) =	sbr.ind lr, $3  }
0x3a: {  	_ = 	snop  }
0x3b: {  	_ = 	snop  }
0x3c: {  	p2 =	seq.s32 s10, $0x1;
	s10 =	sld [smem:$0x3FA8]  }
0x3d: {  	_ =	shalt  }
0x3e: {  	_ =	shalt  }
0x3f: {  	_ =	shalt  }
0x40: {  	_ =	shalt  }
0x41: {  	_ =	shalt  }
0x42: {  	_ =	shalt  }
0x43: {  	_ =	shalt  }
0x44: {  	_ =	shalt  }
0x45: {  	_ =	shalt  }
0x46: {  	_ =	shalt  }
0x47: {  	_ =	shalt  }
0x48: {  	_ =	shalt  }
0x49: {  	_ =	shalt  }
0x4a: {  	_ =	shalt  }
0x4b: {  	_ =	shalt  }
0x4c: {  	_ =	shalt  }
0x4d: {  	_ =	shalt  }
0x4e: {  	_ =	shalt  }
0x4f: {  	_ =	shalt  }
0x50: {  	_ =	shalt  }
0x51: {  	_ =	shalt  }
0x52: {  	_ =	shalt  }
0x53: {  	_ =	shalt  }
0x54: {  	_ =	shalt  }
0x55: {  	_ =	shalt  }
0x56: {  	_ =	shalt  }
0x57: {  	_ =	shalt  }
0x58: {  	_ =	shalt  }
0x59: {  	_ =	shalt  }
0x5a: {  	_ =	shalt  }
0x5b: {  	_ =	shalt  }
0x5c: {  	_ =	shalt  }
0x5d: {  	_ =	shalt  }
0x5e: {  	_ =	shalt  }
0x5f: {  	_ =	shalt  }
0x60: {  	_ =	shalt  }
0x61: {  	_ =	shalt  }
0x62: {  	_ =	shalt  }
0x63: {  	_ =	shalt  }
0x64: {  	_ =	shalt  }
0x65: {  	_ =	shalt  }
0x66: {  	_ =	shalt  }
0x67: {  	_ =	shalt  }
0x68: {  	_ =	shalt  }
0x69: {  	_ =	shalt  }
0x6a: {  	_ =	shalt  }
0x6b: {  	_ =	shalt  }
0x6c: {  	_ =	shalt  }
0x6d: {  	_ =	shalt  }
0x6e: {  	_ =	shalt  }
0x6f: {  	_ =	shalt  }
0x70: {  	_ =	shalt  }
0x71: {  	_ =	shalt  }
0x72: {  	_ =	shalt  }
0x73: {  	_ =	shalt  }
0x74: {  	_ =	shalt  }
0x75: {  	_ =	shalt  }
0x76: {  	_ =	shalt  }
0x77: {  	_ =	shalt  }
0x78: {  	_ =	shalt  }
0x79: {  	_ =	shalt  }
0x7a: {  	_ =	shalt  }
0x7b: {  	_ =	shalt  }
0x7c: {  	_ =	shalt  }
0x7d: {  	_ =	shalt  }
0x7e: {  	_ =	shalt  }
0x7f: {  	_ =	shalt  }
0x80: {  	_ =	shalt  }
0x81: {  	_ =	shalt  }
0x82: {  	_ =	shalt  }
0x83: {  	_ =	shalt  }
0x84: {  	_ =	shalt  }
0x85: {  	_ =	shalt  }
0x86: {  	_ =	shalt  }
0x87: {  	_ =	shalt  }
.Lfunc_end0:
.L_simem_size_0:
called_computation.1_lowered:
.L_overlay_start_0:
0x88: {  	s2 =	sld [smem:$0x3FD9]  }
0x89: {  	s3 =	sld [smem:$0x3FFE];
	_ =	sdelay $0x1  }
0x8a: {  	s1 =	srdreg.scid  }
0x8b: {  	s0 =	sand.u32 $0x1, s1  }
0x8c: {  	s16 =	sshll.u32 s0, $0xA;
	s2 =	sadd.s32 s3, s2  }
0x8d: {  	s2 =	sadd.s32 s2, s16  }
0x8e: {  	[smem:$0x3FB4] =	sst s2  }
0x8f: {  	_ = 	snop  }
0x90: {  	(tm) =	ssettm $0x1  }
0x91: {  	s17 =	sld [smem:$0x3FFB];
	_ =	sdelay $0x3  }
0x92: {  	_ =	strace s17  }
0x93: {  	s2 =	sld [smem:$0x3FFC];
	_ =	sdelay $0x3  }
0x94: {  	_ =	strace s2  }
0x95: {  	s2 =	sld [smem:$0x3FFD];
	_ =	sdelay $0x3  }
0x96: {  	_ =	strace s2  }
0x97: {  	_ =	strace $0x8FFFFFFF  }
0x98: {  	s18 =	sld [smem:$0x3FDB];
	_ =	sdelay $0x1  }
0x99: {  	s19 =	simm.s32 $_scs_section_size  }
0x9a: {  	s4 =	simm.s32 $_size__tile_overlayer_lowered;
	s5 =	simm.s32 $_tile_overlayer_lowered  }
0x9b: {  	s22 =	simm.s32 $0x1BFF;
	s21 =	sshll.u32 s5, $0x1;
	s2 =	sadd.s32 s19, s18  }
0x9c: {  	s6 =	simm.s32 $0x0;
	s20 =	sshll.u32 s4, $0x1;
	s4 =	sadd.s32 s21, s2  }
0x9d: {  	[timem:s6], [sflag:s22] =	dma.local [hbm:s4], s20  }
0x9e: {  	_ =	swait.ge [sflag:s22], s20  }
0x9f: {  	s3 =	ssub.s32 $0x0, s20;
	[sflag:s22] =	ssyncset.done $0x0  }
0xa0: {  	[sflag:s22] =	ssyncadd.s32 s3;
	_ =	sdelay $0x1  }
0xa1: {  	s23 =	simm.s32 $0x1B8B  }
0xa2: {  	_ =	swait.ge [sflag:s23], $0x1  }
0xa3: {  	[sflag:s23] =	ssyncset.done $0x0  }
0xa4: {  	s25 =	simm.s32 $0x1B8E;
	s24 =	sld [smem:$0x3FFE];
	[sflag:s23] =	ssyncadd.s32 $0xFFFFFFFF  }
0xa5: {  	s26 =	simm.s32 $execute0_lowered;
	[smem:$0x3FD2] =	sst s25  }
0xa6: {  	s4 =	sshll.u32 s26, $0x1;
	_ =	strace $0x80000046;
	[dreg:$0x1] =	wrdreg $0xFFFFFFFF  }
0xa7: {  	s28 =	simm.s32 $_size_execute0_lowered;
	s2 =	sadd.s32 s2, s4;
	[dreg:$0x0] =	wrdreg $0x0  }
0xa8: {  	s4 =	sshll.u32 s28, $0x1;
	[dreg:$0x2] =	wrdreg s2  }
0xa9: {  	[dreg:$0x3] =	wrdreg s4  }
0xaa: {  	[dreg:$0x4] =	wrdreg $0xC0  }
0xab: {  	_ =	task [dreg:s6], $0x5FFFF  }
0xac: {  	[dreg:$0x1] =	wrdreg $0xFFFFFFFF  }
0xad: {  	[dreg:$0x0] =	wrdreg $0x60  }
0xae: {  	[dreg:$0x2] =	wrdreg s24  }
0xaf: {  	[dreg:$0x3] =	wrdreg $0x9  }
0xb0: {  	_ =	task.clear_ibuf [dreg:s6], $0x4FFFF;
	_ =	strace $0x90000046  }
0xb1: {  	s29 =	simm.s32 $0x9;
	_ =	strace $0x80000048  }
0xb2: {  	_ =	swait.ge [sflag:s29], $0x1  }
0xb3: {  	[sflag:s29] =	ssyncadd.s32 $0xFFFFFFFF  }
0xb4: {  	_ =	strace $0x90000048  }
0xb5: {  	_ =	sfence  }
0xb6: {  	s30 =	sld [smem:$0x0];
	_ =	sdelay $0x2  }
0xb7: {  	s31 =	sshll.u32 s1, $0xD;
	s1 =	sshrl.u32 s1, $0x2  }
0xb8: {  	s3 =	sand.u32 $0x4000, s31;
	s1 =	sadd.s32 s1, s30  }
0xb9: {  	s0 =	sor.u32 s3, s0;
	s1 =	sshll.u32 s1, $0x11  }
0xba: {  	s0 =	sor.u32 s1, s0  }
0xbb: {  	s0 =	sadd.s32 $0x8F2B, s0  }
0xbc: {  	[sflag:s0] =	ssyncadd.remote.s32 $0x1  }
0xbd: {  	_ =	sfence.sel $0xFFFF  }
0xbe: {  	[dreg:$0x0] =	wrdreg $0xFFFFFFFF;
	(pc) =	sbr.abs _section_cstart, $3  }
0xbf: {  	[dreg:$0x1] =	wrdreg $0xFFFFFFFF  }
0xc0: {  	_ =	task.clear_ibuf [dreg:s6], $0x2FFFF;
	_ =	strace $0x9FFFFFFF  }
0xc1: {  	(tm) =	ssettm $0x7FFFFFFF  }
tec
execute0_lowered:
.L_overlay_start_1:
0x0: {  	(tag) =	ssettag $0x1  }
0x1: {  	s0 =	srdreg.scid;
	s5 =	rddreg [dreg:$0x0]  }
0x2: {  	s1 =	stileid.u32;
	s6 =	simm.s32 $0x1;
	s9 =	simm.s32 $0x1  }
0x3: {  	s10 =	simm.s32 $0x3;
	s13 =	simm.s32 $0x0;
	s2 =	sshll.u32 s0, $0xA  }
0x4: {  	s12 =	simm.s32 $0x0;
	s3 =	sshll.u32 s1, $0xB;
	s2 =	sand.u32 $0x400, s2  }
0x5: {  	s0 =	rddreg [dreg:$0x1];
	_ =	strace $0x80000047;
	s2 =	sor.u32 s3, s2  }
0x6: {  	s4 =	sadd.s32 $0x5200, s5;
	[sflag:s6] =	ssyncpa.u1 $0x0;
	s8 =	ssub.s32 $0x10000, s2  }
.Ltmp0:
0x7: {  	s3 =	sadd.s32 $0x1200, s5;
	s7 =	sand.u32 $0x7C00, s8;
	(pc) =	sbr.rel .LBB2_1-.Ltmp0, $4  }
0x8: {  	s5 =	sadd.s32 $0x1A400, s5;
	s11 =	smov.u32 s2;
	p0 =	sne.s32 s7, $0x0  }
0x9: {  	s8 =	sshrl.u32 s8, $0xF;
	s7 =	simm.s32 $0x2;
	s9 =	simm.s32 @!p0 $0x0  }
0xa: {  	[sflag:s7] =	ssyncpa.u1 $0x0;
	p0 =	por $0x0, $0x0;
	s8 =	sadd.s32 s9, s8  }
0xb: {  	vm0 =	vmmov $0xffff;
	[sflag:s10] =	ssyncpa.u1 $0x0;
	s10 =	simm.s32 $0x0;
	s9 =	sadd.s32 $0x1, s8  }
.LBB2_4:
0xc: {  	v2 =	vnsel vm1, $0x0, v2  }
0xd: {  	vm1 =	vgt.s32 v0, $0x0;
	v2 =	vmin.u32 v2, $0xFFFF  }
0xe: {  	v0 =	vnsel vm1, $0x0, v0  }
0xf: {  	v0 =	vmin.u32 v0, $0xFFFF  }
0x10: {  	[tilespmem:s15], [sflag:$0x1] =	stream.indirect_vreg.gather [hbm4b:s3+s10], $0x1, v1, vm0, $0x4038;
	[tilespmem:$0x1000] =	vst v63  }
0x11: {  	(ifvalue) =	ssetifvalue $0x7FFFFFFF  }
0x12: {  	[tilespmem:s16], [sflag:$0x1] =	stream.indirect_vreg.gather [hbm4b:s3+s10], $0x1, v2, vm0, $0x4038;
	[tilespmem:$0x1000] =	vst v63  }
0x13: {  	s29 =	sadd.s32 $0x10, s16;
	(ifvalue) =	ssetifvalue $0x7FFFFFFF  }
0x14: {  	[tilespmem:s29], [sflag:$0x1] =	stream.indirect_vreg.gather [hbm4b:s3+s10], $0x1, v0, vm0, $0x4038;
	[tilespmem:$0x1000] =	vst v63  }
0x15: {  	_ =	swait.ge [sflag:s6], $0x400  }
0x16: {  	s30 =	sshrl.u32 s13, $0x3;
	[sflag:s6] =	ssyncset.done $0x0  }
0x17: {  	s31 =	sand.u32 $0x7, s13;
	s15 =	sadd.s32 s5, s30;
	[sflag:s6] =	ssyncadd.s32 $0xFFFFFC00  }
0x18: {  	[hbm4b:s15+s31] =	stream.linear.scatter [tilespmem:s14], [sflag:$0x3], $0x400, $0x38;
	[tilespmem:$0x1000] =	vst v63  }
.LBB2_5:
0x19: {  	s15 =	sadd.s32 $0x8000, s11  }
0x1a: {  	p2 =	sgt.s32 s15, $0xFFFF  }
0x1b: {  	s15 =	smov.u32 @p2 s2;
	p2 =	sne.s32 s12, s9  }
.Ltmp1:
0x1c: {  	p1 =	slt.u32 s12, $0x2;
	(pc) =	sbr.rel @!p2 .LBB2_6-.Ltmp1, $4  }
0x1d: {  	s14 =	simm.s32 @!p1 $0x3  }
0x1e: {  	s16 =	sadd.s32 $0x1, s12;
	_ =	swait.ge @!p1 [sflag:s14], $0x400  }
0x1f: {  	s13 =	smov.u32 s11;
	p0 =	por !p0, !p0;
	[sflag:s14] =	ssyncset.done @!p1 $0x0  }
0x20: {  	s12 =	smov.u32 s16;
	s11 =	smov.u32 s15;
	[sflag:s14] =	ssyncadd.s32 @!p1 $0xFFFFFC00  }
.LBB2_1:
0x21: {  	p1 =	sge.u32 s12, s8  }
0x22: {  	s14 =	sxor.u32 @!p1 $0xFFFFFFFF, s12  }
0x23: {  	s31 =	sadd.s32 $0xFFFFFFFF, s12;
	s15 =	sshrl.u32 @!p1 s11, $0x3;
	s14 =	sshll.u32 @!p1 s14, $0xA  }
0x24: {  	s16 =	sand.u32 @!p1 $0x7, s11;
	s15 =	sadd.s32 @!p1 s4, s15;
	s14 =	sand.u32 @!p1 $0x400, s14  }
0x25: {  	[tilespmem:s14], [sflag:$0x2] =	stream.linear.gather @!p1 [hbm4b:s15+s16], $0x400, $0x38;
	[tilespmem:$0x1000] =	vst v63  }
0x26: {  	p1 =	sge.u32 s31, s8  }
.Ltmp2:
0x27: {  	_ = 	snop;
	(pc) =	sbr.rel @p1 .LBB2_5-.Ltmp2, $1  }
0x28: {  	_ =	sdelay $0x3  }
0x29: {  	s14 =	simm.s32 $0x1  }
0x2a: {  	_ =	swait.ge [sflag:s7], $0x400;
	s14 =	simm.s32 @!p0 $0x0  }
0x2b: {  	[sflag:s7] =	ssyncset.done $0x0;
	s14 =	sshll.u32 s14, $0xA  }
0x2c: {  	[sflag:s7] =	ssyncadd.s32 $0xFFFFFC00;
	(ifvalue) =	ssetifvalue $0x7FFFFFFF;
	v0 =	vld.msk [tilespmem:s14+$0x0 ss:$0x1], $0xffff;
	_ =	sdelay $0x4  }
0x2d: {  	s15 =	sadd.s32 $0x10, s14;
	vm1 =	vgt.s32 v0, $0x0  }
0x2e: {  	v2 =	vld.msk [tilespmem:s15+$0x0 ss:$0x1], $0xffff;
	v1 =	vnsel vm1, $0x0, v0  }
0x2f: {  	v1 =	vmin.u32 v1, $0xFFFF;
	_ =	sdelay $0x1  }
0x30: {  	s16 =	sshll.u32 s12, $0xA;
	s18 =	simm.s32 $0x20  }
0x31: {  	s16 =	sand.u32 $0x400, s16;
	s17 =	sadd.s32 $0x10, s15;
	s15 =	sor.u32 $0x800, s14  }
0x32: {  	s14 =	sor.u32 $0x800, s16;
	s16 =	sadd.s32 $0x10, s15;
	v0 =	vld.msk [tilespmem:s17+$0x0 ss:$0x1], $0xffff;
	vm1 =	vgt.s32 v2, $0x0;
	(ifvalue) =	ssetifvalue $0x7FFFFFFF  }
.LBB2_3:
0x33: {  	[tilespmem:s15], [sflag:$0x1] =	stream.indirect_vreg.gather [hbm4b:s3+s10], $0x1, v1, vm0, $0x4038;
	[tilespmem:$0x1000] =	vst v63  }
0x34: {  	s18 =	sadd.s32 $0x10, s18  }
0x35: {  	v2 =	vnsel vm1, $0x0, v2;
	p1 =	slt.u32 s18, $0x3F0  }
.Ltmp3:
0x36: {  	s15 =	smov.u32 s16;
	v1 =	vmin.u32 v2, $0xFFFF;
	(pc) =	sbr.rel @p1 .LBB2_3-.Ltmp3, $3  }
0x37: {  	_ =	sdelay $0x1  }
0x38: {  	s17 =	sadd.s32 $0x10, s17  }
0x39: {  	vm1 =	vgt.s32 v0, $0x0;
	s16 =	sadd.s32 $0x10, s16;
	v2 =	vmov v0;
	(ifvalue) =	ssetifvalue $0x7FFFFFFF;
	v0 =	vld.msk [tilespmem:s17+$0x0 ss:$0x1], $0xffff  }
.Ltmp4:
0x3a: {  	_ = 	snop;
	(pc) =	sbr.rel .LBB2_4-.Ltmp4, $1  }
0x3b: {  	_ =	sdelay $0x3  }
.LBB2_6:
0x3c: {  	_ =	sfence.sel $0x180000  }
0x3d: {  	s2 =	simm.s32 $0x2;
	[bflag:$0x0] =	sbarrier.arrive $0xFFFF  }
0x3e: {  	s30 =	simm.s32 $0x3;
	[sflag:s2] =	ssyncpa.u1 $0x1  }
0x3f: {  	s31 =	simm.s32 $0x1;
	[sflag:s30] =	ssyncpa.u1 $0x1  }
0x40: {  	[sflag:s31] =	ssyncpa.u1 $0x1  }
0x41: {  	p0 =	sne.s32 s1, $0x0;
	_ =	strace $0x90000047  }
0x42: {  	s0 =	sadd.s32 @!p0 $0x100000, s0;
	[bflag:$0x2] =	sbarrier.arrive $0xFFFF  }
0x43: {  	[sflag:s0] =	ssyncadd.tile.s32 @!p0 $0x1;
	_ =	shalt  }
.Lfunc_end2:
_tile_overlayer_lowered:
.L_overlay_start_2:
0x44: {  	(tag) =	ssettag $0x2  }
0x45: {  	s0 =	rddreg [dreg:$0x0];
	s2 =	stileid.u32  }
0x46: {  	s1 =	rddreg [dreg:$0x1];
	p0 =	sne.s32 s2, $0x0  }
0x47: {  	s3 =	rddreg [dreg:$0x2];
	[bflag:$0x3] =	sbarrier.arrive $0xFFFF;
	s2 =	simm.s32 @!p0 $0x1C01  }
0x48: {  	[timem:s3], [sflag:s2] =	dma.local @!p0 [hbm:s0], s1  }
0x49: {  	s0 =	simm.s32 @!p0 $0x1  }
0x4a: {  	_ =	swait.ge @!p0 [sflag:s0], s1  }
0x4b: {  	s1 =	ssub.s32 @!p0 $0x0, s1;
	[sflag:s0] =	ssyncset.done @!p0 $0x0  }
0x4c: {  	[sflag:s0] =	ssyncadd.s32 @!p0 s1  }
0x4d: {  	[bflag:$0x3] =	sbarrier.arrive $0xFFFF  }
0x4e: {  	_ =	shalt  }

// kernel: gather_offload_async_start.2
scs
__scs_entry_jumppad:
0x0: {  	(pc) =	sbr.rel $0x88, $3  }
0x1: {  	(tag) =	ssettag $0x0;
	lr =	simm.s32 $0x1  }
0x2: {  	[smem:$0x3F8D] =	sst lr;
	_ =	strace $0xD0000000  }
0x3: {  	_ = 	snop  }
0x4: {  	_ = 	snop  }
0x5: {  	_ = 	snop  }
0x6: {  	_ = 	snop  }
0x7: {  	_ = 	snop  }
__scs_overlays_trampoline_lowered:
0x8: {  	[smem:$0x3F9C] =	sst s0  }
0x9: {  	[smem:$0x3F9D] =	sst s1  }
0xa: {  	[smem:$0x3F9E] =	sst s2  }
0xb: {  	[smem:$0x3F9F] =	sst s3  }
0xc: {  	[smem:$0x3FA0] =	sst s4  }
0xd: {  	[smem:$0x3FA1] =	sst s5  }
0xe: {  	[smem:$0x3FA2] =	sst s6  }
0xf: {  	[smem:$0x3FA3] =	sst s7  }
0x10: {  	[smem:$0x3FA4] =	sst s8  }
0x11: {  	[smem:$0x3FA5] =	sst s9;
	s0 =	simm.s32 @!p0 $0x0  }
0x12: {  	s1 =	sld [smem:$0x3F8B];
	s0 =	simm.s32 @p0 $0x1  }
0x13: {  	[smem:$0x3FA6] =	sst s0;
	s0 =	simm.s32 @!p1 $0x0  }
0x14: {  	s2 =	sld [smem:$0x3F8A];
	s0 =	simm.s32 @p1 $0x1  }
0x15: {  	[smem:$0x3FA7] =	sst s0;
	s0 =	simm.s32 @!p2 $0x0  }
0x16: {  	s3 =	sld [smem:$0x3FDB];
	s0 =	simm.s32 @p2 $0x1  }
0x17: {  	s4 =	simm.s32 $0x1BF5;
	[smem:$0x3FA9] =	sst s0  }
0x18: {  	s0 =	sld [smem:$0x3F8C];
	_ =	swait.ge [sflag:s4], $0x0  }
0x19: {  	s7 =	sld [smem:$0x3F8D]  }
0x1a: {  	s8 =	sadd.s32 $0xFFFFE003, lr  }
0x1b: {  	s9 =	sadd.s32 $0xFFFFFEF7, lr;
	s5 =	simm.s32 $0xFFFFFFFF;
	p2 =	slt.u32 s8, $0xFFFFF086  }
0x1c: {  	p1 =	slt.u32 s9, $0xF7A;
	s5 =	simm.s32 @!p2 $0x0  }
0x1d: {  	s5 =	simm.s32 @p1 $0x1;
	p0 =	seq.s32 s7, s2  }
0x1e: {  	s7 =	smul.u32 @!p0 $0xF7A, s2;
	p2 =	seq.s32 @!p0 s5, $0x0  }
0x1f: {  	s9 =	smul.u32 $0xF7A, s1;
	s8 =	simm.s32 @!p0 $0x1BF5;
	p2 =	por !p2, p0  }
0x20: {  	[sflag:s8] =	ssyncset.s32 @!p0 $0xFFFFF086;
	s6 =	sadd.s32 @!p0 s3, s7;
	s7 =	simm.s32 @!p0 $0x108  }
0x21: {  	s3 =	sadd.s32 s3, s9;
	s6 =	sadd.s32 @!p0 $0x88, s6;
	s7 =	simm.s32 @p2 $0x1082  }
0x22: {  	[simem:s7], [sflag:s8] =	dma.local @!p0 [hbm:s6], $0xF7A  }
0x23: {  	s9 =	sor.u32 $0xD0000000, s2;
	s6 =	simm.s32 $0x108;
	_ =	swait.ge @!p0 [sflag:s8], $0x0  }
0x24: {  	s3 =	sadd.s32 $0x88, s3;
	s6 =	simm.s32 @!p1 $0x1082;
	[sflag:s4] =	ssyncset.s32 $0xFFFFF086  }
0x25: {  	[simem:s6], [sflag:s4] =	dma.local [hbm:s3], $0xF7A  }
0x26: {  	[smem:$0x3F8D] =	sst s1;
	(tag) =	ssettag s2;
	_ =	strace s9  }
0x27: {  	s1 =	sld [smem:$0x3F9D]  }
0x28: {  	s2 =	sld [smem:$0x3F9E]  }
0x29: {  	s4 =	sld [smem:$0x3FA0]  }
0x2a: {  	p0 =	seq.s32 s5, $0x0;
	s5 =	sld [smem:$0x3FA1]  }
0x2b: {  	s6 =	sld [smem:$0x3FA2]  }
0x2c: {  	s7 =	sld [smem:$0x3FA3]  }
0x2d: {  	s3 =	simm.s32 $0x108;
	s8 =	sld [smem:$0x3FA4]  }
0x2e: {  	s3 =	simm.s32 @!p0 $0x1082;
	s9 =	sld [smem:$0x3FA5]  }
0x2f: {  	lr =	sadd.s32 s0, s3;
	s0 =	sld [smem:$0x3F9C]  }
0x30: {  	s3 =	sld [smem:$0x3F9F]  }
0x31: {  	[smem:$0x3FA8] =	sst s10  }
0x32: {  	s10 =	sld [smem:$0x3FA6];
	_ =	sdelay $0x3  }
0x33: {  	p0 =	seq.s32 s10, $0x1;
	s10 =	sld [smem:$0x3FA8];
	_ =	sdelay $0x3  }
0x34: {  	[smem:$0x3FA8] =	sst s10  }
0x35: {  	s10 =	sld [smem:$0x3FA7];
	_ =	sdelay $0x3  }
0x36: {  	p1 =	seq.s32 s10, $0x1;
	s10 =	sld [smem:$0x3FA8];
	_ =	sdelay $0x3  }
0x37: {  	[smem:$0x3FA8] =	sst s10  }
0x38: {  	s10 =	sld [smem:$0x3FA9]  }
0x39: {  	_ = 	snop;
	(pc) =	sbr.ind lr, $3  }
0x3a: {  	_ = 	snop  }
0x3b: {  	_ = 	snop  }
0x3c: {  	p2 =	seq.s32 s10, $0x1;
	s10 =	sld [smem:$0x3FA8]  }
0x3d: {  	_ =	shalt  }
0x3e: {  	_ =	shalt  }
0x3f: {  	_ =	shalt  }
0x40: {  	_ =	shalt  }
0x41: {  	_ =	shalt  }
0x42: {  	_ =	shalt  }
0x43: {  	_ =	shalt  }
0x44: {  	_ =	shalt  }
0x45: {  	_ =	shalt  }
0x46: {  	_ =	shalt  }
0x47: {  	_ =	shalt  }
0x48: {  	_ =	shalt  }
0x49: {  	_ =	shalt  }
0x4a: {  	_ =	shalt  }
0x4b: {  	_ =	shalt  }
0x4c: {  	_ =	shalt  }
0x4d: {  	_ =	shalt  }
0x4e: {  	_ =	shalt  }
0x4f: {  	_ =	shalt  }
0x50: {  	_ =	shalt  }
0x51: {  	_ =	shalt  }
0x52: {  	_ =	shalt  }
0x53: {  	_ =	shalt  }
0x54: {  	_ =	shalt  }
0x55: {  	_ =	shalt  }
0x56: {  	_ =	shalt  }
0x57: {  	_ =	shalt  }
0x58: {  	_ =	shalt  }
0x59: {  	_ =	shalt  }
0x5a: {  	_ =	shalt  }
0x5b: {  	_ =	shalt  }
0x5c: {  	_ =	shalt  }
0x5d: {  	_ =	shalt  }
0x5e: {  	_ =	shalt  }
0x5f: {  	_ =	shalt  }
0x60: {  	_ =	shalt  }
0x61: {  	_ =	shalt  }
0x62: {  	_ =	shalt  }
0x63: {  	_ =	shalt  }
0x64: {  	_ =	shalt  }
0x65: {  	_ =	shalt  }
0x66: {  	_ =	shalt  }
0x67: {  	_ =	shalt  }
0x68: {  	_ =	shalt  }
0x69: {  	_ =	shalt  }
0x6a: {  	_ =	shalt  }
0x6b: {  	_ =	shalt  }
0x6c: {  	_ =	shalt  }
0x6d: {  	_ =	shalt  }
0x6e: {  	_ =	shalt  }
0x6f: {  	_ =	shalt  }
0x70: {  	_ =	shalt  }
0x71: {  	_ =	shalt  }
0x72: {  	_ =	shalt  }
0x73: {  	_ =	shalt  }
0x74: {  	_ =	shalt  }
0x75: {  	_ =	shalt  }
0x76: {  	_ =	shalt  }
0x77: {  	_ =	shalt  }
0x78: {  	_ =	shalt  }
0x79: {  	_ =	shalt  }
0x7a: {  	_ =	shalt  }
0x7b: {  	_ =	shalt  }
0x7c: {  	_ =	shalt  }
0x7d: {  	_ =	shalt  }
0x7e: {  	_ =	shalt  }
0x7f: {  	_ =	shalt  }
0x80: {  	_ =	shalt  }
0x81: {  	_ =	shalt  }
0x82: {  	_ =	shalt  }
0x83: {  	_ =	shalt  }
0x84: {  	_ =	shalt  }
0x85: {  	_ =	shalt  }
0x86: {  	_ =	shalt  }
0x87: {  	_ =	shalt  }
.Lfunc_end0:
.L_simem_size_0:
called_computation.2_lowered:
.L_overlay_start_0:
0x88: {  	s2 =	sld [smem:$0x3FD9]  }
0x89: {  	s3 =	sld [smem:$0x3FFE];
	_ =	sdelay $0x1  }
0x8a: {  	s1 =	srdreg.scid  }
0x8b: {  	s0 =	sand.u32 $0x1, s1  }
0x8c: {  	s16 =	sshll.u32 s0, $0xA;
	s2 =	sadd.s32 s3, s2  }
0x8d: {  	s2 =	sadd.s32 s2, s16  }
0x8e: {  	[smem:$0x3FB4] =	sst s2  }
0x8f: {  	_ = 	snop  }
0x90: {  	(tm) =	ssettm $0x1  }
0x91: {  	s17 =	sld [smem:$0x3FFB];
	_ =	sdelay $0x3  }
0x92: {  	_ =	strace s17  }
0x93: {  	s2 =	sld [smem:$0x3FFC];
	_ =	sdelay $0x3  }
0x94: {  	_ =	strace s2  }
0x95: {  	s2 =	sld [smem:$0x3FFD];
	_ =	sdelay $0x3  }
0x96: {  	_ =	strace s2  }
0x97: {  	_ =	strace $0x8FFFFFFF  }
0x98: {  	s18 =	sld [smem:$0x3FDB];
	_ =	sdelay $0x1  }
0x99: {  	s19 =	simm.s32 $_scs_section_size  }
0x9a: {  	s4 =	simm.s32 $_size__tile_overlayer_lowered;
	s5 =	simm.s32 $_tile_overlayer_lowered  }
0x9b: {  	s22 =	simm.s32 $0x1BFF;
	s21 =	sshll.u32 s5, $0x1;
	s2 =	sadd.s32 s19, s18  }
0x9c: {  	s6 =	simm.s32 $0x0;
	s20 =	sshll.u32 s4, $0x1;
	s4 =	sadd.s32 s21, s2  }
0x9d: {  	[timem:s6], [sflag:s22] =	dma.local [hbm:s4], s20  }
0x9e: {  	_ =	swait.ge [sflag:s22], s20  }
0x9f: {  	s3 =	ssub.s32 $0x0, s20;
	[sflag:s22] =	ssyncset.done $0x0  }
0xa0: {  	[sflag:s22] =	ssyncadd.s32 s3;
	_ =	sdelay $0x1  }
0xa1: {  	s23 =	simm.s32 $0x1B8B  }
0xa2: {  	_ =	swait.ge [sflag:s23], $0x1  }
0xa3: {  	[sflag:s23] =	ssyncset.done $0x0  }
0xa4: {  	s25 =	simm.s32 $0x1B8E;
	s24 =	sld [smem:$0x3FFE];
	[sflag:s23] =	ssyncadd.s32 $0xFFFFFFFF  }
0xa5: {  	s26 =	simm.s32 $execute0_lowered;
	[smem:$0x3FD2] =	sst s25  }
0xa6: {  	s4 =	sshll.u32 s26, $0x1;
	_ =	strace $0x8000004F;
	[dreg:$0x1] =	wrdreg $0xFFFFFFFF  }
0xa7: {  	s28 =	simm.s32 $_size_execute0_lowered;
	s2 =	sadd.s32 s2, s4;
	[dreg:$0x0] =	wrdreg $0x0  }
0xa8: {  	s4 =	sshll.u32 s28, $0x1;
	[dreg:$0x2] =	wrdreg s2  }
0xa9: {  	[dreg:$0x3] =	wrdreg s4  }
0xaa: {  	[dreg:$0x4] =	wrdreg $0xC0  }
0xab: {  	_ =	task [dreg:s6], $0x5FFFF  }
0xac: {  	[dreg:$0x1] =	wrdreg $0xFFFFFFFF  }
0xad: {  	[dreg:$0x0] =	wrdreg $0x60  }
0xae: {  	[dreg:$0x2] =	wrdreg s24  }
0xaf: {  	[dreg:$0x3] =	wrdreg $0x9  }
0xb0: {  	_ =	task.clear_ibuf [dreg:s6], $0x4FFFF;
	_ =	strace $0x9000004F  }
0xb1: {  	s29 =	simm.s32 $0x9;
	_ =	strace $0x80000051  }
0xb2: {  	_ =	swait.ge [sflag:s29], $0x1  }
0xb3: {  	[sflag:s29] =	ssyncadd.s32 $0xFFFFFFFF  }
0xb4: {  	_ =	strace $0x90000051  }
0xb5: {  	_ =	sfence  }
0xb6: {  	s30 =	sld [smem:$0x0];
	_ =	sdelay $0x2  }
0xb7: {  	s31 =	sshll.u32 s1, $0xD;
	s1 =	sshrl.u32 s1, $0x2  }
0xb8: {  	s3 =	sand.u32 $0x4000, s31;
	s1 =	sadd.s32 s1, s30  }
0xb9: {  	s0 =	sor.u32 s3, s0;
	s1 =	sshll.u32 s1, $0x11  }
0xba: {  	s0 =	sor.u32 s1, s0  }
0xbb: {  	s0 =	sadd.s32 $0x8F2B, s0  }
0xbc: {  	[sflag:s0] =	ssyncadd.remote.s32 $0x1  }
0xbd: {  	_ =	sfence.sel $0xFFFF  }
0xbe: {  	[dreg:$0x0] =	wrdreg $0xFFFFFFFF;
	(pc) =	sbr.abs _section_cstart, $3  }
0xbf: {  	[dreg:$0x1] =	wrdreg $0xFFFFFFFF  }
0xc0: {  	_ =	task.clear_ibuf [dreg:s6], $0x2FFFF;
	_ =	strace $0x9FFFFFFF  }
0xc1: {  	(tm) =	ssettm $0x7FFFFFFF  }
tec
execute0_lowered:
.L_overlay_start_1:
0x0: {  	(tag) =	ssettag $0x1  }
0x1: {  	s0 =	srdreg.scid;
	s5 =	rddreg [dreg:$0x0]  }
0x2: {  	s1 =	stileid.u32;
	s6 =	simm.s32 $0x1;
	s9 =	simm.s32 $0x1  }
0x3: {  	s10 =	simm.s32 $0x3;
	s13 =	simm.s32 $0x0;
	s2 =	sshll.u32 s0, $0xA  }
0x4: {  	s12 =	simm.s32 $0x0;
	s3 =	sshll.u32 s1, $0xB;
	s2 =	sand.u32 $0x400, s2  }
0x5: {  	s0 =	rddreg [dreg:$0x1];
	_ =	strace $0x80000050;
	s2 =	sor.u32 s3, s2  }
0x6: {  	s4 =	sadd.s32 $0x1200, s5;
	[sflag:s6] =	ssyncpa.u1 $0x0;
	s8 =	ssub.s32 $0x10000, s2  }
.Ltmp0:
0x7: {  	s3 =	sadd.s32 $0x205200, s5;
	s7 =	sand.u32 $0x7C00, s8;
	(pc) =	sbr.rel .LBB2_1-.Ltmp0, $4  }
0x8: {  	s5 =	sadd.s32 $0x5200, s5;
	s11 =	smov.u32 s2;
	p0 =	sne.s32 s7, $0x0  }
0x9: {  	s8 =	sshrl.u32 s8, $0xF;
	s7 =	simm.s32 $0x2;
	s9 =	simm.s32 @!p0 $0x0  }
0xa: {  	[sflag:s7] =	ssyncpa.u1 $0x0;
	p0 =	por $0x0, $0x0;
	s8 =	sadd.s32 s9, s8  }
0xb: {  	vm0 =	vmmov $0xffff;
	[sflag:s10] =	ssyncpa.u1 $0x0;
	s10 =	simm.s32 $0x0;
	s9 =	sadd.s32 $0x1, s8  }
.LBB2_4:
0xc: {  	vm1 =	veq.s32 v0, $0x80000000;
	v63 =	vand.u32 $0xFFF, v0;
	v2 =	vand.u32 $0xFFF, v2  }
0xd: {  	v0 =	vsel vm1, $0xFFFFFFFF, v63;
	v2 =	vsel vm1, $0xFFFFFFFF, v2  }
0xe: {  	v3 =	vshll.u32 v0, $0xC;
	v4 =	vshll.u32 v2, $0x3  }
0xf: {  	v0 =	vshll.u32 v0, $0x7;
	v3 =	vand.u32 $0xFFFF8000, v3;
	v4 =	vand.u32 $0xFFFFFC00, v4  }
0x10: {  	v0 =	vand.u32 $0x380, v0;
	v3 =	vadd.s32 v3, v4  }
0x11: {  	v2 =	vand.u32 $0x7F, v2;
	v0 =	vor.u32 v0, v3  }
0x12: {  	v0 =	vor.u32 v2, v0;
	_ =	sdelay $0x1  }
0x13: {  	(ifvalue) =	ssetifvalue $0x7FFFFFFF;
	s14 =	sadd.s32 $0x10, s14  }
0x14: {  	[tilespmem:s14], [sflag:$0x1] =	stream.indirect_vreg.gather [hbm4b:s3+s10], $0x1, v1, vm0, $0x4038;
	[tilespmem:$0x1000] =	vst v63  }
0x15: {  	(ifvalue) =	ssetifvalue $0x7FFFFFFF;
	s14 =	sadd.s32 $0x10, s14  }
0x16: {  	[tilespmem:s14], [sflag:$0x1] =	stream.indirect_vreg.gather [hbm4b:s3+s10], $0x1, v0, vm0, $0x4038;
	[tilespmem:$0x1000] =	vst v63  }
0x17: {  	_ =	swait.ge [sflag:s6], $0x400  }
0x18: {  	s30 =	sshrl.u32 s13, $0x3;
	[sflag:s6] =	ssyncset.done $0x0  }
0x19: {  	s31 =	sand.u32 $0x7, s13;
	s14 =	sadd.s32 s5, s30;
	[sflag:s6] =	ssyncadd.s32 $0xFFFFFC00  }
0x1a: {  	[hbm4b:s14+s31] =	stream.linear.scatter [tilespmem:s15], [sflag:$0x3], $0x400, $0x38;
	[tilespmem:$0x1000] =	vst v63  }
.LBB2_5:
0x1b: {  	s15 =	sadd.s32 $0x8000, s11  }
0x1c: {  	p2 =	sgt.s32 s15, $0xFFFF  }
0x1d: {  	s15 =	smov.u32 @p2 s2;
	p2 =	sne.s32 s12, s9  }
.Ltmp1:
0x1e: {  	p1 =	slt.u32 s12, $0x2;
	(pc) =	sbr.rel @!p2 .LBB2_6-.Ltmp1, $4  }
0x1f: {  	s14 =	simm.s32 @!p1 $0x3  }
0x20: {  	s16 =	sadd.s32 $0x1, s12;
	_ =	swait.ge @!p1 [sflag:s14], $0x400  }
0x21: {  	s13 =	smov.u32 s11;
	p0 =	por !p0, !p0;
	[sflag:s14] =	ssyncset.done @!p1 $0x0  }
0x22: {  	s12 =	smov.u32 s16;
	s11 =	smov.u32 s15;
	[sflag:s14] =	ssyncadd.s32 @!p1 $0xFFFFFC00  }
.LBB2_1:
0x23: {  	p1 =	sge.u32 s12, s8  }
0x24: {  	s14 =	sxor.u32 @!p1 $0xFFFFFFFF, s12  }
0x25: {  	s31 =	sadd.s32 $0xFFFFFFFF, s12;
	s15 =	sshrl.u32 @!p1 s11, $0x3;
	s14 =	sshll.u32 @!p1 s14, $0xA  }
0x26: {  	s16 =	sand.u32 @!p1 $0x7, s11;
	s15 =	sadd.s32 @!p1 s4, s15;
	s14 =	sand.u32 @!p1 $0x400, s14  }
0x27: {  	[tilespmem:s14], [sflag:$0x2] =	stream.linear.gather @!p1 [hbm4b:s15+s16], $0x400, $0x38;
	[tilespmem:$0x1000] =	vst v63  }
0x28: {  	p1 =	sge.u32 s31, s8  }
.Ltmp2:
0x29: {  	_ = 	snop;
	(pc) =	sbr.rel @p1 .LBB2_5-.Ltmp2, $1  }
0x2a: {  	_ =	sdelay $0x3  }
0x2b: {  	s14 =	simm.s32 $0x1  }
0x2c: {  	_ =	swait.ge [sflag:s7], $0x400;
	s14 =	simm.s32 @!p0 $0x0  }
0x2d: {  	[sflag:s7] =	ssyncset.done $0x0;
	s14 =	sshll.u32 s14, $0xA  }
0x2e: {  	[sflag:s7] =	ssyncadd.s32 $0xFFFFFC00;
	(ifvalue) =	ssetifvalue $0x7FFFFFFF;
	v0 =	vld.msk [tilespmem:s14+$0x0 ss:$0x1], $0xffff;
	_ =	sdelay $0x3  }
0x2f: {  	s15 =	sadd.s32 $0x10, s14  }
0x30: {  	v2 =	vld.msk [tilespmem:s15+$0x0 ss:$0x1], $0xffff;
	v1 =	vshrl.u32 v0, $0xC  }
0x31: {  	vm1 =	veq.s32 v0, $0x80000000;
	v0 =	vand.u32 $0xFFF, v0;
	v1 =	vand.u32 $0xFFF, v1  }
0x32: {  	v0 =	vsel vm1, $0xFFFFFFFF, v0;
	v1 =	vsel vm1, $0xFFFFFFFF, v1  }
0x33: {  	v3 =	vshll.u32 v0, $0xC;
	v4 =	vshll.u32 v1, $0x3  }
0x34: {  	v0 =	vshll.u32 v0, $0x7;
	v3 =	vand.u32 $0xFFFF8000, v3;
	v4 =	vand.u32 $0xFFFFFC00, v4  }
0x35: {  	vm1 =	veq.s32 v2, $0x80000000;
	v0 =	vand.u32 $0x380, v0;
	v3 =	vadd.s32 v3, v4  }
0x36: {  	v1 =	vand.u32 $0x7F, v1;
	v0 =	vor.u32 v0, v3;
	v3 =	vshrl.u32 v2, $0xC  }
0x37: {  	s17 =	sadd.s32 $0x10, s15;
	v2 =	vand.u32 $0xFFF, v2;
	v1 =	vor.u32 v1, v0;
	v3 =	vand.u32 $0xFFF, v3  }
0x38: {  	v0 =	vld.msk [tilespmem:s17+$0x0 ss:$0x1], $0xffff;
	v2 =	vsel vm1, $0xFFFFFFFF, v2;
	v3 =	vsel vm1, $0xFFFFFFFF, v3  }
0x39: {  	v63 =	vshll.u32 v2, $0xC;
	v5 =	vshll.u32 v3, $0x3  }
0x3a: {  	s31 =	sshll.u32 s12, $0xA;
	v2 =	vshll.u32 v2, $0x7;
	v4 =	vand.u32 $0xFFFF8000, v63;
	v5 =	vand.u32 $0xFFFFFC00, v5  }
0x3b: {  	s14 =	sor.u32 $0x800, s14;
	s15 =	sand.u32 $0x400, s31;
	(ifvalue) =	ssetifvalue $0x7FFFFFFF;
	v2 =	vand.u32 $0x380, v2;
	v4 =	vadd.s32 v4, v5  }
0x3c: {  	[tilespmem:s14], [sflag:$0x1] =	stream.indirect_vreg.gather [hbm4b:s3+s10], $0x1, v1, vm0, $0x4038;
	v1 =	vand.u32 $0x7F, v3;
	v3 =	vor.u32 v2, v4;
	[tilespmem:$0x1000] =	vst v63  }
0x3d: {  	s16 =	simm.s32 $0x20;
	s15 =	sor.u32 $0x800, s15;
	s17 =	sadd.s32 $0x10, s17;
	v2 =	vshrl.u32 v0, $0xC;
	v1 =	vor.u32 v1, v3  }
.LBB2_3:
0x3e: {  	s16 =	sadd.s32 $0x10, s16;
	vm1 =	veq.s32 v0, $0x80000000;
	v3 =	vand.u32 $0xFFF, v0;
	v0 =	vld.msk [tilespmem:s17+$0x0 ss:$0x1], $0xffff;
	v2 =	vand.u32 $0xFFF, v2  }
0x3f: {  	p1 =	slt.u32 s16, $0x3F0;
	v3 =	vsel vm1, $0xFFFFFFFF, v3;
	v2 =	vsel vm1, $0xFFFFFFFF, v2  }
.Ltmp3:
0x40: {  	v4 =	vshll.u32 v3, $0xC;
	v5 =	vshll.u32 v2, $0x3;
	(pc) =	sbr.rel @p1 .LBB2_3-.Ltmp3, $4  }
0x41: {  	s14 =	sadd.s32 $0x10, s14;
	v3 =	vshll.u32 v3, $0x7;
	v4 =	vand.u32 $0xFFFF8000, v4;
	v5 =	vand.u32 $0xFFFFFC00, v5;
	(ifvalue) =	ssetifvalue $0x7FFFFFFF  }
0x42: {  	v3 =	vand.u32 $0x380, v3;
	v4 =	vadd.s32 v4, v5;
	[tilespmem:s14], [sflag:$0x1] =	stream.indirect_vreg.gather [hbm4b:s3+s10], $0x1, v1, vm0, $0x4038;
	[tilespmem:$0x1000] =	vst v63  }
0x43: {  	v1 =	vand.u32 $0x7F, v2;
	v3 =	vor.u32 v3, v4  }
0x44: {  	s17 =	sadd.s32 $0x10, s17;
	v2 =	vshrl.u32 v0, $0xC;
	v1 =	vor.u32 v1, v3  }
.Ltmp4:
0x45: {  	_ = 	snop;
	(pc) =	sbr.rel .LBB2_4-.Ltmp4, $1  }
0x46: {  	_ =	sdelay $0x3  }
.LBB2_6:
0x47: {  	_ =	sfence.sel $0x180000  }
0x48: {  	s2 =	simm.s32 $0x2;
	[bflag:$0x0] =	sbarrier.arrive $0xFFFF  }
0x49: {  	s30 =	simm.s32 $0x3;
	[sflag:s2] =	ssyncpa.u1 $0x1  }
0x4a: {  	s31 =	simm.s32 $0x1;
	[sflag:s30] =	ssyncpa.u1 $0x1  }
0x4b: {  	[sflag:s31] =	ssyncpa.u1 $0x1  }
0x4c: {  	p0 =	sne.s32 s1, $0x0;
	_ =	strace $0x90000050  }
0x4d: {  	s0 =	sadd.s32 @!p0 $0x100000, s0;
	[bflag:$0x2] =	sbarrier.arrive $0xFFFF  }
0x4e: {  	[sflag:s0] =	ssyncadd.tile.s32 @!p0 $0x1;
	_ =	shalt  }
.Lfunc_end2:
_tile_overlayer_lowered:
.L_overlay_start_2:
0x4f: {  	(tag) =	ssettag $0x2  }
0x50: {  	s0 =	rddreg [dreg:$0x0];
	s2 =	stileid.u32  }
0x51: {  	s1 =	rddreg [dreg:$0x1];
	p0 =	sne.s32 s2, $0x0  }
0x52: {  	s3 =	rddreg [dreg:$0x2];
	[bflag:$0x3] =	sbarrier.arrive $0xFFFF;
	s2 =	simm.s32 @!p0 $0x1C01  }
0x53: {  	[timem:s3], [sflag:s2] =	dma.local @!p0 [hbm:s0], s1  }
0x54: {  	s0 =	simm.s32 @!p0 $0x1  }
0x55: {  	_ =	swait.ge @!p0 [sflag:s0], s1  }
0x56: {  	s1 =	ssub.s32 @!p0 $0x0, s1;
	[sflag:s0] =	ssyncset.done @!p0 $0x0  }
0x57: {  	[sflag:s0] =	ssyncadd.s32 @!p0 s1  }
0x58: {  	[bflag:$0x3] =	sbarrier.arrive $0xFFFF  }
0x59: {  	_ =	shalt  }

// kernel: gather_offload_async_start.3
scs
__scs_entry_jumppad:
0x0: {  	(pc) =	sbr.rel $0x88, $3  }
0x1: {  	(tag) =	ssettag $0x0;
	lr =	simm.s32 $0x1  }
0x2: {  	[smem:$0x3F8D] =	sst lr;
	_ =	strace $0xD0000000  }
0x3: {  	_ = 	snop  }
0x4: {  	_ = 	snop  }
0x5: {  	_ = 	snop  }
0x6: {  	_ = 	snop  }
0x7: {  	_ = 	snop  }
__scs_overlays_trampoline_lowered:
0x8: {  	[smem:$0x3F9C] =	sst s0  }
0x9: {  	[smem:$0x3F9D] =	sst s1  }
0xa: {  	[smem:$0x3F9E] =	sst s2  }
0xb: {  	[smem:$0x3F9F] =	sst s3  }
0xc: {  	[smem:$0x3FA0] =	sst s4  }
0xd: {  	[smem:$0x3FA1] =	sst s5  }
0xe: {  	[smem:$0x3FA2] =	sst s6  }
0xf: {  	[smem:$0x3FA3] =	sst s7  }
0x10: {  	[smem:$0x3FA4] =	sst s8  }
0x11: {  	[smem:$0x3FA5] =	sst s9;
	s0 =	simm.s32 @!p0 $0x0  }
0x12: {  	s1 =	sld [smem:$0x3F8B];
	s0 =	simm.s32 @p0 $0x1  }
0x13: {  	[smem:$0x3FA6] =	sst s0;
	s0 =	simm.s32 @!p1 $0x0  }
0x14: {  	s2 =	sld [smem:$0x3F8A];
	s0 =	simm.s32 @p1 $0x1  }
0x15: {  	[smem:$0x3FA7] =	sst s0;
	s0 =	simm.s32 @!p2 $0x0  }
0x16: {  	s3 =	sld [smem:$0x3FDB];
	s0 =	simm.s32 @p2 $0x1  }
0x17: {  	s4 =	simm.s32 $0x1BF5;
	[smem:$0x3FA9] =	sst s0  }
0x18: {  	s0 =	sld [smem:$0x3F8C];
	_ =	swait.ge [sflag:s4], $0x0  }
0x19: {  	s7 =	sld [smem:$0x3F8D]  }
0x1a: {  	s8 =	sadd.s32 $0xFFFFE003, lr  }
0x1b: {  	s9 =	sadd.s32 $0xFFFFFEF7, lr;
	s5 =	simm.s32 $0xFFFFFFFF;
	p2 =	slt.u32 s8, $0xFFFFF086  }
0x1c: {  	p1 =	slt.u32 s9, $0xF7A;
	s5 =	simm.s32 @!p2 $0x0  }
0x1d: {  	s5 =	simm.s32 @p1 $0x1;
	p0 =	seq.s32 s7, s2  }
0x1e: {  	s7 =	smul.u32 @!p0 $0xF7A, s2;
	p2 =	seq.s32 @!p0 s5, $0x0  }
0x1f: {  	s9 =	smul.u32 $0xF7A, s1;
	s8 =	simm.s32 @!p0 $0x1BF5;
	p2 =	por !p2, p0  }
0x20: {  	[sflag:s8] =	ssyncset.s32 @!p0 $0xFFFFF086;
	s6 =	sadd.s32 @!p0 s3, s7;
	s7 =	simm.s32 @!p0 $0x108  }
0x21: {  	s3 =	sadd.s32 s3, s9;
	s6 =	sadd.s32 @!p0 $0x88, s6;
	s7 =	simm.s32 @p2 $0x1082  }
0x22: {  	[simem:s7], [sflag:s8] =	dma.local @!p0 [hbm:s6], $0xF7A  }
0x23: {  	s9 =	sor.u32 $0xD0000000, s2;
	s6 =	simm.s32 $0x108;
	_ =	swait.ge @!p0 [sflag:s8], $0x0  }
0x24: {  	s3 =	sadd.s32 $0x88, s3;
	s6 =	simm.s32 @!p1 $0x1082;
	[sflag:s4] =	ssyncset.s32 $0xFFFFF086  }
0x25: {  	[simem:s6], [sflag:s4] =	dma.local [hbm:s3], $0xF7A  }
0x26: {  	[smem:$0x3F8D] =	sst s1;
	(tag) =	ssettag s2;
	_ =	strace s9  }
0x27: {  	s1 =	sld [smem:$0x3F9D]  }
0x28: {  	s2 =	sld [smem:$0x3F9E]  }
0x29: {  	s4 =	sld [smem:$0x3FA0]  }
0x2a: {  	p0 =	seq.s32 s5, $0x0;
	s5 =	sld [smem:$0x3FA1]  }
0x2b: {  	s6 =	sld [smem:$0x3FA2]  }
0x2c: {  	s7 =	sld [smem:$0x3FA3]  }
0x2d: {  	s3 =	simm.s32 $0x108;
	s8 =	sld [smem:$0x3FA4]  }
0x2e: {  	s3 =	simm.s32 @!p0 $0x1082;
	s9 =	sld [smem:$0x3FA5]  }
0x2f: {  	lr =	sadd.s32 s0, s3;
	s0 =	sld [smem:$0x3F9C]  }
0x30: {  	s3 =	sld [smem:$0x3F9F]  }
0x31: {  	[smem:$0x3FA8] =	sst s10  }
0x32: {  	s10 =	sld [smem:$0x3FA6];
	_ =	sdelay $0x3  }
0x33: {  	p0 =	seq.s32 s10, $0x1;
	s10 =	sld [smem:$0x3FA8];
	_ =	sdelay $0x3  }
0x34: {  	[smem:$0x3FA8] =	sst s10  }
0x35: {  	s10 =	sld [smem:$0x3FA7];
	_ =	sdelay $0x3  }
0x36: {  	p1 =	seq.s32 s10, $0x1;
	s10 =	sld [smem:$0x3FA8];
	_ =	sdelay $0x3  }
0x37: {  	[smem:$0x3FA8] =	sst s10  }
0x38: {  	s10 =	sld [smem:$0x3FA9]  }
0x39: {  	_ = 	snop;
	(pc) =	sbr.ind lr, $3  }
0x3a: {  	_ = 	snop  }
0x3b: {  	_ = 	snop  }
0x3c: {  	p2 =	seq.s32 s10, $0x1;
	s10 =	sld [smem:$0x3FA8]  }
0x3d: {  	_ =	shalt  }
0x3e: {  	_ =	shalt  }
0x3f: {  	_ =	shalt  }
0x40: {  	_ =	shalt  }
0x41: {  	_ =	shalt  }
0x42: {  	_ =	shalt  }
0x43: {  	_ =	shalt  }
0x44: {  	_ =	shalt  }
0x45: {  	_ =	shalt  }
0x46: {  	_ =	shalt  }
0x47: {  	_ =	shalt  }
0x48: {  	_ =	shalt  }
0x49: {  	_ =	shalt  }
0x4a: {  	_ =	shalt  }
0x4b: {  	_ =	shalt  }
0x4c: {  	_ =	shalt  }
0x4d: {  	_ =	shalt  }
0x4e: {  	_ =	shalt  }
0x4f: {  	_ =	shalt  }
0x50: {  	_ =	shalt  }
0x51: {  	_ =	shalt  }
0x52: {  	_ =	shalt  }
0x53: {  	_ =	shalt  }
0x54: {  	_ =	shalt  }
0x55: {  	_ =	shalt  }
0x56: {  	_ =	shalt  }
0x57: {  	_ =	shalt  }
0x58: {  	_ =	shalt  }
0x59: {  	_ =	shalt  }
0x5a: {  	_ =	shalt  }
0x5b: {  	_ =	shalt  }
0x5c: {  	_ =	shalt  }
0x5d: {  	_ =	shalt  }
0x5e: {  	_ =	shalt  }
0x5f: {  	_ =	shalt  }
0x60: {  	_ =	shalt  }
0x61: {  	_ =	shalt  }
0x62: {  	_ =	shalt  }
0x63: {  	_ =	shalt  }
0x64: {  	_ =	shalt  }
0x65: {  	_ =	shalt  }
0x66: {  	_ =	shalt  }
0x67: {  	_ =	shalt  }
0x68: {  	_ =	shalt  }
0x69: {  	_ =	shalt  }
0x6a: {  	_ =	shalt  }
0x6b: {  	_ =	shalt  }
0x6c: {  	_ =	shalt  }
0x6d: {  	_ =	shalt  }
0x6e: {  	_ =	shalt  }
0x6f: {  	_ =	shalt  }
0x70: {  	_ =	shalt  }
0x71: {  	_ =	shalt  }
0x72: {  	_ =	shalt  }
0x73: {  	_ =	shalt  }
0x74: {  	_ =	shalt  }
0x75: {  	_ =	shalt  }
0x76: {  	_ =	shalt  }
0x77: {  	_ =	shalt  }
0x78: {  	_ =	shalt  }
0x79: {  	_ =	shalt  }
0x7a: {  	_ =	shalt  }
0x7b: {  	_ =	shalt  }
0x7c: {  	_ =	shalt  }
0x7d: {  	_ =	shalt  }
0x7e: {  	_ =	shalt  }
0x7f: {  	_ =	shalt  }
0x80: {  	_ =	shalt  }
0x81: {  	_ =	shalt  }
0x82: {  	_ =	shalt  }
0x83: {  	_ =	shalt  }
0x84: {  	_ =	shalt  }
0x85: {  	_ =	shalt  }
0x86: {  	_ =	shalt  }
0x87: {  	_ =	shalt  }
.Lfunc_end0:
.L_simem_size_0:
called_computation.3_lowered:
.L_overlay_start_0:
0x88: {  	s2 =	sld [smem:$0x3FD9]  }
0x89: {  	s3 =	sld [smem:$0x3FFE];
	_ =	sdelay $0x1  }
0x8a: {  	s1 =	srdreg.scid  }
0x8b: {  	s0 =	sand.u32 $0x1, s1  }
0x8c: {  	s17 =	sshll.u32 s0, $0xA;
	s2 =	sadd.s32 s3, s2  }
0x8d: {  	s2 =	sadd.s32 s2, s17  }
0x8e: {  	[smem:$0x3FB4] =	sst s2  }
0x8f: {  	_ = 	snop  }
0x90: {  	(tm) =	ssettm $0x1  }
0x91: {  	s18 =	sld [smem:$0x3FFB];
	_ =	sdelay $0x3  }
0x92: {  	_ =	strace s18  }
0x93: {  	s2 =	sld [smem:$0x3FFC];
	_ =	sdelay $0x3  }
0x94: {  	_ =	strace s2  }
0x95: {  	s2 =	sld [smem:$0x3FFD];
	_ =	sdelay $0x3  }
0x96: {  	_ =	strace s2  }
0x97: {  	_ =	strace $0x8FFFFFFF  }
0x98: {  	s19 =	sld [smem:$0x3FDB];
	_ =	sdelay $0x1  }
0x99: {  	s20 =	simm.s32 $_scs_section_size  }
0x9a: {  	s4 =	simm.s32 $_size__tile_overlayer_lowered;
	s5 =	simm.s32 $_tile_overlayer_lowered  }
0x9b: {  	s6 =	simm.s32 $0x1BFF;
	s21 =	sshll.u32 s5, $0x1;
	s3 =	sadd.s32 s20, s19  }
0x9c: {  	s22 =	simm.s32 $0x0;
	s4 =	sshll.u32 s4, $0x1;
	s5 =	sadd.s32 s21, s3  }
0x9d: {  	[timem:s22], [sflag:s6] =	dma.local [hbm:s5], s4  }
0x9e: {  	_ =	swait.ge [sflag:s6], s4  }
0x9f: {  	s4 =	ssub.s32 $0x0, s4;
	[sflag:s6] =	ssyncset.done $0x0  }
0xa0: {  	[sflag:s6] =	ssyncadd.s32 s4;
	_ =	sdelay $0x1  }
0xa1: {  	s23 =	simm.s32 $0x1B8B  }
0xa2: {  	_ =	swait.ge [sflag:s23], $0x1  }
0xa3: {  	[sflag:s23] =	ssyncset.done $0x0  }
0xa4: {  	[sflag:s23] =	ssyncadd.s32 $0xFFFFFFFF  }
0xa5: {  	s4 =	sld [smem:$0x0]  }
0xa6: {  	s5 =	sand.u32 $0xFFFFFFFE, s1  }
0xa7: {  	p0 =	sne.s32 s1, s5  }
0xa8: {  	s5 =	sshll.u32 @p0 s5, $0xE  }
0xa9: {  	s5 =	sadd.s32 @p0 $0x11B8D, s5;
	s6 =	sshll.u32 @p0 s4, $0x11  }
0xaa: {  	s5 =	sor.u32 @p0 s6, s5  }
0xab: {  	[sflag:s5] =	ssyncadd.remote.s32 @p0 $0x1;
	_ =	sdelay $0x1  }
0xac: {  	s5 =	simm.s32 @p0 $0x1B8D  }
0xad: {  	_ =	swait.eq @p0 [sflag:s5], $0x1  }
0xae: {  	[sflag:s5] =	ssyncadd.s32 @p0 $0xFFFFFFFF  }
0xaf: {  	s6 =	sshll.u32 @!p0 s1, $0xE  }
0xb0: {  	s6 =	sor.u32 @!p0 $0x4000, s6;
	s5 =	simm.s32 @!p0 $0x1B8D  }
0xb1: {  	s4 =	sshll.u32 @!p0 s4, $0x11;
	s6 =	sadd.s32 @!p0 $0x11B8D, s6;
	_ =	swait.eq @!p0 [sflag:s5], $0x1  }
0xb2: {  	s4 =	sor.u32 @!p0 s4, s6;
	[sflag:s5] =	ssyncadd.s32 @!p0 $0xFFFFFFFF  }
0xb3: {  	s25 =	simm.s32 $0x1B8E;
	s24 =	sld [smem:$0x3FFE];
	[sflag:s4] =	ssyncadd.remote.s32 @!p0 $0x1  }
0xb4: {  	s26 =	simm.s32 $execute0_lowered;
	[smem:$0x3FD2] =	sst s25  }
0xb5: {  	s5 =	sshll.u32 s26, $0x1;
	_ =	strace $0x80000049;
	[dreg:$0x1] =	wrdreg $0xFFFFFFFF  }
0xb6: {  	s28 =	simm.s32 $_size_execute0_lowered;
	s3 =	sadd.s32 s3, s5;
	[dreg:$0x0] =	wrdreg $0x0  }
0xb7: {  	s5 =	sshll.u32 s28, $0x1;
	[dreg:$0x2] =	wrdreg s3  }
0xb8: {  	[dreg:$0x3] =	wrdreg s5  }
0xb9: {  	[dreg:$0x4] =	wrdreg $0xC0  }
0xba: {  	_ =	task [dreg:s22], $0x5FFFF  }
0xbb: {  	[dreg:$0x1] =	wrdreg $0xFFFFFFFF  }
0xbc: {  	[dreg:$0x0] =	wrdreg $0x60  }
0xbd: {  	[dreg:$0x2] =	wrdreg s24  }
0xbe: {  	[dreg:$0x3] =	wrdreg $0xA  }
0xbf: {  	_ =	task.clear_ibuf [dreg:s22], $0x4FFFF;
	_ =	strace $0x90000049  }
0xc0: {  	s29 =	simm.s32 $0xA;
	_ =	strace $0x8000004B  }
0xc1: {  	_ =	swait.ge [sflag:s29], $0x1  }
0xc2: {  	[sflag:s29] =	ssyncadd.s32 $0xFFFFFFFF  }
0xc3: {  	_ =	strace $0x9000004B  }
0xc4: {  	_ =	sfence  }
0xc5: {  	s30 =	sld [smem:$0x0];
	_ =	sdelay $0x2  }
0xc6: {  	s31 =	sshll.u32 s1, $0xD;
	s1 =	sshrl.u32 s1, $0x2  }
0xc7: {  	s4 =	sand.u32 $0x4000, s31;
	s1 =	sadd.s32 s1, s30  }
0xc8: {  	s0 =	sor.u32 s4, s0;
	s1 =	sshll.u32 s1, $0x11  }
0xc9: {  	s0 =	sor.u32 s1, s0  }
0xca: {  	s0 =	sadd.s32 $0x8F2B, s0  }
0xcb: {  	[sflag:s0] =	ssyncadd.remote.s32 $0x1  }
0xcc: {  	_ =	sfence.sel $0xFFFF  }
0xcd: {  	[dreg:$0x0] =	wrdreg $0xFFFFFFFF;
	(pc) =	sbr.abs _section_cstart, $3  }
0xce: {  	[dreg:$0x1] =	wrdreg $0xFFFFFFFF  }
0xcf: {  	_ =	task.clear_ibuf [dreg:s22], $0x2FFFF;
	_ =	strace $0x9FFFFFFF  }
0xd0: {  	(tm) =	ssettm $0x7FFFFFFF  }
0xd1: {  	_ =	shalt  }
tec
execute0_lowered:
.L_overlay_start_1:
0x0: {  	(tag) =	ssettag $0x1  }
0x1: {  	s0 =	srdreg.scid;
	s5 =	rddreg [dreg:$0x0]  }
0x2: {  	s1 =	stileid.u32;
	s6 =	simm.s32 $0x1;
	s9 =	simm.s32 $0x1  }
0x3: {  	s10 =	simm.s32 $0x3;
	s13 =	simm.s32 $0x0;
	s2 =	sshll.u32 s0, $0xA  }
0x4: {  	s12 =	simm.s32 $0x0;
	s3 =	sshll.u32 s1, $0xB;
	s2 =	sand.u32 $0x400, s2  }
0x5: {  	s0 =	rddreg [dreg:$0x1];
	_ =	strace $0x8000004A;
	s2 =	sor.u32 s3, s2  }
0x6: {  	s4 =	sadd.s32 $0x7200, s5;
	[sflag:s6] =	ssyncpa.u1 $0x0;
	s8 =	ssub.s32 $0x10000, s2  }
.Ltmp0:
0x7: {  	s3 =	sadd.s32 $0x3200, s5;
	s7 =	sand.u32 $0x7C00, s8;
	(pc) =	sbr.rel .LBB2_1-.Ltmp0, $4  }
0x8: {  	s5 =	sadd.s32 $0x3C400, s5;
	s11 =	smov.u32 s2;
	p0 =	sne.s32 s7, $0x0  }
0x9: {  	s8 =	sshrl.u32 s8, $0xF;
	s7 =	simm.s32 $0x2;
	s9 =	simm.s32 @!p0 $0x0  }
0xa: {  	[sflag:s7] =	ssyncpa.u1 $0x0;
	p0 =	por $0x0, $0x0;
	s8 =	sadd.s32 s9, s8  }
0xb: {  	vm0 =	vmmov $0xffff;
	[sflag:s10] =	ssyncpa.u1 $0x0;
	s10 =	simm.s32 $0x0;
	s9 =	sadd.s32 $0x1, s8  }
.LBB2_4:
0xc: {  	v2 =	vnsel vm1, $0x0, v2  }
0xd: {  	vm1 =	vgt.s32 v0, $0x0;
	v2 =	vmin.u32 v2, $0xFFFF  }
0xe: {  	v0 =	vnsel vm1, $0x0, v0  }
0xf: {  	v0 =	vmin.u32 v0, $0xFFFF  }
0x10: {  	[tilespmem:s15], [sflag:$0x1] =	stream.indirect_vreg.gather [hbm4b:s3+s10], $0x1, v1, vm0, $0x4038;
	[tilespmem:$0x1000] =	vst v63  }
0x11: {  	(ifvalue) =	ssetifvalue $0x7FFFFFFF  }
0x12: {  	[tilespmem:s16], [sflag:$0x1] =	stream.indirect_vreg.gather [hbm4b:s3+s10], $0x1, v2, vm0, $0x4038;
	[tilespmem:$0x1000] =	vst v63  }
0x13: {  	s29 =	sadd.s32 $0x10, s16;
	(ifvalue) =	ssetifvalue $0x7FFFFFFF  }
0x14: {  	[tilespmem:s29], [sflag:$0x1] =	stream.indirect_vreg.gather [hbm4b:s3+s10], $0x1, v0, vm0, $0x4038;
	[tilespmem:$0x1000] =	vst v63  }
0x15: {  	_ =	swait.ge [sflag:s6], $0x400  }
0x16: {  	s30 =	sshrl.u32 s13, $0x3;
	[sflag:s6] =	ssyncset.done $0x0  }
0x17: {  	s31 =	sand.u32 $0x7, s13;
	s15 =	sadd.s32 s5, s30;
	[sflag:s6] =	ssyncadd.s32 $0xFFFFFC00  }
0x18: {  	[hbm4b:s15+s31] =	stream.linear.scatter [tilespmem:s14], [sflag:$0x3], $0x400, $0x38;
	[tilespmem:$0x1000] =	vst v63  }
.LBB2_5:
0x19: {  	s15 =	sadd.s32 $0x8000, s11  }
0x1a: {  	p2 =	sgt.s32 s15, $0xFFFF  }
0x1b: {  	s15 =	smov.u32 @p2 s2;
	p2 =	sne.s32 s12, s9  }
.Ltmp1:
0x1c: {  	p1 =	slt.u32 s12, $0x2;
	(pc) =	sbr.rel @!p2 .LBB2_6-.Ltmp1, $4  }
0x1d: {  	s14 =	simm.s32 @!p1 $0x3  }
0x1e: {  	s16 =	sadd.s32 $0x1, s12;
	_ =	swait.ge @!p1 [sflag:s14], $0x400  }
0x1f: {  	s13 =	smov.u32 s11;
	p0 =	por !p0, !p0;
	[sflag:s14] =	ssyncset.done @!p1 $0x0  }
0x20: {  	s12 =	smov.u32 s16;
	s11 =	smov.u32 s15;
	[sflag:s14] =	ssyncadd.s32 @!p1 $0xFFFFFC00  }
.LBB2_1:
0x21: {  	p1 =	sge.u32 s12, s8  }
0x22: {  	s14 =	sxor.u32 @!p1 $0xFFFFFFFF, s12  }
0x23: {  	s31 =	sadd.s32 $0xFFFFFFFF, s12;
	s15 =	sshrl.u32 @!p1 s11, $0x3;
	s14 =	sshll.u32 @!p1 s14, $0xA  }
0x24: {  	s16 =	sand.u32 @!p1 $0x7, s11;
	s15 =	sadd.s32 @!p1 s4, s15;
	s14 =	sand.u32 @!p1 $0x400, s14  }
0x25: {  	[tilespmem:s14], [sflag:$0x2] =	stream.linear.gather @!p1 [hbm4b:s15+s16], $0x400, $0x38;
	[tilespmem:$0x1000] =	vst v63  }
0x26: {  	p1 =	sge.u32 s31, s8  }
.Ltmp2:
0x27: {  	_ = 	snop;
	(pc) =	sbr.rel @p1 .LBB2_5-.Ltmp2, $1  }
0x28: {  	_ =	sdelay $0x3  }
0x29: {  	s14 =	simm.s32 $0x1  }
0x2a: {  	_ =	swait.ge [sflag:s7], $0x400;
	s14 =	simm.s32 @!p0 $0x0  }
0x2b: {  	[sflag:s7] =	ssyncset.done $0x0;
	s14 =	sshll.u32 s14, $0xA  }
0x2c: {  	[sflag:s7] =	ssyncadd.s32 $0xFFFFFC00;
	(ifvalue) =	ssetifvalue $0x7FFFFFFF;
	v0 =	vld.msk [tilespmem:s14+$0x0 ss:$0x1], $0xffff;
	_ =	sdelay $0x4  }
0x2d: {  	s15 =	sadd.s32 $0x10, s14;
	vm1 =	vgt.s32 v0, $0x0  }
0x2e: {  	v2 =	vld.msk [tilespmem:s15+$0x0 ss:$0x1], $0xffff;
	v1 =	vnsel vm1, $0x0, v0  }
0x2f: {  	v1 =	vmin.u32 v1, $0xFFFF;
	_ =	sdelay $0x1  }
0x30: {  	s16 =	sshll.u32 s12, $0xA;
	s18 =	simm.s32 $0x20  }
0x31: {  	s16 =	sand.u32 $0x400, s16;
	s17 =	sadd.s32 $0x10, s15;
	s15 =	sor.u32 $0x800, s14  }
0x32: {  	s14 =	sor.u32 $0x800, s16;
	s16 =	sadd.s32 $0x10, s15;
	v0 =	vld.msk [tilespmem:s17+$0x0 ss:$0x1], $0xffff;
	vm1 =	vgt.s32 v2, $0x0;
	(ifvalue) =	ssetifvalue $0x7FFFFFFF  }
.LBB2_3:
0x33: {  	[tilespmem:s15], [sflag:$0x1] =	stream.indirect_vreg.gather [hbm4b:s3+s10], $0x1, v1, vm0, $0x4038;
	[tilespmem:$0x1000] =	vst v63  }
0x34: {  	s18 =	sadd.s32 $0x10, s18  }
0x35: {  	v2 =	vnsel vm1, $0x0, v2;
	p1 =	slt.u32 s18, $0x3F0  }
.Ltmp3:
0x36: {  	s15 =	smov.u32 s16;
	v1 =	vmin.u32 v2, $0xFFFF;
	(pc) =	sbr.rel @p1 .LBB2_3-.Ltmp3, $3  }
0x37: {  	_ =	sdelay $0x1  }
0x38: {  	s17 =	sadd.s32 $0x10, s17  }
0x39: {  	vm1 =	vgt.s32 v0, $0x0;
	s16 =	sadd.s32 $0x10, s16;
	v2 =	vmov v0;
	(ifvalue) =	ssetifvalue $0x7FFFFFFF;
	v0 =	vld.msk [tilespmem:s17+$0x0 ss:$0x1], $0xffff  }
.Ltmp4:
0x3a: {  	_ = 	snop;
	(pc) =	sbr.rel .LBB2_4-.Ltmp4, $1  }
0x3b: {  	_ =	sdelay $0x3  }
.LBB2_6:
0x3c: {  	_ =	sfence.sel $0x180000  }
0x3d: {  	s2 =	simm.s32 $0x2;
	[bflag:$0x0] =	sbarrier.arrive $0xFFFF  }
0x3e: {  	s30 =	simm.s32 $0x3;
	[sflag:s2] =	ssyncpa.u1 $0x1  }
0x3f: {  	s31 =	simm.s32 $0x1;
	[sflag:s30] =	ssyncpa.u1 $0x1  }
0x40: {  	[sflag:s31] =	ssyncpa.u1 $0x1  }
0x41: {  	p0 =	sne.s32 s1, $0x0;
	_ =	strace $0x9000004A  }
0x42: {  	s0 =	sadd.s32 @!p0 $0x100000, s0;
	[bflag:$0x2] =	sbarrier.arrive $0xFFFF  }
0x43: {  	[sflag:s0] =	ssyncadd.tile.s32 @!p0 $0x1;
	_ =	shalt  }
.Lfunc_end2:
_tile_overlayer_lowered:
.L_overlay_start_2:
0x44: {  	(tag) =	ssettag $0x2  }
0x45: {  	s0 =	rddreg [dreg:$0x0];
	s2 =	stileid.u32  }
0x46: {  	s1 =	rddreg [dreg:$0x1];
	p0 =	sne.s32 s2, $0x0  }
0x47: {  	s3 =	rddreg [dreg:$0x2];
	[bflag:$0x3] =	sbarrier.arrive $0xFFFF;
	s2 =	simm.s32 @!p0 $0x1C01  }
0x48: {  	[timem:s3], [sflag:s2] =	dma.local @!p0 [hbm:s0], s1  }
0x49: {  	s0 =	simm.s32 @!p0 $0x1  }
0x4a: {  	_ =	swait.ge @!p0 [sflag:s0], s1  }
0x4b: {  	s1 =	ssub.s32 @!p0 $0x0, s1;
	[sflag:s0] =	ssyncset.done @!p0 $0x0  }
0x4c: {  	[sflag:s0] =	ssyncadd.s32 @!p0 s1  }
0x4d: {  	[bflag:$0x3] =	sbarrier.arrive $0xFFFF  }
0x4e: {  	_ =	shalt  }

// kernel: gather_offload_async_start.4
scs
__scs_entry_jumppad:
0x0: {  	(pc) =	sbr.rel $0x88, $3  }
0x1: {  	(tag) =	ssettag $0x0;
	lr =	simm.s32 $0x1  }
0x2: {  	[smem:$0x3F8D] =	sst lr;
	_ =	strace $0xD0000000  }
0x3: {  	_ = 	snop  }
0x4: {  	_ = 	snop  }
0x5: {  	_ = 	snop  }
0x6: {  	_ = 	snop  }
0x7: {  	_ = 	snop  }
__scs_overlays_trampoline_lowered:
0x8: {  	[smem:$0x3F9C] =	sst s0  }
0x9: {  	[smem:$0x3F9D] =	sst s1  }
0xa: {  	[smem:$0x3F9E] =	sst s2  }
0xb: {  	[smem:$0x3F9F] =	sst s3  }
0xc: {  	[smem:$0x3FA0] =	sst s4  }
0xd: {  	[smem:$0x3FA1] =	sst s5  }
0xe: {  	[smem:$0x3FA2] =	sst s6  }
0xf: {  	[smem:$0x3FA3] =	sst s7  }
0x10: {  	[smem:$0x3FA4] =	sst s8  }
0x11: {  	[smem:$0x3FA5] =	sst s9;
	s0 =	simm.s32 @!p0 $0x0  }
0x12: {  	s1 =	sld [smem:$0x3F8B];
	s0 =	simm.s32 @p0 $0x1  }
0x13: {  	[smem:$0x3FA6] =	sst s0;
	s0 =	simm.s32 @!p1 $0x0  }
0x14: {  	s2 =	sld [smem:$0x3F8A];
	s0 =	simm.s32 @p1 $0x1  }
0x15: {  	[smem:$0x3FA7] =	sst s0;
	s0 =	simm.s32 @!p2 $0x0  }
0x16: {  	s3 =	sld [smem:$0x3FDB];
	s0 =	simm.s32 @p2 $0x1  }
0x17: {  	s4 =	simm.s32 $0x1BF5;
	[smem:$0x3FA9] =	sst s0  }
0x18: {  	s0 =	sld [smem:$0x3F8C];
	_ =	swait.ge [sflag:s4], $0x0  }
0x19: {  	s7 =	sld [smem:$0x3F8D]  }
0x1a: {  	s8 =	sadd.s32 $0xFFFFE003, lr  }
0x1b: {  	s9 =	sadd.s32 $0xFFFFFEF7, lr;
	s5 =	simm.s32 $0xFFFFFFFF;
	p2 =	slt.u32 s8, $0xFFFFF086  }
0x1c: {  	p1 =	slt.u32 s9, $0xF7A;
	s5 =	simm.s32 @!p2 $0x0  }
0x1d: {  	s5 =	simm.s32 @p1 $0x1;
	p0 =	seq.s32 s7, s2  }
0x1e: {  	s7 =	smul.u32 @!p0 $0xF7A, s2;
	p2 =	seq.s32 @!p0 s5, $0x0  }
0x1f: {  	s9 =	smul.u32 $0xF7A, s1;
	s8 =	simm.s32 @!p0 $0x1BF5;
	p2 =	por !p2, p0  }
0x20: {  	[sflag:s8] =	ssyncset.s32 @!p0 $0xFFFFF086;
	s6 =	sadd.s32 @!p0 s3, s7;
	s7 =	simm.s32 @!p0 $0x108  }
0x21: {  	s3 =	sadd.s32 s3, s9;
	s6 =	sadd.s32 @!p0 $0x88, s6;
	s7 =	simm.s32 @p2 $0x1082  }
0x22: {  	[simem:s7], [sflag:s8] =	dma.local @!p0 [hbm:s6], $0xF7A  }
0x23: {  	s9 =	sor.u32 $0xD0000000, s2;
	s6 =	simm.s32 $0x108;
	_ =	swait.ge @!p0 [sflag:s8], $0x0  }
0x24: {  	s3 =	sadd.s32 $0x88, s3;
	s6 =	simm.s32 @!p1 $0x1082;
	[sflag:s4] =	ssyncset.s32 $0xFFFFF086  }
0x25: {  	[simem:s6], [sflag:s4] =	dma.local [hbm:s3], $0xF7A  }
0x26: {  	[smem:$0x3F8D] =	sst s1;
	(tag) =	ssettag s2;
	_ =	strace s9  }
0x27: {  	s1 =	sld [smem:$0x3F9D]  }
0x28: {  	s2 =	sld [smem:$0x3F9E]  }
0x29: {  	s4 =	sld [smem:$0x3FA0]  }
0x2a: {  	p0 =	seq.s32 s5, $0x0;
	s5 =	sld [smem:$0x3FA1]  }
0x2b: {  	s6 =	sld [smem:$0x3FA2]  }
0x2c: {  	s7 =	sld [smem:$0x3FA3]  }
0x2d: {  	s3 =	simm.s32 $0x108;
	s8 =	sld [smem:$0x3FA4]  }
0x2e: {  	s3 =	simm.s32 @!p0 $0x1082;
	s9 =	sld [smem:$0x3FA5]  }
0x2f: {  	lr =	sadd.s32 s0, s3;
	s0 =	sld [smem:$0x3F9C]  }
0x30: {  	s3 =	sld [smem:$0x3F9F]  }
0x31: {  	[smem:$0x3FA8] =	sst s10  }
0x32: {  	s10 =	sld [smem:$0x3FA6];
	_ =	sdelay $0x3  }
0x33: {  	p0 =	seq.s32 s10, $0x1;
	s10 =	sld [smem:$0x3FA8];
	_ =	sdelay $0x3  }
0x34: {  	[smem:$0x3FA8] =	sst s10  }
0x35: {  	s10 =	sld [smem:$0x3FA7];
	_ =	sdelay $0x3  }
0x36: {  	p1 =	seq.s32 s10, $0x1;
	s10 =	sld [smem:$0x3FA8];
	_ =	sdelay $0x3  }
0x37: {  	[smem:$0x3FA8] =	sst s10  }
0x38: {  	s10 =	sld [smem:$0x3FA9]  }
0x39: {  	_ = 	snop;
	(pc) =	sbr.ind lr, $3  }
0x3a: {  	_ = 	snop  }
0x3b: {  	_ = 	snop  }
0x3c: {  	p2 =	seq.s32 s10, $0x1;
	s10 =	sld [smem:$0x3FA8]  }
0x3d: {  	_ =	shalt  }
0x3e: {  	_ =	shalt  }
0x3f: {  	_ =	shalt  }
0x40: {  	_ =	shalt  }
0x41: {  	_ =	shalt  }
0x42: {  	_ =	shalt  }
0x43: {  	_ =	shalt  }
0x44: {  	_ =	shalt  }
0x45: {  	_ =	shalt  }
0x46: {  	_ =	shalt  }
0x47: {  	_ =	shalt  }
0x48: {  	_ =	shalt  }
0x49: {  	_ =	shalt  }
0x4a: {  	_ =	shalt  }
0x4b: {  	_ =	shalt  }
0x4c: {  	_ =	shalt  }
0x4d: {  	_ =	shalt  }
0x4e: {  	_ =	shalt  }
0x4f: {  	_ =	shalt  }
0x50: {  	_ =	shalt  }
0x51: {  	_ =	shalt  }
0x52: {  	_ =	shalt  }
0x53: {  	_ =	shalt  }
0x54: {  	_ =	shalt  }
0x55: {  	_ =	shalt  }
0x56: {  	_ =	shalt  }
0x57: {  	_ =	shalt  }
0x58: {  	_ =	shalt  }
0x59: {  	_ =	shalt  }
0x5a: {  	_ =	shalt  }
0x5b: {  	_ =	shalt  }
0x5c: {  	_ =	shalt  }
0x5d: {  	_ =	shalt  }
0x5e: {  	_ =	shalt  }
0x5f: {  	_ =	shalt  }
0x60: {  	_ =	shalt  }
0x61: {  	_ =	shalt  }
0x62: {  	_ =	shalt  }
0x63: {  	_ =	shalt  }
0x64: {  	_ =	shalt  }
0x65: {  	_ =	shalt  }
0x66: {  	_ =	shalt  }
0x67: {  	_ =	shalt  }
0x68: {  	_ =	shalt  }
0x69: {  	_ =	shalt  }
0x6a: {  	_ =	shalt  }
0x6b: {  	_ =	shalt  }
0x6c: {  	_ =	shalt  }
0x6d: {  	_ =	shalt  }
0x6e: {  	_ =	shalt  }
0x6f: {  	_ =	shalt  }
0x70: {  	_ =	shalt  }
0x71: {  	_ =	shalt  }
0x72: {  	_ =	shalt  }
0x73: {  	_ =	shalt  }
0x74: {  	_ =	shalt  }
0x75: {  	_ =	shalt  }
0x76: {  	_ =	shalt  }
0x77: {  	_ =	shalt  }
0x78: {  	_ =	shalt  }
0x79: {  	_ =	shalt  }
0x7a: {  	_ =	shalt  }
0x7b: {  	_ =	shalt  }
0x7c: {  	_ =	shalt  }
0x7d: {  	_ =	shalt  }
0x7e: {  	_ =	shalt  }
0x7f: {  	_ =	shalt  }
0x80: {  	_ =	shalt  }
0x81: {  	_ =	shalt  }
0x82: {  	_ =	shalt  }
0x83: {  	_ =	shalt  }
0x84: {  	_ =	shalt  }
0x85: {  	_ =	shalt  }
0x86: {  	_ =	shalt  }
0x87: {  	_ =	shalt  }
.Lfunc_end0:
.L_simem_size_0:
called_computation.4_lowered:
.L_overlay_start_0:
0x88: {  	s2 =	sld [smem:$0x3FD9]  }
0x89: {  	s3 =	sld [smem:$0x3FFE];
	_ =	sdelay $0x1  }
0x8a: {  	s1 =	srdreg.scid  }
0x8b: {  	s0 =	sand.u32 $0x1, s1  }
0x8c: {  	s17 =	sshll.u32 s0, $0xA;
	s2 =	sadd.s32 s3, s2  }
0x8d: {  	s2 =	sadd.s32 s2, s17  }
0x8e: {  	[smem:$0x3FB4] =	sst s2  }
0x8f: {  	_ = 	snop  }
0x90: {  	(tm) =	ssettm $0x1  }
0x91: {  	s18 =	sld [smem:$0x3FFB];
	_ =	sdelay $0x3  }
0x92: {  	_ =	strace s18  }
0x93: {  	s2 =	sld [smem:$0x3FFC];
	_ =	sdelay $0x3  }
0x94: {  	_ =	strace s2  }
0x95: {  	s2 =	sld [smem:$0x3FFD];
	_ =	sdelay $0x3  }
0x96: {  	_ =	strace s2  }
0x97: {  	_ =	strace $0x8FFFFFFF  }
0x98: {  	s19 =	sld [smem:$0x3FDB];
	_ =	sdelay $0x1  }
0x99: {  	s20 =	simm.s32 $_scs_section_size  }
0x9a: {  	s4 =	simm.s32 $_size__tile_overlayer_lowered;
	s5 =	simm.s32 $_tile_overlayer_lowered  }
0x9b: {  	s6 =	simm.s32 $0x1BFF;
	s21 =	sshll.u32 s5, $0x1;
	s3 =	sadd.s32 s20, s19  }
0x9c: {  	s22 =	simm.s32 $0x0;
	s4 =	sshll.u32 s4, $0x1;
	s5 =	sadd.s32 s21, s3  }
0x9d: {  	[timem:s22], [sflag:s6] =	dma.local [hbm:s5], s4  }
0x9e: {  	_ =	swait.ge [sflag:s6], s4  }
0x9f: {  	s4 =	ssub.s32 $0x0, s4;
	[sflag:s6] =	ssyncset.done $0x0  }
0xa0: {  	[sflag:s6] =	ssyncadd.s32 s4;
	_ =	sdelay $0x1  }
0xa1: {  	s23 =	simm.s32 $0x1B8B  }
0xa2: {  	_ =	swait.ge [sflag:s23], $0x1  }
0xa3: {  	[sflag:s23] =	ssyncset.done $0x0  }
0xa4: {  	[sflag:s23] =	ssyncadd.s32 $0xFFFFFFFF  }
0xa5: {  	s4 =	sld [smem:$0x0]  }
0xa6: {  	s5 =	sand.u32 $0xFFFFFFFE, s1  }
0xa7: {  	p0 =	sne.s32 s1, s5  }
0xa8: {  	s5 =	sshll.u32 @p0 s5, $0xE  }
0xa9: {  	s5 =	sadd.s32 @p0 $0x11B8D, s5;
	s6 =	sshll.u32 @p0 s4, $0x11  }
0xaa: {  	s5 =	sor.u32 @p0 s6, s5  }
0xab: {  	[sflag:s5] =	ssyncadd.remote.s32 @p0 $0x1;
	_ =	sdelay $0x1  }
0xac: {  	s5 =	simm.s32 @p0 $0x1B8D  }
0xad: {  	_ =	swait.eq @p0 [sflag:s5], $0x1  }
0xae: {  	[sflag:s5] =	ssyncadd.s32 @p0 $0xFFFFFFFF  }
0xaf: {  	s6 =	sshll.u32 @!p0 s1, $0xE  }
0xb0: {  	s6 =	sor.u32 @!p0 $0x4000, s6;
	s5 =	simm.s32 @!p0 $0x1B8D  }
0xb1: {  	s4 =	sshll.u32 @!p0 s4, $0x11;
	s6 =	sadd.s32 @!p0 $0x11B8D, s6;
	_ =	swait.eq @!p0 [sflag:s5], $0x1  }
0xb2: {  	s4 =	sor.u32 @!p0 s4, s6;
	[sflag:s5] =	ssyncadd.s32 @!p0 $0xFFFFFFFF  }
0xb3: {  	s25 =	simm.s32 $0x1B8E;
	s24 =	sld [smem:$0x3FFE];
	[sflag:s4] =	ssyncadd.remote.s32 @!p0 $0x1  }
0xb4: {  	s26 =	simm.s32 $execute0_lowered;
	[smem:$0x3FD2] =	sst s25  }
0xb5: {  	s5 =	sshll.u32 s26, $0x1;
	_ =	strace $0x80000052;
	[dreg:$0x1] =	wrdreg $0xFFFFFFFF  }
0xb6: {  	s28 =	simm.s32 $_size_execute0_lowered;
	s3 =	sadd.s32 s3, s5;
	[dreg:$0x0] =	wrdreg $0x0  }
0xb7: {  	s5 =	sshll.u32 s28, $0x1;
	[dreg:$0x2] =	wrdreg s3  }
0xb8: {  	[dreg:$0x3] =	wrdreg s5  }
0xb9: {  	[dreg:$0x4] =	wrdreg $0xC0  }
0xba: {  	_ =	task [dreg:s22], $0x5FFFF  }
0xbb: {  	[dreg:$0x1] =	wrdreg $0xFFFFFFFF  }
0xbc: {  	[dreg:$0x0] =	wrdreg $0x60  }
0xbd: {  	[dreg:$0x2] =	wrdreg s24  }
0xbe: {  	[dreg:$0x3] =	wrdreg $0xA  }
0xbf: {  	_ =	task.clear_ibuf [dreg:s22], $0x4FFFF;
	_ =	strace $0x90000052  }
0xc0: {  	s29 =	simm.s32 $0xA;
	_ =	strace $0x80000054  }
0xc1: {  	_ =	swait.ge [sflag:s29], $0x1  }
0xc2: {  	[sflag:s29] =	ssyncadd.s32 $0xFFFFFFFF  }
0xc3: {  	_ =	strace $0x90000054  }
0xc4: {  	_ =	sfence  }
0xc5: {  	s30 =	sld [smem:$0x0];
	_ =	sdelay $0x2  }
0xc6: {  	s31 =	sshll.u32 s1, $0xD;
	s1 =	sshrl.u32 s1, $0x2  }
0xc7: {  	s4 =	sand.u32 $0x4000, s31;
	s1 =	sadd.s32 s1, s30  }
0xc8: {  	s0 =	sor.u32 s4, s0;
	s1 =	sshll.u32 s1, $0x11  }
0xc9: {  	s0 =	sor.u32 s1, s0  }
0xca: {  	s0 =	sadd.s32 $0x8F2B, s0  }
0xcb: {  	[sflag:s0] =	ssyncadd.remote.s32 $0x1  }
0xcc: {  	_ =	sfence.sel $0xFFFF  }
0xcd: {  	[dreg:$0x0] =	wrdreg $0xFFFFFFFF;
	(pc) =	sbr.abs _section_cstart, $3  }
0xce: {  	[dreg:$0x1] =	wrdreg $0xFFFFFFFF  }
0xcf: {  	_ =	task.clear_ibuf [dreg:s22], $0x2FFFF;
	_ =	strace $0x9FFFFFFF  }
0xd0: {  	(tm) =	ssettm $0x7FFFFFFF  }
0xd1: {  	_ =	shalt  }
tec
execute0_lowered:
.L_overlay_start_1:
0x0: {  	(tag) =	ssettag $0x1  }
0x1: {  	s0 =	srdreg.scid;
	s5 =	rddreg [dreg:$0x0]  }
0x2: {  	s1 =	stileid.u32;
	s6 =	simm.s32 $0x1;
	s9 =	simm.s32 $0x1  }
0x3: {  	s10 =	simm.s32 $0x3;
	s13 =	simm.s32 $0x0;
	s2 =	sshll.u32 s0, $0xA  }
0x4: {  	s12 =	simm.s32 $0x0;
	s3 =	sshll.u32 s1, $0xB;
	s2 =	sand.u32 $0x400, s2  }
0x5: {  	s0 =	rddreg [dreg:$0x1];
	_ =	strace $0x80000053;
	s2 =	sor.u32 s3, s2  }
0x6: {  	s4 =	sadd.s32 $0x3200, s5;
	[sflag:s6] =	ssyncpa.u1 $0x0;
	s8 =	ssub.s32 $0x10000, s2  }
.Ltmp0:
0x7: {  	s3 =	sadd.s32 $0x605200, s5;
	s7 =	sand.u32 $0x7C00, s8;
	(pc) =	sbr.rel .LBB2_1-.Ltmp0, $4  }
0x8: {  	s5 =	sadd.s32 $0x40400, s5;
	s11 =	smov.u32 s2;
	p0 =	sne.s32 s7, $0x0  }
0x9: {  	s8 =	sshrl.u32 s8, $0xF;
	s7 =	simm.s32 $0x2;
	s9 =	simm.s32 @!p0 $0x0  }
0xa: {  	[sflag:s7] =	ssyncpa.u1 $0x0;
	p0 =	por $0x0, $0x0;
	s8 =	sadd.s32 s9, s8  }
0xb: {  	vm0 =	vmmov $0xffff;
	[sflag:s10] =	ssyncpa.u1 $0x0;
	s10 =	simm.s32 $0x0;
	s9 =	sadd.s32 $0x1, s8  }
.LBB2_4:
0xc: {  	vm1 =	veq.s32 v0, $0x80000000;
	v63 =	vand.u32 $0xFFF, v0;
	v2 =	vand.u32 $0xFFF, v2  }
0xd: {  	v0 =	vsel vm1, $0xFFFFFFFF, v63;
	v2 =	vsel vm1, $0xFFFFFFFF, v2  }
0xe: {  	v3 =	vshll.u32 v0, $0xC;
	v4 =	vshll.u32 v2, $0x3  }
0xf: {  	v0 =	vshll.u32 v0, $0x7;
	v3 =	vand.u32 $0xFFFF8000, v3;
	v4 =	vand.u32 $0xFFFFFC00, v4  }
0x10: {  	v0 =	vand.u32 $0x380, v0;
	v3 =	vadd.s32 v3, v4  }
0x11: {  	v2 =	vand.u32 $0x7F, v2;
	v0 =	vor.u32 v0, v3  }
0x12: {  	v0 =	vor.u32 v2, v0;
	_ =	sdelay $0x1  }
0x13: {  	(ifvalue) =	ssetifvalue $0x7FFFFFFF;
	s14 =	sadd.s32 $0x10, s14  }
0x14: {  	[tilespmem:s14], [sflag:$0x1] =	stream.indirect_vreg.gather [hbm4b:s3+s10], $0x1, v1, vm0, $0x4038;
	[tilespmem:$0x1000] =	vst v63  }
0x15: {  	(ifvalue) =	ssetifvalue $0x7FFFFFFF;
	s14 =	sadd.s32 $0x10, s14  }
0x16: {  	[tilespmem:s14], [sflag:$0x1] =	stream.indirect_vreg.gather [hbm4b:s3+s10], $0x1, v0, vm0, $0x4038;
	[tilespmem:$0x1000] =	vst v63  }
0x17: {  	_ =	swait.ge [sflag:s6], $0x400  }
0x18: {  	s30 =	sshrl.u32 s13, $0x3;
	[sflag:s6] =	ssyncset.done $0x0  }
0x19: {  	s31 =	sand.u32 $0x7, s13;
	s14 =	sadd.s32 s5, s30;
	[sflag:s6] =	ssyncadd.s32 $0xFFFFFC00  }
0x1a: {  	[hbm4b:s14+s31] =	stream.linear.scatter [tilespmem:s15], [sflag:$0x3], $0x400, $0x38;
	[tilespmem:$0x1000] =	vst v63  }
.LBB2_5:
0x1b: {  	s15 =	sadd.s32 $0x8000, s11  }
0x1c: {  	p2 =	sgt.s32 s15, $0xFFFF  }
0x1d: {  	s15 =	smov.u32 @p2 s2;
	p2 =	sne.s32 s12, s9  }
.Ltmp1:
0x1e: {  	p1 =	slt.u32 s12, $0x2;
	(pc) =	sbr.rel @!p2 .LBB2_6-.Ltmp1, $4  }
0x1f: {  	s14 =	simm.s32 @!p1 $0x3  }
0x20: {  	s16 =	sadd.s32 $0x1, s12;
	_ =	swait.ge @!p1 [sflag:s14], $0x400  }
0x21: {  	s13 =	smov.u32 s11;
	p0 =	por !p0, !p0;
	[sflag:s14] =	ssyncset.done @!p1 $0x0  }
0x22: {  	s12 =	smov.u32 s16;
	s11 =	smov.u32 s15;
	[sflag:s14] =	ssyncadd.s32 @!p1 $0xFFFFFC00  }
.LBB2_1:
0x23: {  	p1 =	sge.u32 s12, s8  }
0x24: {  	s14 =	sxor.u32 @!p1 $0xFFFFFFFF, s12  }
0x25: {  	s31 =	sadd.s32 $0xFFFFFFFF, s12;
	s15 =	sshrl.u32 @!p1 s11, $0x3;
	s14 =	sshll.u32 @!p1 s14, $0xA  }
0x26: {  	s16 =	sand.u32 @!p1 $0x7, s11;
	s15 =	sadd.s32 @!p1 s4, s15;
	s14 =	sand.u32 @!p1 $0x400, s14  }
0x27: {  	[tilespmem:s14], [sflag:$0x2] =	stream.linear.gather @!p1 [hbm4b:s15+s16], $0x400, $0x38;
	[tilespmem:$0x1000] =	vst v63  }
0x28: {  	p1 =	sge.u32 s31, s8  }
.Ltmp2:
0x29: {  	_ = 	snop;
	(pc) =	sbr.rel @p1 .LBB2_5-.Ltmp2, $1  }
0x2a: {  	_ =	sdelay $0x3  }
0x2b: {  	s14 =	simm.s32 $0x1  }
0x2c: {  	_ =	swait.ge [sflag:s7], $0x400;
	s14 =	simm.s32 @!p0 $0x0  }
0x2d: {  	[sflag:s7] =	ssyncset.done $0x0;
	s14 =	sshll.u32 s14, $0xA  }
0x2e: {  	[sflag:s7] =	ssyncadd.s32 $0xFFFFFC00;
	(ifvalue) =	ssetifvalue $0x7FFFFFFF;
	v0 =	vld.msk [tilespmem:s14+$0x0 ss:$0x1], $0xffff;
	_ =	sdelay $0x3  }
0x2f: {  	s15 =	sadd.s32 $0x10, s14  }
0x30: {  	v2 =	vld.msk [tilespmem:s15+$0x0 ss:$0x1], $0xffff;
	v1 =	vshrl.u32 v0, $0xC  }
0x31: {  	vm1 =	veq.s32 v0, $0x80000000;
	v0 =	vand.u32 $0xFFF, v0;
	v1 =	vand.u32 $0xFFF, v1  }
0x32: {  	v0 =	vsel vm1, $0xFFFFFFFF, v0;
	v1 =	vsel vm1, $0xFFFFFFFF, v1  }
0x33: {  	v3 =	vshll.u32 v0, $0xC;
	v4 =	vshll.u32 v1, $0x3  }
0x34: {  	v0 =	vshll.u32 v0, $0x7;
	v3 =	vand.u32 $0xFFFF8000, v3;
	v4 =	vand.u32 $0xFFFFFC00, v4  }
0x35: {  	vm1 =	veq.s32 v2, $0x80000000;
	v0 =	vand.u32 $0x380, v0;
	v3 =	vadd.s32 v3, v4  }
0x36: {  	v1 =	vand.u32 $0x7F, v1;
	v0 =	vor.u32 v0, v3;
	v3 =	vshrl.u32 v2, $0xC  }
0x37: {  	s17 =	sadd.s32 $0x10, s15;
	v2 =	vand.u32 $0xFFF, v2;
	v1 =	vor.u32 v1, v0;
	v3 =	vand.u32 $0xFFF, v3  }
0x38: {  	v0 =	vld.msk [tilespmem:s17+$0x0 ss:$0x1], $0xffff;
	v2 =	vsel vm1, $0xFFFFFFFF, v2;
	v3 =	vsel vm1, $0xFFFFFFFF, v3  }
0x39: {  	v63 =	vshll.u32 v2, $0xC;
	v5 =	vshll.u32 v3, $0x3  }
0x3a: {  	s31 =	sshll.u32 s12, $0xA;
	v2 =	vshll.u32 v2, $0x7;
	v4 =	vand.u32 $0xFFFF8000, v63;
	v5 =	vand.u32 $0xFFFFFC00, v5  }
0x3b: {  	s14 =	sor.u32 $0x800, s14;
	s15 =	sand.u32 $0x400, s31;
	(ifvalue) =	ssetifvalue $0x7FFFFFFF;
	v2 =	vand.u32 $0x380, v2;
	v4 =	vadd.s32 v4, v5  }
0x3c: {  	[tilespmem:s14], [sflag:$0x1] =	stream.indirect_vreg.gather [hbm4b:s3+s10], $0x1, v1, vm0, $0x4038;
	v1 =	vand.u32 $0x7F, v3;
	v3 =	vor.u32 v2, v4;
	[tilespmem:$0x1000] =	vst v63  }
0x3d: {  	s16 =	simm.s32 $0x20;
	s15 =	sor.u32 $0x800, s15;
	s17 =	sadd.s32 $0x10, s17;
	v2 =	vshrl.u32 v0, $0xC;
	v1 =	vor.u32 v1, v3  }
.LBB2_3:
0x3e: {  	s16 =	sadd.s32 $0x10, s16;
	vm1 =	veq.s32 v0, $0x80000000;
	v3 =	vand.u32 $0xFFF, v0;
	v0 =	vld.msk [tilespmem:s17+$0x0 ss:$0x1], $0xffff;
	v2 =	vand.u32 $0xFFF, v2  }
0x3f: {  	p1 =	slt.u32 s16, $0x3F0;
	v3 =	vsel vm1, $0xFFFFFFFF, v3;
	v2 =	vsel vm1, $0xFFFFFFFF, v2  }
.Ltmp3:
0x40: {  	v4 =	vshll.u32 v3, $0xC;
	v5 =	vshll.u32 v2, $0x3;
	(pc) =	sbr.rel @p1 .LBB2_3-.Ltmp3, $4  }
0x41: {  	s14 =	sadd.s32 $0x10, s14;
	v3 =	vshll.u32 v3, $0x7;
	v4 =	vand.u32 $0xFFFF8000, v4;
	v5 =	vand.u32 $0xFFFFFC00, v5;
	(ifvalue) =	ssetifvalue $0x7FFFFFFF  }
0x42: {  	v3 =	vand.u32 $0x380, v3;
	v4 =	vadd.s32 v4, v5;
	[tilespmem:s14], [sflag:$0x1] =	stream.indirect_vreg.gather [hbm4b:s3+s10], $0x1, v1, vm0, $0x4038;
	[tilespmem:$0x1000] =	vst v63  }
0x43: {  	v1 =	vand.u32 $0x7F, v2;
	v3 =	vor.u32 v3, v4  }
0x44: {  	s17 =	sadd.s32 $0x10, s17;
	v2 =	vshrl.u32 v0, $0xC;
	v1 =	vor.u32 v1, v3  }
.Ltmp4:
0x45: {  	_ = 	snop;
	(pc) =	sbr.rel .LBB2_4-.Ltmp4, $1  }
0x46: {  	_ =	sdelay $0x3  }
.LBB2_6:
0x47: {  	_ =	sfence.sel $0x180000  }
0x48: {  	s2 =	simm.s32 $0x2;
	[bflag:$0x0] =	sbarrier.arrive $0xFFFF  }
0x49: {  	s30 =	simm.s32 $0x3;
	[sflag:s2] =	ssyncpa.u1 $0x1  }
0x4a: {  	s31 =	simm.s32 $0x1;
	[sflag:s30] =	ssyncpa.u1 $0x1  }
0x4b: {  	[sflag:s31] =	ssyncpa.u1 $0x1  }
0x4c: {  	p0 =	sne.s32 s1, $0x0;
	_ =	strace $0x90000053  }
0x4d: {  	s0 =	sadd.s32 @!p0 $0x100000, s0;
	[bflag:$0x2] =	sbarrier.arrive $0xFFFF  }
0x4e: {  	[sflag:s0] =	ssyncadd.tile.s32 @!p0 $0x1;
	_ =	shalt  }
.Lfunc_end2:
_tile_overlayer_lowered:
.L_overlay_start_2:
0x4f: {  	(tag) =	ssettag $0x2  }
0x50: {  	s0 =	rddreg [dreg:$0x0];
	s2 =	stileid.u32  }
0x51: {  	s1 =	rddreg [dreg:$0x1];
	p0 =	sne.s32 s2, $0x0  }
0x52: {  	s3 =	rddreg [dreg:$0x2];
	[bflag:$0x3] =	sbarrier.arrive $0xFFFF;
	s2 =	simm.s32 @!p0 $0x1C01  }
0x53: {  	[timem:s3], [sflag:s2] =	dma.local @!p0 [hbm:s0], s1  }
0x54: {  	s0 =	simm.s32 @!p0 $0x1  }
0x55: {  	_ =	swait.ge @!p0 [sflag:s0], s1  }
0x56: {  	s1 =	ssub.s32 @!p0 $0x0, s1;
	[sflag:s0] =	ssyncset.done @!p0 $0x0  }
0x57: {  	[sflag:s0] =	ssyncadd.s32 @!p0 s1  }
0x58: {  	[bflag:$0x3] =	sbarrier.arrive $0xFFFF  }
0x59: {  	_ =	shalt  }

// kernel: gather_offload_async_start
scs
__scs_entry_jumppad:
0x0: {  	(pc) =	sbr.rel $0x88, $3  }
0x1: {  	(tag) =	ssettag $0x0;
	lr =	simm.s32 $0x1  }
0x2: {  	[smem:$0x3F8D] =	sst lr;
	_ =	strace $0xD0000000  }
0x3: {  	_ = 	snop  }
0x4: {  	_ = 	snop  }
0x5: {  	_ = 	snop  }
0x6: {  	_ = 	snop  }
0x7: {  	_ = 	snop  }
__scs_overlays_trampoline_lowered:
0x8: {  	[smem:$0x3F9C] =	sst s0  }
0x9: {  	[smem:$0x3F9D] =	sst s1  }
0xa: {  	[smem:$0x3F9E] =	sst s2  }
0xb: {  	[smem:$0x3F9F] =	sst s3  }
0xc: {  	[smem:$0x3FA0] =	sst s4  }
0xd: {  	[smem:$0x3FA1] =	sst s5  }
0xe: {  	[smem:$0x3FA2] =	sst s6  }
0xf: {  	[smem:$0x3FA3] =	sst s7  }
0x10: {  	[smem:$0x3FA4] =	sst s8  }
0x11: {  	[smem:$0x3FA5] =	sst s9;
	s0 =	simm.s32 @!p0 $0x0  }
0x12: {  	s1 =	sld [smem:$0x3F8B];
	s0 =	simm.s32 @p0 $0x1  }
0x13: {  	[smem:$0x3FA6] =	sst s0;
	s0 =	simm.s32 @!p1 $0x0  }
0x14: {  	s2 =	sld [smem:$0x3F8A];
	s0 =	simm.s32 @p1 $0x1  }
0x15: {  	[smem:$0x3FA7] =	sst s0;
	s0 =	simm.s32 @!p2 $0x0  }
0x16: {  	s3 =	sld [smem:$0x3FDB];
	s0 =	simm.s32 @p2 $0x1  }
0x17: {  	s4 =	simm.s32 $0x1BF5;
	[smem:$0x3FA9] =	sst s0  }
0x18: {  	s0 =	sld [smem:$0x3F8C];
	_ =	swait.ge [sflag:s4], $0x0  }
0x19: {  	s7 =	sld [smem:$0x3F8D]  }
0x1a: {  	s8 =	sadd.s32 $0xFFFFE003, lr  }
0x1b: {  	s9 =	sadd.s32 $0xFFFFFEF7, lr;
	s5 =	simm.s32 $0xFFFFFFFF;
	p2 =	slt.u32 s8, $0xFFFFF086  }
0x1c: {  	p1 =	slt.u32 s9, $0xF7A;
	s5 =	simm.s32 @!p2 $0x0  }
0x1d: {  	s5 =	simm.s32 @p1 $0x1;
	p0 =	seq.s32 s7, s2  }
0x1e: {  	s7 =	smul.u32 @!p0 $0xF7A, s2;
	p2 =	seq.s32 @!p0 s5, $0x0  }
0x1f: {  	s9 =	smul.u32 $0xF7A, s1;
	s8 =	simm.s32 @!p0 $0x1BF5;
	p2 =	por !p2, p0  }
0x20: {  	[sflag:s8] =	ssyncset.s32 @!p0 $0xFFFFF086;
	s6 =	sadd.s32 @!p0 s3, s7;
	s7 =	simm.s32 @!p0 $0x108  }
0x21: {  	s3 =	sadd.s32 s3, s9;
	s6 =	sadd.s32 @!p0 $0x88, s6;
	s7 =	simm.s32 @p2 $0x1082  }
0x22: {  	[simem:s7], [sflag:s8] =	dma.local @!p0 [hbm:s6], $0xF7A  }
0x23: {  	s9 =	sor.u32 $0xD0000000, s2;
	s6 =	simm.s32 $0x108;
	_ =	swait.ge @!p0 [sflag:s8], $0x0  }
0x24: {  	s3 =	sadd.s32 $0x88, s3;
	s6 =	simm.s32 @!p1 $0x1082;
	[sflag:s4] =	ssyncset.s32 $0xFFFFF086  }
0x25: {  	[simem:s6], [sflag:s4] =	dma.local [hbm:s3], $0xF7A  }
0x26: {  	[smem:$0x3F8D] =	sst s1;
	(tag) =	ssettag s2;
	_ =	strace s9  }
0x27: {  	s1 =	sld [smem:$0x3F9D]  }
0x28: {  	s2 =	sld [smem:$0x3F9E]  }
0x29: {  	s4 =	sld [smem:$0x3FA0]  }
0x2a: {  	p0 =	seq.s32 s5, $0x0;
	s5 =	sld [smem:$0x3FA1]  }
0x2b: {  	s6 =	sld [smem:$0x3FA2]  }
0x2c: {  	s7 =	sld [smem:$0x3FA3]  }
0x2d: {  	s3 =	simm.s32 $0x108;
	s8 =	sld [smem:$0x3FA4]  }
0x2e: {  	s3 =	simm.s32 @!p0 $0x1082;
	s9 =	sld [smem:$0x3FA5]  }
0x2f: {  	lr =	sadd.s32 s0, s3;
	s0 =	sld [smem:$0x3F9C]  }
0x30: {  	s3 =	sld [smem:$0x3F9F]  }
0x31: {  	[smem:$0x3FA8] =	sst s10  }
0x32: {  	s10 =	sld [smem:$0x3FA6];
	_ =	sdelay $0x3  }
0x33: {  	p0 =	seq.s32 s10, $0x1;
	s10 =	sld [smem:$0x3FA8];
	_ =	sdelay $0x3  }
0x34: {  	[smem:$0x3FA8] =	sst s10  }
0x35: {  	s10 =	sld [smem:$0x3FA7];
	_ =	sdelay $0x3  }
0x36: {  	p1 =	seq.s32 s10, $0x1;
	s10 =	sld [smem:$0x3FA8];
	_ =	sdelay $0x3  }
0x37: {  	[smem:$0x3FA8] =	sst s10  }
0x38: {  	s10 =	sld [smem:$0x3FA9]  }
0x39: {  	_ = 	snop;
	(pc) =	sbr.ind lr, $3  }
0x3a: {  	_ = 	snop  }
0x3b: {  	_ = 	snop  }
0x3c: {  	p2 =	seq.s32 s10, $0x1;
	s10 =	sld [smem:$0x3FA8]  }
0x3d: {  	_ =	shalt  }
0x3e: {  	_ =	shalt  }
0x3f: {  	_ =	shalt  }
0x40: {  	_ =	shalt  }
0x41: {  	_ =	shalt  }
0x42: {  	_ =	shalt  }
0x43: {  	_ =	shalt  }
0x44: {  	_ =	shalt  }
0x45: {  	_ =	shalt  }
0x46: {  	_ =	shalt  }
0x47: {  	_ =	shalt  }
0x48: {  	_ =	shalt  }
0x49: {  	_ =	shalt  }
0x4a: {  	_ =	shalt  }
0x4b: {  	_ =	shalt  }
0x4c: {  	_ =	shalt  }
0x4d: {  	_ =	shalt  }
0x4e: {  	_ =	shalt  }
0x4f: {  	_ =	shalt  }
0x50: {  	_ =	shalt  }
0x51: {  	_ =	shalt  }
0x52: {  	_ =	shalt  }
0x53: {  	_ =	shalt  }
0x54: {  	_ =	shalt  }
0x55: {  	_ =	shalt  }
0x56: {  	_ =	shalt  }
0x57: {  	_ =	shalt  }
0x58: {  	_ =	shalt  }
0x59: {  	_ =	shalt  }
0x5a: {  	_ =	shalt  }
0x5b: {  	_ =	shalt  }
0x5c: {  	_ =	shalt  }
0x5d: {  	_ =	shalt  }
0x5e: {  	_ =	shalt  }
0x5f: {  	_ =	shalt  }
0x60: {  	_ =	shalt  }
0x61: {  	_ =	shalt  }
0x62: {  	_ =	shalt  }
0x63: {  	_ =	shalt  }
0x64: {  	_ =	shalt  }
0x65: {  	_ =	shalt  }
0x66: {  	_ =	shalt  }
0x67: {  	_ =	shalt  }
0x68: {  	_ =	shalt  }
0x69: {  	_ =	shalt  }
0x6a: {  	_ =	shalt  }
0x6b: {  	_ =	shalt  }
0x6c: {  	_ =	shalt  }
0x6d: {  	_ =	shalt  }
0x6e: {  	_ =	shalt  }
0x6f: {  	_ =	shalt  }
0x70: {  	_ =	shalt  }
0x71: {  	_ =	shalt  }
0x72: {  	_ =	shalt  }
0x73: {  	_ =	shalt  }
0x74: {  	_ =	shalt  }
0x75: {  	_ =	shalt  }
0x76: {  	_ =	shalt  }
0x77: {  	_ =	shalt  }
0x78: {  	_ =	shalt  }
0x79: {  	_ =	shalt  }
0x7a: {  	_ =	shalt  }
0x7b: {  	_ =	shalt  }
0x7c: {  	_ =	shalt  }
0x7d: {  	_ =	shalt  }
0x7e: {  	_ =	shalt  }
0x7f: {  	_ =	shalt  }
0x80: {  	_ =	shalt  }
0x81: {  	_ =	shalt  }
0x82: {  	_ =	shalt  }
0x83: {  	_ =	shalt  }
0x84: {  	_ =	shalt  }
0x85: {  	_ =	shalt  }
0x86: {  	_ =	shalt  }
0x87: {  	_ =	shalt  }
.Lfunc_end0:
.L_simem_size_0:
called_computation_lowered:
.L_overlay_start_0:
0x88: {  	s2 =	sld [smem:$0x3FD9]  }
0x89: {  	s3 =	sld [smem:$0x3FFE];
	_ =	sdelay $0x1  }
0x8a: {  	s1 =	srdreg.scid  }
0x8b: {  	s0 =	sand.u32 $0x1, s1  }
0x8c: {  	s14 =	sshll.u32 s0, $0xA;
	s2 =	sadd.s32 s3, s2  }
0x8d: {  	s2 =	sadd.s32 s2, s14  }
0x8e: {  	[smem:$0x3FB4] =	sst s2  }
0x8f: {  	_ = 	snop  }
0x90: {  	s2 =	sld [smem:$0x3FD0];
	_ =	sdelay $0x2  }
0x91: {  	s15 =	simm.s32 $0xB;
	s4 =	simm.s32 $0x10  }
0x92: {  	[smem:s4], [sflag:s15] =	dma.local [hbm:s2], $0x1  }
0x93: {  	_ =	swait.eq [sflag:s15], $0x1  }
0x94: {  	[sflag:s15] =	ssyncset.done $0x0  }
0x95: {  	s16 =	sld [smem:$0x10];
	[sflag:s15] =	ssyncadd.s32 $0xFFFFFFFF  }
0x96: {  	s17 =	sld [smem:$0x11];
	(tm) =	ssettm $0x1  }
0x97: {  	s18 =	sld [smem:$0x3FFB];
	_ =	sdelay $0x3  }
0x98: {  	_ =	strace s18  }
0x99: {  	s4 =	sld [smem:$0x3FFC];
	_ =	sdelay $0x3  }
0x9a: {  	_ =	strace s4  }
0x9b: {  	s4 =	sld [smem:$0x3FFD];
	_ =	sdelay $0x3  }
0x9c: {  	_ =	strace s4  }
0x9d: {  	_ =	strace $0x8FFFFFFF  }
0x9e: {  	s19 =	sld [smem:$0x3FDB];
	_ =	sdelay $0x1  }
0x9f: {  	s5 =	simm.s32 $_scs_section_size  }
0xa0: {  	s6 =	simm.s32 $_size__tile_overlayer_lowered;
	s7 =	simm.s32 $_tile_overlayer_lowered  }
0xa1: {  	s22 =	simm.s32 $0x1BFF;
	s21 =	sshll.u32 s7, $0x1;
	s4 =	sadd.s32 s5, s19  }
0xa2: {  	s8 =	simm.s32 $0x0;
	s20 =	sshll.u32 s6, $0x1;
	s6 =	sadd.s32 s21, s4  }
0xa3: {  	[timem:s8], [sflag:s22] =	dma.local [hbm:s6], s20  }
0xa4: {  	_ =	swait.ge [sflag:s22], s20  }
0xa5: {  	s5 =	ssub.s32 $0x0, s20;
	[sflag:s22] =	ssyncset.done $0x0  }
0xa6: {  	[sflag:s22] =	ssyncadd.s32 s5;
	_ =	sdelay $0x1  }
0xa7: {  	s23 =	simm.s32 $0x1B8B  }
0xa8: {  	_ =	swait.ge [sflag:s23], $0x1  }
0xa9: {  	[sflag:s23] =	ssyncset.done $0x0  }
0xaa: {  	s25 =	simm.s32 $0x1B8E;
	s24 =	sld [smem:$0x3FFE];
	[sflag:s23] =	ssyncadd.s32 $0xFFFFFFFF  }
0xab: {  	s26 =	simm.s32 $execute0_lowered;
	[smem:$0x3FD2] =	sst s25  }
0xac: {  	s6 =	sshll.u32 s26, $0x1;
	_ =	strace $0x8000004C;
	[dreg:$0x1] =	wrdreg $0xFFFFFFFF  }
0xad: {  	s28 =	simm.s32 $_size_execute0_lowered;
	s4 =	sadd.s32 s4, s6;
	[dreg:$0x0] =	wrdreg $0x0  }
0xae: {  	s6 =	sshll.u32 s28, $0x1;
	[dreg:$0x2] =	wrdreg s4  }
0xaf: {  	[dreg:$0x3] =	wrdreg s6  }
0xb0: {  	[dreg:$0x4] =	wrdreg $0xC0  }
0xb1: {  	_ =	task [dreg:s8], $0x5FFFF  }
0xb2: {  	[dreg:$0x1] =	wrdreg $0xFFFFFFFF  }
0xb3: {  	[dreg:$0x0] =	wrdreg $0x60  }
0xb4: {  	[dreg:$0x2] =	wrdreg s17  }
0xb5: {  	[dreg:$0x3] =	wrdreg s16  }
0xb6: {  	[dreg:$0x4] =	wrdreg s24  }
0xb7: {  	[dreg:$0x5] =	wrdreg $0x9  }
0xb8: {  	_ =	task.clear_ibuf [dreg:s8], $0x6FFFF;
	_ =	strace $0x9000004C  }
0xb9: {  	s29 =	simm.s32 $0x9;
	_ =	strace $0x8000004E  }
0xba: {  	_ =	swait.ge [sflag:s29], $0x1  }
0xbb: {  	[sflag:s29] =	ssyncadd.s32 $0xFFFFFFFF  }
0xbc: {  	_ =	strace $0x9000004E  }
0xbd: {  	_ =	sfence  }
0xbe: {  	s30 =	sld [smem:$0x0];
	_ =	sdelay $0x2  }
0xbf: {  	s31 =	sshll.u32 s1, $0xD;
	s1 =	sshrl.u32 s1, $0x2  }
0xc0: {  	s3 =	sand.u32 $0x4000, s31;
	s1 =	sadd.s32 s1, s30  }
0xc1: {  	s0 =	sor.u32 s3, s0;
	s1 =	sshll.u32 s1, $0x11  }
0xc2: {  	s0 =	sor.u32 s1, s0  }
0xc3: {  	s0 =	sadd.s32 $0x8F2B, s0  }
0xc4: {  	[sflag:s0] =	ssyncadd.remote.s32 $0x1  }
0xc5: {  	_ =	sfence.sel $0xFFFF  }
0xc6: {  	[dreg:$0x0] =	wrdreg $0xFFFFFFFF;
	(pc) =	sbr.abs _section_cstart, $3  }
0xc7: {  	[dreg:$0x1] =	wrdreg $0xFFFFFFFF  }
0xc8: {  	_ =	task.clear_ibuf [dreg:s8], $0x2FFFF;
	_ =	strace $0x9FFFFFFF  }
0xc9: {  	(tm) =	ssettm $0x7FFFFFFF  }
tec
execute0_lowered:
.L_overlay_start_1:
0x0: {  	(tag) =	ssettag $0x1  }
0x1: {  	s2 =	rddreg [dreg:$0x0]  }
0x2: {  	s1 =	srdreg.scid;
	s3 =	rddreg [dreg:$0x1]  }
0x3: {  	s0 =	stileid.u32;
	s5 =	rddreg [dreg:$0x2]  }
0x4: {  	s9 =	simm.s32 $0x1;
	s10 =	simm.s32 $0x3;
	s1 =	sshll.u32 s1, $0xA  }
0x5: {  	s13 =	simm.s32 $0x0;
	s4 =	sshll.u32 s0, $0xB;
	s6 =	sand.u32 $0x400, s1  }
0x6: {  	s12 =	simm.s32 $0x0;
	s5 =	sadd.s32 $0x5200, s5;
	s4 =	sor.u32 s4, s6  }
0x7: {  	s1 =	rddreg [dreg:$0x3];
	_ =	strace $0x8000004D;
	s8 =	ssub.s32 $0x10000, s4  }
.Ltmp0:
0x8: {  	s6 =	simm.s32 $0x1;
	s7 =	sand.u32 $0x7C00, s8;
	(pc) =	sbr.rel .LBB2_1-.Ltmp0, $4  }
0x9: {  	[sflag:s6] =	ssyncpa.u1 $0x0;
	s11 =	smov.u32 s4;
	p0 =	sne.s32 s7, $0x0  }
0xa: {  	s8 =	sshrl.u32 s8, $0xF;
	s7 =	simm.s32 $0x2;
	s9 =	simm.s32 @!p0 $0x0  }
0xb: {  	[sflag:s7] =	ssyncpa.u1 $0x0;
	p0 =	por $0x0, $0x0;
	s8 =	sadd.s32 s9, s8  }
0xc: {  	vm0 =	vmmov $0xffff;
	[sflag:s10] =	ssyncpa.u1 $0x0;
	s10 =	simm.s32 $0x0;
	s9 =	sadd.s32 $0x1, s8  }
.LBB2_4:
0xd: {  	v2 =	vnsel vm1, $0x0, v2  }
0xe: {  	vm1 =	vgt.s32 v0, $0x0;
	v2 =	vmin.u32 v2, $0xFFFF  }
0xf: {  	v0 =	vnsel vm1, $0x0, v0  }
0x10: {  	v0 =	vmin.u32 v0, $0xFFFF  }
0x11: {  	[tilespmem:s15], [sflag:$0x1] =	stream.indirect_vreg.gather [hbm4b:s2+s10], $0x1, v1, vm0, $0x4038;
	[tilespmem:$0x1000] =	vst v63  }
0x12: {  	(ifvalue) =	ssetifvalue $0x7FFFFFFF  }
0x13: {  	[tilespmem:s16], [sflag:$0x1] =	stream.indirect_vreg.gather [hbm4b:s2+s10], $0x1, v2, vm0, $0x4038;
	[tilespmem:$0x1000] =	vst v63  }
0x14: {  	s29 =	sadd.s32 $0x10, s16;
	(ifvalue) =	ssetifvalue $0x7FFFFFFF  }
0x15: {  	[tilespmem:s29], [sflag:$0x1] =	stream.indirect_vreg.gather [hbm4b:s2+s10], $0x1, v0, vm0, $0x4038;
	[tilespmem:$0x1000] =	vst v63  }
0x16: {  	_ =	swait.ge [sflag:s6], $0x400  }
0x17: {  	s30 =	sshrl.u32 s13, $0x3;
	[sflag:s6] =	ssyncset.done $0x0  }
0x18: {  	s31 =	sand.u32 $0x7, s13;
	s15 =	sadd.s32 s5, s30;
	[sflag:s6] =	ssyncadd.s32 $0xFFFFFC00  }
0x19: {  	[hbm4b:s15+s31] =	stream.linear.scatter [tilespmem:s14], [sflag:$0x3], $0x400, $0x38;
	[tilespmem:$0x1000] =	vst v63  }
.LBB2_5:
0x1a: {  	s15 =	sadd.s32 $0x8000, s11  }
0x1b: {  	p2 =	sgt.s32 s15, $0xFFFF  }
0x1c: {  	s15 =	smov.u32 @p2 s4;
	p2 =	sne.s32 s12, s9  }
.Ltmp1:
0x1d: {  	p1 =	slt.u32 s12, $0x2;
	(pc) =	sbr.rel @!p2 .LBB2_6-.Ltmp1, $4  }
0x1e: {  	s14 =	simm.s32 @!p1 $0x3  }
0x1f: {  	s16 =	sadd.s32 $0x1, s12;
	_ =	swait.ge @!p1 [sflag:s14], $0x400  }
0x20: {  	s13 =	smov.u32 s11;
	p0 =	por !p0, !p0;
	[sflag:s14] =	ssyncset.done @!p1 $0x0  }
0x21: {  	s12 =	smov.u32 s16;
	s11 =	smov.u32 s15;
	[sflag:s14] =	ssyncadd.s32 @!p1 $0xFFFFFC00  }
.LBB2_1:
0x22: {  	p1 =	sge.u32 s12, s8  }
0x23: {  	s14 =	sxor.u32 @!p1 $0xFFFFFFFF, s12  }
0x24: {  	s31 =	sadd.s32 $0xFFFFFFFF, s12;
	s15 =	sshrl.u32 @!p1 s11, $0x3;
	s14 =	sshll.u32 @!p1 s14, $0xA  }
0x25: {  	s16 =	sand.u32 @!p1 $0x7, s11;
	s15 =	sadd.s32 @!p1 s3, s15;
	s14 =	sand.u32 @!p1 $0x400, s14  }
0x26: {  	[tilespmem:s14], [sflag:$0x2] =	stream.linear.gather @!p1 [hbm4b:s15+s16], $0x400, $0x38;
	[tilespmem:$0x1000] =	vst v63  }
0x27: {  	p1 =	sge.u32 s31, s8  }
.Ltmp2:
0x28: {  	_ = 	snop;
	(pc) =	sbr.rel @p1 .LBB2_5-.Ltmp2, $1  }
0x29: {  	_ =	sdelay $0x3  }
0x2a: {  	s14 =	simm.s32 $0x1  }
0x2b: {  	_ =	swait.ge [sflag:s7], $0x400;
	s14 =	simm.s32 @!p0 $0x0  }
0x2c: {  	[sflag:s7] =	ssyncset.done $0x0;
	s14 =	sshll.u32 s14, $0xA  }
0x2d: {  	[sflag:s7] =	ssyncadd.s32 $0xFFFFFC00;
	(ifvalue) =	ssetifvalue $0x7FFFFFFF;
	v0 =	vld.msk [tilespmem:s14+$0x0 ss:$0x1], $0xffff;
	_ =	sdelay $0x4  }
0x2e: {  	s15 =	sadd.s32 $0x10, s14;
	vm1 =	vgt.s32 v0, $0x0  }
0x2f: {  	v2 =	vld.msk [tilespmem:s15+$0x0 ss:$0x1], $0xffff;
	v1 =	vnsel vm1, $0x0, v0  }
0x30: {  	v1 =	vmin.u32 v1, $0xFFFF;
	_ =	sdelay $0x1  }
0x31: {  	s16 =	sshll.u32 s12, $0xA;
	s18 =	simm.s32 $0x20  }
0x32: {  	s16 =	sand.u32 $0x400, s16;
	s17 =	sadd.s32 $0x10, s15;
	s15 =	sor.u32 $0x800, s14  }
0x33: {  	s14 =	sor.u32 $0x800, s16;
	s16 =	sadd.s32 $0x10, s15;
	v0 =	vld.msk [tilespmem:s17+$0x0 ss:$0x1], $0xffff;
	vm1 =	vgt.s32 v2, $0x0;
	(ifvalue) =	ssetifvalue $0x7FFFFFFF  }
.LBB2_3:
0x34: {  	[tilespmem:s15], [sflag:$0x1] =	stream.indirect_vreg.gather [hbm4b:s2+s10], $0x1, v1, vm0, $0x4038;
	[tilespmem:$0x1000] =	vst v63  }
0x35: {  	s18 =	sadd.s32 $0x10, s18  }
0x36: {  	v2 =	vnsel vm1, $0x0, v2;
	p1 =	slt.u32 s18, $0x3F0  }
.Ltmp3:
0x37: {  	s15 =	smov.u32 s16;
	v1 =	vmin.u32 v2, $0xFFFF;
	(pc) =	sbr.rel @p1 .LBB2_3-.Ltmp3, $3  }
0x38: {  	_ =	sdelay $0x1  }
0x39: {  	s17 =	sadd.s32 $0x10, s17  }
0x3a: {  	vm1 =	vgt.s32 v0, $0x0;
	s16 =	sadd.s32 $0x10, s16;
	v2 =	vmov v0;
	(ifvalue) =	ssetifvalue $0x7FFFFFFF;
	v0 =	vld.msk [tilespmem:s17+$0x0 ss:$0x1], $0xffff  }
.Ltmp4:
0x3b: {  	_ = 	snop;
	(pc) =	sbr.rel .LBB2_4-.Ltmp4, $1  }
0x3c: {  	_ =	sdelay $0x3  }
.LBB2_6:
0x3d: {  	_ =	sfence.sel $0x180000  }
0x3e: {  	s2 =	simm.s32 $0x2;
	[bflag:$0x0] =	sbarrier.arrive $0xFFFF  }
0x3f: {  	s30 =	simm.s32 $0x3;
	[sflag:s2] =	ssyncpa.u1 $0x1  }
0x40: {  	s31 =	simm.s32 $0x1;
	[sflag:s30] =	ssyncpa.u1 $0x1  }
0x41: {  	[sflag:s31] =	ssyncpa.u1 $0x1  }
0x42: {  	p0 =	sne.s32 s0, $0x0;
	_ =	strace $0x9000004D  }
0x43: {  	s0 =	sadd.s32 @!p0 $0x100000, s1;
	[bflag:$0x2] =	sbarrier.arrive $0xFFFF  }
0x44: {  	[sflag:s0] =	ssyncadd.tile.s32 @!p0 $0x1;
	_ =	shalt  }
.Lfunc_end2:
_tile_overlayer_lowered:
.L_overlay_start_2:
0x45: {  	(tag) =	ssettag $0x2  }
0x46: {  	s0 =	rddreg [dreg:$0x0];
	s2 =	stileid.u32  }
0x47: {  	s1 =	rddreg [dreg:$0x1];
	p0 =	sne.s32 s2, $0x0  }
0x48: {  	s3 =	rddreg [dreg:$0x2];
	[bflag:$0x3] =	sbarrier.arrive $0xFFFF;
	s2 =	simm.s32 @!p0 $0x1C01  }
0x49: {  	[timem:s3], [sflag:s2] =	dma.local @!p0 [hbm:s0], s1  }
0x4a: {  	s0 =	simm.s32 @!p0 $0x1  }
0x4b: {  	_ =	swait.ge @!p0 [sflag:s0], s1  }
0x4c: {  	s1 =	ssub.s32 @!p0 $0x0, s1;
	[sflag:s0] =	ssyncset.done @!p0 $0x0  }
0x4d: {  	[sflag:s0] =	ssyncadd.s32 @!p0 s1  }
0x4e: {  	[bflag:$0x3] =	sbarrier.arrive $0xFFFF  }
0x4f: {  	_ =	shalt  }

// kernel: kernel.5.cloned.1.call-start
scs
__scs_entry_jumppad:
0x0: {  	(pc) =	sbr.rel $0x88, $3  }
0x1: {  	(tag) =	ssettag $0x0;
	lr =	simm.s32 $0x1  }
0x2: {  	[smem:$0x3F8D] =	sst lr;
	_ =	strace $0xD0000000  }
0x3: {  	_ = 	snop  }
0x4: {  	_ = 	snop  }
0x5: {  	_ = 	snop  }
0x6: {  	_ = 	snop  }
0x7: {  	_ = 	snop  }
__scs_overlays_trampoline_lowered:
0x8: {  	[smem:$0x3F9C] =	sst s0  }
0x9: {  	[smem:$0x3F9D] =	sst s1  }
0xa: {  	[smem:$0x3F9E] =	sst s2  }
0xb: {  	[smem:$0x3F9F] =	sst s3  }
0xc: {  	[smem:$0x3FA0] =	sst s4  }
0xd: {  	[smem:$0x3FA1] =	sst s5  }
0xe: {  	[smem:$0x3FA2] =	sst s6  }
0xf: {  	[smem:$0x3FA3] =	sst s7  }
0x10: {  	[smem:$0x3FA4] =	sst s8  }
0x11: {  	[smem:$0x3FA5] =	sst s9;
	s0 =	simm.s32 @!p0 $0x0  }
0x12: {  	s1 =	sld [smem:$0x3F8B];
	s0 =	simm.s32 @p0 $0x1  }
0x13: {  	[smem:$0x3FA6] =	sst s0;
	s0 =	simm.s32 @!p1 $0x0  }
0x14: {  	s2 =	sld [smem:$0x3F8A];
	s0 =	simm.s32 @p1 $0x1  }
0x15: {  	[smem:$0x3FA7] =	sst s0;
	s0 =	simm.s32 @!p2 $0x0  }
0x16: {  	s3 =	sld [smem:$0x3FDB];
	s0 =	simm.s32 @p2 $0x1  }
0x17: {  	s4 =	simm.s32 $0x1BF5;
	[smem:$0x3FA9] =	sst s0  }
0x18: {  	s0 =	sld [smem:$0x3F8C];
	_ =	swait.ge [sflag:s4], $0x0  }
0x19: {  	s7 =	sld [smem:$0x3F8D]  }
0x1a: {  	s8 =	sadd.s32 $0xFFFFE003, lr  }
0x1b: {  	s9 =	sadd.s32 $0xFFFFFEF7, lr;
	s5 =	simm.s32 $0xFFFFFFFF;
	p2 =	slt.u32 s8, $0xFFFFF086  }
0x1c: {  	p1 =	slt.u32 s9, $0xF7A;
	s5 =	simm.s32 @!p2 $0x0  }
0x1d: {  	s5 =	simm.s32 @p1 $0x1;
	p0 =	seq.s32 s7, s2  }
0x1e: {  	s7 =	smul.u32 @!p0 $0xF7A, s2;
	p2 =	seq.s32 @!p0 s5, $0x0  }
0x1f: {  	s9 =	smul.u32 $0xF7A, s1;
	s8 =	simm.s32 @!p0 $0x1BF5;
	p2 =	por !p2, p0  }
0x20: {  	[sflag:s8] =	ssyncset.s32 @!p0 $0xFFFFF086;
	s6 =	sadd.s32 @!p0 s3, s7;
	s7 =	simm.s32 @!p0 $0x108  }
0x21: {  	s3 =	sadd.s32 s3, s9;
	s6 =	sadd.s32 @!p0 $0x88, s6;
	s7 =	simm.s32 @p2 $0x1082  }
0x22: {  	[simem:s7], [sflag:s8] =	dma.local @!p0 [hbm:s6], $0xF7A  }
0x23: {  	s9 =	sor.u32 $0xD0000000, s2;
	s6 =	simm.s32 $0x108;
	_ =	swait.ge @!p0 [sflag:s8], $0x0  }
0x24: {  	s3 =	sadd.s32 $0x88, s3;
	s6 =	simm.s32 @!p1 $0x1082;
	[sflag:s4] =	ssyncset.s32 $0xFFFFF086  }
0x25: {  	[simem:s6], [sflag:s4] =	dma.local [hbm:s3], $0xF7A  }
0x26: {  	[smem:$0x3F8D] =	sst s1;
	(tag) =	ssettag s2;
	_ =	strace s9  }
0x27: {  	s1 =	sld [smem:$0x3F9D]  }
0x28: {  	s2 =	sld [smem:$0x3F9E]  }
0x29: {  	s4 =	sld [smem:$0x3FA0]  }
0x2a: {  	p0 =	seq.s32 s5, $0x0;
	s5 =	sld [smem:$0x3FA1]  }
0x2b: {  	s6 =	sld [smem:$0x3FA2]  }
0x2c: {  	s7 =	sld [smem:$0x3FA3]  }
0x2d: {  	s3 =	simm.s32 $0x108;
	s8 =	sld [smem:$0x3FA4]  }
0x2e: {  	s3 =	simm.s32 @!p0 $0x1082;
	s9 =	sld [smem:$0x3FA5]  }
0x2f: {  	lr =	sadd.s32 s0, s3;
	s0 =	sld [smem:$0x3F9C]  }
0x30: {  	s3 =	sld [smem:$0x3F9F]  }
0x31: {  	[smem:$0x3FA8] =	sst s10  }
0x32: {  	s10 =	sld [smem:$0x3FA6];
	_ =	sdelay $0x3  }
0x33: {  	p0 =	seq.s32 s10, $0x1;
	s10 =	sld [smem:$0x3FA8];
	_ =	sdelay $0x3  }
0x34: {  	[smem:$0x3FA8] =	sst s10  }
0x35: {  	s10 =	sld [smem:$0x3FA7];
	_ =	sdelay $0x3  }
0x36: {  	p1 =	seq.s32 s10, $0x1;
	s10 =	sld [smem:$0x3FA8];
	_ =	sdelay $0x3  }
0x37: {  	[smem:$0x3FA8] =	sst s10  }
0x38: {  	s10 =	sld [smem:$0x3FA9]  }
0x39: {  	_ = 	snop;
	(pc) =	sbr.ind lr, $3  }
0x3a: {  	_ = 	snop  }
0x3b: {  	_ = 	snop  }
0x3c: {  	p2 =	seq.s32 s10, $0x1;
	s10 =	sld [smem:$0x3FA8]  }
0x3d: {  	_ =	shalt  }
0x3e: {  	_ =	shalt  }
0x3f: {  	_ =	shalt  }
0x40: {  	_ =	shalt  }
0x41: {  	_ =	shalt  }
0x42: {  	_ =	shalt  }
0x43: {  	_ =	shalt  }
0x44: {  	_ =	shalt  }
0x45: {  	_ =	shalt  }
0x46: {  	_ =	shalt  }
0x47: {  	_ =	shalt  }
0x48: {  	_ =	shalt  }
0x49: {  	_ =	shalt  }
0x4a: {  	_ =	shalt  }
0x4b: {  	_ =	shalt  }
0x4c: {  	_ =	shalt  }
0x4d: {  	_ =	shalt  }
0x4e: {  	_ =	shalt  }
0x4f: {  	_ =	shalt  }
0x50: {  	_ =	shalt  }
0x51: {  	_ =	shalt  }
0x52: {  	_ =	shalt  }
0x53: {  	_ =	shalt  }
0x54: {  	_ =	shalt  }
0x55: {  	_ =	shalt  }
0x56: {  	_ =	shalt  }
0x57: {  	_ =	shalt  }
0x58: {  	_ =	shalt  }
0x59: {  	_ =	shalt  }
0x5a: {  	_ =	shalt  }
0x5b: {  	_ =	shalt  }
0x5c: {  	_ =	shalt  }
0x5d: {  	_ =	shalt  }
0x5e: {  	_ =	shalt  }
0x5f: {  	_ =	shalt  }
0x60: {  	_ =	shalt  }
0x61: {  	_ =	shalt  }
0x62: {  	_ =	shalt  }
0x63: {  	_ =	shalt  }
0x64: {  	_ =	shalt  }
0x65: {  	_ =	shalt  }
0x66: {  	_ =	shalt  }
0x67: {  	_ =	shalt  }
0x68: {  	_ =	shalt  }
0x69: {  	_ =	shalt  }
0x6a: {  	_ =	shalt  }
0x6b: {  	_ =	shalt  }
0x6c: {  	_ =	shalt  }
0x6d: {  	_ =	shalt  }
0x6e: {  	_ =	shalt  }
0x6f: {  	_ =	shalt  }
0x70: {  	_ =	shalt  }
0x71: {  	_ =	shalt  }
0x72: {  	_ =	shalt  }
0x73: {  	_ =	shalt  }
0x74: {  	_ =	shalt  }
0x75: {  	_ =	shalt  }
0x76: {  	_ =	shalt  }
0x77: {  	_ =	shalt  }
0x78: {  	_ =	shalt  }
0x79: {  	_ =	shalt  }
0x7a: {  	_ =	shalt  }
0x7b: {  	_ =	shalt  }
0x7c: {  	_ =	shalt  }
0x7d: {  	_ =	shalt  }
0x7e: {  	_ =	shalt  }
0x7f: {  	_ =	shalt  }
0x80: {  	_ =	shalt  }
0x81: {  	_ =	shalt  }
0x82: {  	_ =	shalt  }
0x83: {  	_ =	shalt  }
0x84: {  	_ =	shalt  }
0x85: {  	_ =	shalt  }
0x86: {  	_ =	shalt  }
0x87: {  	_ =	shalt  }
.Lfunc_end0:
.L_simem_size_0:
called_computation.5_lowered:
.L_overlay_start_0:
0x88: {  	s2 =	sld [smem:$0x3FD9]  }
0x89: {  	s3 =	sld [smem:$0x3FFE];
	_ =	sdelay $0x1  }
0x8a: {  	s1 =	srdreg.scid  }
0x8b: {  	s0 =	sand.u32 $0x1, s1  }
0x8c: {  	s14 =	sshll.u32 s0, $0xA;
	s2 =	sadd.s32 s3, s2  }
0x8d: {  	s2 =	sadd.s32 s2, s14  }
0x8e: {  	[smem:$0x3FB4] =	sst s2  }
0x8f: {  	_ = 	snop  }
0x90: {  	s2 =	sld [smem:$0x3FD0];
	_ =	sdelay $0x2  }
0x91: {  	s15 =	simm.s32 $0xB;
	s4 =	simm.s32 $0x10  }
0x92: {  	[smem:s4], [sflag:s15] =	dma.local [hbm:s2], $0x1  }
0x93: {  	_ =	swait.eq [sflag:s15], $0x1  }
0x94: {  	[sflag:s15] =	ssyncset.done $0x0  }
0x95: {  	s16 =	sld [smem:$0x10];
	[sflag:s15] =	ssyncadd.s32 $0xFFFFFFFF  }
0x96: {  	s17 =	sld [smem:$0x11];
	(tm) =	ssettm $0x1  }
0x97: {  	s18 =	sld [smem:$0x3FFB];
	_ =	sdelay $0x3  }
0x98: {  	_ =	strace s18  }
0x99: {  	s4 =	sld [smem:$0x3FFC];
	_ =	sdelay $0x3  }
0x9a: {  	_ =	strace s4  }
0x9b: {  	s4 =	sld [smem:$0x3FFD];
	_ =	sdelay $0x3  }
0x9c: {  	_ =	strace s4  }
0x9d: {  	_ =	strace $0x8FFFFFFF  }
0x9e: {  	s19 =	sld [smem:$0x3FDB];
	_ =	sdelay $0x1  }
0x9f: {  	s5 =	simm.s32 $_scs_section_size  }
0xa0: {  	s6 =	simm.s32 $_size__tile_overlayer_lowered;
	s7 =	simm.s32 $_tile_overlayer_lowered  }
0xa1: {  	s22 =	simm.s32 $0x1BFF;
	s21 =	sshll.u32 s7, $0x1;
	s4 =	sadd.s32 s5, s19  }
0xa2: {  	s8 =	simm.s32 $0x0;
	s20 =	sshll.u32 s6, $0x1;
	s6 =	sadd.s32 s21, s4  }
0xa3: {  	[timem:s8], [sflag:s22] =	dma.local [hbm:s6], s20  }
0xa4: {  	_ =	swait.ge [sflag:s22], s20  }
0xa5: {  	s5 =	ssub.s32 $0x0, s20;
	[sflag:s22] =	ssyncset.done $0x0  }
0xa6: {  	[sflag:s22] =	ssyncadd.s32 s5;
	_ =	sdelay $0x1  }
0xa7: {  	s23 =	simm.s32 $0x1B8B  }
0xa8: {  	_ =	swait.ge [sflag:s23], $0x1  }
0xa9: {  	[sflag:s23] =	ssyncset.done $0x0  }
0xaa: {  	s25 =	simm.s32 $0x1B8E;
	s24 =	sld [smem:$0x3FFE];
	[sflag:s23] =	ssyncadd.s32 $0xFFFFFFFF  }
0xab: {  	s26 =	simm.s32 $execute0_lowered;
	[smem:$0x3FD2] =	sst s25  }
0xac: {  	s6 =	sshll.u32 s26, $0x1;
	_ =	strace $0x80000055;
	[dreg:$0x1] =	wrdreg $0xFFFFFFFF  }
0xad: {  	s28 =	simm.s32 $_size_execute0_lowered;
	s4 =	sadd.s32 s4, s6;
	[dreg:$0x0] =	wrdreg $0x0  }
0xae: {  	s6 =	sshll.u32 s28, $0x1;
	[dreg:$0x2] =	wrdreg s4  }
0xaf: {  	[dreg:$0x3] =	wrdreg s6  }
0xb0: {  	[dreg:$0x4] =	wrdreg $0xC0  }
0xb1: {  	_ =	task [dreg:s8], $0x5FFFF  }
0xb2: {  	[dreg:$0x1] =	wrdreg $0xFFFFFFFF  }
0xb3: {  	[dreg:$0x0] =	wrdreg $0x60  }
0xb4: {  	[dreg:$0x2] =	wrdreg s24  }
0xb5: {  	[dreg:$0x3] =	wrdreg s16  }
0xb6: {  	[dreg:$0x4] =	wrdreg s17  }
0xb7: {  	[dreg:$0x5] =	wrdreg $0x0  }
0xb8: {  	[dreg:$0x6] =	wrdreg $0x80080  }
0xb9: {  	[dreg:$0x7] =	wrdreg $0x9  }
0xba: {  	_ =	task.clear_ibuf [dreg:s8], $0x8FFFF;
	_ =	strace $0x90000055  }
0xbb: {  	s29 =	simm.s32 $0x9;
	_ =	strace $0x80000057  }
0xbc: {  	_ =	swait.ge [sflag:s29], $0x1  }
0xbd: {  	[sflag:s29] =	ssyncadd.s32 $0xFFFFFFFF  }
0xbe: {  	_ =	strace $0x90000057  }
0xbf: {  	_ =	sfence  }
0xc0: {  	s30 =	sld [smem:$0x0];
	_ =	sdelay $0x2  }
0xc1: {  	s31 =	sshll.u32 s1, $0xD;
	s1 =	sshrl.u32 s1, $0x2  }
0xc2: {  	s3 =	sand.u32 $0x4000, s31;
	s1 =	sadd.s32 s1, s30  }
0xc3: {  	s0 =	sor.u32 s3, s0;
	s1 =	sshll.u32 s1, $0x11  }
0xc4: {  	s0 =	sor.u32 s1, s0  }
0xc5: {  	s0 =	sadd.s32 $0x8F2B, s0  }
0xc6: {  	[sflag:s0] =	ssyncadd.remote.s32 $0x1  }
0xc7: {  	_ =	sfence.sel $0xFFFF  }
0xc8: {  	[dreg:$0x0] =	wrdreg $0xFFFFFFFF;
	(pc) =	sbr.abs _section_cstart, $3  }
0xc9: {  	[dreg:$0x1] =	wrdreg $0xFFFFFFFF  }
0xca: {  	_ =	task.clear_ibuf [dreg:s8], $0x2FFFF;
	_ =	strace $0x9FFFFFFF  }
0xcb: {  	(tm) =	ssettm $0x7FFFFFFF  }
tec
execute0_lowered:
.L_overlay_start_1:
0x0: {  	(tag) =	ssettag $0x1  }
0x1: {  	s0 =	rddreg [dreg:$0x0]  }
0x2: {  	s6 =	rddreg [dreg:$0x1]  }
0x3: {  	s16 =	rddreg [dreg:$0x2]  }
0x4: {  	s1 =	rddreg [dreg:$0x3]  }
0x5: {  	s2 =	rddreg [dreg:$0x4]  }
0x6: {  	s3 =	simm.s32 $0x0;
	s10 =	srdreg.scid;
	s20 =	stileid.u32  }
0x7: {  	s28 =	simm.s32 $0x18008;
	s29 =	simm.s32 $0x18088;
	s30 =	simm.s32 $0x80  }
0x8: {  	s4 =	sadd.s32 $0x9200, s0;
	s5 =	sadd.s32 $0x1C400, s0;
	s7 =	sadd.s32 $0x2C400, s0  }
0x9: {  	s8 =	sadd.s32 $0x3C400, s0;
	s9 =	sadd.s32 $0x3E400, s0;
	s17 =	sand.u32 $0x1, s10  }
0xa: {  	s10 =	sadd.s32 $0x1200, s0;
	s18 =	sshll.u32 s20, $0xF;
	s12 =	sshll.u32 s17, $0x13  }
0xb: {  	s11 =	sadd.s32 $0x1A200, s0;
	s14 =	ssub.s32 $0x2, s17;
	s13 =	sor.u32 s18, s12  }
0xc: {  	s12 =	sadd.s32 $0x7200, s0;
	s19 =	sshrl.u32 s14, $0x1;
	s15 =	sshrl.u32 s13, $0x3  }
0xd: {  	s13 =	sadd.s32 $0x3200, s0;
	s21 =	ssub.s32 s14, s19;
	s14 =	sadd.s32 s18, s1  }
0xe: {  	s0 =	sadd.s32 s15, s0;
	s15 =	sadd.s32 s18, s2;
	s18 =	sor.u32 $0x4000, s18  }
0xf: {  	s31 =	simm.s32 $0x18108;
	[smem:$0x7FF] =	sst s3;
	s23 =	sadd.s32 s18, s1  }
0x10: {  	_ =	strace $0x80000056;
	s18 =	sadd.s32 s18, s2;
	[dreg:$0x6] =	wrdreg s23  }
0x11: {  	s24 =	sshll.u32 s20, $0xB;
	s25 =	sadd.s32 $0x40400, s0;
	[dreg:$0x7] =	wrdreg s18  }
0x12: {  	s17 =	sshll.u32 s17, $0xF;
	s0 =	sadd.s32 $0x60400, s0;
	[dreg:$0x8] =	wrdreg s25  }
0x13: {  	s21 =	smax.u32 s21, $0x1;
	s18 =	sor.u32 s24, s17;
	[dreg:$0x9] =	wrdreg s0  }
0x14: {  	s24 =	simm.s32 $0x10008;
	s25 =	simm.s32 $0x1;
	s26 =	sshrl.u32 s18, $0x3  }
0x15: {  	v0 =	vimm.f32 $0.0e+00;
	s22 =	sadd.s32 s26, s6;
	s23 =	sadd.s32 s26, s16;
	s26 =	simm.s32 $0x14008  }
.LBB2_1:
0x16: {  	s0 =	simm.s32 $0x0;
	s6 =	simm.s32 $0x200  }
.LBB2_2:
0x17: {  	p0 =	sne.s32 s6, $0xFE00;
	[tilespmem:s0+$0x14078] =	vst v0  }
0x18: {  	[tilespmem:s0+$0x10008] =	vst v0  }
0x19: {  	[tilespmem:s0+$0x10018] =	vst v0  }
0x1a: {  	[tilespmem:s0+$0x10028] =	vst v0  }
0x1b: {  	[tilespmem:s0+$0x10038] =	vst v0  }
0x1c: {  	[tilespmem:s0+$0x10048] =	vst v0  }
0x1d: {  	[tilespmem:s0+$0x10058] =	vst v0  }
0x1e: {  	[tilespmem:s0+$0x10068] =	vst v0  }
0x1f: {  	[tilespmem:s0+$0x10078] =	vst v0  }
0x20: {  	[tilespmem:s0+$0x14008] =	vst v0  }
0x21: {  	[tilespmem:s0+$0x14018] =	vst v0  }
.Ltmp0:
0x22: {  	[tilespmem:s0+$0x14028] =	vst v0;
	(pc) =	sbr.rel @p0 .LBB2_2-.Ltmp0, $4  }
0x23: {  	[tilespmem:s0+$0x14038] =	vst v0  }
0x24: {  	[tilespmem:s0+$0x14048] =	vst v0  }
0x25: {  	[tilespmem:s0+$0x14058] =	vst v0  }
0x26: {  	[tilespmem:s0+$0x14068] =	vst v0;
	s0 =	sshra.s32 s6, $0x2;
	s6 =	sadd.s32 $0x200, s6  }
0x27: {  	[tilespmem:s0+$0x14078] =	vst v0  }
0x28: {  	[tilespmem:s0+$0x10008] =	vst v0  }
0x29: {  	[tilespmem:s0+$0x10018] =	vst v0  }
0x2a: {  	[tilespmem:s0+$0x10028] =	vst v0  }
0x2b: {  	[tilespmem:s0+$0x10038] =	vst v0  }
0x2c: {  	[tilespmem:s0+$0x10048] =	vst v0  }
0x2d: {  	[tilespmem:s0+$0x10058] =	vst v0  }
0x2e: {  	[tilespmem:s0+$0x10068] =	vst v0  }
0x2f: {  	[tilespmem:s0+$0x10078] =	vst v0  }
0x30: {  	[tilespmem:s0+$0x14008] =	vst v0  }
0x31: {  	[tilespmem:s0+$0x14018] =	vst v0  }
0x32: {  	[tilespmem:s0+$0x14028] =	vst v0  }
0x33: {  	[tilespmem:s0+$0x14038] =	vst v0  }
0x34: {  	[tilespmem:s0+$0x14048] =	vst v0  }
0x35: {  	[tilespmem:s0+$0x14058] =	vst v0  }
0x36: {  	[tilespmem:s0+$0x14068] =	vst v0  }
0x37: {  	[spmem:s14] =	stream.linear.scatter [tilespmem:s24], [sflag:$0x1], $0x4000, $0x38;
	[tilespmem:$0x18188] =	vst v63  }
0x38: {  	_ =	swait.ge [sflag:s25], $0x4000  }
0x39: {  	[sflag:s25] =	ssyncset.done $0x0  }
0x3a: {  	[sflag:s25] =	ssyncadd.s32 $0xFFFFC000  }
0x3b: {  	[spmem:s15] =	stream.linear.scatter [tilespmem:s26], [sflag:$0x1], $0x4000, $0x38;
	[tilespmem:$0x18188] =	vst v63  }
0x3c: {  	_ =	swait.ge [sflag:s25], $0x4000  }
0x3d: {  	[sflag:s25] =	ssyncset.done $0x0  }
0x3e: {  	s17 =	rddreg [dreg:$0x6];
	[sflag:s25] =	ssyncadd.s32 $0xFFFFC000  }
0x3f: {  	[spmem:s17] =	stream.linear.scatter [tilespmem:s24], [sflag:$0x1], $0x4000, $0x38;
	[tilespmem:$0x18188] =	vst v63  }
0x40: {  	_ =	swait.ge [sflag:s25], $0x4000  }
0x41: {  	[sflag:s25] =	ssyncset.done $0x0  }
0x42: {  	s19 =	rddreg [dreg:$0x7];
	[sflag:s25] =	ssyncadd.s32 $0xFFFFC000  }
0x43: {  	[spmem:s19] =	stream.linear.scatter [tilespmem:s26], [sflag:$0x1], $0x4000, $0x38;
	[tilespmem:$0x18188] =	vst v63  }
0x44: {  	_ =	swait.ge [sflag:s25], $0x4000  }
0x45: {  	[sflag:s25] =	ssyncset.done $0x0  }
0x46: {  	[sflag:s25] =	ssyncadd.s32 $0xFFFFC000  }
0x47: {  	s0 =	simm.s32 $0x0;
	s6 =	sadd.s32 $0x0, s23;
	[bflag:$0x0] =	sbarrier.arrive $0xFFFF  }
0x48: {  	[tilespmem:s28], [sflag:$0x1] =	stream.linear.gather [hbm4b:s6+s0], $0x80, $0x38;
	[tilespmem:$0x18188] =	vst v63  }
0x49: {  	_ =	swait.ge [sflag:s25], $0x80  }
0x4a: {  	[sflag:s25] =	ssyncset.done $0x0  }
0x4b: {  	s20 =	sadd.s32 $0x0, s22;
	[sflag:s25] =	ssyncadd.s32 $0xFFFFFF80  }
0x4c: {  	[tilespmem:s29], [sflag:$0x1] =	stream.linear.gather [hbm4b:s20+s0], $0x80, $0x38;
	[tilespmem:$0x18188] =	vst v63  }
0x4d: {  	_ =	swait.ge [sflag:s25], $0x80  }
0x4e: {  	[sflag:s25] =	ssyncset.done $0x0  }
0x4f: {  	[sflag:s25] =	ssyncadd.s32 $0xFFFFFF80  }
0x50: {  	[tilespmem:s24], [sflag:$0x1] =	stream.indirect.gather [hbm4b:s4+s30], $0x80, s28, s30, $0xb8;
	[tilespmem:$0x18188] =	vst v63  }
0x51: {  	_ =	swait.ge [sflag:s25], $0x4000  }
0x52: {  	[sflag:s25] =	ssyncset.done $0x0  }
0x53: {  	[sflag:s25] =	ssyncadd.s32 $0xFFFFC000  }
0x54: {  	[spmem:s1] =	stream.indirect.scatter.add.f32 [tilespmem:s24], [sflag:$0x1], $0x80, s29, s30, $0xb8;
	[tilespmem:$0x18188] =	vst v63  }
0x55: {  	_ =	swait.ge [sflag:s25], $0x4000  }
0x56: {  	s16 =	simm.s32 $0x20;
	s6 =	simm.s32 $0x10;
	[sflag:s25] =	ssyncset.done $0x0  }
.LBB2_4:
0x57: {  	s17 =	sadd.s32 s6, s23  }
0x58: {  	[sflag:s25] =	ssyncadd.s32 $0xFFFFC000;
	s19 =	smov.u32 s16;
	s20 =	sadd.s32 $0x10, s16  }
0x59: {  	[tilespmem:s28], [sflag:$0x1] =	stream.linear.gather [hbm4b:s17+s0], $0x80, $0x38;
	[tilespmem:$0x18188] =	vst v63  }
0x5a: {  	p0 =	sne.s32 s16, $0xF0;
	_ =	swait.ge [sflag:s25], $0x80  }
0x5b: {  	[sflag:s25] =	ssyncset.done $0x0  }
0x5c: {  	s16 =	sadd.s32 s6, s22;
	s6 =	smov.u32 s19;
	[sflag:s25] =	ssyncadd.s32 $0xFFFFFF80  }
0x5d: {  	[tilespmem:s29], [sflag:$0x1] =	stream.linear.gather [hbm4b:s16+s0], $0x80, $0x38;
	[tilespmem:$0x18188] =	vst v63  }
0x5e: {  	_ =	swait.ge [sflag:s25], $0x80  }
0x5f: {  	[sflag:s25] =	ssyncset.done $0x0  }
0x60: {  	[sflag:s25] =	ssyncadd.s32 $0xFFFFFF80  }
0x61: {  	[tilespmem:s24], [sflag:$0x1] =	stream.indirect.gather [hbm4b:s4+s30], $0x80, s28, s30, $0xb8;
	[tilespmem:$0x18188] =	vst v63  }
0x62: {  	_ =	swait.ge [sflag:s25], $0x4000  }
.Ltmp1:
0x63: {  	[sflag:s25] =	ssyncset.done $0x0;
	(pc) =	sbr.rel @p0 .LBB2_4-.Ltmp1, $4  }
0x64: {  	[sflag:s25] =	ssyncadd.s32 $0xFFFFC000  }
0x65: {  	[spmem:s1] =	stream.indirect.scatter.add.f32 [tilespmem:s24], [sflag:$0x1], $0x80, s29, s30, $0xb8;
	[tilespmem:$0x18188] =	vst v63  }
0x66: {  	_ =	swait.ge [sflag:s25], $0x4000  }
0x67: {  	s16 =	smov.u32 s20;
	[sflag:s25] =	ssyncset.done $0x0  }
0x68: {  	s16 =	sadd.s32 s6, s23;
	[sflag:s25] =	ssyncadd.s32 $0xFFFFC000  }
0x69: {  	[tilespmem:s28], [sflag:$0x1] =	stream.linear.gather [hbm4b:s16+s0], $0x80, $0x38;
	[tilespmem:$0x18188] =	vst v63  }
0x6a: {  	_ =	swait.ge [sflag:s25], $0x80  }
0x6b: {  	[sflag:s25] =	ssyncset.done $0x0  }
0x6c: {  	s20 =	sadd.s32 s6, s22;
	[sflag:s25] =	ssyncadd.s32 $0xFFFFFF80  }
0x6d: {  	[tilespmem:s29], [sflag:$0x1] =	stream.linear.gather [hbm4b:s20+s0], $0x80, $0x38;
	[tilespmem:$0x18188] =	vst v63  }
0x6e: {  	_ =	swait.ge [sflag:s25], $0x80  }
0x6f: {  	[sflag:s25] =	ssyncset.done $0x0  }
0x70: {  	[sflag:s25] =	ssyncadd.s32 $0xFFFFFF80  }
0x71: {  	[tilespmem:s24], [sflag:$0x1] =	stream.indirect.gather [hbm4b:s4+s30], $0x80, s28, s30, $0xb8;
	[tilespmem:$0x18188] =	vst v63  }
0x72: {  	_ =	swait.ge [sflag:s25], $0x4000  }
0x73: {  	[sflag:s25] =	ssyncset.done $0x0  }
0x74: {  	[sflag:s25] =	ssyncadd.s32 $0xFFFFC000  }
0x75: {  	[spmem:s1] =	stream.indirect.scatter.add.f32 [tilespmem:s24], [sflag:$0x1], $0x80, s29, s30, $0xb8;
	[tilespmem:$0x18188] =	vst v63  }
0x76: {  	_ =	swait.ge [sflag:s25], $0x4000  }
0x77: {  	[sflag:s25] =	ssyncset.done $0x0  }
0x78: {  	[sflag:s25] =	ssyncadd.s32 $0xFFFFC000  }
.LBB2_6:
0x79: {  	s6 =	sshll.u32 s0, $0x7  }
0x7a: {  	s6 =	sadd.s32 s18, s6  }
0x7b: {  	s16 =	sshrl.u32 s6, $0x3  }
0x7c: {  	s6 =	simm.s32 $0x0;
	s17 =	sadd.s32 s9, s16  }
0x7d: {  	[tilespmem:s28], [sflag:$0x1] =	stream.linear.gather [hbm4b:s17+s6], $0x80, $0x38;
	[tilespmem:$0x18188] =	vst v63  }
0x7e: {  	_ =	swait.ge [sflag:s25], $0x80  }
0x7f: {  	[sflag:s25] =	ssyncset.done $0x0  }
0x80: {  	s20 =	sadd.s32 s8, s16;
	[sflag:s25] =	ssyncadd.s32 $0xFFFFFF80  }
0x81: {  	[tilespmem:s29], [sflag:$0x1] =	stream.linear.gather [hbm4b:s20+s6], $0x80, $0x38;
	[tilespmem:$0x18188] =	vst v63  }
0x82: {  	_ =	swait.ge [sflag:s25], $0x80  }
0x83: {  	[sflag:s25] =	ssyncset.done $0x0  }
0x84: {  	s16 =	sadd.s32 s10, s16;
	[sflag:s25] =	ssyncadd.s32 $0xFFFFFF80  }
0x85: {  	[tilespmem:s31], [sflag:$0x1] =	stream.linear.gather [hbm4b:s16+s6], $0x80, $0x38;
	[tilespmem:$0x18188] =	vst v63  }
0x86: {  	_ =	swait.ge [sflag:s25], $0x80  }
0x87: {  	[sflag:s25] =	ssyncset.done $0x0  }
0x88: {  	[sflag:s25] =	ssyncadd.s32 $0xFFFFFF80  }
0x89: {  	[tilespmem:s26], [sflag:$0x1] =	stream.indirect.gather [hbm4b:s5+s30], $0x80, s28, s30, $0xb8;
	[tilespmem:$0x18188] =	vst v63  }
0x8a: {  	_ =	swait.ge [sflag:s25], $0x4000  }
0x8b: {  	[sflag:s25] =	ssyncset.done $0x0  }
0x8c: {  	s16 =	simm.s32 $0x14408;
	[sflag:s25] =	ssyncadd.s32 $0xFFFFC000  }
.LBB2_7:
0x8d: {  	s17 =	sshra.s32 s6, $0x2  }
0x8e: {  	v1 =	vld [tilespmem:s17+$0x18108];
	_ =	sdelay $0x1  }
0x8f: {  	v2 =	vld [tilespmem:s16+$0xFFFFFC00]  }
0x90: {  	v3 =	vld [tilespmem:s16+$0xFFFFFC80]  }
0x91: {  	v12 =	vld [tilespmem:s16+$0xFFFFFF00]  }
0x92: {  	v4 =	vld [tilespmem:s16+$0xFFFFFD00];
	v5 =	vbroadcast v1, $0x0  }
0x93: {  	v6 =	vld [tilespmem:s16+$0xFFFFFD80];
	v7 =	vbroadcast v1, $0x1  }
0x94: {  	v8 =	vld [tilespmem:s16+$0xFFFFFE00];
	v57 =	vbroadcast v1, $0x6;
	v2 =	vmul.f32 v5, v2  }
0x95: {  	v10 =	vld [tilespmem:s16+$0xFFFFFE80];
	v9 =	vbroadcast v1, $0x2;
	v3 =	vmul.f32 v3, v7  }
0x96: {  	v13 =	vld [tilespmem:s16+$0xFFFFFF80];
	v11 =	vbroadcast v1, $0x3;
	v12 =	vmul.f32 v12, v57;
	[tilespmem:s16+$0xFFFFFC00] =	vst v2  }
0x97: {  	v14 =	vld [tilespmem:s16+$0xFFFFFC10];
	v55 =	vbroadcast v1, $0x4;
	v2 =	vmul.f32 v4, v9;
	[tilespmem:s16+$0xFFFFFC80] =	vst v3  }
0x98: {  	v15 =	vld [tilespmem:s16+$0xFFFFFC90];
	v56 =	vbroadcast v1, $0x5;
	v3 =	vmul.f32 v6, v11;
	[tilespmem:s16+$0xFFFFFF00] =	vst v12  }
0x99: {  	v16 =	vld [tilespmem:s16+$0xFFFFFD10];
	v58 =	vbroadcast v1, $0x7;
	[tilespmem:s16+$0xFFFFFD00] =	vst v2;
	v2 =	vmul.f32 v8, v55  }
0x9a: {  	v62 =	vld [tilespmem:s16+$0xFFFFFF90];
	[tilespmem:s16+$0xFFFFFD80] =	vst v3;
	v3 =	vmul.f32 v10, v56  }
0x9b: {  	v13 =	vmul.f32 v13, v58;
	[tilespmem:s16+$0xFFFFFE00] =	vst v2;
	v2 =	vld [tilespmem:s16+$0xFFFFFD90]  }
0x9c: {  	v14 =	vmul.f32 v14, v5;
	[tilespmem:s16+$0xFFFFFE80] =	vst v3;
	v3 =	vld [tilespmem:s16+$0xFFFFFE10]  }
0x9d: {  	v59 =	vld [tilespmem:s16+$0xFFFFFE90];
	v15 =	vmul.f32 v15, v7;
	[tilespmem:s16+$0xFFFFFF80] =	vst v13  }
0x9e: {  	v60 =	vld [tilespmem:s16+$0xFFFFFF10];
	v61 =	vmul.f32 v16, v9;
	[tilespmem:s16+$0xFFFFFC10] =	vst v14  }
0x9f: {  	v63 =	vld [tilespmem:s16+$0xFFFFFC20];
	v16 =	vmul.f32 v62, v58;
	[tilespmem:s16+$0xFFFFFC90] =	vst v15  }
0xa0: {  	v20 =	vld [tilespmem:s16+$0xFFFFFCA0];
	[tilespmem:s16+$0xFFFFFD10] =	vst v61;
	v2 =	vmul.f32 v2, v11  }
0xa1: {  	v23 =	vld [tilespmem:s16+$0xFFFFFF20];
	[tilespmem:s16+$0xFFFFFF90] =	vst v16;
	v3 =	vmul.f32 v3, v55  }
0xa2: {  	v12 =	vmul.f32 v59, v56;
	[tilespmem:s16+$0xFFFFFD90] =	vst v2;
	v2 =	vld [tilespmem:s16+$0xFFFFFD20]  }
0xa3: {  	v13 =	vmul.f32 v60, v57;
	[tilespmem:s16+$0xFFFFFE10] =	vst v3;
	v3 =	vld [tilespmem:s16+$0xFFFFFDA0]  }
0xa4: {  	v25 =	vld [tilespmem:s16+$0xFFFFFC30];
	v15 =	vmul.f32 v63, v5;
	[tilespmem:s16+$0xFFFFFE90] =	vst v12  }
0xa5: {  	v21 =	vld [tilespmem:s16+$0xFFFFFE20];
	v14 =	vmul.f32 v20, v7;
	[tilespmem:s16+$0xFFFFFF10] =	vst v13  }
0xa6: {  	v22 =	vld [tilespmem:s16+$0xFFFFFEA0];
	v16 =	vmul.f32 v23, v57;
	[tilespmem:s16+$0xFFFFFC20] =	vst v15  }
0xa7: {  	v24 =	vld [tilespmem:s16+$0xFFFFFFA0];
	[tilespmem:s16+$0xFFFFFCA0] =	vst v14;
	v2 =	vmul.f32 v2, v9  }
0xa8: {  	v44 =	vld [tilespmem:s16+$0x10];
	[tilespmem:s16+$0xFFFFFF20] =	vst v16;
	v3 =	vmul.f32 v3, v11  }
0xa9: {  	v5 =	vmul.f32 v25, v5;
	[tilespmem:s16+$0xFFFFFD20] =	vst v2;
	v2 =	vld [tilespmem:s16+$0xFFFFFCB0]  }
0xaa: {  	v12 =	vmul.f32 v21, v55;
	[tilespmem:s16+$0xFFFFFDA0] =	vst v3;
	v3 =	vld [tilespmem:s16+$0xFFFFFD30]  }
0xab: {  	v26 =	vld [tilespmem:s16+$0xFFFFFDB0];
	v34 =	vbroadcast v1, $0x8;
	v13 =	vmul.f32 v22, v56;
	[tilespmem:s16+$0xFFFFFC30] =	vst v5  }
0xac: {  	v27 =	vld [tilespmem:s16+$0xFFFFFE30];
	v15 =	vmul.f32 v24, v58;
	[tilespmem:s16+$0xFFFFFE20] =	vst v12  }
0xad: {  	v28 =	vld [tilespmem:s16+$0xFFFFFEB0];
	v14 =	vmul.f32 v44, v34;
	[tilespmem:s16+$0xFFFFFEA0] =	vst v13  }
0xae: {  	v29 =	vld [tilespmem:s16+$0xFFFFFF30];
	[tilespmem:s16+$0xFFFFFFA0] =	vst v15;
	v2 =	vmul.f32 v2, v7  }
0xaf: {  	v30 =	vld [tilespmem:s16+$0xFFFFFFB0];
	[tilespmem:s16+$0x10] =	vst v14;
	v3 =	vmul.f32 v3, v9  }
0xb0: {  	v31 =	vld [tilespmem:s16+$0x0];
	[tilespmem:s16+$0xFFFFFCB0] =	vst v2;
	v2 =	vmul.f32 v26, v11  }
0xb1: {  	v32 =	vld [tilespmem:s16+$0x80];
	[tilespmem:s16+$0xFFFFFD30] =	vst v3;
	v3 =	vmul.f32 v27, v55  }
0xb2: {  	v33 =	vld [tilespmem:s16+$0x100];
	[tilespmem:s16+$0xFFFFFDB0] =	vst v2;
	v2 =	vmul.f32 v28, v56  }
0xb3: {  	v35 =	vld [tilespmem:s16+$0x180];
	v36 =	vbroadcast v1, $0x9;
	[tilespmem:s16+$0xFFFFFE30] =	vst v3;
	v3 =	vmul.f32 v29, v57  }
0xb4: {  	v37 =	vld [tilespmem:s16+$0x200];
	v38 =	vbroadcast v1, $0xA;
	[tilespmem:s16+$0xFFFFFEB0] =	vst v2;
	v2 =	vmul.f32 v30, v58  }
0xb5: {  	v41 =	vld [tilespmem:s16+$0x300];
	v40 =	vbroadcast v1, $0xB;
	[tilespmem:s16+$0xFFFFFF30] =	vst v3;
	v3 =	vmul.f32 v31, v34  }
0xb6: {  	v43 =	vld [tilespmem:s16+$0x380];
	v42 =	vbroadcast v1, $0xC;
	[tilespmem:s16+$0xFFFFFFB0] =	vst v2;
	v2 =	vmul.f32 v32, v36  }
0xb7: {  	v46 =	vld [tilespmem:s16+$0x90];
	v45 =	vbroadcast v1, $0xD;
	[tilespmem:s16+$0x0] =	vst v3;
	v3 =	vmul.f32 v33, v38  }
0xb8: {  	v51 =	vld [tilespmem:s16+$0x390];
	v47 =	vbroadcast v1, $0xE;
	[tilespmem:s16+$0x80] =	vst v2;
	v2 =	vmul.f32 v35, v40  }
0xb9: {  	v49 =	vld [tilespmem:s16+$0x290];
	v1 =	vbroadcast v1, $0xF;
	[tilespmem:s16+$0x100] =	vst v3;
	v3 =	vmul.f32 v37, v42  }
0xba: {  	v12 =	vmul.f32 v41, v47;
	[tilespmem:s16+$0x180] =	vst v2;
	v2 =	vld [tilespmem:s16+$0x110]  }
0xbb: {  	v13 =	vmul.f32 v43, v1;
	[tilespmem:s16+$0x200] =	vst v3;
	v3 =	vld [tilespmem:s16+$0x190]  }
0xbc: {  	v50 =	vld [tilespmem:s16+$0x310];
	v15 =	vmul.f32 v46, v36;
	[tilespmem:s16+$0x300] =	vst v12  }
0xbd: {  	v52 =	vld [tilespmem:s16+$0x20];
	v14 =	vmul.f32 v51, v1;
	[tilespmem:s16+$0x380] =	vst v13  }
0xbe: {  	v39 =	vld [tilespmem:s16+$0x280];
	[tilespmem:s16+$0x90] =	vst v15;
	v12 =	vmul.f32 v49, v45  }
0xbf: {  	v54 =	vld [tilespmem:s16+$0x220];
	[tilespmem:s16+$0x390] =	vst v14;
	v2 =	vmul.f32 v2, v38  }
0xc0: {  	v48 =	vld [tilespmem:s16+$0x210];
	[tilespmem:s16+$0x290] =	vst v12;
	v3 =	vmul.f32 v3, v40  }
0xc1: {  	v13 =	vmul.f32 v50, v47;
	[tilespmem:s16+$0x110] =	vst v2;
	v2 =	vld [tilespmem:s16+$0xA0]  }
0xc2: {  	v15 =	vmul.f32 v52, v34;
	[tilespmem:s16+$0x190] =	vst v3;
	v3 =	vld [tilespmem:s16+$0x120]  }
0xc3: {  	v53 =	vld [tilespmem:s16+$0x1A0];
	[tilespmem:s16+$0x310] =	vst v13;
	v11 =	vmul.f32 v39, v45  }
0xc4: {  	[tilespmem:s16+$0x20] =	vst v15;
	v12 =	vmul.f32 v54, v42;
	v55 =	vld [tilespmem:s16+$0x2A0]  }
0xc5: {  	[tilespmem:s16+$0x280] =	vst v11;
	v11 =	vmul.f32 v48, v42;
	v56 =	vld [tilespmem:s16+$0x320]  }
0xc6: {  	[tilespmem:s16+$0x220] =	vst v12;
	v57 =	vld [tilespmem:s16+$0x3A0];
	v2 =	vmul.f32 v2, v36  }
0xc7: {  	v63 =	vld [tilespmem:s16+$0x3B0];
	[tilespmem:s16+$0x210] =	vst v11;
	v3 =	vmul.f32 v3, v38  }
0xc8: {  	v11 =	vmul.f32 v53, v40;
	[tilespmem:s16+$0xA0] =	vst v2;
	v2 =	vld [tilespmem:s16+$0x30]  }
0xc9: {  	v13 =	vmul.f32 v55, v45;
	[tilespmem:s16+$0x120] =	vst v3;
	v3 =	vld [tilespmem:s16+$0xB0]  }
0xca: {  	v58 =	vld [tilespmem:s16+$0x130];
	[tilespmem:s16+$0x1A0] =	vst v11;
	v14 =	vmul.f32 v56, v47  }
0xcb: {  	v59 =	vld [tilespmem:s16+$0x1B0];
	[tilespmem:s16+$0x2A0] =	vst v13;
	v15 =	vmul.f32 v57, v1  }
0xcc: {  	v60 =	vld [tilespmem:s16+$0x230];
	v1 =	vmul.f32 v63, v1;
	[tilespmem:s16+$0x320] =	vst v14  }
0xcd: {  	v61 =	vld [tilespmem:s16+$0x2B0];
	[tilespmem:s16+$0x3A0] =	vst v15;
	v2 =	vmul.f32 v2, v34  }
0xce: {  	v62 =	vld [tilespmem:s16+$0x330];
	[tilespmem:s16+$0x3B0] =	vst v1;
	v3 =	vmul.f32 v3, v36  }
0xcf: {  	[tilespmem:s16+$0x30] =	vst v2;
	v2 =	vmul.f32 v58, v38  }
0xd0: {  	p0 =	sne.s32 s6, $0x1C0;
	[tilespmem:s16+$0xB0] =	vst v3;
	v3 =	vmul.f32 v59, v40  }
.Ltmp2:
0xd1: {  	[tilespmem:s16+$0x130] =	vst v2;
	v2 =	vmul.f32 v60, v42;
	(pc) =	sbr.rel @p0 .LBB2_7-.Ltmp2, $4  }
0xd2: {  	[tilespmem:s16+$0x1B0] =	vst v3;
	v3 =	vmul.f32 v61, v45  }
0xd3: {  	[tilespmem:s16+$0x230] =	vst v2;
	v2 =	vmul.f32 v62, v47  }
0xd4: {  	[tilespmem:s16+$0x2B0] =	vst v3  }
0xd5: {  	s6 =	sadd.s32 $0x40, s6;
	[tilespmem:s16+$0x330] =	vst v2;
	s16 =	sadd.s32 $0x800, s16  }
0xd6: {  	s0 =	sadd.s32 $0x1, s0  }
0xd7: {  	p0 =	sne.s32 s0, $0x10  }
.Ltmp3:
0xd8: {  	_ = 	snop;
	(pc) =	sbr.rel @p0 .LBB2_6-.Ltmp3, $4  }
0xd9: {  	[spmem:s2] =	stream.indirect.scatter.add.f32 [tilespmem:s26], [sflag:$0x1], $0x80, s29, s30, $0xb8;
	[tilespmem:$0x18188] =	vst v63  }
0xda: {  	_ =	swait.ge [sflag:s25], $0x4000  }
0xdb: {  	[sflag:s25] =	ssyncset.done $0x0  }
0xdc: {  	s6 =	simm.s32 $0x0;
	[sflag:s25] =	ssyncadd.s32 $0xFFFFC000  }
0xdd: {  	s0 =	simm.s32 $0x0  }
.LBB2_10:
0xde: {  	s16 =	sshll.u32 s0, $0x7  }
0xdf: {  	s16 =	sadd.s32 s18, s16  }
0xe0: {  	s16 =	sshrl.u32 s16, $0x3  }
0xe1: {  	s17 =	sadd.s32 s12, s16  }
0xe2: {  	[tilespmem:s28], [sflag:$0x1] =	stream.linear.gather [hbm4b:s17+s6], $0x80, $0x38;
	[tilespmem:$0x18188] =	vst v63  }
0xe3: {  	_ =	swait.ge [sflag:s25], $0x80  }
0xe4: {  	[sflag:s25] =	ssyncset.done $0x0  }
0xe5: {  	s20 =	sadd.s32 s11, s16;
	[sflag:s25] =	ssyncadd.s32 $0xFFFFFF80  }
0xe6: {  	[tilespmem:s29], [sflag:$0x1] =	stream.linear.gather [hbm4b:s20+s6], $0x80, $0x38;
	[tilespmem:$0x18188] =	vst v63  }
0xe7: {  	_ =	swait.ge [sflag:s25], $0x80  }
0xe8: {  	[sflag:s25] =	ssyncset.done $0x0  }
0xe9: {  	s16 =	sadd.s32 s13, s16;
	[sflag:s25] =	ssyncadd.s32 $0xFFFFFF80  }
0xea: {  	[tilespmem:s31], [sflag:$0x1] =	stream.linear.gather [hbm4b:s16+s6], $0x80, $0x38;
	[tilespmem:$0x18188] =	vst v63  }
0xeb: {  	_ =	swait.ge [sflag:s25], $0x80  }
0xec: {  	[sflag:s25] =	ssyncset.done $0x0  }
0xed: {  	[sflag:s25] =	ssyncadd.s32 $0xFFFFFF80  }
0xee: {  	[tilespmem:s26], [sflag:$0x1] =	stream.indirect.gather [hbm4b:s7+s30], $0x80, s28, s30, $0xb8;
	[tilespmem:$0x18188] =	vst v63  }
0xef: {  	_ =	swait.ge [sflag:s25], $0x4000  }
0xf0: {  	[sflag:s25] =	ssyncset.done $0x0  }
0xf1: {  	s17 =	simm.s32 $0x0;
	s16 =	simm.s32 $0x14408;
	[sflag:s25] =	ssyncadd.s32 $0xFFFFC000  }
.LBB2_11:
0xf2: {  	s19 =	sshra.s32 s17, $0x2  }
0xf3: {  	v1 =	vld [tilespmem:s19+$0x18108];
	_ =	sdelay $0x1  }
0xf4: {  	v2 =	vld [tilespmem:s16+$0xFFFFFC00]  }
0xf5: {  	v3 =	vld [tilespmem:s16+$0xFFFFFC80]  }
0xf6: {  	v12 =	vld [tilespmem:s16+$0xFFFFFF00]  }
0xf7: {  	v4 =	vld [tilespmem:s16+$0xFFFFFD00];
	v5 =	vbroadcast v1, $0x0  }
0xf8: {  	v6 =	vld [tilespmem:s16+$0xFFFFFD80];
	v7 =	vbroadcast v1, $0x1  }
0xf9: {  	v8 =	vld [tilespmem:s16+$0xFFFFFE00];
	v57 =	vbroadcast v1, $0x6;
	v2 =	vmul.f32 v5, v2  }
0xfa: {  	v10 =	vld [tilespmem:s16+$0xFFFFFE80];
	v9 =	vbroadcast v1, $0x2;
	v3 =	vmul.f32 v3, v7  }
0xfb: {  	v13 =	vld [tilespmem:s16+$0xFFFFFF80];
	v11 =	vbroadcast v1, $0x3;
	v12 =	vmul.f32 v12, v57;
	[tilespmem:s16+$0xFFFFFC00] =	vst v2  }
0xfc: {  	v14 =	vld [tilespmem:s16+$0xFFFFFC10];
	v55 =	vbroadcast v1, $0x4;
	v2 =	vmul.f32 v4, v9;
	[tilespmem:s16+$0xFFFFFC80] =	vst v3  }
0xfd: {  	v15 =	vld [tilespmem:s16+$0xFFFFFC90];
	v56 =	vbroadcast v1, $0x5;
	v3 =	vmul.f32 v6, v11;
	[tilespmem:s16+$0xFFFFFF00] =	vst v12  }
0xfe: {  	v16 =	vld [tilespmem:s16+$0xFFFFFD10];
	v58 =	vbroadcast v1, $0x7;
	[tilespmem:s16+$0xFFFFFD00] =	vst v2;
	v2 =	vmul.f32 v8, v55  }
0xff: {  	v62 =	vld [tilespmem:s16+$0xFFFFFF90];
	[tilespmem:s16+$0xFFFFFD80] =	vst v3;
	v3 =	vmul.f32 v10, v56  }
0x100: {  	v13 =	vmul.f32 v13, v58;
	[tilespmem:s16+$0xFFFFFE00] =	vst v2;
	v2 =	vld [tilespmem:s16+$0xFFFFFD90]  }
0x101: {  	v14 =	vmul.f32 v14, v5;
	[tilespmem:s16+$0xFFFFFE80] =	vst v3;
	v3 =	vld [tilespmem:s16+$0xFFFFFE10]  }
0x102: {  	v59 =	vld [tilespmem:s16+$0xFFFFFE90];
	v15 =	vmul.f32 v15, v7;
	[tilespmem:s16+$0xFFFFFF80] =	vst v13  }
0x103: {  	v60 =	vld [tilespmem:s16+$0xFFFFFF10];
	v61 =	vmul.f32 v16, v9;
	[tilespmem:s16+$0xFFFFFC10] =	vst v14  }
0x104: {  	v63 =	vld [tilespmem:s16+$0xFFFFFC20];
	v16 =	vmul.f32 v62, v58;
	[tilespmem:s16+$0xFFFFFC90] =	vst v15  }
0x105: {  	v20 =	vld [tilespmem:s16+$0xFFFFFCA0];
	[tilespmem:s16+$0xFFFFFD10] =	vst v61;
	v2 =	vmul.f32 v2, v11  }
0x106: {  	v23 =	vld [tilespmem:s16+$0xFFFFFF20];
	[tilespmem:s16+$0xFFFFFF90] =	vst v16;
	v3 =	vmul.f32 v3, v55  }
0x107: {  	v12 =	vmul.f32 v59, v56;
	[tilespmem:s16+$0xFFFFFD90] =	vst v2;
	v2 =	vld [tilespmem:s16+$0xFFFFFD20]  }
0x108: {  	v13 =	vmul.f32 v60, v57;
	[tilespmem:s16+$0xFFFFFE10] =	vst v3;
	v3 =	vld [tilespmem:s16+$0xFFFFFDA0]  }
0x109: {  	v25 =	vld [tilespmem:s16+$0xFFFFFC30];
	v15 =	vmul.f32 v63, v5;
	[tilespmem:s16+$0xFFFFFE90] =	vst v12  }
0x10a: {  	v21 =	vld [tilespmem:s16+$0xFFFFFE20];
	v14 =	vmul.f32 v20, v7;
	[tilespmem:s16+$0xFFFFFF10] =	vst v13  }
0x10b: {  	v22 =	vld [tilespmem:s16+$0xFFFFFEA0];
	v16 =	vmul.f32 v23, v57;
	[tilespmem:s16+$0xFFFFFC20] =	vst v15  }
0x10c: {  	v24 =	vld [tilespmem:s16+$0xFFFFFFA0];
	[tilespmem:s16+$0xFFFFFCA0] =	vst v14;
	v2 =	vmul.f32 v2, v9  }
0x10d: {  	v44 =	vld [tilespmem:s16+$0x10];
	[tilespmem:s16+$0xFFFFFF20] =	vst v16;
	v3 =	vmul.f32 v3, v11  }
0x10e: {  	v5 =	vmul.f32 v25, v5;
	[tilespmem:s16+$0xFFFFFD20] =	vst v2;
	v2 =	vld [tilespmem:s16+$0xFFFFFCB0]  }
0x10f: {  	v12 =	vmul.f32 v21, v55;
	[tilespmem:s16+$0xFFFFFDA0] =	vst v3;
	v3 =	vld [tilespmem:s16+$0xFFFFFD30]  }
0x110: {  	v26 =	vld [tilespmem:s16+$0xFFFFFDB0];
	v34 =	vbroadcast v1, $0x8;
	v13 =	vmul.f32 v22, v56;
	[tilespmem:s16+$0xFFFFFC30] =	vst v5  }
0x111: {  	v27 =	vld [tilespmem:s16+$0xFFFFFE30];
	v15 =	vmul.f32 v24, v58;
	[tilespmem:s16+$0xFFFFFE20] =	vst v12  }
0x112: {  	v28 =	vld [tilespmem:s16+$0xFFFFFEB0];
	v14 =	vmul.f32 v44, v34;
	[tilespmem:s16+$0xFFFFFEA0] =	vst v13  }
0x113: {  	v29 =	vld [tilespmem:s16+$0xFFFFFF30];
	[tilespmem:s16+$0xFFFFFFA0] =	vst v15;
	v2 =	vmul.f32 v2, v7  }
0x114: {  	v30 =	vld [tilespmem:s16+$0xFFFFFFB0];
	[tilespmem:s16+$0x10] =	vst v14;
	v3 =	vmul.f32 v3, v9  }
0x115: {  	v31 =	vld [tilespmem:s16+$0x0];
	[tilespmem:s16+$0xFFFFFCB0] =	vst v2;
	v2 =	vmul.f32 v26, v11  }
0x116: {  	v32 =	vld [tilespmem:s16+$0x80];
	[tilespmem:s16+$0xFFFFFD30] =	vst v3;
	v3 =	vmul.f32 v27, v55  }
0x117: {  	v33 =	vld [tilespmem:s16+$0x100];
	[tilespmem:s16+$0xFFFFFDB0] =	vst v2;
	v2 =	vmul.f32 v28, v56  }
0x118: {  	v35 =	vld [tilespmem:s16+$0x180];
	v36 =	vbroadcast v1, $0x9;
	[tilespmem:s16+$0xFFFFFE30] =	vst v3;
	v3 =	vmul.f32 v29, v57  }
0x119: {  	v37 =	vld [tilespmem:s16+$0x200];
	v38 =	vbroadcast v1, $0xA;
	[tilespmem:s16+$0xFFFFFEB0] =	vst v2;
	v2 =	vmul.f32 v30, v58  }
0x11a: {  	v41 =	vld [tilespmem:s16+$0x300];
	v40 =	vbroadcast v1, $0xB;
	[tilespmem:s16+$0xFFFFFF30] =	vst v3;
	v3 =	vmul.f32 v31, v34  }
0x11b: {  	v43 =	vld [tilespmem:s16+$0x380];
	v42 =	vbroadcast v1, $0xC;
	[tilespmem:s16+$0xFFFFFFB0] =	vst v2;
	v2 =	vmul.f32 v32, v36  }
0x11c: {  	v46 =	vld [tilespmem:s16+$0x90];
	v45 =	vbroadcast v1, $0xD;
	[tilespmem:s16+$0x0] =	vst v3;
	v3 =	vmul.f32 v33, v38  }
0x11d: {  	v51 =	vld [tilespmem:s16+$0x390];
	v47 =	vbroadcast v1, $0xE;
	[tilespmem:s16+$0x80] =	vst v2;
	v2 =	vmul.f32 v35, v40  }
0x11e: {  	v49 =	vld [tilespmem:s16+$0x290];
	v1 =	vbroadcast v1, $0xF;
	[tilespmem:s16+$0x100] =	vst v3;
	v3 =	vmul.f32 v37, v42  }
0x11f: {  	v12 =	vmul.f32 v41, v47;
	[tilespmem:s16+$0x180] =	vst v2;
	v2 =	vld [tilespmem:s16+$0x110]  }
0x120: {  	v13 =	vmul.f32 v43, v1;
	[tilespmem:s16+$0x200] =	vst v3;
	v3 =	vld [tilespmem:s16+$0x190]  }
0x121: {  	v50 =	vld [tilespmem:s16+$0x310];
	v15 =	vmul.f32 v46, v36;
	[tilespmem:s16+$0x300] =	vst v12  }
0x122: {  	v52 =	vld [tilespmem:s16+$0x20];
	v14 =	vmul.f32 v51, v1;
	[tilespmem:s16+$0x380] =	vst v13  }
0x123: {  	v39 =	vld [tilespmem:s16+$0x280];
	[tilespmem:s16+$0x90] =	vst v15;
	v12 =	vmul.f32 v49, v45  }
0x124: {  	v54 =	vld [tilespmem:s16+$0x220];
	[tilespmem:s16+$0x390] =	vst v14;
	v2 =	vmul.f32 v2, v38  }
0x125: {  	v48 =	vld [tilespmem:s16+$0x210];
	[tilespmem:s16+$0x290] =	vst v12;
	v3 =	vmul.f32 v3, v40  }
0x126: {  	v13 =	vmul.f32 v50, v47;
	[tilespmem:s16+$0x110] =	vst v2;
	v2 =	vld [tilespmem:s16+$0xA0]  }
0x127: {  	v15 =	vmul.f32 v52, v34;
	[tilespmem:s16+$0x190] =	vst v3;
	v3 =	vld [tilespmem:s16+$0x120]  }
0x128: {  	v53 =	vld [tilespmem:s16+$0x1A0];
	[tilespmem:s16+$0x310] =	vst v13;
	v11 =	vmul.f32 v39, v45  }
0x129: {  	[tilespmem:s16+$0x20] =	vst v15;
	v12 =	vmul.f32 v54, v42;
	v55 =	vld [tilespmem:s16+$0x2A0]  }
0x12a: {  	[tilespmem:s16+$0x280] =	vst v11;
	v11 =	vmul.f32 v48, v42;
	v56 =	vld [tilespmem:s16+$0x320]  }
0x12b: {  	[tilespmem:s16+$0x220] =	vst v12;
	v57 =	vld [tilespmem:s16+$0x3A0];
	v2 =	vmul.f32 v2, v36  }
0x12c: {  	v63 =	vld [tilespmem:s16+$0x3B0];
	[tilespmem:s16+$0x210] =	vst v11;
	v3 =	vmul.f32 v3, v38  }
0x12d: {  	v11 =	vmul.f32 v53, v40;
	[tilespmem:s16+$0xA0] =	vst v2;
	v2 =	vld [tilespmem:s16+$0x30]  }
0x12e: {  	v13 =	vmul.f32 v55, v45;
	[tilespmem:s16+$0x120] =	vst v3;
	v3 =	vld [tilespmem:s16+$0xB0]  }
0x12f: {  	v58 =	vld [tilespmem:s16+$0x130];
	[tilespmem:s16+$0x1A0] =	vst v11;
	v14 =	vmul.f32 v56, v47  }
0x130: {  	v59 =	vld [tilespmem:s16+$0x1B0];
	[tilespmem:s16+$0x2A0] =	vst v13;
	v15 =	vmul.f32 v57, v1  }
0x131: {  	v60 =	vld [tilespmem:s16+$0x230];
	v1 =	vmul.f32 v63, v1;
	[tilespmem:s16+$0x320] =	vst v14  }
0x132: {  	v61 =	vld [tilespmem:s16+$0x2B0];
	[tilespmem:s16+$0x3A0] =	vst v15;
	v2 =	vmul.f32 v2, v34  }
0x133: {  	v62 =	vld [tilespmem:s16+$0x330];
	[tilespmem:s16+$0x3B0] =	vst v1;
	v3 =	vmul.f32 v3, v36  }
0x134: {  	[tilespmem:s16+$0x30] =	vst v2;
	v2 =	vmul.f32 v58, v38  }
0x135: {  	p0 =	sne.s32 s17, $0x1C0;
	[tilespmem:s16+$0xB0] =	vst v3;
	v3 =	vmul.f32 v59, v40  }
.Ltmp4:
0x136: {  	[tilespmem:s16+$0x130] =	vst v2;
	v2 =	vmul.f32 v60, v42;
	(pc) =	sbr.rel @p0 .LBB2_11-.Ltmp4, $4  }
0x137: {  	[tilespmem:s16+$0x1B0] =	vst v3;
	v3 =	vmul.f32 v61, v45  }
0x138: {  	[tilespmem:s16+$0x230] =	vst v2;
	v2 =	vmul.f32 v62, v47  }
0x139: {  	[tilespmem:s16+$0x2B0] =	vst v3  }
0x13a: {  	s17 =	sadd.s32 $0x40, s17;
	[tilespmem:s16+$0x330] =	vst v2;
	s16 =	sadd.s32 $0x800, s16  }
0x13b: {  	s0 =	sadd.s32 $0x1, s0  }
0x13c: {  	p0 =	sne.s32 s0, $0x10  }
.Ltmp5:
0x13d: {  	_ = 	snop;
	(pc) =	sbr.rel @p0 .LBB2_10-.Ltmp5, $4  }
0x13e: {  	[spmem:s2] =	stream.indirect.scatter.add.f32 [tilespmem:s26], [sflag:$0x1], $0x80, s29, s30, $0xb8;
	[tilespmem:$0x18188] =	vst v63  }
0x13f: {  	_ =	swait.ge [sflag:s25], $0x4000  }
0x140: {  	[sflag:s25] =	ssyncset.done $0x0  }
0x141: {  	[sflag:s25] =	ssyncadd.s32 $0xFFFFC000  }
0x142: {  	s0 =	stileid.u32  }
0x143: {  	[bflag:$0x0] =	sbarrier.arrive $0xFFFF;
	s0 =	sshll.u32 s0, $0x6  }
0x144: {  	s6 =	sshrl.u32 s14, $0x3;
	s16 =	rddreg [dreg:$0x8];
	s0 =	sor.u32 $0x1C01, s0  }
0x145: {  	[hbm:s16], [sflag:s0] =	dma.local [spmem:s6], $0x1000  }
0x146: {  	s3 =	sadd.s32 $0x1, s3;
	_ =	swait.ge [sflag:s25], $0x1000  }
0x147: {  	s19 =	sshrl.u32 s15, $0x3;
	p0 =	sne.s32 s3, s21;
	[sflag:s25] =	ssyncset.done $0x0  }
.Ltmp6:
0x148: {  	s20 =	rddreg [dreg:$0x9];
	[sflag:s25] =	ssyncadd.s32 $0xFFFFF000;
	(pc) =	sbr.rel @p0 .LBB2_1-.Ltmp6, $4  }
0x149: {  	[hbm:s20], [sflag:s0] =	dma.local [spmem:s19], $0x1000  }
0x14a: {  	_ =	swait.ge [sflag:s25], $0x1000  }
0x14b: {  	[sflag:s25] =	ssyncset.done $0x0  }
0x14c: {  	[sflag:s25] =	ssyncadd.s32 $0xFFFFF000  }
0x14d: {  	_ =	sfence.sel $0x180000  }
0x14e: {  	[bflag:$0x0] =	sbarrier.arrive $0xFFFF  }
0x14f: {  	_ =	strace $0x90000056  }
0x150: {  	s0 =	stileid.u32;
	[bflag:$0x2] =	sbarrier.arrive $0xFFFF  }
0x151: {  	p0 =	sne.s32 s0, $0x0;
	s0 =	rddreg [dreg:$0x5]  }
0x152: {  	s0 =	sadd.s32 @!p0 $0x100000, s0  }
0x153: {  	[sflag:s0] =	ssyncadd.tile.s32 @!p0 $0x1;
	_ =	shalt  }
.Lfunc_end2:
_tile_overlayer_lowered:
.L_overlay_start_2:
0x154: {  	(tag) =	ssettag $0x2  }
0x155: {  	s0 =	rddreg [dreg:$0x0];
	s2 =	stileid.u32  }
0x156: {  	s1 =	rddreg [dreg:$0x1];
	p0 =	sne.s32 s2, $0x0  }
0x157: {  	s3 =	rddreg [dreg:$0x2];
	[bflag:$0x3] =	sbarrier.arrive $0xFFFF;
	s2 =	simm.s32 @!p0 $0x1C01  }
0x158: {  	[timem:s3], [sflag:s2] =	dma.local @!p0 [hbm:s0], s1  }
0x159: {  	s0 =	simm.s32 @!p0 $0x1  }
0x15a: {  	_ =	swait.ge @!p0 [sflag:s0], s1  }
0x15b: {  	s1 =	ssub.s32 @!p0 $0x0, s1;
	[sflag:s0] =	ssyncset.done @!p0 $0x0  }
0x15c: {  	[sflag:s0] =	ssyncadd.s32 @!p0 s1  }
0x15d: {  	[bflag:$0x3] =	sbarrier.arrive $0xFFFF  }
0x15e: {  	_ =	shalt  }

</sc_bundles>
